<compile_context>
chip_gen: v7x
topology: tpu7x:2x2x1
jax: 0.10.2.dev20260603
libtpu: 0.0.44.dev20260713+nightly
codegen_flags: <defaults>
</compile_context>

<pallas_src>
import functools

import jax
import jax.numpy as jnp
from jax import lax
from jax.experimental import pallas as pl
from jax.experimental.pallas import tpu as pltpu
from jax.experimental.pallas import tpu_sc as plsc

NC = 2
NS = 16
CHUNK = 128


def _sc_mesh():
    return plsc.VectorSubcoreMesh(
        core_axis_name="c", subcore_axis_name="s", num_cores=NC, num_subcores=NS
    )


def _fill_vmem(ref, value):
    v = jnp.full((16,), value, jnp.float32)

    @pl.loop(0, ref.shape[0])
    def _(i):
        @pl.loop(0, ref.shape[1], step=16)
        def _(j):
            ref[i, pl.ds(j, 16)] = v


def _sc_aggregate(h, idx4, n_pad):
    n, d = h.shape
    nq = idx4.shape[0]
    ntiles = NC * NS
    pad_per_sub = n_pad // NS
    zrows = 64

    @functools.partial(
        pl.kernel,
        out_type=jax.ShapeDtypeStruct((NC, n_pad, d), jnp.float32),
        mesh=_sc_mesh(),
        scratch_types=[
            pltpu.VMEM((8, CHUNK), jnp.int32),
            pltpu.VMEM((CHUNK, d), jnp.float32),
            pltpu.VMEM((zrows, d), jnp.float32),
            pltpu.VMEM_SHARED((n_pad, d), jnp.float32),
            pltpu.SemaphoreType.DMA,
        ],
    )
    def agg(h_hbm, idx_hbm, out_hbm, idx_v, rows_v, zero_v, acc_sh, sem):
        cid = lax.axis_index("c")
        sid = lax.axis_index("s")
        wid = sid * NC + cid

        _fill_vmem(zero_v, 0.0)
        zbase = sid * pad_per_sub

        @pl.loop(0, pad_per_sub, step=zrows)
        def _(r):
            pltpu.sync_copy(zero_v, acc_sh.at[pl.ds(zbase + r, zrows)])

        plsc.subcore_barrier()

        @pl.loop(wid, nq, step=ntiles)
        def _(q):
            pltpu.sync_copy(idx_hbm.at[q], idx_v)
            for t in range(4):
                pltpu.async_copy(h_hbm.at[idx_v.at[2 * t]], rows_v,
                                 sem).wait()
                pltpu.sync_copy(rows_v, acc_sh.at[idx_v.at[2 * t + 1]],
                                add=True)

        plsc.subcore_barrier()

        pltpu.sync_copy(acc_sh.at[pl.ds(zbase, pad_per_sub)],
                        out_hbm.at[cid, pl.ds(zbase, pad_per_sub)])

    return agg(h, idx4)


def _sc_count(dst2, n, n_pad):
    nchunks = dst2.shape[0]
    cpt = nchunks // (NC * NS)
    w = 128
    pad_per_sub = n_pad // NS
    zrows = 64

    @functools.partial(
        pl.kernel,
        out_type=jax.ShapeDtypeStruct((NC, n_pad, w), jnp.float32),
        mesh=_sc_mesh(),
        scratch_types=[
            pltpu.VMEM((cpt, CHUNK), jnp.int32),
            pltpu.VMEM((CHUNK, w), jnp.float32),
            pltpu.VMEM((zrows, w), jnp.float32),
            pltpu.VMEM_SHARED((n_pad, w), jnp.float32),
        ],
    )
    def count(dst_hbm, out_hbm, dst_v, ones_v, zero_v, cnt_sh):
        cid = lax.axis_index("c")
        sid = lax.axis_index("s")
        wid = sid * NC + cid

        row0 = wid * cpt
        pltpu.sync_copy(dst_hbm.at[pl.ds(row0, cpt)], dst_v)

        _fill_vmem(ones_v, 1.0)
        _fill_vmem(zero_v, 0.0)
        zbase = sid * pad_per_sub

        @pl.loop(0, pad_per_sub, step=zrows)
        def _(r):
            pltpu.sync_copy(zero_v, cnt_sh.at[pl.ds(zbase + r, zrows)])

        plsc.subcore_barrier()

        @pl.loop(0, cpt)
        def _(j):
            pltpu.sync_copy(ones_v, cnt_sh.at[dst_v.at[j]], add=True)

        plsc.subcore_barrier()

        pltpu.sync_copy(cnt_sh.at[pl.ds(zbase, pad_per_sub)],
                        out_hbm.at[cid, pl.ds(zbase, pad_per_sub)])

    return count(dst2)


def _tc_combine(h, p0, p1, d0, d1, wr, wn, bi, ai):
    n, d = h.shape
    bm = 1000

    def body(h_ref, p0_ref, p1_ref, d0_ref, d1_ref, wr_ref, wn_ref, b_ref,
             a_ref, o_ref):
        hh = h_ref[...]
        agg = p0_ref[...] + p1_ref[...]
        deg = jnp.maximum(d0_ref[...] + d1_ref[...], 1.0)
        mean = agg / deg
        v = (jnp.dot(hh, wr_ref[...], preferred_element_type=jnp.float32)
             + jnp.dot(mean, wn_ref[...], preferred_element_type=jnp.float32)
             + b_ref[...])
        o_ref[...] = hh + jnp.maximum(v, 0.0) + a_ref[...] * jnp.minimum(v, 0.0)

    return pl.pallas_call(
        body,
        grid=(n // bm,),
        in_specs=[
            pl.BlockSpec((bm, d), lambda i: (i, 0)),
            pl.BlockSpec((bm, d), lambda i: (i, 0)),
            pl.BlockSpec((bm, d), lambda i: (i, 0)),
            pl.BlockSpec((bm, 1), lambda i: (i, 0)),
            pl.BlockSpec((bm, 1), lambda i: (i, 0)),
            pl.BlockSpec((d, d), lambda i: (0, 0)),
            pl.BlockSpec((d, d), lambda i: (0, 0)),
            pl.BlockSpec((1, d), lambda i: (0, 0)),
            pl.BlockSpec((1, d), lambda i: (0, 0)),
        ],
        out_specs=pl.BlockSpec((bm, d), lambda i: (i, 0)),
        out_shape=jax.ShapeDtypeStruct((n, d), jnp.float32),
    )(h, p0, p1, d0, d1, wr, wn, bi, ai)


def kernel(x, edge_index, W_root, W_nei, b, prelu_a):
    n, d = x.shape
    src = edge_index[0]
    dst = edge_index[1]
    e = src.shape[0]
    nconv = W_root.shape[0]

    step = NS * 64
    n_pad = ((n + step - 1) // step) * step
    if n_pad == n:
        n_pad += step

    def junk_rows(m):
        return n + (jnp.arange(m, dtype=jnp.int32) % (n_pad - n))

    gran_c = CHUNK * NC * NS * 8
    e_pad_c = ((e + gran_c - 1) // gran_c) * gran_c
    dst_c = dst if e_pad_c == e else jnp.concatenate([dst, junk_rows(e_pad_c - e)])
    dst2 = dst_c.reshape(e_pad_c // CHUNK, CHUNK)

    e_pad_a = ((e + 4 * CHUNK - 1) // (4 * CHUNK)) * (4 * CHUNK)
    if e_pad_a != e:
        src_a = jnp.concatenate([src, jnp.zeros((e_pad_a - e,), jnp.int32)])
        dst_a = jnp.concatenate([dst, junk_rows(e_pad_a - e)])
    else:
        src_a, dst_a = src, dst
    idx4 = jnp.stack(
        [src_a.reshape(-1, 4, CHUNK), dst_a.reshape(-1, 4, CHUNK)], axis=2
    ).reshape(-1, 8, CHUNK)

    cnt = _sc_count(dst2, n, n_pad)
    d0 = cnt[0, :n, :1]
    d1 = cnt[1, :n, :1]

    h = x
    for i in range(nconv):
        p = _sc_aggregate(h, idx4, n_pad)
        if i < nconv - 1:
            ai = jnp.full((1, d), prelu_a[i], jnp.float32)
        else:
            ai = jnp.ones((1, d), jnp.float32)
        h = _tc_combine(h, p[0, :n], p[1, :n], d0, d1, W_root[i], W_nei[i],
                        b[i].reshape(1, d), ai)
    return h

# --- scband reference (transcript-rebuilt; emitter-appended) ---
"""Pipeline reference for scband-gnn-70824010711256 (READ-ONLY COPY).

The authoritative reference and input builder live on the scoring server;
editing this copy changes nothing except your own understanding.
"""

import jax, jax.numpy as jnp
import numpy as np

N = 10000
E = 320000
D = 128
L = 2  # hidden_layers
NCONV = L + 2  # conv_in + L hidden convs + conv_out


def setup_inputs(seed: int = 0) -> dict:
    key = jax.random.key(seed)
    ks = jax.random.split(key, 6)
    x = jax.random.normal(ks[0], (N, D), dtype=jnp.float32)
    edge_index = jax.random.randint(ks[1], (2, E), 0, N, dtype=jnp.int32)
    W_root = jax.random.normal(ks[2], (NCONV, D, D), dtype=jnp.float32) / np.sqrt(D)
    W_nei = jax.random.normal(ks[3], (NCONV, D, D), dtype=jnp.float32) / np.sqrt(D)
    b = jnp.zeros((NCONV, D), dtype=jnp.float32)
    prelu_a = jnp.full((L + 1,), 0.25, dtype=jnp.float32)
    return {"x": x, "edge_index": edge_index, "W_root": W_root, "W_nei": W_nei, "b": b, "prelu_a": prelu_a}


def reference(x, edge_index, W_root, W_nei, b, prelu_a):
    src = edge_index[0]
    dst = edge_index[1]
    n = x.shape[0]
    ones = jnp.ones((src.shape[0],), dtype=x.dtype)
    deg = jax.ops.segment_sum(ones, dst, num_segments=n)
    deg = jnp.clip(deg, 1.0)[:, None]

    def sage(h, i):
        # SAGEConv with mean aggregation: W_root @ h_i + W_nei @ mean_{j in N(i)} h_j + b
        agg = jax.ops.segment_sum(h[src], dst, num_segments=n)
        mean = agg / deg
        return h @ W_root[i] + mean @ W_nei[i] + b[i]

    def prelu(v, a):
        return jnp.where(v >= 0, v, a * v)

    h = x + prelu(sage(x, 0), prelu_a[0])
    for i in range(L):
        h = h + prelu(sage(h, i + 1), prelu_a[i + 1])
    h = h + sage(h, L + 1)
    return h

if __name__ == "__main__":
    import jax
    _d = setup_inputs()
    print(jax.jit(kernel)(*tuple(_d.values())))

</pallas_src>

<mosaic_0001>
#map = affine_map<(d0, d1) -> (0, 0)>
#map1 = affine_map<(d0, d1) -> (0, 0, 0)>
module attributes {stable_mosaic.version = 14 : i64} {
  func.func @count(%arg0: i32, %arg1: i32, %arg2: memref<2560x128xi32, #tpu.memory_space<hbm>>, %arg3: memref<2x10240x128xf32, #tpu.memory_space<hbm>>, %arg4: memref<80x128xi32, #tpu.memory_space<vmem>>, %arg5: memref<128x128xf32, #tpu.memory_space<vmem>>, %arg6: memref<64x128xf32, #tpu.memory_space<vmem>>, %arg7: memref<10240x128xf32, #tpu.memory_space<vmem_shared>>) attributes {dimension_semantics = [#tpu.dimension_semantics<core_parallel>, #tpu.dimension_semantics<subcore_parallel>], iteration_bounds = array<i64: 2, 16>, scalar_prefetch = 0 : i64, scratch_operands = 4 : i64, tpu.core_type = #tpu.core_type<sc_vector_subcore>, window_params = [{transform_indices = #map}, {transform_indices = #map1}]} {
    %mul3A = arith.constant 2 : i32
    %mul3A_0 = arith.muli %arg1, %mul3A : i32
    %add3A = arith.addi %mul3A_0, %arg0 : i32
    %mul3A_1 = arith.constant 80 : i32
    %mul3A_2 = arith.muli %add3A, %mul3A_1 : i32
    "tpu.region"() ({
      %run_scoped3A = tpu.sem_alloc : memref<!tpu.dma_semaphore, #tpu.memory_space<semaphore_mem>>
      %dma_start3A = arith.constant 0 : i32
      %dma_start3A_28 = tpu.memref_slice %arg2[%mul3A_2, %dma_start3A] : memref<2560x128xi32, #tpu.memory_space<hbm>> -> memref<80x128xi32, #tpu.memory_space<hbm>>
      %dma_start3A_29 = arith.constant 0 : i32
      %dma_start3A_30 = tpu.memref_slice %arg2[%mul3A_2, %dma_start3A_29] : memref<2560x128xi32, #tpu.memory_space<hbm>> -> memref<80x128xi32, #tpu.memory_space<hbm>>
      tpu.enqueue_dma source(%dma_start3A_30 : memref<80x128xi32, #tpu.memory_space<hbm>>) target(%arg4 : memref<80x128xi32, #tpu.memory_space<vmem>>) target_semaphore(%run_scoped3A : memref<!tpu.dma_semaphore, #tpu.memory_space<semaphore_mem>>)
      %dma_wait3A = arith.constant 0 : i32
      %dma_wait3A_31 = tpu.memref_slice %arg2[%mul3A_2, %dma_wait3A] : memref<2560x128xi32, #tpu.memory_space<hbm>> -> memref<80x128xi32, #tpu.memory_space<hbm>>
      %dma_wait3A_32 = arith.constant 0 : i32
      %dma_wait3A_33 = tpu.memref_slice %arg2[%mul3A_2, %dma_wait3A_32] : memref<2560x128xi32, #tpu.memory_space<hbm>> -> memref<80x128xi32, #tpu.memory_space<hbm>>
      tpu.wait_dma2 semaphore(%run_scoped3A : memref<!tpu.dma_semaphore, #tpu.memory_space<semaphore_mem>>) src(%dma_wait3A_33 : memref<80x128xi32, #tpu.memory_space<hbm>>) dst(%arg4 : memref<80x128xi32, #tpu.memory_space<vmem>>)
      tpu.yield
    }) : () -> ()
    %broadcast_in_dim3A = arith.constant 1.000000e+00 : f32
    %broadcast_in_dim3A_3 = vector.broadcast %broadcast_in_dim3A : f32 to vector<16xf32>
    %scan3A = arith.constant 0 : i32
    %scan3A_4 = arith.constant 128 : i32
    %scan3A_5 = arith.addi %scan3A, %scan3A_4 : i32
    %scan3A_6 = arith.constant 1 : i32
    scf.for %scan3A_28 = %scan3A to %scan3A_5 step %scan3A_6  : i32 {
      %mul3A_29 = arith.constant 1 : i32
      %mul3A_30 = arith.muli %scan3A_28, %mul3A_29 : i32
      %add3A_31 = arith.constant 0 : i32
      %add3A_32 = arith.addi %add3A_31, %mul3A_30 : i32
      %scan3A_33 = arith.constant 0 : i32
      %scan3A_34 = arith.constant 8 : i32
      %scan3A_35 = arith.addi %scan3A_33, %scan3A_34 : i32
      %scan3A_36 = arith.constant 1 : i32
      scf.for %scan3A_38 = %scan3A_33 to %scan3A_35 step %scan3A_36  : i32 {
        %mul3A_39 = arith.constant 16 : i32
        %mul3A_40 = arith.muli %scan3A_38, %mul3A_39 : i32
        %add3A_41 = arith.constant 0 : i32
        %add3A_42 = arith.addi %add3A_41, %mul3A_40 : i32
        %swap3A = arith.index_cast %add3A_32 : i32 to index
        %swap3A_43 = arith.index_cast %add3A_42 : i32 to index
        %swap3A_44 = tpu.vector_load %arg5[%swap3A, %swap3A_43] {strides = array<i32>} : memref<128x128xf32, #tpu.memory_space<vmem>>, vector<1x16xf32>,
        %swap3A_45 = vector.shape_cast %swap3A_44 : vector<1x16xf32> to vector<16xf32>
        %swap3A_46 = vector.shape_cast %broadcast_in_dim3A_3 : vector<16xf32> to vector<1x16xf32>
        tpu.vector_store %arg5[%swap3A, %swap3A_43], %swap3A_46 {strides = array<i32>} : memref<128x128xf32, #tpu.memory_space<vmem>>, vector<1x16xf32>,
      }
      %scan3A_37 = arith.constant 8 : i32
    }
    %scan3A_7 = arith.constant 128 : i32
    %broadcast_in_dim3A_8 = arith.constant 0.000000e+00 : f32
    %broadcast_in_dim3A_9 = vector.broadcast %broadcast_in_dim3A_8 : f32 to vector<16xf32>
    %scan3A_10 = arith.constant 0 : i32
    %scan3A_11 = arith.constant 64 : i32
    %scan3A_12 = arith.addi %scan3A_10, %scan3A_11 : i32
    %scan3A_13 = arith.constant 1 : i32
    scf.for %scan3A_28 = %scan3A_10 to %scan3A_12 step %scan3A_13  : i32 {
      %mul3A_29 = arith.constant 1 : i32
      %mul3A_30 = arith.muli %scan3A_28, %mul3A_29 : i32
      %add3A_31 = arith.constant 0 : i32
      %add3A_32 = arith.addi %add3A_31, %mul3A_30 : i32
      %scan3A_33 = arith.constant 0 : i32
      %scan3A_34 = arith.constant 8 : i32
      %scan3A_35 = arith.addi %scan3A_33, %scan3A_34 : i32
      %scan3A_36 = arith.constant 1 : i32
      scf.for %scan3A_38 = %scan3A_33 to %scan3A_35 step %scan3A_36  : i32 {
        %mul3A_39 = arith.constant 16 : i32
        %mul3A_40 = arith.muli %scan3A_38, %mul3A_39 : i32
        %add3A_41 = arith.constant 0 : i32
        %add3A_42 = arith.addi %add3A_41, %mul3A_40 : i32
        %swap3A = arith.index_cast %add3A_32 : i32 to index
        %swap3A_43 = arith.index_cast %add3A_42 : i32 to index
        %swap3A_44 = tpu.vector_load %arg6[%swap3A, %swap3A_43] {strides = array<i32>} : memref<64x128xf32, #tpu.memory_space<vmem>>, vector<1x16xf32>,
        %swap3A_45 = vector.shape_cast %swap3A_44 : vector<1x16xf32> to vector<16xf32>
        %swap3A_46 = vector.shape_cast %broadcast_in_dim3A_9 : vector<16xf32> to vector<1x16xf32>
        tpu.vector_store %arg6[%swap3A, %swap3A_43], %swap3A_46 {strides = array<i32>} : memref<64x128xf32, #tpu.memory_space<vmem>>, vector<1x16xf32>,
      }
      %scan3A_37 = arith.constant 8 : i32
    }
    %scan3A_14 = arith.constant 64 : i32
    %mul3A_15 = arith.constant 640 : i32
    %mul3A_16 = arith.muli %arg1, %mul3A_15 : i32
    %scan3A_17 = arith.constant 0 : i32
    %scan3A_18 = arith.constant 10 : i32
    %scan3A_19 = arith.addi %scan3A_17, %scan3A_18 : i32
    %scan3A_20 = arith.constant 1 : i32
    scf.for %scan3A_28 = %scan3A_17 to %scan3A_19 step %scan3A_20  : i32 {
      %mul3A_29 = arith.constant 64 : i32
      %mul3A_30 = arith.muli %scan3A_28, %mul3A_29 : i32
      %add3A_31 = arith.constant 0 : i32
      %add3A_32 = arith.addi %add3A_31, %mul3A_30 : i32
      %add3A_33 = arith.addi %mul3A_16, %add3A_32 : i32
      "tpu.region"() ({
        %run_scoped3A = tpu.sem_alloc : memref<!tpu.dma_semaphore, #tpu.memory_space<semaphore_mem>>
        %dma_start3A = arith.constant 0 : i32
        %dma_start3A_34 = tpu.memref_slice %arg7[%add3A_33, %dma_start3A] : memref<10240x128xf32, #tpu.memory_space<vmem_shared>> -> memref<64x128xf32, #tpu.memory_space<vmem_shared>>
        %dma_start3A_35 = arith.constant 0 : i32
        %dma_start3A_36 = tpu.memref_slice %arg7[%add3A_33, %dma_start3A_35] : memref<10240x128xf32, #tpu.memory_space<vmem_shared>> -> memref<64x128xf32, #tpu.memory_space<vmem_shared>>
        tpu.enqueue_dma source(%arg6 : memref<64x128xf32, #tpu.memory_space<vmem>>) target(%dma_start3A_36 : memref<64x128xf32, #tpu.memory_space<vmem_shared>>) target_semaphore(%run_scoped3A : memref<!tpu.dma_semaphore, #tpu.memory_space<semaphore_mem>>)
        %dma_wait3A = arith.constant 0 : i32
        %dma_wait3A_37 = tpu.memref_slice %arg7[%add3A_33, %dma_wait3A] : memref<10240x128xf32, #tpu.memory_space<vmem_shared>> -> memref<64x128xf32, #tpu.memory_space<vmem_shared>>
        %dma_wait3A_38 = arith.constant 0 : i32
        %dma_wait3A_39 = tpu.memref_slice %arg7[%add3A_33, %dma_wait3A_38] : memref<10240x128xf32, #tpu.memory_space<vmem_shared>> -> memref<64x128xf32, #tpu.memory_space<vmem_shared>>
        tpu.wait_dma2 semaphore(%run_scoped3A : memref<!tpu.dma_semaphore, #tpu.memory_space<semaphore_mem>>) src(%arg6 : memref<64x128xf32, #tpu.memory_space<vmem>>) dst(%dma_wait3A_39 : memref<64x128xf32, #tpu.memory_space<vmem_shared>>)
        tpu.yield
      }) : () -> ()
    }
    %scan3A_21 = arith.constant 10 : i32
    %barrier3A = arith.constant 0 : index
    tpu.barrier barrier_id(%barrier3A)
    %scan3A_22 = arith.constant 0 : i32
    %scan3A_23 = arith.constant 80 : i32
    %scan3A_24 = arith.addi %scan3A_22, %scan3A_23 : i32
    %scan3A_25 = arith.constant 1 : i32
    scf.for %scan3A_28 = %scan3A_22 to %scan3A_24 step %scan3A_25  : i32 {
      %mul3A_29 = arith.constant 1 : i32
      %mul3A_30 = arith.muli %scan3A_28, %mul3A_29 : i32
      %add3A_31 = arith.constant 0 : i32
      %add3A_32 = arith.addi %add3A_31, %mul3A_30 : i32
      "tpu.region"() ({
        %run_scoped3A = tpu.sem_alloc : memref<!tpu.dma_semaphore, #tpu.memory_space<semaphore_mem>>
        %dma_start3A = arith.constant 0 : i32
        %dma_start3A_33 = tpu.memref_slice %arg4[%add3A_32, %dma_start3A] : memref<80x128xi32, #tpu.memory_space<vmem>> -> memref<1x128xi32, #tpu.memory_space<vmem>>
        %dma_start3A_34 = tpu.memref_squeeze %dma_start3A_33 : memref<1x128xi32, #tpu.memory_space<vmem>> -> memref<128xi32, #tpu.memory_space<vmem>>
        %dma_start3A_35 = arith.constant 0 : i32
        %dma_start3A_36 = arith.constant 0 : i32
        %dma_start3A_37 = tpu.memref_slice %arg7[%dma_start3A_35, %dma_start3A_36] : memref<10240x128xf32, #tpu.memory_space<vmem_shared>> -> memref<10240x128xf32, #tpu.memory_space<vmem_shared>>
        tpu.enqueue_indirect_dma source(%arg5 : memref<128x128xf32, #tpu.memory_space<vmem>>) target(%dma_start3A_37 : memref<10240x128xf32, #tpu.memory_space<vmem_shared>>) offsets(%dma_start3A_34 : memref<128xi32, #tpu.memory_space<vmem>>) semaphore(%run_scoped3A : memref<!tpu.dma_semaphore, #tpu.memory_space<semaphore_mem>>) {add = true}
        %dma_wait3A = arith.constant 0 : i32
        %dma_wait3A_38 = tpu.memref_slice %arg4[%add3A_32, %dma_wait3A] : memref<80x128xi32, #tpu.memory_space<vmem>> -> memref<1x128xi32, #tpu.memory_space<vmem>>
        %dma_wait3A_39 = tpu.memref_squeeze %dma_wait3A_38 : memref<1x128xi32, #tpu.memory_space<vmem>> -> memref<128xi32, #tpu.memory_space<vmem>>
        %dma_wait3A_40 = arith.constant 0 : i32
        %dma_wait3A_41 = arith.constant 0 : i32
        %dma_wait3A_42 = tpu.memref_slice %arg7[%dma_wait3A_40, %dma_wait3A_41] : memref<10240x128xf32, #tpu.memory_space<vmem_shared>> -> memref<10240x128xf32, #tpu.memory_space<vmem_shared>>
        tpu.wait_indirect_dma semaphore(%run_scoped3A : memref<!tpu.dma_semaphore, #tpu.memory_space<semaphore_mem>>) src(%arg5 : memref<128x128xf32, #tpu.memory_space<vmem>>) dst(%dma_wait3A_42 : memref<10240x128xf32, #tpu.memory_space<vmem_shared>>)
        tpu.yield
      }) : () -> ()
    }
    %scan3A_26 = arith.constant 80 : i32
    %barrier3A_27 = arith.constant 0 : index
    tpu.barrier barrier_id(%barrier3A_27)
    "tpu.region"() ({
      %run_scoped3A = tpu.sem_alloc : memref<!tpu.dma_semaphore, #tpu.memory_space<semaphore_mem>>
      %dma_start3A = arith.constant 0 : i32
      %dma_start3A_28 = tpu.memref_slice %arg3[%arg0, %mul3A_16, %dma_start3A] : memref<2x10240x128xf32, #tpu.memory_space<hbm>> -> memref<1x640x128xf32, #tpu.memory_space<hbm>>
      %dma_start3A_29 = tpu.memref_squeeze %dma_start3A_28 : memref<1x640x128xf32, #tpu.memory_space<hbm>> -> memref<640x128xf32, #tpu.memory_space<hbm>>
      %dma_start3A_30 = arith.constant 0 : i32
      %dma_start3A_31 = tpu.memref_slice %arg7[%mul3A_16, %dma_start3A_30] : memref<10240x128xf32, #tpu.memory_space<vmem_shared>> -> memref<640x128xf32, #tpu.memory_space<vmem_shared>>
      tpu.enqueue_dma source(%dma_start3A_31 : memref<640x128xf32, #tpu.memory_space<vmem_shared>>) target(%dma_start3A_29 : memref<640x128xf32, #tpu.memory_space<hbm>>) target_semaphore(%run_scoped3A : memref<!tpu.dma_semaphore, #tpu.memory_space<semaphore_mem>>)
      %dma_wait3A = arith.constant 0 : i32
      %dma_wait3A_32 = tpu.memref_slice %arg3[%arg0, %mul3A_16, %dma_wait3A] : memref<2x10240x128xf32, #tpu.memory_space<hbm>> -> memref<1x640x128xf32, #tpu.memory_space<hbm>>
      %dma_wait3A_33 = tpu.memref_squeeze %dma_wait3A_32 : memref<1x640x128xf32, #tpu.memory_space<hbm>> -> memref<640x128xf32, #tpu.memory_space<hbm>>
      %dma_wait3A_34 = arith.constant 0 : i32
      %dma_wait3A_35 = tpu.memref_slice %arg7[%mul3A_16, %dma_wait3A_34] : memref<10240x128xf32, #tpu.memory_space<vmem_shared>> -> memref<640x128xf32, #tpu.memory_space<vmem_shared>>
      tpu.wait_dma2 semaphore(%run_scoped3A : memref<!tpu.dma_semaphore, #tpu.memory_space<semaphore_mem>>) src(%dma_wait3A_35 : memref<640x128xf32, #tpu.memory_space<vmem_shared>>) dst(%dma_wait3A_33 : memref<640x128xf32, #tpu.memory_space<hbm>>)
      tpu.yield
    }) : () -> ()
    return
  }
}

#map = affine_map<(d0, d1) -> (0, 0)>
#map1 = affine_map<(d0, d1) -> (0, 0, 0)>
module attributes {stable_mosaic.version = 14 : i64} {
  func.func @agg(%arg0: i32, %arg1: i32, %arg2: memref<10000x128xf32, #tpu.memory_space<hbm>>, %arg3: memref<625x8x128xi32, #tpu.memory_space<hbm>>, %arg4: memref<2x10240x128xf32, #tpu.memory_space<hbm>>, %arg5: memref<8x128xi32, #tpu.memory_space<vmem>>, %arg6: memref<128x128xf32, #tpu.memory_space<vmem>>, %arg7: memref<64x128xf32, #tpu.memory_space<vmem>>, %arg8: memref<10240x128xf32, #tpu.memory_space<vmem_shared>>, %arg9: memref<!tpu.dma_semaphore, #tpu.memory_space<semaphore_mem>>) attributes {dimension_semantics = [#tpu.dimension_semantics<core_parallel>, #tpu.dimension_semantics<subcore_parallel>], iteration_bounds = array<i64: 2, 16>, scalar_prefetch = 0 : i64, scratch_operands = 5 : i64, tpu.core_type = #tpu.core_type<sc_vector_subcore>, window_params = [{transform_indices = #map}, {transform_indices = #map1}, {transform_indices = #map1}]} {
    %mul3A = arith.constant 2 : i32
    %mul3A_0 = arith.muli %arg1, %mul3A : i32
    %add3A = arith.addi %mul3A_0, %arg0 : i32
    %broadcast_in_dim3A = arith.constant 0.000000e+00 : f32
    %broadcast_in_dim3A_1 = vector.broadcast %broadcast_in_dim3A : f32 to vector<16xf32>
    %scan3A = arith.constant 0 : i32
    %scan3A_2 = arith.constant 64 : i32
    %scan3A_3 = arith.addi %scan3A, %scan3A_2 : i32
    %scan3A_4 = arith.constant 1 : i32
    scf.for %scan3A_29 = %scan3A to %scan3A_3 step %scan3A_4  : i32 {
      %mul3A_30 = arith.constant 1 : i32
      %mul3A_31 = arith.muli %scan3A_29, %mul3A_30 : i32
      %add3A_32 = arith.constant 0 : i32
      %add3A_33 = arith.addi %add3A_32, %mul3A_31 : i32
      %scan3A_34 = arith.constant 0 : i32
      %scan3A_35 = arith.constant 8 : i32
      %scan3A_36 = arith.addi %scan3A_34, %scan3A_35 : i32
      %scan3A_37 = arith.constant 1 : i32
      scf.for %scan3A_39 = %scan3A_34 to %scan3A_36 step %scan3A_37  : i32 {
        %mul3A_40 = arith.constant 16 : i32
        %mul3A_41 = arith.muli %scan3A_39, %mul3A_40 : i32
        %add3A_42 = arith.constant 0 : i32
        %add3A_43 = arith.addi %add3A_42, %mul3A_41 : i32
        %swap3A = arith.index_cast %add3A_33 : i32 to index
        %swap3A_44 = arith.index_cast %add3A_43 : i32 to index
        %swap3A_45 = tpu.vector_load %arg7[%swap3A, %swap3A_44] {strides = array<i32>} : memref<64x128xf32, #tpu.memory_space<vmem>>, vector<1x16xf32>,
        %swap3A_46 = vector.shape_cast %swap3A_45 : vector<1x16xf32> to vector<16xf32>
        %swap3A_47 = vector.shape_cast %broadcast_in_dim3A_1 : vector<16xf32> to vector<1x16xf32>
        tpu.vector_store %arg7[%swap3A, %swap3A_44], %swap3A_47 {strides = array<i32>} : memref<64x128xf32, #tpu.memory_space<vmem>>, vector<1x16xf32>,
      }
      %scan3A_38 = arith.constant 8 : i32
    }
    %scan3A_5 = arith.constant 64 : i32
    %mul3A_6 = arith.constant 640 : i32
    %mul3A_7 = arith.muli %arg1, %mul3A_6 : i32
    %scan3A_8 = arith.constant 0 : i32
    %scan3A_9 = arith.constant 10 : i32
    %scan3A_10 = arith.addi %scan3A_8, %scan3A_9 : i32
    %scan3A_11 = arith.constant 1 : i32
    scf.for %scan3A_29 = %scan3A_8 to %scan3A_10 step %scan3A_11  : i32 {
      %mul3A_30 = arith.constant 64 : i32
      %mul3A_31 = arith.muli %scan3A_29, %mul3A_30 : i32
      %add3A_32 = arith.constant 0 : i32
      %add3A_33 = arith.addi %add3A_32, %mul3A_31 : i32
      %add3A_34 = arith.addi %mul3A_7, %add3A_33 : i32
      "tpu.region"() ({
        %run_scoped3A = tpu.sem_alloc : memref<!tpu.dma_semaphore, #tpu.memory_space<semaphore_mem>>
        %dma_start3A = arith.constant 0 : i32
        %dma_start3A_35 = tpu.memref_slice %arg8[%add3A_34, %dma_start3A] : memref<10240x128xf32, #tpu.memory_space<vmem_shared>> -> memref<64x128xf32, #tpu.memory_space<vmem_shared>>
        %dma_start3A_36 = arith.constant 0 : i32
        %dma_start3A_37 = tpu.memref_slice %arg8[%add3A_34, %dma_start3A_36] : memref<10240x128xf32, #tpu.memory_space<vmem_shared>> -> memref<64x128xf32, #tpu.memory_space<vmem_shared>>
        tpu.enqueue_dma source(%arg7 : memref<64x128xf32, #tpu.memory_space<vmem>>) target(%dma_start3A_37 : memref<64x128xf32, #tpu.memory_space<vmem_shared>>) target_semaphore(%run_scoped3A : memref<!tpu.dma_semaphore, #tpu.memory_space<semaphore_mem>>)
        %dma_wait3A = arith.constant 0 : i32
        %dma_wait3A_38 = tpu.memref_slice %arg8[%add3A_34, %dma_wait3A] : memref<10240x128xf32, #tpu.memory_space<vmem_shared>> -> memref<64x128xf32, #tpu.memory_space<vmem_shared>>
        %dma_wait3A_39 = arith.constant 0 : i32
        %dma_wait3A_40 = tpu.memref_slice %arg8[%add3A_34, %dma_wait3A_39] : memref<10240x128xf32, #tpu.memory_space<vmem_shared>> -> memref<64x128xf32, #tpu.memory_space<vmem_shared>>
        tpu.wait_dma2 semaphore(%run_scoped3A : memref<!tpu.dma_semaphore, #tpu.memory_space<semaphore_mem>>) src(%arg7 : memref<64x128xf32, #tpu.memory_space<vmem>>) dst(%dma_wait3A_40 : memref<64x128xf32, #tpu.memory_space<vmem_shared>>)
        tpu.yield
      }) : () -> ()
    }
    %scan3A_12 = arith.constant 10 : i32
    %barrier3A = arith.constant 0 : index
    tpu.barrier barrier_id(%barrier3A)
    %sub3A = arith.constant 625 : i32
    %sub3A_13 = arith.subi %sub3A, %add3A : i32
    %sub3A_14 = arith.constant 32 : i32
    %sub3A_15 = arith.constant 1 : i32
    %sub3A_16 = arith.subi %sub3A_14, %sub3A_15 : i32
    %add3A_17 = arith.addi %sub3A_13, %sub3A_16 : i32
    %div3A = arith.constant 32 : i32
    %div3A_18 = arith.divsi %add3A_17, %div3A : i32
    %while3A = arith.constant 32 : i32
    %while3A_19 = arith.constant 0 : i32
    %while3A_20 = arith.subi %div3A_18, %while3A_19 : i32
    %while3A_21 = arith.addi %while3A_19, %while3A_20 : i32
    %while3A_22 = arith.constant 1 : i32
    %while3A_23 = arith.divsi %while3A_20, %while3A_22 : i32
    %while3A_24 = arith.muli %while3A_23, %while3A_22 : i32
    %while3A_25 = arith.addi %while3A_19, %while3A_24 : i32
    %while3A_26 = arith.constant 1 : i32
    scf.for %while3A_29 = %while3A_19 to %while3A_25 step %while3A_26  : i32 {
      %mul3A_30 = arith.muli %while3A_29, %while3A : i32
      %add3A_31 = arith.addi %add3A, %mul3A_30 : i32
      "tpu.region"() ({
        %run_scoped3A_89 = tpu.sem_alloc : memref<!tpu.dma_semaphore, #tpu.memory_space<semaphore_mem>>
        %dma_start3A_90 = arith.constant 0 : i32
        %dma_start3A_91 = arith.constant 0 : i32
        %dma_start3A_92 = tpu.memref_slice %arg3[%add3A_31, %dma_start3A_90, %dma_start3A_91] : memref<625x8x128xi32, #tpu.memory_space<hbm>> -> memref<1x8x128xi32, #tpu.memory_space<hbm>>
        %dma_start3A_93 = tpu.memref_squeeze %dma_start3A_92 : memref<1x8x128xi32, #tpu.memory_space<hbm>> -> memref<8x128xi32, #tpu.memory_space<hbm>>
        %dma_start3A_94 = arith.constant 0 : i32
        %dma_start3A_95 = arith.constant 0 : i32
        %dma_start3A_96 = tpu.memref_slice %arg3[%add3A_31, %dma_start3A_94, %dma_start3A_95] : memref<625x8x128xi32, #tpu.memory_space<hbm>> -> memref<1x8x128xi32, #tpu.memory_space<hbm>>
        %dma_start3A_97 = tpu.memref_squeeze %dma_start3A_96 : memref<1x8x128xi32, #tpu.memory_space<hbm>> -> memref<8x128xi32, #tpu.memory_space<hbm>>
        tpu.enqueue_dma source(%dma_start3A_97 : memref<8x128xi32, #tpu.memory_space<hbm>>) target(%arg5 : memref<8x128xi32, #tpu.memory_space<vmem>>) target_semaphore(%run_scoped3A_89 : memref<!tpu.dma_semaphore, #tpu.memory_space<semaphore_mem>>)
        %dma_wait3A_98 = arith.constant 0 : i32
        %dma_wait3A_99 = arith.constant 0 : i32
        %dma_wait3A_100 = tpu.memref_slice %arg3[%add3A_31, %dma_wait3A_98, %dma_wait3A_99] : memref<625x8x128xi32, #tpu.memory_space<hbm>> -> memref<1x8x128xi32, #tpu.memory_space<hbm>>
        %dma_wait3A_101 = tpu.memref_squeeze %dma_wait3A_100 : memref<1x8x128xi32, #tpu.memory_space<hbm>> -> memref<8x128xi32, #tpu.memory_space<hbm>>
        %dma_wait3A_102 = arith.constant 0 : i32
        %dma_wait3A_103 = arith.constant 0 : i32
        %dma_wait3A_104 = tpu.memref_slice %arg3[%add3A_31, %dma_wait3A_102, %dma_wait3A_103] : memref<625x8x128xi32, #tpu.memory_space<hbm>> -> memref<1x8x128xi32, #tpu.memory_space<hbm>>
        %dma_wait3A_105 = tpu.memref_squeeze %dma_wait3A_104 : memref<1x8x128xi32, #tpu.memory_space<hbm>> -> memref<8x128xi32, #tpu.memory_space<hbm>>
        tpu.wait_dma2 semaphore(%run_scoped3A_89 : memref<!tpu.dma_semaphore, #tpu.memory_space<semaphore_mem>>) src(%dma_wait3A_105 : memref<8x128xi32, #tpu.memory_space<hbm>>) dst(%arg5 : memref<8x128xi32, #tpu.memory_space<vmem>>)
        tpu.yield
      }) : () -> ()
      %dma_start3A = arith.constant 0 : i32
      %dma_start3A_32 = arith.constant 0 : i32
      %dma_start3A_33 = tpu.memref_slice %arg5[%dma_start3A, %dma_start3A_32] : memref<8x128xi32, #tpu.memory_space<vmem>> -> memref<1x128xi32, #tpu.memory_space<vmem>>
      %dma_start3A_34 = tpu.memref_squeeze %dma_start3A_33 : memref<1x128xi32, #tpu.memory_space<vmem>> -> memref<128xi32, #tpu.memory_space<vmem>>
      %dma_start3A_35 = arith.constant 0 : i32
      %dma_start3A_36 = arith.constant 0 : i32
      %dma_start3A_37 = tpu.memref_slice %arg2[%dma_start3A_35, %dma_start3A_36] : memref<10000x128xf32, #tpu.memory_space<hbm>> -> memref<10000x128xf32, #tpu.memory_space<hbm>>
      tpu.enqueue_indirect_dma source(%dma_start3A_37 : memref<10000x128xf32, #tpu.memory_space<hbm>>) target(%arg6 : memref<128x128xf32, #tpu.memory_space<vmem>>) offsets(%dma_start3A_34 : memref<128xi32, #tpu.memory_space<vmem>>) semaphore(%arg9 : memref<!tpu.dma_semaphore, #tpu.memory_space<semaphore_mem>>)
      %dma_wait3A = arith.constant 0 : i32
      %dma_wait3A_38 = arith.constant 0 : i32
      %dma_wait3A_39 = tpu.memref_slice %arg5[%dma_wait3A, %dma_wait3A_38] : memref<8x128xi32, #tpu.memory_space<vmem>> -> memref<1x128xi32, #tpu.memory_space<vmem>>
      %dma_wait3A_40 = tpu.memref_squeeze %dma_wait3A_39 : memref<1x128xi32, #tpu.memory_space<vmem>> -> memref<128xi32, #tpu.memory_space<vmem>>
      %dma_wait3A_41 = arith.constant 0 : i32
      %dma_wait3A_42 = arith.constant 0 : i32
      %dma_wait3A_43 = tpu.memref_slice %arg2[%dma_wait3A_41, %dma_wait3A_42] : memref<10000x128xf32, #tpu.memory_space<hbm>> -> memref<10000x128xf32, #tpu.memory_space<hbm>>
      tpu.wait_indirect_dma semaphore(%arg9 : memref<!tpu.dma_semaphore, #tpu.memory_space<semaphore_mem>>) src(%dma_wait3A_43 : memref<10000x128xf32, #tpu.memory_space<hbm>>) dst(%arg6 : memref<128x128xf32, #tpu.memory_space<vmem>>)
      %run_scoped3A = arith.constant 1 : i32
      "tpu.region"() ({
        %run_scoped3A_89 = tpu.sem_alloc : memref<!tpu.dma_semaphore, #tpu.memory_space<semaphore_mem>>
        %dma_start3A_90 = arith.constant 0 : i32
        %dma_start3A_91 = tpu.memref_slice %arg5[%run_scoped3A, %dma_start3A_90] : memref<8x128xi32, #tpu.memory_space<vmem>> -> memref<1x128xi32, #tpu.memory_space<vmem>>
        %dma_start3A_92 = tpu.memref_squeeze %dma_start3A_91 : memref<1x128xi32, #tpu.memory_space<vmem>> -> memref<128xi32, #tpu.memory_space<vmem>>
        %dma_start3A_93 = arith.constant 0 : i32
        %dma_start3A_94 = arith.constant 0 : i32
        %dma_start3A_95 = tpu.memref_slice %arg8[%dma_start3A_93, %dma_start3A_94] : memref<10240x128xf32, #tpu.memory_space<vmem_shared>> -> memref<10240x128xf32, #tpu.memory_space<vmem_shared>>
        tpu.enqueue_indirect_dma source(%arg6 : memref<128x128xf32, #tpu.memory_space<vmem>>) target(%dma_start3A_95 : memref<10240x128xf32, #tpu.memory_space<vmem_shared>>) offsets(%dma_start3A_92 : memref<128xi32, #tpu.memory_space<vmem>>) semaphore(%run_scoped3A_89 : memref<!tpu.dma_semaphore, #tpu.memory_space<semaphore_mem>>) {add = true}
        %dma_wait3A_96 = arith.constant 0 : i32
        %dma_wait3A_97 = tpu.memref_slice %arg5[%run_scoped3A, %dma_wait3A_96] : memref<8x128xi32, #tpu.memory_space<vmem>> -> memref<1x128xi32, #tpu.memory_space<vmem>>
        %dma_wait3A_98 = tpu.memref_squeeze %dma_wait3A_97 : memref<1x128xi32, #tpu.memory_space<vmem>> -> memref<128xi32, #tpu.memory_space<vmem>>
        %dma_wait3A_99 = arith.constant 0 : i32
        %dma_wait3A_100 = arith.constant 0 : i32
        %dma_wait3A_101 = tpu.memref_slice %arg8[%dma_wait3A_99, %dma_wait3A_100] : memref<10240x128xf32, #tpu.memory_space<vmem_shared>> -> memref<10240x128xf32, #tpu.memory_space<vmem_shared>>
        tpu.wait_indirect_dma semaphore(%run_scoped3A_89 : memref<!tpu.dma_semaphore, #tpu.memory_space<semaphore_mem>>) src(%arg6 : memref<128x128xf32, #tpu.memory_space<vmem>>) dst(%dma_wait3A_101 : memref<10240x128xf32, #tpu.memory_space<vmem_shared>>)
        tpu.yield
      }) : () -> ()
      %dma_start3A_44 = arith.constant 2 : i32
      %dma_start3A_45 = arith.constant 0 : i32
      %dma_start3A_46 = tpu.memref_slice %arg5[%dma_start3A_44, %dma_start3A_45] : memref<8x128xi32, #tpu.memory_space<vmem>> -> memref<1x128xi32, #tpu.memory_space<vmem>>
      %dma_start3A_47 = tpu.memref_squeeze %dma_start3A_46 : memref<1x128xi32, #tpu.memory_space<vmem>> -> memref<128xi32, #tpu.memory_space<vmem>>
      %dma_start3A_48 = arith.constant 0 : i32
      %dma_start3A_49 = arith.constant 0 : i32
      %dma_start3A_50 = tpu.memref_slice %arg2[%dma_start3A_48, %dma_start3A_49] : memref<10000x128xf32, #tpu.memory_space<hbm>> -> memref<10000x128xf32, #tpu.memory_space<hbm>>
      tpu.enqueue_indirect_dma source(%dma_start3A_50 : memref<10000x128xf32, #tpu.memory_space<hbm>>) target(%arg6 : memref<128x128xf32, #tpu.memory_space<vmem>>) offsets(%dma_start3A_47 : memref<128xi32, #tpu.memory_space<vmem>>) semaphore(%arg9 : memref<!tpu.dma_semaphore, #tpu.memory_space<semaphore_mem>>)
      %dma_wait3A_51 = arith.constant 2 : i32
      %dma_wait3A_52 = arith.constant 0 : i32
      %dma_wait3A_53 = tpu.memref_slice %arg5[%dma_wait3A_51, %dma_wait3A_52] : memref<8x128xi32, #tpu.memory_space<vmem>> -> memref<1x128xi32, #tpu.memory_space<vmem>>
      %dma_wait3A_54 = tpu.memref_squeeze %dma_wait3A_53 : memref<1x128xi32, #tpu.memory_space<vmem>> -> memref<128xi32, #tpu.memory_space<vmem>>
      %dma_wait3A_55 = arith.constant 0 : i32
      %dma_wait3A_56 = arith.constant 0 : i32
      %dma_wait3A_57 = tpu.memref_slice %arg2[%dma_wait3A_55, %dma_wait3A_56] : memref<10000x128xf32, #tpu.memory_space<hbm>> -> memref<10000x128xf32, #tpu.memory_space<hbm>>
      tpu.wait_indirect_dma semaphore(%arg9 : memref<!tpu.dma_semaphore, #tpu.memory_space<semaphore_mem>>) src(%dma_wait3A_57 : memref<10000x128xf32, #tpu.memory_space<hbm>>) dst(%arg6 : memref<128x128xf32, #tpu.memory_space<vmem>>)
      %run_scoped3A_58 = arith.constant 3 : i32
      "tpu.region"() ({
        %run_scoped3A_89 = tpu.sem_alloc : memref<!tpu.dma_semaphore, #tpu.memory_space<semaphore_mem>>
        %dma_start3A_90 = arith.constant 0 : i32
        %dma_start3A_91 = tpu.memref_slice %arg5[%run_scoped3A_58, %dma_start3A_90] : memref<8x128xi32, #tpu.memory_space<vmem>> -> memref<1x128xi32, #tpu.memory_space<vmem>>
        %dma_start3A_92 = tpu.memref_squeeze %dma_start3A_91 : memref<1x128xi32, #tpu.memory_space<vmem>> -> memref<128xi32, #tpu.memory_space<vmem>>
        %dma_start3A_93 = arith.constant 0 : i32
        %dma_start3A_94 = arith.constant 0 : i32
        %dma_start3A_95 = tpu.memref_slice %arg8[%dma_start3A_93, %dma_start3A_94] : memref<10240x128xf32, #tpu.memory_space<vmem_shared>> -> memref<10240x128xf32, #tpu.memory_space<vmem_shared>>
        tpu.enqueue_indirect_dma source(%arg6 : memref<128x128xf32, #tpu.memory_space<vmem>>) target(%dma_start3A_95 : memref<10240x128xf32, #tpu.memory_space<vmem_shared>>) offsets(%dma_start3A_92 : memref<128xi32, #tpu.memory_space<vmem>>) semaphore(%run_scoped3A_89 : memref<!tpu.dma_semaphore, #tpu.memory_space<semaphore_mem>>) {add = true}
        %dma_wait3A_96 = arith.constant 0 : i32
        %dma_wait3A_97 = tpu.memref_slice %arg5[%run_scoped3A_58, %dma_wait3A_96] : memref<8x128xi32, #tpu.memory_space<vmem>> -> memref<1x128xi32, #tpu.memory_space<vmem>>
        %dma_wait3A_98 = tpu.memref_squeeze %dma_wait3A_97 : memref<1x128xi32, #tpu.memory_space<vmem>> -> memref<128xi32, #tpu.memory_space<vmem>>
        %dma_wait3A_99 = arith.constant 0 : i32
        %dma_wait3A_100 = arith.constant 0 : i32
        %dma_wait3A_101 = tpu.memref_slice %arg8[%dma_wait3A_99, %dma_wait3A_100] : memref<10240x128xf32, #tpu.memory_space<vmem_shared>> -> memref<10240x128xf32, #tpu.memory_space<vmem_shared>>
        tpu.wait_indirect_dma semaphore(%run_scoped3A_89 : memref<!tpu.dma_semaphore, #tpu.memory_space<semaphore_mem>>) src(%arg6 : memref<128x128xf32, #tpu.memory_space<vmem>>) dst(%dma_wait3A_101 : memref<10240x128xf32, #tpu.memory_space<vmem_shared>>)
        tpu.yield
      }) : () -> ()
      %dma_start3A_59 = arith.constant 4 : i32
      %dma_start3A_60 = arith.constant 0 : i32
      %dma_start3A_61 = tpu.memref_slice %arg5[%dma_start3A_59, %dma_start3A_60] : memref<8x128xi32, #tpu.memory_space<vmem>> -> memref<1x128xi32, #tpu.memory_space<vmem>>
      %dma_start3A_62 = tpu.memref_squeeze %dma_start3A_61 : memref<1x128xi32, #tpu.memory_space<vmem>> -> memref<128xi32, #tpu.memory_space<vmem>>
      %dma_start3A_63 = arith.constant 0 : i32
      %dma_start3A_64 = arith.constant 0 : i32
      %dma_start3A_65 = tpu.memref_slice %arg2[%dma_start3A_63, %dma_start3A_64] : memref<10000x128xf32, #tpu.memory_space<hbm>> -> memref<10000x128xf32, #tpu.memory_space<hbm>>
      tpu.enqueue_indirect_dma source(%dma_start3A_65 : memref<10000x128xf32, #tpu.memory_space<hbm>>) target(%arg6 : memref<128x128xf32, #tpu.memory_space<vmem>>) offsets(%dma_start3A_62 : memref<128xi32, #tpu.memory_space<vmem>>) semaphore(%arg9 : memref<!tpu.dma_semaphore, #tpu.memory_space<semaphore_mem>>)
      %dma_wait3A_66 = arith.constant 4 : i32
      %dma_wait3A_67 = arith.constant 0 : i32
      %dma_wait3A_68 = tpu.memref_slice %arg5[%dma_wait3A_66, %dma_wait3A_67] : memref<8x128xi32, #tpu.memory_space<vmem>> -> memref<1x128xi32, #tpu.memory_space<vmem>>
      %dma_wait3A_69 = tpu.memref_squeeze %dma_wait3A_68 : memref<1x128xi32, #tpu.memory_space<vmem>> -> memref<128xi32, #tpu.memory_space<vmem>>
      %dma_wait3A_70 = arith.constant 0 : i32
      %dma_wait3A_71 = arith.constant 0 : i32
      %dma_wait3A_72 = tpu.memref_slice %arg2[%dma_wait3A_70, %dma_wait3A_71] : memref<10000x128xf32, #tpu.memory_space<hbm>> -> memref<10000x128xf32, #tpu.memory_space<hbm>>
      tpu.wait_indirect_dma semaphore(%arg9 : memref<!tpu.dma_semaphore, #tpu.memory_space<semaphore_mem>>) src(%dma_wait3A_72 : memref<10000x128xf32, #tpu.memory_space<hbm>>) dst(%arg6 : memref<128x128xf32, #tpu.memory_space<vmem>>)
      %run_scoped3A_73 = arith.constant 5 : i32
      "tpu.region"() ({
        %run_scoped3A_89 = tpu.sem_alloc : memref<!tpu.dma_semaphore, #tpu.memory_space<semaphore_mem>>
        %dma_start3A_90 = arith.constant 0 : i32
        %dma_start3A_91 = tpu.memref_slice %arg5[%run_scoped3A_73, %dma_start3A_90] : memref<8x128xi32, #tpu.memory_space<vmem>> -> memref<1x128xi32, #tpu.memory_space<vmem>>
        %dma_start3A_92 = tpu.memref_squeeze %dma_start3A_91 : memref<1x128xi32, #tpu.memory_space<vmem>> -> memref<128xi32, #tpu.memory_space<vmem>>
        %dma_start3A_93 = arith.constant 0 : i32
        %dma_start3A_94 = arith.constant 0 : i32
        %dma_start3A_95 = tpu.memref_slice %arg8[%dma_start3A_93, %dma_start3A_94] : memref<10240x128xf32, #tpu.memory_space<vmem_shared>> -> memref<10240x128xf32, #tpu.memory_space<vmem_shared>>
        tpu.enqueue_indirect_dma source(%arg6 : memref<128x128xf32, #tpu.memory_space<vmem>>) target(%dma_start3A_95 : memref<10240x128xf32, #tpu.memory_space<vmem_shared>>) offsets(%dma_start3A_92 : memref<128xi32, #tpu.memory_space<vmem>>) semaphore(%run_scoped3A_89 : memref<!tpu.dma_semaphore, #tpu.memory_space<semaphore_mem>>) {add = true}
        %dma_wait3A_96 = arith.constant 0 : i32
        %dma_wait3A_97 = tpu.memref_slice %arg5[%run_scoped3A_73, %dma_wait3A_96] : memref<8x128xi32, #tpu.memory_space<vmem>> -> memref<1x128xi32, #tpu.memory_space<vmem>>
        %dma_wait3A_98 = tpu.memref_squeeze %dma_wait3A_97 : memref<1x128xi32, #tpu.memory_space<vmem>> -> memref<128xi32, #tpu.memory_space<vmem>>
        %dma_wait3A_99 = arith.constant 0 : i32
        %dma_wait3A_100 = arith.constant 0 : i32
        %dma_wait3A_101 = tpu.memref_slice %arg8[%dma_wait3A_99, %dma_wait3A_100] : memref<10240x128xf32, #tpu.memory_space<vmem_shared>> -> memref<10240x128xf32, #tpu.memory_space<vmem_shared>>
        tpu.wait_indirect_dma semaphore(%run_scoped3A_89 : memref<!tpu.dma_semaphore, #tpu.memory_space<semaphore_mem>>) src(%arg6 : memref<128x128xf32, #tpu.memory_space<vmem>>) dst(%dma_wait3A_101 : memref<10240x128xf32, #tpu.memory_space<vmem_shared>>)
        tpu.yield
      }) : () -> ()
      %dma_start3A_74 = arith.constant 6 : i32
      %dma_start3A_75 = arith.constant 0 : i32
      %dma_start3A_76 = tpu.memref_slice %arg5[%dma_start3A_74, %dma_start3A_75] : memref<8x128xi32, #tpu.memory_space<vmem>> -> memref<1x128xi32, #tpu.memory_space<vmem>>
      %dma_start3A_77 = tpu.memref_squeeze %dma_start3A_76 : memref<1x128xi32, #tpu.memory_space<vmem>> -> memref<128xi32, #tpu.memory_space<vmem>>
      %dma_start3A_78 = arith.constant 0 : i32
      %dma_start3A_79 = arith.constant 0 : i32
      %dma_start3A_80 = tpu.memref_slice %arg2[%dma_start3A_78, %dma_start3A_79] : memref<10000x128xf32, #tpu.memory_space<hbm>> -> memref<10000x128xf32, #tpu.memory_space<hbm>>
      tpu.enqueue_indirect_dma source(%dma_start3A_80 : memref<10000x128xf32, #tpu.memory_space<hbm>>) target(%arg6 : memref<128x128xf32, #tpu.memory_space<vmem>>) offsets(%dma_start3A_77 : memref<128xi32, #tpu.memory_space<vmem>>) semaphore(%arg9 : memref<!tpu.dma_semaphore, #tpu.memory_space<semaphore_mem>>)
      %dma_wait3A_81 = arith.constant 6 : i32
      %dma_wait3A_82 = arith.constant 0 : i32
      %dma_wait3A_83 = tpu.memref_slice %arg5[%dma_wait3A_81, %dma_wait3A_82] : memref<8x128xi32, #tpu.memory_space<vmem>> -> memref<1x128xi32, #tpu.memory_space<vmem>>
      %dma_wait3A_84 = tpu.memref_squeeze %dma_wait3A_83 : memref<1x128xi32, #tpu.memory_space<vmem>> -> memref<128xi32, #tpu.memory_space<vmem>>
      %dma_wait3A_85 = arith.constant 0 : i32
      %dma_wait3A_86 = arith.constant 0 : i32
      %dma_wait3A_87 = tpu.memref_slice %arg2[%dma_wait3A_85, %dma_wait3A_86] : memref<10000x128xf32, #tpu.memory_space<hbm>> -> memref<10000x128xf32, #tpu.memory_space<hbm>>
      tpu.wait_indirect_dma semaphore(%arg9 : memref<!tpu.dma_semaphore, #tpu.memory_space<semaphore_mem>>) src(%dma_wait3A_87 : memref<10000x128xf32, #tpu.memory_space<hbm>>) dst(%arg6 : memref<128x128xf32, #tpu.memory_space<vmem>>)
      %run_scoped3A_88 = arith.constant 7 : i32
      "tpu.region"() ({
        %run_scoped3A_89 = tpu.sem_alloc : memref<!tpu.dma_semaphore, #tpu.memory_space<semaphore_mem>>
        %dma_start3A_90 = arith.constant 0 : i32
        %dma_start3A_91 = tpu.memref_slice %arg5[%run_scoped3A_88, %dma_start3A_90] : memref<8x128xi32, #tpu.memory_space<vmem>> -> memref<1x128xi32, #tpu.memory_space<vmem>>
        %dma_start3A_92 = tpu.memref_squeeze %dma_start3A_91 : memref<1x128xi32, #tpu.memory_space<vmem>> -> memref<128xi32, #tpu.memory_space<vmem>>
        %dma_start3A_93 = arith.constant 0 : i32
        %dma_start3A_94 = arith.constant 0 : i32
        %dma_start3A_95 = tpu.memref_slice %arg8[%dma_start3A_93, %dma_start3A_94] : memref<10240x128xf32, #tpu.memory_space<vmem_shared>> -> memref<10240x128xf32, #tpu.memory_space<vmem_shared>>
        tpu.enqueue_indirect_dma source(%arg6 : memref<128x128xf32, #tpu.memory_space<vmem>>) target(%dma_start3A_95 : memref<10240x128xf32, #tpu.memory_space<vmem_shared>>) offsets(%dma_start3A_92 : memref<128xi32, #tpu.memory_space<vmem>>) semaphore(%run_scoped3A_89 : memref<!tpu.dma_semaphore, #tpu.memory_space<semaphore_mem>>) {add = true}
        %dma_wait3A_96 = arith.constant 0 : i32
        %dma_wait3A_97 = tpu.memref_slice %arg5[%run_scoped3A_88, %dma_wait3A_96] : memref<8x128xi32, #tpu.memory_space<vmem>> -> memref<1x128xi32, #tpu.memory_space<vmem>>
        %dma_wait3A_98 = tpu.memref_squeeze %dma_wait3A_97 : memref<1x128xi32, #tpu.memory_space<vmem>> -> memref<128xi32, #tpu.memory_space<vmem>>
        %dma_wait3A_99 = arith.constant 0 : i32
        %dma_wait3A_100 = arith.constant 0 : i32
        %dma_wait3A_101 = tpu.memref_slice %arg8[%dma_wait3A_99, %dma_wait3A_100] : memref<10240x128xf32, #tpu.memory_space<vmem_shared>> -> memref<10240x128xf32, #tpu.memory_space<vmem_shared>>
        tpu.wait_indirect_dma semaphore(%run_scoped3A_89 : memref<!tpu.dma_semaphore, #tpu.memory_space<semaphore_mem>>) src(%arg6 : memref<128x128xf32, #tpu.memory_space<vmem>>) dst(%dma_wait3A_101 : memref<10240x128xf32, #tpu.memory_space<vmem_shared>>)
        tpu.yield
      }) : () -> ()
    }
    %while3A_27 = arith.constant 1 : i32
    scf.for %while3A_29 = %while3A_25 to %while3A_21 step %while3A_27  : i32 {
      %mul3A_30 = arith.muli %while3A_29, %while3A : i32
      %add3A_31 = arith.addi %add3A, %mul3A_30 : i32
      "tpu.region"() ({
        %run_scoped3A_89 = tpu.sem_alloc : memref<!tpu.dma_semaphore, #tpu.memory_space<semaphore_mem>>
        %dma_start3A_90 = arith.constant 0 : i32
        %dma_start3A_91 = arith.constant 0 : i32
        %dma_start3A_92 = tpu.memref_slice %arg3[%add3A_31, %dma_start3A_90, %dma_start3A_91] : memref<625x8x128xi32, #tpu.memory_space<hbm>> -> memref<1x8x128xi32, #tpu.memory_space<hbm>>
        %dma_start3A_93 = tpu.memref_squeeze %dma_start3A_92 : memref<1x8x128xi32, #tpu.memory_space<hbm>> -> memref<8x128xi32, #tpu.memory_space<hbm>>
        %dma_start3A_94 = arith.constant 0 : i32
        %dma_start3A_95 = arith.constant 0 : i32
        %dma_start3A_96 = tpu.memref_slice %arg3[%add3A_31, %dma_start3A_94, %dma_start3A_95] : memref<625x8x128xi32, #tpu.memory_space<hbm>> -> memref<1x8x128xi32, #tpu.memory_space<hbm>>
        %dma_start3A_97 = tpu.memref_squeeze %dma_start3A_96 : memref<1x8x128xi32, #tpu.memory_space<hbm>> -> memref<8x128xi32, #tpu.memory_space<hbm>>
        tpu.enqueue_dma source(%dma_start3A_97 : memref<8x128xi32, #tpu.memory_space<hbm>>) target(%arg5 : memref<8x128xi32, #tpu.memory_space<vmem>>) target_semaphore(%run_scoped3A_89 : memref<!tpu.dma_semaphore, #tpu.memory_space<semaphore_mem>>)
        %dma_wait3A_98 = arith.constant 0 : i32
        %dma_wait3A_99 = arith.constant 0 : i32
        %dma_wait3A_100 = tpu.memref_slice %arg3[%add3A_31, %dma_wait3A_98, %dma_wait3A_99] : memref<625x8x128xi32, #tpu.memory_space<hbm>> -> memref<1x8x128xi32, #tpu.memory_space<hbm>>
        %dma_wait3A_101 = tpu.memref_squeeze %dma_wait3A_100 : memref<1x8x128xi32, #tpu.memory_space<hbm>> -> memref<8x128xi32, #tpu.memory_space<hbm>>
        %dma_wait3A_102 = arith.constant 0 : i32
        %dma_wait3A_103 = arith.constant 0 : i32
        %dma_wait3A_104 = tpu.memref_slice %arg3[%add3A_31, %dma_wait3A_102, %dma_wait3A_103] : memref<625x8x128xi32, #tpu.memory_space<hbm>> -> memref<1x8x128xi32, #tpu.memory_space<hbm>>
        %dma_wait3A_105 = tpu.memref_squeeze %dma_wait3A_104 : memref<1x8x128xi32, #tpu.memory_space<hbm>> -> memref<8x128xi32, #tpu.memory_space<hbm>>
        tpu.wait_dma2 semaphore(%run_scoped3A_89 : memref<!tpu.dma_semaphore, #tpu.memory_space<semaphore_mem>>) src(%dma_wait3A_105 : memref<8x128xi32, #tpu.memory_space<hbm>>) dst(%arg5 : memref<8x128xi32, #tpu.memory_space<vmem>>)
        tpu.yield
      }) : () -> ()
      %dma_start3A = arith.constant 0 : i32
      %dma_start3A_32 = arith.constant 0 : i32
      %dma_start3A_33 = tpu.memref_slice %arg5[%dma_start3A, %dma_start3A_32] : memref<8x128xi32, #tpu.memory_space<vmem>> -> memref<1x128xi32, #tpu.memory_space<vmem>>
      %dma_start3A_34 = tpu.memref_squeeze %dma_start3A_33 : memref<1x128xi32, #tpu.memory_space<vmem>> -> memref<128xi32, #tpu.memory_space<vmem>>
      %dma_start3A_35 = arith.constant 0 : i32
      %dma_start3A_36 = arith.constant 0 : i32
      %dma_start3A_37 = tpu.memref_slice %arg2[%dma_start3A_35, %dma_start3A_36] : memref<10000x128xf32, #tpu.memory_space<hbm>> -> memref<10000x128xf32, #tpu.memory_space<hbm>>
      tpu.enqueue_indirect_dma source(%dma_start3A_37 : memref<10000x128xf32, #tpu.memory_space<hbm>>) target(%arg6 : memref<128x128xf32, #tpu.memory_space<vmem>>) offsets(%dma_start3A_34 : memref<128xi32, #tpu.memory_space<vmem>>) semaphore(%arg9 : memref<!tpu.dma_semaphore, #tpu.memory_space<semaphore_mem>>)
      %dma_wait3A = arith.constant 0 : i32
      %dma_wait3A_38 = arith.constant 0 : i32
      %dma_wait3A_39 = tpu.memref_slice %arg5[%dma_wait3A, %dma_wait3A_38] : memref<8x128xi32, #tpu.memory_space<vmem>> -> memref<1x128xi32, #tpu.memory_space<vmem>>
      %dma_wait3A_40 = tpu.memref_squeeze %dma_wait3A_39 : memref<1x128xi32, #tpu.memory_space<vmem>> -> memref<128xi32, #tpu.memory_space<vmem>>
      %dma_wait3A_41 = arith.constant 0 : i32
      %dma_wait3A_42 = arith.constant 0 : i32
      %dma_wait3A_43 = tpu.memref_slice %arg2[%dma_wait3A_41, %dma_wait3A_42] : memref<10000x128xf32, #tpu.memory_space<hbm>> -> memref<10000x128xf32, #tpu.memory_space<hbm>>
      tpu.wait_indirect_dma semaphore(%arg9 : memref<!tpu.dma_semaphore, #tpu.memory_space<semaphore_mem>>) src(%dma_wait3A_43 : memref<10000x128xf32, #tpu.memory_space<hbm>>) dst(%arg6 : memref<128x128xf32, #tpu.memory_space<vmem>>)
      %run_scoped3A = arith.constant 1 : i32
      "tpu.region"() ({
        %run_scoped3A_89 = tpu.sem_alloc : memref<!tpu.dma_semaphore, #tpu.memory_space<semaphore_mem>>
        %dma_start3A_90 = arith.constant 0 : i32
        %dma_start3A_91 = tpu.memref_slice %arg5[%run_scoped3A, %dma_start3A_90] : memref<8x128xi32, #tpu.memory_space<vmem>> -> memref<1x128xi32, #tpu.memory_space<vmem>>
        %dma_start3A_92 = tpu.memref_squeeze %dma_start3A_91 : memref<1x128xi32, #tpu.memory_space<vmem>> -> memref<128xi32, #tpu.memory_space<vmem>>
        %dma_start3A_93 = arith.constant 0 : i32
        %dma_start3A_94 = arith.constant 0 : i32
        %dma_start3A_95 = tpu.memref_slice %arg8[%dma_start3A_93, %dma_start3A_94] : memref<10240x128xf32, #tpu.memory_space<vmem_shared>> -> memref<10240x128xf32, #tpu.memory_space<vmem_shared>>
        tpu.enqueue_indirect_dma source(%arg6 : memref<128x128xf32, #tpu.memory_space<vmem>>) target(%dma_start3A_95 : memref<10240x128xf32, #tpu.memory_space<vmem_shared>>) offsets(%dma_start3A_92 : memref<128xi32, #tpu.memory_space<vmem>>) semaphore(%run_scoped3A_89 : memref<!tpu.dma_semaphore, #tpu.memory_space<semaphore_mem>>) {add = true}
        %dma_wait3A_96 = arith.constant 0 : i32
        %dma_wait3A_97 = tpu.memref_slice %arg5[%run_scoped3A, %dma_wait3A_96] : memref<8x128xi32, #tpu.memory_space<vmem>> -> memref<1x128xi32, #tpu.memory_space<vmem>>
        %dma_wait3A_98 = tpu.memref_squeeze %dma_wait3A_97 : memref<1x128xi32, #tpu.memory_space<vmem>> -> memref<128xi32, #tpu.memory_space<vmem>>
        %dma_wait3A_99 = arith.constant 0 : i32
        %dma_wait3A_100 = arith.constant 0 : i32
        %dma_wait3A_101 = tpu.memref_slice %arg8[%dma_wait3A_99, %dma_wait3A_100] : memref<10240x128xf32, #tpu.memory_space<vmem_shared>> -> memref<10240x128xf32, #tpu.memory_space<vmem_shared>>
        tpu.wait_indirect_dma semaphore(%run_scoped3A_89 : memref<!tpu.dma_semaphore, #tpu.memory_space<semaphore_mem>>) src(%arg6 : memref<128x128xf32, #tpu.memory_space<vmem>>) dst(%dma_wait3A_101 : memref<10240x128xf32, #tpu.memory_space<vmem_shared>>)
        tpu.yield
      }) : () -> ()
      %dma_start3A_44 = arith.constant 2 : i32
      %dma_start3A_45 = arith.constant 0 : i32
      %dma_start3A_46 = tpu.memref_slice %arg5[%dma_start3A_44, %dma_start3A_45] : memref<8x128xi32, #tpu.memory_space<vmem>> -> memref<1x128xi32, #tpu.memory_space<vmem>>
      %dma_start3A_47 = tpu.memref_squeeze %dma_start3A_46 : memref<1x128xi32, #tpu.memory_space<vmem>> -> memref<128xi32, #tpu.memory_space<vmem>>
      %dma_start3A_48 = arith.constant 0 : i32
      %dma_start3A_49 = arith.constant 0 : i32
      %dma_start3A_50 = tpu.memref_slice %arg2[%dma_start3A_48, %dma_start3A_49] : memref<10000x128xf32, #tpu.memory_space<hbm>> -> memref<10000x128xf32, #tpu.memory_space<hbm>>
      tpu.enqueue_indirect_dma source(%dma_start3A_50 : memref<10000x128xf32, #tpu.memory_space<hbm>>) target(%arg6 : memref<128x128xf32, #tpu.memory_space<vmem>>) offsets(%dma_start3A_47 : memref<128xi32, #tpu.memory_space<vmem>>) semaphore(%arg9 : memref<!tpu.dma_semaphore, #tpu.memory_space<semaphore_mem>>)
      %dma_wait3A_51 = arith.constant 2 : i32
      %dma_wait3A_52 = arith.constant 0 : i32
      %dma_wait3A_53 = tpu.memref_slice %arg5[%dma_wait3A_51, %dma_wait3A_52] : memref<8x128xi32, #tpu.memory_space<vmem>> -> memref<1x128xi32, #tpu.memory_space<vmem>>
      %dma_wait3A_54 = tpu.memref_squeeze %dma_wait3A_53 : memref<1x128xi32, #tpu.memory_space<vmem>> -> memref<128xi32, #tpu.memory_space<vmem>>
      %dma_wait3A_55 = arith.constant 0 : i32
      %dma_wait3A_56 = arith.constant 0 : i32
      %dma_wait3A_57 = tpu.memref_slice %arg2[%dma_wait3A_55, %dma_wait3A_56] : memref<10000x128xf32, #tpu.memory_space<hbm>> -> memref<10000x128xf32, #tpu.memory_space<hbm>>
      tpu.wait_indirect_dma semaphore(%arg9 : memref<!tpu.dma_semaphore, #tpu.memory_space<semaphore_mem>>) src(%dma_wait3A_57 : memref<10000x128xf32, #tpu.memory_space<hbm>>) dst(%arg6 : memref<128x128xf32, #tpu.memory_space<vmem>>)
      %run_scoped3A_58 = arith.constant 3 : i32
      "tpu.region"() ({
        %run_scoped3A_89 = tpu.sem_alloc : memref<!tpu.dma_semaphore, #tpu.memory_space<semaphore_mem>>
        %dma_start3A_90 = arith.constant 0 : i32
        %dma_start3A_91 = tpu.memref_slice %arg5[%run_scoped3A_58, %dma_start3A_90] : memref<8x128xi32, #tpu.memory_space<vmem>> -> memref<1x128xi32, #tpu.memory_space<vmem>>
        %dma_start3A_92 = tpu.memref_squeeze %dma_start3A_91 : memref<1x128xi32, #tpu.memory_space<vmem>> -> memref<128xi32, #tpu.memory_space<vmem>>
        %dma_start3A_93 = arith.constant 0 : i32
        %dma_start3A_94 = arith.constant 0 : i32
        %dma_start3A_95 = tpu.memref_slice %arg8[%dma_start3A_93, %dma_start3A_94] : memref<10240x128xf32, #tpu.memory_space<vmem_shared>> -> memref<10240x128xf32, #tpu.memory_space<vmem_shared>>
        tpu.enqueue_indirect_dma source(%arg6 : memref<128x128xf32, #tpu.memory_space<vmem>>) target(%dma_start3A_95 : memref<10240x128xf32, #tpu.memory_space<vmem_shared>>) offsets(%dma_start3A_92 : memref<128xi32, #tpu.memory_space<vmem>>) semaphore(%run_scoped3A_89 : memref<!tpu.dma_semaphore, #tpu.memory_space<semaphore_mem>>) {add = true}
        %dma_wait3A_96 = arith.constant 0 : i32
        %dma_wait3A_97 = tpu.memref_slice %arg5[%run_scoped3A_58, %dma_wait3A_96] : memref<8x128xi32, #tpu.memory_space<vmem>> -> memref<1x128xi32, #tpu.memory_space<vmem>>
        %dma_wait3A_98 = tpu.memref_squeeze %dma_wait3A_97 : memref<1x128xi32, #tpu.memory_space<vmem>> -> memref<128xi32, #tpu.memory_space<vmem>>
        %dma_wait3A_99 = arith.constant 0 : i32
        %dma_wait3A_100 = arith.constant 0 : i32
        %dma_wait3A_101 = tpu.memref_slice %arg8[%dma_wait3A_99, %dma_wait3A_100] : memref<10240x128xf32, #tpu.memory_space<vmem_shared>> -> memref<10240x128xf32, #tpu.memory_space<vmem_shared>>
        tpu.wait_indirect_dma semaphore(%run_scoped3A_89 : memref<!tpu.dma_semaphore, #tpu.memory_space<semaphore_mem>>) src(%arg6 : memref<128x128xf32, #tpu.memory_space<vmem>>) dst(%dma_wait3A_101 : memref<10240x128xf32, #tpu.memory_space<vmem_shared>>)
        tpu.yield
      }) : () -> ()
      %dma_start3A_59 = arith.constant 4 : i32
      %dma_start3A_60 = arith.constant 0 : i32
      %dma_start3A_61 = tpu.memref_slice %arg5[%dma_start3A_59, %dma_start3A_60] : memref<8x128xi32, #tpu.memory_space<vmem>> -> memref<1x128xi32, #tpu.memory_space<vmem>>
      %dma_start3A_62 = tpu.memref_squeeze %dma_start3A_61 : memref<1x128xi32, #tpu.memory_space<vmem>> -> memref<128xi32, #tpu.memory_space<vmem>>
      %dma_start3A_63 = arith.constant 0 : i32
      %dma_start3A_64 = arith.constant 0 : i32
      %dma_start3A_65 = tpu.memref_slice %arg2[%dma_start3A_63, %dma_start3A_64] : memref<10000x128xf32, #tpu.memory_space<hbm>> -> memref<10000x128xf32, #tpu.memory_space<hbm>>
      tpu.enqueue_indirect_dma source(%dma_start3A_65 : memref<10000x128xf32, #tpu.memory_space<hbm>>) target(%arg6 : memref<128x128xf32, #tpu.memory_space<vmem>>) offsets(%dma_start3A_62 : memref<128xi32, #tpu.memory_space<vmem>>) semaphore(%arg9 : memref<!tpu.dma_semaphore, #tpu.memory_space<semaphore_mem>>)
      %dma_wait3A_66 = arith.constant 4 : i32
      %dma_wait3A_67 = arith.constant 0 : i32
      %dma_wait3A_68 = tpu.memref_slice %arg5[%dma_wait3A_66, %dma_wait3A_67] : memref<8x128xi32, #tpu.memory_space<vmem>> -> memref<1x128xi32, #tpu.memory_space<vmem>>
      %dma_wait3A_69 = tpu.memref_squeeze %dma_wait3A_68 : memref<1x128xi32, #tpu.memory_space<vmem>> -> memref<128xi32, #tpu.memory_space<vmem>>
      %dma_wait3A_70 = arith.constant 0 : i32
      %dma_wait3A_71 = arith.constant 0 : i32
      %dma_wait3A_72 = tpu.memref_slice %arg2[%dma_wait3A_70, %dma_wait3A_71] : memref<10000x128xf32, #tpu.memory_space<hbm>> -> memref<10000x128xf32, #tpu.memory_space<hbm>>
      tpu.wait_indirect_dma semaphore(%arg9 : memref<!tpu.dma_semaphore, #tpu.memory_space<semaphore_mem>>) src(%dma_wait3A_72 : memref<10000x128xf32, #tpu.memory_space<hbm>>) dst(%arg6 : memref<128x128xf32, #tpu.memory_space<vmem>>)
      %run_scoped3A_73 = arith.constant 5 : i32
      "tpu.region"() ({
        %run_scoped3A_89 = tpu.sem_alloc : memref<!tpu.dma_semaphore, #tpu.memory_space<semaphore_mem>>
        %dma_start3A_90 = arith.constant 0 : i32
        %dma_start3A_91 = tpu.memref_slice %arg5[%run_scoped3A_73, %dma_start3A_90] : memref<8x128xi32, #tpu.memory_space<vmem>> -> memref<1x128xi32, #tpu.memory_space<vmem>>
        %dma_start3A_92 = tpu.memref_squeeze %dma_start3A_91 : memref<1x128xi32, #tpu.memory_space<vmem>> -> memref<128xi32, #tpu.memory_space<vmem>>
        %dma_start3A_93 = arith.constant 0 : i32
        %dma_start3A_94 = arith.constant 0 : i32
        %dma_start3A_95 = tpu.memref_slice %arg8[%dma_start3A_93, %dma_start3A_94] : memref<10240x128xf32, #tpu.memory_space<vmem_shared>> -> memref<10240x128xf32, #tpu.memory_space<vmem_shared>>
        tpu.enqueue_indirect_dma source(%arg6 : memref<128x128xf32, #tpu.memory_space<vmem>>) target(%dma_start3A_95 : memref<10240x128xf32, #tpu.memory_space<vmem_shared>>) offsets(%dma_start3A_92 : memref<128xi32, #tpu.memory_space<vmem>>) semaphore(%run_scoped3A_89 : memref<!tpu.dma_semaphore, #tpu.memory_space<semaphore_mem>>) {add = true}
        %dma_wait3A_96 = arith.constant 0 : i32
        %dma_wait3A_97 = tpu.memref_slice %arg5[%run_scoped3A_73, %dma_wait3A_96] : memref<8x128xi32, #tpu.memory_space<vmem>> -> memref<1x128xi32, #tpu.memory_space<vmem>>
        %dma_wait3A_98 = tpu.memref_squeeze %dma_wait3A_97 : memref<1x128xi32, #tpu.memory_space<vmem>> -> memref<128xi32, #tpu.memory_space<vmem>>
        %dma_wait3A_99 = arith.constant 0 : i32
        %dma_wait3A_100 = arith.constant 0 : i32
        %dma_wait3A_101 = tpu.memref_slice %arg8[%dma_wait3A_99, %dma_wait3A_100] : memref<10240x128xf32, #tpu.memory_space<vmem_shared>> -> memref<10240x128xf32, #tpu.memory_space<vmem_shared>>
        tpu.wait_indirect_dma semaphore(%run_scoped3A_89 : memref<!tpu.dma_semaphore, #tpu.memory_space<semaphore_mem>>) src(%arg6 : memref<128x128xf32, #tpu.memory_space<vmem>>) dst(%dma_wait3A_101 : memref<10240x128xf32, #tpu.memory_space<vmem_shared>>)
        tpu.yield
      }) : () -> ()
      %dma_start3A_74 = arith.constant 6 : i32
      %dma_start3A_75 = arith.constant 0 : i32
      %dma_start3A_76 = tpu.memref_slice %arg5[%dma_start3A_74, %dma_start3A_75] : memref<8x128xi32, #tpu.memory_space<vmem>> -> memref<1x128xi32, #tpu.memory_space<vmem>>
      %dma_start3A_77 = tpu.memref_squeeze %dma_start3A_76 : memref<1x128xi32, #tpu.memory_space<vmem>> -> memref<128xi32, #tpu.memory_space<vmem>>
      %dma_start3A_78 = arith.constant 0 : i32
      %dma_start3A_79 = arith.constant 0 : i32
      %dma_start3A_80 = tpu.memref_slice %arg2[%dma_start3A_78, %dma_start3A_79] : memref<10000x128xf32, #tpu.memory_space<hbm>> -> memref<10000x128xf32, #tpu.memory_space<hbm>>
      tpu.enqueue_indirect_dma source(%dma_start3A_80 : memref<10000x128xf32, #tpu.memory_space<hbm>>) target(%arg6 : memref<128x128xf32, #tpu.memory_space<vmem>>) offsets(%dma_start3A_77 : memref<128xi32, #tpu.memory_space<vmem>>) semaphore(%arg9 : memref<!tpu.dma_semaphore, #tpu.memory_space<semaphore_mem>>)
      %dma_wait3A_81 = arith.constant 6 : i32
      %dma_wait3A_82 = arith.constant 0 : i32
      %dma_wait3A_83 = tpu.memref_slice %arg5[%dma_wait3A_81, %dma_wait3A_82] : memref<8x128xi32, #tpu.memory_space<vmem>> -> memref<1x128xi32, #tpu.memory_space<vmem>>
      %dma_wait3A_84 = tpu.memref_squeeze %dma_wait3A_83 : memref<1x128xi32, #tpu.memory_space<vmem>> -> memref<128xi32, #tpu.memory_space<vmem>>
      %dma_wait3A_85 = arith.constant 0 : i32
      %dma_wait3A_86 = arith.constant 0 : i32
      %dma_wait3A_87 = tpu.memref_slice %arg2[%dma_wait3A_85, %dma_wait3A_86] : memref<10000x128xf32, #tpu.memory_space<hbm>> -> memref<10000x128xf32, #tpu.memory_space<hbm>>
      tpu.wait_indirect_dma semaphore(%arg9 : memref<!tpu.dma_semaphore, #tpu.memory_space<semaphore_mem>>) src(%dma_wait3A_87 : memref<10000x128xf32, #tpu.memory_space<hbm>>) dst(%arg6 : memref<128x128xf32, #tpu.memory_space<vmem>>)
      %run_scoped3A_88 = arith.constant 7 : i32
      "tpu.region"() ({
        %run_scoped3A_89 = tpu.sem_alloc : memref<!tpu.dma_semaphore, #tpu.memory_space<semaphore_mem>>
        %dma_start3A_90 = arith.constant 0 : i32
        %dma_start3A_91 = tpu.memref_slice %arg5[%run_scoped3A_88, %dma_start3A_90] : memref<8x128xi32, #tpu.memory_space<vmem>> -> memref<1x128xi32, #tpu.memory_space<vmem>>
        %dma_start3A_92 = tpu.memref_squeeze %dma_start3A_91 : memref<1x128xi32, #tpu.memory_space<vmem>> -> memref<128xi32, #tpu.memory_space<vmem>>
        %dma_start3A_93 = arith.constant 0 : i32
        %dma_start3A_94 = arith.constant 0 : i32
        %dma_start3A_95 = tpu.memref_slice %arg8[%dma_start3A_93, %dma_start3A_94] : memref<10240x128xf32, #tpu.memory_space<vmem_shared>> -> memref<10240x128xf32, #tpu.memory_space<vmem_shared>>
        tpu.enqueue_indirect_dma source(%arg6 : memref<128x128xf32, #tpu.memory_space<vmem>>) target(%dma_start3A_95 : memref<10240x128xf32, #tpu.memory_space<vmem_shared>>) offsets(%dma_start3A_92 : memref<128xi32, #tpu.memory_space<vmem>>) semaphore(%run_scoped3A_89 : memref<!tpu.dma_semaphore, #tpu.memory_space<semaphore_mem>>) {add = true}
        %dma_wait3A_96 = arith.constant 0 : i32
        %dma_wait3A_97 = tpu.memref_slice %arg5[%run_scoped3A_88, %dma_wait3A_96] : memref<8x128xi32, #tpu.memory_space<vmem>> -> memref<1x128xi32, #tpu.memory_space<vmem>>
        %dma_wait3A_98 = tpu.memref_squeeze %dma_wait3A_97 : memref<1x128xi32, #tpu.memory_space<vmem>> -> memref<128xi32, #tpu.memory_space<vmem>>
        %dma_wait3A_99 = arith.constant 0 : i32
        %dma_wait3A_100 = arith.constant 0 : i32
        %dma_wait3A_101 = tpu.memref_slice %arg8[%dma_wait3A_99, %dma_wait3A_100] : memref<10240x128xf32, #tpu.memory_space<vmem_shared>> -> memref<10240x128xf32, #tpu.memory_space<vmem_shared>>
        tpu.wait_indirect_dma semaphore(%run_scoped3A_89 : memref<!tpu.dma_semaphore, #tpu.memory_space<semaphore_mem>>) src(%arg6 : memref<128x128xf32, #tpu.memory_space<vmem>>) dst(%dma_wait3A_101 : memref<10240x128xf32, #tpu.memory_space<vmem_shared>>)
        tpu.yield
      }) : () -> ()
    }
    %barrier3A_28 = arith.constant 0 : index
    tpu.barrier barrier_id(%barrier3A_28)
    "tpu.region"() ({
      %run_scoped3A = tpu.sem_alloc : memref<!tpu.dma_semaphore, #tpu.memory_space<semaphore_mem>>
      %dma_start3A = arith.constant 0 : i32
      %dma_start3A_29 = tpu.memref_slice %arg4[%arg0, %mul3A_7, %dma_start3A] : memref<2x10240x128xf32, #tpu.memory_space<hbm>> -> memref<1x640x128xf32, #tpu.memory_space<hbm>>
      %dma_start3A_30 = tpu.memref_squeeze %dma_start3A_29 : memref<1x640x128xf32, #tpu.memory_space<hbm>> -> memref<640x128xf32, #tpu.memory_space<hbm>>
      %dma_start3A_31 = arith.constant 0 : i32
      %dma_start3A_32 = tpu.memref_slice %arg8[%mul3A_7, %dma_start3A_31] : memref<10240x128xf32, #tpu.memory_space<vmem_shared>> -> memref<640x128xf32, #tpu.memory_space<vmem_shared>>
      tpu.enqueue_dma source(%dma_start3A_32 : memref<640x128xf32, #tpu.memory_space<vmem_shared>>) target(%dma_start3A_30 : memref<640x128xf32, #tpu.memory_space<hbm>>) target_semaphore(%run_scoped3A : memref<!tpu.dma_semaphore, #tpu.memory_space<semaphore_mem>>)
      %dma_wait3A = arith.constant 0 : i32
      %dma_wait3A_33 = tpu.memref_slice %arg4[%arg0, %mul3A_7, %dma_wait3A] : memref<2x10240x128xf32, #tpu.memory_space<hbm>> -> memref<1x640x128xf32, #tpu.memory_space<hbm>>
      %dma_wait3A_34 = tpu.memref_squeeze %dma_wait3A_33 : memref<1x640x128xf32, #tpu.memory_space<hbm>> -> memref<640x128xf32, #tpu.memory_space<hbm>>
      %dma_wait3A_35 = arith.constant 0 : i32
      %dma_wait3A_36 = tpu.memref_slice %arg8[%mul3A_7, %dma_wait3A_35] : memref<10240x128xf32, #tpu.memory_space<vmem_shared>> -> memref<640x128xf32, #tpu.memory_space<vmem_shared>>
      tpu.wait_dma2 semaphore(%run_scoped3A : memref<!tpu.dma_semaphore, #tpu.memory_space<semaphore_mem>>) src(%dma_wait3A_36 : memref<640x128xf32, #tpu.memory_space<vmem_shared>>) dst(%dma_wait3A_34 : memref<640x128xf32, #tpu.memory_space<hbm>>)
      tpu.yield
    }) : () -> ()
    return
  }
}

#map = affine_map<(d0, d1) -> (0, 0)>
#map1 = affine_map<(d0, d1) -> (0, 0, 0)>
module attributes {stable_mosaic.version = 14 : i64} {
  func.func @agg(%arg0: i32, %arg1: i32, %arg2: memref<10000x128xf32, #tpu.memory_space<hbm>>, %arg3: memref<625x8x128xi32, #tpu.memory_space<hbm>>, %arg4: memref<2x10240x128xf32, #tpu.memory_space<hbm>>, %arg5: memref<8x128xi32, #tpu.memory_space<vmem>>, %arg6: memref<128x128xf32, #tpu.memory_space<vmem>>, %arg7: memref<64x128xf32, #tpu.memory_space<vmem>>, %arg8: memref<10240x128xf32, #tpu.memory_space<vmem_shared>>, %arg9: memref<!tpu.dma_semaphore, #tpu.memory_space<semaphore_mem>>) attributes {dimension_semantics = [#tpu.dimension_semantics<core_parallel>, #tpu.dimension_semantics<subcore_parallel>], iteration_bounds = array<i64: 2, 16>, scalar_prefetch = 0 : i64, scratch_operands = 5 : i64, tpu.core_type = #tpu.core_type<sc_vector_subcore>, window_params = [{transform_indices = #map}, {transform_indices = #map1}, {transform_indices = #map1}]} {
    %mul3A = arith.constant 2 : i32
    %mul3A_0 = arith.muli %arg1, %mul3A : i32
    %add3A = arith.addi %mul3A_0, %arg0 : i32
    %broadcast_in_dim3A = arith.constant 0.000000e+00 : f32
    %broadcast_in_dim3A_1 = vector.broadcast %broadcast_in_dim3A : f32 to vector<16xf32>
    %scan3A = arith.constant 0 : i32
    %scan3A_2 = arith.constant 64 : i32
    %scan3A_3 = arith.addi %scan3A, %scan3A_2 : i32
    %scan3A_4 = arith.constant 1 : i32
    scf.for %scan3A_29 = %scan3A to %scan3A_3 step %scan3A_4  : i32 {
      %mul3A_30 = arith.constant 1 : i32
      %mul3A_31 = arith.muli %scan3A_29, %mul3A_30 : i32
      %add3A_32 = arith.constant 0 : i32
      %add3A_33 = arith.addi %add3A_32, %mul3A_31 : i32
      %scan3A_34 = arith.constant 0 : i32
      %scan3A_35 = arith.constant 8 : i32
      %scan3A_36 = arith.addi %scan3A_34, %scan3A_35 : i32
      %scan3A_37 = arith.constant 1 : i32
      scf.for %scan3A_39 = %scan3A_34 to %scan3A_36 step %scan3A_37  : i32 {
        %mul3A_40 = arith.constant 16 : i32
        %mul3A_41 = arith.muli %scan3A_39, %mul3A_40 : i32
        %add3A_42 = arith.constant 0 : i32
        %add3A_43 = arith.addi %add3A_42, %mul3A_41 : i32
        %swap3A = arith.index_cast %add3A_33 : i32 to index
        %swap3A_44 = arith.index_cast %add3A_43 : i32 to index
        %swap3A_45 = tpu.vector_load %arg7[%swap3A, %swap3A_44] {strides = array<i32>} : memref<64x128xf32, #tpu.memory_space<vmem>>, vector<1x16xf32>,
        %swap3A_46 = vector.shape_cast %swap3A_45 : vector<1x16xf32> to vector<16xf32>
        %swap3A_47 = vector.shape_cast %broadcast_in_dim3A_1 : vector<16xf32> to vector<1x16xf32>
        tpu.vector_store %arg7[%swap3A, %swap3A_44], %swap3A_47 {strides = array<i32>} : memref<64x128xf32, #tpu.memory_space<vmem>>, vector<1x16xf32>,
      }
      %scan3A_38 = arith.constant 8 : i32
    }
    %scan3A_5 = arith.constant 64 : i32
    %mul3A_6 = arith.constant 640 : i32
    %mul3A_7 = arith.muli %arg1, %mul3A_6 : i32
    %scan3A_8 = arith.constant 0 : i32
    %scan3A_9 = arith.constant 10 : i32
    %scan3A_10 = arith.addi %scan3A_8, %scan3A_9 : i32
    %scan3A_11 = arith.constant 1 : i32
    scf.for %scan3A_29 = %scan3A_8 to %scan3A_10 step %scan3A_11  : i32 {
      %mul3A_30 = arith.constant 64 : i32
      %mul3A_31 = arith.muli %scan3A_29, %mul3A_30 : i32
      %add3A_32 = arith.constant 0 : i32
      %add3A_33 = arith.addi %add3A_32, %mul3A_31 : i32
      %add3A_34 = arith.addi %mul3A_7, %add3A_33 : i32
      "tpu.region"() ({
        %run_scoped3A = tpu.sem_alloc : memref<!tpu.dma_semaphore, #tpu.memory_space<semaphore_mem>>
        %dma_start3A = arith.constant 0 : i32
        %dma_start3A_35 = tpu.memref_slice %arg8[%add3A_34, %dma_start3A] : memref<10240x128xf32, #tpu.memory_space<vmem_shared>> -> memref<64x128xf32, #tpu.memory_space<vmem_shared>>
        %dma_start3A_36 = arith.constant 0 : i32
        %dma_start3A_37 = tpu.memref_slice %arg8[%add3A_34, %dma_start3A_36] : memref<10240x128xf32, #tpu.memory_space<vmem_shared>> -> memref<64x128xf32, #tpu.memory_space<vmem_shared>>
        tpu.enqueue_dma source(%arg7 : memref<64x128xf32, #tpu.memory_space<vmem>>) target(%dma_start3A_37 : memref<64x128xf32, #tpu.memory_space<vmem_shared>>) target_semaphore(%run_scoped3A : memref<!tpu.dma_semaphore, #tpu.memory_space<semaphore_mem>>)
        %dma_wait3A = arith.constant 0 : i32
        %dma_wait3A_38 = tpu.memref_slice %arg8[%add3A_34, %dma_wait3A] : memref<10240x128xf32, #tpu.memory_space<vmem_shared>> -> memref<64x128xf32, #tpu.memory_space<vmem_shared>>
        %dma_wait3A_39 = arith.constant 0 : i32
        %dma_wait3A_40 = tpu.memref_slice %arg8[%add3A_34, %dma_wait3A_39] : memref<10240x128xf32, #tpu.memory_space<vmem_shared>> -> memref<64x128xf32, #tpu.memory_space<vmem_shared>>
        tpu.wait_dma2 semaphore(%run_scoped3A : memref<!tpu.dma_semaphore, #tpu.memory_space<semaphore_mem>>) src(%arg7 : memref<64x128xf32, #tpu.memory_space<vmem>>) dst(%dma_wait3A_40 : memref<64x128xf32, #tpu.memory_space<vmem_shared>>)
        tpu.yield
      }) : () -> ()
    }
    %scan3A_12 = arith.constant 10 : i32
    %barrier3A = arith.constant 0 : index
    tpu.barrier barrier_id(%barrier3A)
    %sub3A = arith.constant 625 : i32
    %sub3A_13 = arith.subi %sub3A, %add3A : i32
    %sub3A_14 = arith.constant 32 : i32
    %sub3A_15 = arith.constant 1 : i32
    %sub3A_16 = arith.subi %sub3A_14, %sub3A_15 : i32
    %add3A_17 = arith.addi %sub3A_13, %sub3A_16 : i32
    %div3A = arith.constant 32 : i32
    %div3A_18 = arith.divsi %add3A_17, %div3A : i32
    %while3A = arith.constant 32 : i32
    %while3A_19 = arith.constant 0 : i32
    %while3A_20 = arith.subi %div3A_18, %while3A_19 : i32
    %while3A_21 = arith.addi %while3A_19, %while3A_20 : i32
    %while3A_22 = arith.constant 1 : i32
    %while3A_23 = arith.divsi %while3A_20, %while3A_22 : i32
    %while3A_24 = arith.muli %while3A_23, %while3A_22 : i32
    %while3A_25 = arith.addi %while3A_19, %while3A_24 : i32
    %while3A_26 = arith.constant 1 : i32
    scf.for %while3A_29 = %while3A_19 to %while3A_25 step %while3A_26  : i32 {
      %mul3A_30 = arith.muli %while3A_29, %while3A : i32
      %add3A_31 = arith.addi %add3A, %mul3A_30 : i32
      "tpu.region"() ({
        %run_scoped3A_89 = tpu.sem_alloc : memref<!tpu.dma_semaphore, #tpu.memory_space<semaphore_mem>>
        %dma_start3A_90 = arith.constant 0 : i32
        %dma_start3A_91 = arith.constant 0 : i32
        %dma_start3A_92 = tpu.memref_slice %arg3[%add3A_31, %dma_start3A_90, %dma_start3A_91] : memref<625x8x128xi32, #tpu.memory_space<hbm>> -> memref<1x8x128xi32, #tpu.memory_space<hbm>>
        %dma_start3A_93 = tpu.memref_squeeze %dma_start3A_92 : memref<1x8x128xi32, #tpu.memory_space<hbm>> -> memref<8x128xi32, #tpu.memory_space<hbm>>
        %dma_start3A_94 = arith.constant 0 : i32
        %dma_start3A_95 = arith.constant 0 : i32
        %dma_start3A_96 = tpu.memref_slice %arg3[%add3A_31, %dma_start3A_94, %dma_start3A_95] : memref<625x8x128xi32, #tpu.memory_space<hbm>> -> memref<1x8x128xi32, #tpu.memory_space<hbm>>
        %dma_start3A_97 = tpu.memref_squeeze %dma_start3A_96 : memref<1x8x128xi32, #tpu.memory_space<hbm>> -> memref<8x128xi32, #tpu.memory_space<hbm>>
        tpu.enqueue_dma source(%dma_start3A_97 : memref<8x128xi32, #tpu.memory_space<hbm>>) target(%arg5 : memref<8x128xi32, #tpu.memory_space<vmem>>) target_semaphore(%run_scoped3A_89 : memref<!tpu.dma_semaphore, #tpu.memory_space<semaphore_mem>>)
        %dma_wait3A_98 = arith.constant 0 : i32
        %dma_wait3A_99 = arith.constant 0 : i32
        %dma_wait3A_100 = tpu.memref_slice %arg3[%add3A_31, %dma_wait3A_98, %dma_wait3A_99] : memref<625x8x128xi32, #tpu.memory_space<hbm>> -> memref<1x8x128xi32, #tpu.memory_space<hbm>>
        %dma_wait3A_101 = tpu.memref_squeeze %dma_wait3A_100 : memref<1x8x128xi32, #tpu.memory_space<hbm>> -> memref<8x128xi32, #tpu.memory_space<hbm>>
        %dma_wait3A_102 = arith.constant 0 : i32
        %dma_wait3A_103 = arith.constant 0 : i32
        %dma_wait3A_104 = tpu.memref_slice %arg3[%add3A_31, %dma_wait3A_102, %dma_wait3A_103] : memref<625x8x128xi32, #tpu.memory_space<hbm>> -> memref<1x8x128xi32, #tpu.memory_space<hbm>>
        %dma_wait3A_105 = tpu.memref_squeeze %dma_wait3A_104 : memref<1x8x128xi32, #tpu.memory_space<hbm>> -> memref<8x128xi32, #tpu.memory_space<hbm>>
        tpu.wait_dma2 semaphore(%run_scoped3A_89 : memref<!tpu.dma_semaphore, #tpu.memory_space<semaphore_mem>>) src(%dma_wait3A_105 : memref<8x128xi32, #tpu.memory_space<hbm>>) dst(%arg5 : memref<8x128xi32, #tpu.memory_space<vmem>>)
        tpu.yield
      }) : () -> ()
      %dma_start3A = arith.constant 0 : i32
      %dma_start3A_32 = arith.constant 0 : i32
      %dma_start3A_33 = tpu.memref_slice %arg5[%dma_start3A, %dma_start3A_32] : memref<8x128xi32, #tpu.memory_space<vmem>> -> memref<1x128xi32, #tpu.memory_space<vmem>>
      %dma_start3A_34 = tpu.memref_squeeze %dma_start3A_33 : memref<1x128xi32, #tpu.memory_space<vmem>> -> memref<128xi32, #tpu.memory_space<vmem>>
      %dma_start3A_35 = arith.constant 0 : i32
      %dma_start3A_36 = arith.constant 0 : i32
      %dma_start3A_37 = tpu.memref_slice %arg2[%dma_start3A_35, %dma_start3A_36] : memref<10000x128xf32, #tpu.memory_space<hbm>> -> memref<10000x128xf32, #tpu.memory_space<hbm>>
      tpu.enqueue_indirect_dma source(%dma_start3A_37 : memref<10000x128xf32, #tpu.memory_space<hbm>>) target(%arg6 : memref<128x128xf32, #tpu.memory_space<vmem>>) offsets(%dma_start3A_34 : memref<128xi32, #tpu.memory_space<vmem>>) semaphore(%arg9 : memref<!tpu.dma_semaphore, #tpu.memory_space<semaphore_mem>>)
      %dma_wait3A = arith.constant 0 : i32
      %dma_wait3A_38 = arith.constant 0 : i32
      %dma_wait3A_39 = tpu.memref_slice %arg5[%dma_wait3A, %dma_wait3A_38] : memref<8x128xi32, #tpu.memory_space<vmem>> -> memref<1x128xi32, #tpu.memory_space<vmem>>
      %dma_wait3A_40 = tpu.memref_squeeze %dma_wait3A_39 : memref<1x128xi32, #tpu.memory_space<vmem>> -> memref<128xi32, #tpu.memory_space<vmem>>
      %dma_wait3A_41 = arith.constant 0 : i32
      %dma_wait3A_42 = arith.constant 0 : i32
      %dma_wait3A_43 = tpu.memref_slice %arg2[%dma_wait3A_41, %dma_wait3A_42] : memref<10000x128xf32, #tpu.memory_space<hbm>> -> memref<10000x128xf32, #tpu.memory_space<hbm>>
      tpu.wait_indirect_dma semaphore(%arg9 : memref<!tpu.dma_semaphore, #tpu.memory_space<semaphore_mem>>) src(%dma_wait3A_43 : memref<10000x128xf32, #tpu.memory_space<hbm>>) dst(%arg6 : memref<128x128xf32, #tpu.memory_space<vmem>>)
      %run_scoped3A = arith.constant 1 : i32
      "tpu.region"() ({
        %run_scoped3A_89 = tpu.sem_alloc : memref<!tpu.dma_semaphore, #tpu.memory_space<semaphore_mem>>
        %dma_start3A_90 = arith.constant 0 : i32
        %dma_start3A_91 = tpu.memref_slice %arg5[%run_scoped3A, %dma_start3A_90] : memref<8x128xi32, #tpu.memory_space<vmem>> -> memref<1x128xi32, #tpu.memory_space<vmem>>
        %dma_start3A_92 = tpu.memref_squeeze %dma_start3A_91 : memref<1x128xi32, #tpu.memory_space<vmem>> -> memref<128xi32, #tpu.memory_space<vmem>>
        %dma_start3A_93 = arith.constant 0 : i32
        %dma_start3A_94 = arith.constant 0 : i32
        %dma_start3A_95 = tpu.memref_slice %arg8[%dma_start3A_93, %dma_start3A_94] : memref<10240x128xf32, #tpu.memory_space<vmem_shared>> -> memref<10240x128xf32, #tpu.memory_space<vmem_shared>>
        tpu.enqueue_indirect_dma source(%arg6 : memref<128x128xf32, #tpu.memory_space<vmem>>) target(%dma_start3A_95 : memref<10240x128xf32, #tpu.memory_space<vmem_shared>>) offsets(%dma_start3A_92 : memref<128xi32, #tpu.memory_space<vmem>>) semaphore(%run_scoped3A_89 : memref<!tpu.dma_semaphore, #tpu.memory_space<semaphore_mem>>) {add = true}
        %dma_wait3A_96 = arith.constant 0 : i32
        %dma_wait3A_97 = tpu.memref_slice %arg5[%run_scoped3A, %dma_wait3A_96] : memref<8x128xi32, #tpu.memory_space<vmem>> -> memref<1x128xi32, #tpu.memory_space<vmem>>
        %dma_wait3A_98 = tpu.memref_squeeze %dma_wait3A_97 : memref<1x128xi32, #tpu.memory_space<vmem>> -> memref<128xi32, #tpu.memory_space<vmem>>
        %dma_wait3A_99 = arith.constant 0 : i32
        %dma_wait3A_100 = arith.constant 0 : i32
        %dma_wait3A_101 = tpu.memref_slice %arg8[%dma_wait3A_99, %dma_wait3A_100] : memref<10240x128xf32, #tpu.memory_space<vmem_shared>> -> memref<10240x128xf32, #tpu.memory_space<vmem_shared>>
        tpu.wait_indirect_dma semaphore(%run_scoped3A_89 : memref<!tpu.dma_semaphore, #tpu.memory_space<semaphore_mem>>) src(%arg6 : memref<128x128xf32, #tpu.memory_space<vmem>>) dst(%dma_wait3A_101 : memref<10240x128xf32, #tpu.memory_space<vmem_shared>>)
        tpu.yield
      }) : () -> ()
      %dma_start3A_44 = arith.constant 2 : i32
      %dma_start3A_45 = arith.constant 0 : i32
      %dma_start3A_46 = tpu.memref_slice %arg5[%dma_start3A_44, %dma_start3A_45] : memref<8x128xi32, #tpu.memory_space<vmem>> -> memref<1x128xi32, #tpu.memory_space<vmem>>
      %dma_start3A_47 = tpu.memref_squeeze %dma_start3A_46 : memref<1x128xi32, #tpu.memory_space<vmem>> -> memref<128xi32, #tpu.memory_space<vmem>>
      %dma_start3A_48 = arith.constant 0 : i32
      %dma_start3A_49 = arith.constant 0 : i32
      %dma_start3A_50 = tpu.memref_slice %arg2[%dma_start3A_48, %dma_start3A_49] : memref<10000x128xf32, #tpu.memory_space<hbm>> -> memref<10000x128xf32, #tpu.memory_space<hbm>>
      tpu.enqueue_indirect_dma source(%dma_start3A_50 : memref<10000x128xf32, #tpu.memory_space<hbm>>) target(%arg6 : memref<128x128xf32, #tpu.memory_space<vmem>>) offsets(%dma_start3A_47 : memref<128xi32, #tpu.memory_space<vmem>>) semaphore(%arg9 : memref<!tpu.dma_semaphore, #tpu.memory_space<semaphore_mem>>)
      %dma_wait3A_51 = arith.constant 2 : i32
      %dma_wait3A_52 = arith.constant 0 : i32
      %dma_wait3A_53 = tpu.memref_slice %arg5[%dma_wait3A_51, %dma_wait3A_52] : memref<8x128xi32, #tpu.memory_space<vmem>> -> memref<1x128xi32, #tpu.memory_space<vmem>>
      %dma_wait3A_54 = tpu.memref_squeeze %dma_wait3A_53 : memref<1x128xi32, #tpu.memory_space<vmem>> -> memref<128xi32, #tpu.memory_space<vmem>>
      %dma_wait3A_55 = arith.constant 0 : i32
      %dma_wait3A_56 = arith.constant 0 : i32
      %dma_wait3A_57 = tpu.memref_slice %arg2[%dma_wait3A_55, %dma_wait3A_56] : memref<10000x128xf32, #tpu.memory_space<hbm>> -> memref<10000x128xf32, #tpu.memory_space<hbm>>
      tpu.wait_indirect_dma semaphore(%arg9 : memref<!tpu.dma_semaphore, #tpu.memory_space<semaphore_mem>>) src(%dma_wait3A_57 : memref<10000x128xf32, #tpu.memory_space<hbm>>) dst(%arg6 : memref<128x128xf32, #tpu.memory_space<vmem>>)
      %run_scoped3A_58 = arith.constant 3 : i32
      "tpu.region"() ({
        %run_scoped3A_89 = tpu.sem_alloc : memref<!tpu.dma_semaphore, #tpu.memory_space<semaphore_mem>>
        %dma_start3A_90 = arith.constant 0 : i32
        %dma_start3A_91 = tpu.memref_slice %arg5[%run_scoped3A_58, %dma_start3A_90] : memref<8x128xi32, #tpu.memory_space<vmem>> -> memref<1x128xi32, #tpu.memory_space<vmem>>
        %dma_start3A_92 = tpu.memref_squeeze %dma_start3A_91 : memref<1x128xi32, #tpu.memory_space<vmem>> -> memref<128xi32, #tpu.memory_space<vmem>>
        %dma_start3A_93 = arith.constant 0 : i32
        %dma_start3A_94 = arith.constant 0 : i32
        %dma_start3A_95 = tpu.memref_slice %arg8[%dma_start3A_93, %dma_start3A_94] : memref<10240x128xf32, #tpu.memory_space<vmem_shared>> -> memref<10240x128xf32, #tpu.memory_space<vmem_shared>>
        tpu.enqueue_indirect_dma source(%arg6 : memref<128x128xf32, #tpu.memory_space<vmem>>) target(%dma_start3A_95 : memref<10240x128xf32, #tpu.memory_space<vmem_shared>>) offsets(%dma_start3A_92 : memref<128xi32, #tpu.memory_space<vmem>>) semaphore(%run_scoped3A_89 : memref<!tpu.dma_semaphore, #tpu.memory_space<semaphore_mem>>) {add = true}
        %dma_wait3A_96 = arith.constant 0 : i32
        %dma_wait3A_97 = tpu.memref_slice %arg5[%run_scoped3A_58, %dma_wait3A_96] : memref<8x128xi32, #tpu.memory_space<vmem>> -> memref<1x128xi32, #tpu.memory_space<vmem>>
        %dma_wait3A_98 = tpu.memref_squeeze %dma_wait3A_97 : memref<1x128xi32, #tpu.memory_space<vmem>> -> memref<128xi32, #tpu.memory_space<vmem>>
        %dma_wait3A_99 = arith.constant 0 : i32
        %dma_wait3A_100 = arith.constant 0 : i32
        %dma_wait3A_101 = tpu.memref_slice %arg8[%dma_wait3A_99, %dma_wait3A_100] : memref<10240x128xf32, #tpu.memory_space<vmem_shared>> -> memref<10240x128xf32, #tpu.memory_space<vmem_shared>>
        tpu.wait_indirect_dma semaphore(%run_scoped3A_89 : memref<!tpu.dma_semaphore, #tpu.memory_space<semaphore_mem>>) src(%arg6 : memref<128x128xf32, #tpu.memory_space<vmem>>) dst(%dma_wait3A_101 : memref<10240x128xf32, #tpu.memory_space<vmem_shared>>)
        tpu.yield
      }) : () -> ()
      %dma_start3A_59 = arith.constant 4 : i32
      %dma_start3A_60 = arith.constant 0 : i32
      %dma_start3A_61 = tpu.memref_slice %arg5[%dma_start3A_59, %dma_start3A_60] : memref<8x128xi32, #tpu.memory_space<vmem>> -> memref<1x128xi32, #tpu.memory_space<vmem>>
      %dma_start3A_62 = tpu.memref_squeeze %dma_start3A_61 : memref<1x128xi32, #tpu.memory_space<vmem>> -> memref<128xi32, #tpu.memory_space<vmem>>
      %dma_start3A_63 = arith.constant 0 : i32
      %dma_start3A_64 = arith.constant 0 : i32
      %dma_start3A_65 = tpu.memref_slice %arg2[%dma_start3A_63, %dma_start3A_64] : memref<10000x128xf32, #tpu.memory_space<hbm>> -> memref<10000x128xf32, #tpu.memory_space<hbm>>
      tpu.enqueue_indirect_dma source(%dma_start3A_65 : memref<10000x128xf32, #tpu.memory_space<hbm>>) target(%arg6 : memref<128x128xf32, #tpu.memory_space<vmem>>) offsets(%dma_start3A_62 : memref<128xi32, #tpu.memory_space<vmem>>) semaphore(%arg9 : memref<!tpu.dma_semaphore, #tpu.memory_space<semaphore_mem>>)
      %dma_wait3A_66 = arith.constant 4 : i32
      %dma_wait3A_67 = arith.constant 0 : i32
      %dma_wait3A_68 = tpu.memref_slice %arg5[%dma_wait3A_66, %dma_wait3A_67] : memref<8x128xi32, #tpu.memory_space<vmem>> -> memref<1x128xi32, #tpu.memory_space<vmem>>
      %dma_wait3A_69 = tpu.memref_squeeze %dma_wait3A_68 : memref<1x128xi32, #tpu.memory_space<vmem>> -> memref<128xi32, #tpu.memory_space<vmem>>
      %dma_wait3A_70 = arith.constant 0 : i32
      %dma_wait3A_71 = arith.constant 0 : i32
      %dma_wait3A_72 = tpu.memref_slice %arg2[%dma_wait3A_70, %dma_wait3A_71] : memref<10000x128xf32, #tpu.memory_space<hbm>> -> memref<10000x128xf32, #tpu.memory_space<hbm>>
      tpu.wait_indirect_dma semaphore(%arg9 : memref<!tpu.dma_semaphore, #tpu.memory_space<semaphore_mem>>) src(%dma_wait3A_72 : memref<10000x128xf32, #tpu.memory_space<hbm>>) dst(%arg6 : memref<128x128xf32, #tpu.memory_space<vmem>>)
      %run_scoped3A_73 = arith.constant 5 : i32
      "tpu.region"() ({
        %run_scoped3A_89 = tpu.sem_alloc : memref<!tpu.dma_semaphore, #tpu.memory_space<semaphore_mem>>
        %dma_start3A_90 = arith.constant 0 : i32
        %dma_start3A_91 = tpu.memref_slice %arg5[%run_scoped3A_73, %dma_start3A_90] : memref<8x128xi32, #tpu.memory_space<vmem>> -> memref<1x128xi32, #tpu.memory_space<vmem>>
        %dma_start3A_92 = tpu.memref_squeeze %dma_start3A_91 : memref<1x128xi32, #tpu.memory_space<vmem>> -> memref<128xi32, #tpu.memory_space<vmem>>
        %dma_start3A_93 = arith.constant 0 : i32
        %dma_start3A_94 = arith.constant 0 : i32
        %dma_start3A_95 = tpu.memref_slice %arg8[%dma_start3A_93, %dma_start3A_94] : memref<10240x128xf32, #tpu.memory_space<vmem_shared>> -> memref<10240x128xf32, #tpu.memory_space<vmem_shared>>
        tpu.enqueue_indirect_dma source(%arg6 : memref<128x128xf32, #tpu.memory_space<vmem>>) target(%dma_start3A_95 : memref<10240x128xf32, #tpu.memory_space<vmem_shared>>) offsets(%dma_start3A_92 : memref<128xi32, #tpu.memory_space<vmem>>) semaphore(%run_scoped3A_89 : memref<!tpu.dma_semaphore, #tpu.memory_space<semaphore_mem>>) {add = true}
        %dma_wait3A_96 = arith.constant 0 : i32
        %dma_wait3A_97 = tpu.memref_slice %arg5[%run_scoped3A_73, %dma_wait3A_96] : memref<8x128xi32, #tpu.memory_space<vmem>> -> memref<1x128xi32, #tpu.memory_space<vmem>>
        %dma_wait3A_98 = tpu.memref_squeeze %dma_wait3A_97 : memref<1x128xi32, #tpu.memory_space<vmem>> -> memref<128xi32, #tpu.memory_space<vmem>>
        %dma_wait3A_99 = arith.constant 0 : i32
        %dma_wait3A_100 = arith.constant 0 : i32
        %dma_wait3A_101 = tpu.memref_slice %arg8[%dma_wait3A_99, %dma_wait3A_100] : memref<10240x128xf32, #tpu.memory_space<vmem_shared>> -> memref<10240x128xf32, #tpu.memory_space<vmem_shared>>
        tpu.wait_indirect_dma semaphore(%run_scoped3A_89 : memref<!tpu.dma_semaphore, #tpu.memory_space<semaphore_mem>>) src(%arg6 : memref<128x128xf32, #tpu.memory_space<vmem>>) dst(%dma_wait3A_101 : memref<10240x128xf32, #tpu.memory_space<vmem_shared>>)
        tpu.yield
      }) : () -> ()
      %dma_start3A_74 = arith.constant 6 : i32
      %dma_start3A_75 = arith.constant 0 : i32
      %dma_start3A_76 = tpu.memref_slice %arg5[%dma_start3A_74, %dma_start3A_75] : memref<8x128xi32, #tpu.memory_space<vmem>> -> memref<1x128xi32, #tpu.memory_space<vmem>>
      %dma_start3A_77 = tpu.memref_squeeze %dma_start3A_76 : memref<1x128xi32, #tpu.memory_space<vmem>> -> memref<128xi32, #tpu.memory_space<vmem>>
      %dma_start3A_78 = arith.constant 0 : i32
      %dma_start3A_79 = arith.constant 0 : i32
      %dma_start3A_80 = tpu.memref_slice %arg2[%dma_start3A_78, %dma_start3A_79] : memref<10000x128xf32, #tpu.memory_space<hbm>> -> memref<10000x128xf32, #tpu.memory_space<hbm>>
      tpu.enqueue_indirect_dma source(%dma_start3A_80 : memref<10000x128xf32, #tpu.memory_space<hbm>>) target(%arg6 : memref<128x128xf32, #tpu.memory_space<vmem>>) offsets(%dma_start3A_77 : memref<128xi32, #tpu.memory_space<vmem>>) semaphore(%arg9 : memref<!tpu.dma_semaphore, #tpu.memory_space<semaphore_mem>>)
      %dma_wait3A_81 = arith.constant 6 : i32
      %dma_wait3A_82 = arith.constant 0 : i32
      %dma_wait3A_83 = tpu.memref_slice %arg5[%dma_wait3A_81, %dma_wait3A_82] : memref<8x128xi32, #tpu.memory_space<vmem>> -> memref<1x128xi32, #tpu.memory_space<vmem>>
      %dma_wait3A_84 = tpu.memref_squeeze %dma_wait3A_83 : memref<1x128xi32, #tpu.memory_space<vmem>> -> memref<128xi32, #tpu.memory_space<vmem>>
      %dma_wait3A_85 = arith.constant 0 : i32
      %dma_wait3A_86 = arith.constant 0 : i32
      %dma_wait3A_87 = tpu.memref_slice %arg2[%dma_wait3A_85, %dma_wait3A_86] : memref<10000x128xf32, #tpu.memory_space<hbm>> -> memref<10000x128xf32, #tpu.memory_space<hbm>>
      tpu.wait_indirect_dma semaphore(%arg9 : memref<!tpu.dma_semaphore, #tpu.memory_space<semaphore_mem>>) src(%dma_wait3A_87 : memref<10000x128xf32, #tpu.memory_space<hbm>>) dst(%arg6 : memref<128x128xf32, #tpu.memory_space<vmem>>)
      %run_scoped3A_88 = arith.constant 7 : i32
      "tpu.region"() ({
        %run_scoped3A_89 = tpu.sem_alloc : memref<!tpu.dma_semaphore, #tpu.memory_space<semaphore_mem>>
        %dma_start3A_90 = arith.constant 0 : i32
        %dma_start3A_91 = tpu.memref_slice %arg5[%run_scoped3A_88, %dma_start3A_90] : memref<8x128xi32, #tpu.memory_space<vmem>> -> memref<1x128xi32, #tpu.memory_space<vmem>>
        %dma_start3A_92 = tpu.memref_squeeze %dma_start3A_91 : memref<1x128xi32, #tpu.memory_space<vmem>> -> memref<128xi32, #tpu.memory_space<vmem>>
        %dma_start3A_93 = arith.constant 0 : i32
        %dma_start3A_94 = arith.constant 0 : i32
        %dma_start3A_95 = tpu.memref_slice %arg8[%dma_start3A_93, %dma_start3A_94] : memref<10240x128xf32, #tpu.memory_space<vmem_shared>> -> memref<10240x128xf32, #tpu.memory_space<vmem_shared>>
        tpu.enqueue_indirect_dma source(%arg6 : memref<128x128xf32, #tpu.memory_space<vmem>>) target(%dma_start3A_95 : memref<10240x128xf32, #tpu.memory_space<vmem_shared>>) offsets(%dma_start3A_92 : memref<128xi32, #tpu.memory_space<vmem>>) semaphore(%run_scoped3A_89 : memref<!tpu.dma_semaphore, #tpu.memory_space<semaphore_mem>>) {add = true}
        %dma_wait3A_96 = arith.constant 0 : i32
        %dma_wait3A_97 = tpu.memref_slice %arg5[%run_scoped3A_88, %dma_wait3A_96] : memref<8x128xi32, #tpu.memory_space<vmem>> -> memref<1x128xi32, #tpu.memory_space<vmem>>
        %dma_wait3A_98 = tpu.memref_squeeze %dma_wait3A_97 : memref<1x128xi32, #tpu.memory_space<vmem>> -> memref<128xi32, #tpu.memory_space<vmem>>
        %dma_wait3A_99 = arith.constant 0 : i32
        %dma_wait3A_100 = arith.constant 0 : i32
        %dma_wait3A_101 = tpu.memref_slice %arg8[%dma_wait3A_99, %dma_wait3A_100] : memref<10240x128xf32, #tpu.memory_space<vmem_shared>> -> memref<10240x128xf32, #tpu.memory_space<vmem_shared>>
        tpu.wait_indirect_dma semaphore(%run_scoped3A_89 : memref<!tpu.dma_semaphore, #tpu.memory_space<semaphore_mem>>) src(%arg6 : memref<128x128xf32, #tpu.memory_space<vmem>>) dst(%dma_wait3A_101 : memref<10240x128xf32, #tpu.memory_space<vmem_shared>>)
        tpu.yield
      }) : () -> ()
    }
    %while3A_27 = arith.constant 1 : i32
    scf.for %while3A_29 = %while3A_25 to %while3A_21 step %while3A_27  : i32 {
      %mul3A_30 = arith.muli %while3A_29, %while3A : i32
      %add3A_31 = arith.addi %add3A, %mul3A_30 : i32
      "tpu.region"() ({
        %run_scoped3A_89 = tpu.sem_alloc : memref<!tpu.dma_semaphore, #tpu.memory_space<semaphore_mem>>
        %dma_start3A_90 = arith.constant 0 : i32
        %dma_start3A_91 = arith.constant 0 : i32
        %dma_start3A_92 = tpu.memref_slice %arg3[%add3A_31, %dma_start3A_90, %dma_start3A_91] : memref<625x8x128xi32, #tpu.memory_space<hbm>> -> memref<1x8x128xi32, #tpu.memory_space<hbm>>
        %dma_start3A_93 = tpu.memref_squeeze %dma_start3A_92 : memref<1x8x128xi32, #tpu.memory_space<hbm>> -> memref<8x128xi32, #tpu.memory_space<hbm>>
        %dma_start3A_94 = arith.constant 0 : i32
        %dma_start3A_95 = arith.constant 0 : i32
        %dma_start3A_96 = tpu.memref_slice %arg3[%add3A_31, %dma_start3A_94, %dma_start3A_95] : memref<625x8x128xi32, #tpu.memory_space<hbm>> -> memref<1x8x128xi32, #tpu.memory_space<hbm>>
        %dma_start3A_97 = tpu.memref_squeeze %dma_start3A_96 : memref<1x8x128xi32, #tpu.memory_space<hbm>> -> memref<8x128xi32, #tpu.memory_space<hbm>>
        tpu.enqueue_dma source(%dma_start3A_97 : memref<8x128xi32, #tpu.memory_space<hbm>>) target(%arg5 : memref<8x128xi32, #tpu.memory_space<vmem>>) target_semaphore(%run_scoped3A_89 : memref<!tpu.dma_semaphore, #tpu.memory_space<semaphore_mem>>)
        %dma_wait3A_98 = arith.constant 0 : i32
        %dma_wait3A_99 = arith.constant 0 : i32
        %dma_wait3A_100 = tpu.memref_slice %arg3[%add3A_31, %dma_wait3A_98, %dma_wait3A_99] : memref<625x8x128xi32, #tpu.memory_space<hbm>> -> memref<1x8x128xi32, #tpu.memory_space<hbm>>
        %dma_wait3A_101 = tpu.memref_squeeze %dma_wait3A_100 : memref<1x8x128xi32, #tpu.memory_space<hbm>> -> memref<8x128xi32, #tpu.memory_space<hbm>>
        %dma_wait3A_102 = arith.constant 0 : i32
        %dma_wait3A_103 = arith.constant 0 : i32
        %dma_wait3A_104 = tpu.memref_slice %arg3[%add3A_31, %dma_wait3A_102, %dma_wait3A_103] : memref<625x8x128xi32, #tpu.memory_space<hbm>> -> memref<1x8x128xi32, #tpu.memory_space<hbm>>
        %dma_wait3A_105 = tpu.memref_squeeze %dma_wait3A_104 : memref<1x8x128xi32, #tpu.memory_space<hbm>> -> memref<8x128xi32, #tpu.memory_space<hbm>>
        tpu.wait_dma2 semaphore(%run_scoped3A_89 : memref<!tpu.dma_semaphore, #tpu.memory_space<semaphore_mem>>) src(%dma_wait3A_105 : memref<8x128xi32, #tpu.memory_space<hbm>>) dst(%arg5 : memref<8x128xi32, #tpu.memory_space<vmem>>)
        tpu.yield
      }) : () -> ()
      %dma_start3A = arith.constant 0 : i32
      %dma_start3A_32 = arith.constant 0 : i32
      %dma_start3A_33 = tpu.memref_slice %arg5[%dma_start3A, %dma_start3A_32] : memref<8x128xi32, #tpu.memory_space<vmem>> -> memref<1x128xi32, #tpu.memory_space<vmem>>
      %dma_start3A_34 = tpu.memref_squeeze %dma_start3A_33 : memref<1x128xi32, #tpu.memory_space<vmem>> -> memref<128xi32, #tpu.memory_space<vmem>>
      %dma_start3A_35 = arith.constant 0 : i32
      %dma_start3A_36 = arith.constant 0 : i32
      %dma_start3A_37 = tpu.memref_slice %arg2[%dma_start3A_35, %dma_start3A_36] : memref<10000x128xf32, #tpu.memory_space<hbm>> -> memref<10000x128xf32, #tpu.memory_space<hbm>>
      tpu.enqueue_indirect_dma source(%dma_start3A_37 : memref<10000x128xf32, #tpu.memory_space<hbm>>) target(%arg6 : memref<128x128xf32, #tpu.memory_space<vmem>>) offsets(%dma_start3A_34 : memref<128xi32, #tpu.memory_space<vmem>>) semaphore(%arg9 : memref<!tpu.dma_semaphore, #tpu.memory_space<semaphore_mem>>)
      %dma_wait3A = arith.constant 0 : i32
      %dma_wait3A_38 = arith.constant 0 : i32
      %dma_wait3A_39 = tpu.memref_slice %arg5[%dma_wait3A, %dma_wait3A_38] : memref<8x128xi32, #tpu.memory_space<vmem>> -> memref<1x128xi32, #tpu.memory_space<vmem>>
      %dma_wait3A_40 = tpu.memref_squeeze %dma_wait3A_39 : memref<1x128xi32, #tpu.memory_space<vmem>> -> memref<128xi32, #tpu.memory_space<vmem>>
      %dma_wait3A_41 = arith.constant 0 : i32
      %dma_wait3A_42 = arith.constant 0 : i32
      %dma_wait3A_43 = tpu.memref_slice %arg2[%dma_wait3A_41, %dma_wait3A_42] : memref<10000x128xf32, #tpu.memory_space<hbm>> -> memref<10000x128xf32, #tpu.memory_space<hbm>>
      tpu.wait_indirect_dma semaphore(%arg9 : memref<!tpu.dma_semaphore, #tpu.memory_space<semaphore_mem>>) src(%dma_wait3A_43 : memref<10000x128xf32, #tpu.memory_space<hbm>>) dst(%arg6 : memref<128x128xf32, #tpu.memory_space<vmem>>)
      %run_scoped3A = arith.constant 1 : i32
      "tpu.region"() ({
        %run_scoped3A_89 = tpu.sem_alloc : memref<!tpu.dma_semaphore, #tpu.memory_space<semaphore_mem>>
        %dma_start3A_90 = arith.constant 0 : i32
        %dma_start3A_91 = tpu.memref_slice %arg5[%run_scoped3A, %dma_start3A_90] : memref<8x128xi32, #tpu.memory_space<vmem>> -> memref<1x128xi32, #tpu.memory_space<vmem>>
        %dma_start3A_92 = tpu.memref_squeeze %dma_start3A_91 : memref<1x128xi32, #tpu.memory_space<vmem>> -> memref<128xi32, #tpu.memory_space<vmem>>
        %dma_start3A_93 = arith.constant 0 : i32
        %dma_start3A_94 = arith.constant 0 : i32
        %dma_start3A_95 = tpu.memref_slice %arg8[%dma_start3A_93, %dma_start3A_94] : memref<10240x128xf32, #tpu.memory_space<vmem_shared>> -> memref<10240x128xf32, #tpu.memory_space<vmem_shared>>
        tpu.enqueue_indirect_dma source(%arg6 : memref<128x128xf32, #tpu.memory_space<vmem>>) target(%dma_start3A_95 : memref<10240x128xf32, #tpu.memory_space<vmem_shared>>) offsets(%dma_start3A_92 : memref<128xi32, #tpu.memory_space<vmem>>) semaphore(%run_scoped3A_89 : memref<!tpu.dma_semaphore, #tpu.memory_space<semaphore_mem>>) {add = true}
        %dma_wait3A_96 = arith.constant 0 : i32
        %dma_wait3A_97 = tpu.memref_slice %arg5[%run_scoped3A, %dma_wait3A_96] : memref<8x128xi32, #tpu.memory_space<vmem>> -> memref<1x128xi32, #tpu.memory_space<vmem>>
        %dma_wait3A_98 = tpu.memref_squeeze %dma_wait3A_97 : memref<1x128xi32, #tpu.memory_space<vmem>> -> memref<128xi32, #tpu.memory_space<vmem>>
        %dma_wait3A_99 = arith.constant 0 : i32
        %dma_wait3A_100 = arith.constant 0 : i32
        %dma_wait3A_101 = tpu.memref_slice %arg8[%dma_wait3A_99, %dma_wait3A_100] : memref<10240x128xf32, #tpu.memory_space<vmem_shared>> -> memref<10240x128xf32, #tpu.memory_space<vmem_shared>>
        tpu.wait_indirect_dma semaphore(%run_scoped3A_89 : memref<!tpu.dma_semaphore, #tpu.memory_space<semaphore_mem>>) src(%arg6 : memref<128x128xf32, #tpu.memory_space<vmem>>) dst(%dma_wait3A_101 : memref<10240x128xf32, #tpu.memory_space<vmem_shared>>)
        tpu.yield
      }) : () -> ()
      %dma_start3A_44 = arith.constant 2 : i32
      %dma_start3A_45 = arith.constant 0 : i32
      %dma_start3A_46 = tpu.memref_slice %arg5[%dma_start3A_44, %dma_start3A_45] : memref<8x128xi32, #tpu.memory_space<vmem>> -> memref<1x128xi32, #tpu.memory_space<vmem>>
      %dma_start3A_47 = tpu.memref_squeeze %dma_start3A_46 : memref<1x128xi32, #tpu.memory_space<vmem>> -> memref<128xi32, #tpu.memory_space<vmem>>
      %dma_start3A_48 = arith.constant 0 : i32
      %dma_start3A_49 = arith.constant 0 : i32
      %dma_start3A_50 = tpu.memref_slice %arg2[%dma_start3A_48, %dma_start3A_49] : memref<10000x128xf32, #tpu.memory_space<hbm>> -> memref<10000x128xf32, #tpu.memory_space<hbm>>
      tpu.enqueue_indirect_dma source(%dma_start3A_50 : memref<10000x128xf32, #tpu.memory_space<hbm>>) target(%arg6 : memref<128x128xf32, #tpu.memory_space<vmem>>) offsets(%dma_start3A_47 : memref<128xi32, #tpu.memory_space<vmem>>) semaphore(%arg9 : memref<!tpu.dma_semaphore, #tpu.memory_space<semaphore_mem>>)
      %dma_wait3A_51 = arith.constant 2 : i32
      %dma_wait3A_52 = arith.constant 0 : i32
      %dma_wait3A_53 = tpu.memref_slice %arg5[%dma_wait3A_51, %dma_wait3A_52] : memref<8x128xi32, #tpu.memory_space<vmem>> -> memref<1x128xi32, #tpu.memory_space<vmem>>
      %dma_wait3A_54 = tpu.memref_squeeze %dma_wait3A_53 : memref<1x128xi32, #tpu.memory_space<vmem>> -> memref<128xi32, #tpu.memory_space<vmem>>
      %dma_wait3A_55 = arith.constant 0 : i32
      %dma_wait3A_56 = arith.constant 0 : i32
      %dma_wait3A_57 = tpu.memref_slice %arg2[%dma_wait3A_55, %dma_wait3A_56] : memref<10000x128xf32, #tpu.memory_space<hbm>> -> memref<10000x128xf32, #tpu.memory_space<hbm>>
      tpu.wait_indirect_dma semaphore(%arg9 : memref<!tpu.dma_semaphore, #tpu.memory_space<semaphore_mem>>) src(%dma_wait3A_57 : memref<10000x128xf32, #tpu.memory_space<hbm>>) dst(%arg6 : memref<128x128xf32, #tpu.memory_space<vmem>>)
      %run_scoped3A_58 = arith.constant 3 : i32
      "tpu.region"() ({
        %run_scoped3A_89 = tpu.sem_alloc : memref<!tpu.dma_semaphore, #tpu.memory_space<semaphore_mem>>
        %dma_start3A_90 = arith.constant 0 : i32
        %dma_start3A_91 = tpu.memref_slice %arg5[%run_scoped3A_58, %dma_start3A_90] : memref<8x128xi32, #tpu.memory_space<vmem>> -> memref<1x128xi32, #tpu.memory_space<vmem>>
        %dma_start3A_92 = tpu.memref_squeeze %dma_start3A_91 : memref<1x128xi32, #tpu.memory_space<vmem>> -> memref<128xi32, #tpu.memory_space<vmem>>
        %dma_start3A_93 = arith.constant 0 : i32
        %dma_start3A_94 = arith.constant 0 : i32
        %dma_start3A_95 = tpu.memref_slice %arg8[%dma_start3A_93, %dma_start3A_94] : memref<10240x128xf32, #tpu.memory_space<vmem_shared>> -> memref<10240x128xf32, #tpu.memory_space<vmem_shared>>
        tpu.enqueue_indirect_dma source(%arg6 : memref<128x128xf32, #tpu.memory_space<vmem>>) target(%dma_start3A_95 : memref<10240x128xf32, #tpu.memory_space<vmem_shared>>) offsets(%dma_start3A_92 : memref<128xi32, #tpu.memory_space<vmem>>) semaphore(%run_scoped3A_89 : memref<!tpu.dma_semaphore, #tpu.memory_space<semaphore_mem>>) {add = true}
        %dma_wait3A_96 = arith.constant 0 : i32
        %dma_wait3A_97 = tpu.memref_slice %arg5[%run_scoped3A_58, %dma_wait3A_96] : memref<8x128xi32, #tpu.memory_space<vmem>> -> memref<1x128xi32, #tpu.memory_space<vmem>>
        %dma_wait3A_98 = tpu.memref_squeeze %dma_wait3A_97 : memref<1x128xi32, #tpu.memory_space<vmem>> -> memref<128xi32, #tpu.memory_space<vmem>>
        %dma_wait3A_99 = arith.constant 0 : i32
        %dma_wait3A_100 = arith.constant 0 : i32
        %dma_wait3A_101 = tpu.memref_slice %arg8[%dma_wait3A_99, %dma_wait3A_100] : memref<10240x128xf32, #tpu.memory_space<vmem_shared>> -> memref<10240x128xf32, #tpu.memory_space<vmem_shared>>
        tpu.wait_indirect_dma semaphore(%run_scoped3A_89 : memref<!tpu.dma_semaphore, #tpu.memory_space<semaphore_mem>>) src(%arg6 : memref<128x128xf32, #tpu.memory_space<vmem>>) dst(%dma_wait3A_101 : memref<10240x128xf32, #tpu.memory_space<vmem_shared>>)
        tpu.yield
      }) : () -> ()
      %dma_start3A_59 = arith.constant 4 : i32
      %dma_start3A_60 = arith.constant 0 : i32
      %dma_start3A_61 = tpu.memref_slice %arg5[%dma_start3A_59, %dma_start3A_60] : memref<8x128xi32, #tpu.memory_space<vmem>> -> memref<1x128xi32, #tpu.memory_space<vmem>>
      %dma_start3A_62 = tpu.memref_squeeze %dma_start3A_61 : memref<1x128xi32, #tpu.memory_space<vmem>> -> memref<128xi32, #tpu.memory_space<vmem>>
      %dma_start3A_63 = arith.constant 0 : i32
      %dma_start3A_64 = arith.constant 0 : i32
      %dma_start3A_65 = tpu.memref_slice %arg2[%dma_start3A_63, %dma_start3A_64] : memref<10000x128xf32, #tpu.memory_space<hbm>> -> memref<10000x128xf32, #tpu.memory_space<hbm>>
      tpu.enqueue_indirect_dma source(%dma_start3A_65 : memref<10000x128xf32, #tpu.memory_space<hbm>>) target(%arg6 : memref<128x128xf32, #tpu.memory_space<vmem>>) offsets(%dma_start3A_62 : memref<128xi32, #tpu.memory_space<vmem>>) semaphore(%arg9 : memref<!tpu.dma_semaphore, #tpu.memory_space<semaphore_mem>>)
      %dma_wait3A_66 = arith.constant 4 : i32
      %dma_wait3A_67 = arith.constant 0 : i32
      %dma_wait3A_68 = tpu.memref_slice %arg5[%dma_wait3A_66, %dma_wait3A_67] : memref<8x128xi32, #tpu.memory_space<vmem>> -> memref<1x128xi32, #tpu.memory_space<vmem>>
      %dma_wait3A_69 = tpu.memref_squeeze %dma_wait3A_68 : memref<1x128xi32, #tpu.memory_space<vmem>> -> memref<128xi32, #tpu.memory_space<vmem>>
      %dma_wait3A_70 = arith.constant 0 : i32
      %dma_wait3A_71 = arith.constant 0 : i32
      %dma_wait3A_72 = tpu.memref_slice %arg2[%dma_wait3A_70, %dma_wait3A_71] : memref<10000x128xf32, #tpu.memory_space<hbm>> -> memref<10000x128xf32, #tpu.memory_space<hbm>>
      tpu.wait_indirect_dma semaphore(%arg9 : memref<!tpu.dma_semaphore, #tpu.memory_space<semaphore_mem>>) src(%dma_wait3A_72 : memref<10000x128xf32, #tpu.memory_space<hbm>>) dst(%arg6 : memref<128x128xf32, #tpu.memory_space<vmem>>)
      %run_scoped3A_73 = arith.constant 5 : i32
      "tpu.region"() ({
        %run_scoped3A_89 = tpu.sem_alloc : memref<!tpu.dma_semaphore, #tpu.memory_space<semaphore_mem>>
        %dma_start3A_90 = arith.constant 0 : i32
        %dma_start3A_91 = tpu.memref_slice %arg5[%run_scoped3A_73, %dma_start3A_90] : memref<8x128xi32, #tpu.memory_space<vmem>> -> memref<1x128xi32, #tpu.memory_space<vmem>>
        %dma_start3A_92 = tpu.memref_squeeze %dma_start3A_91 : memref<1x128xi32, #tpu.memory_space<vmem>> -> memref<128xi32, #tpu.memory_space<vmem>>
        %dma_start3A_93 = arith.constant 0 : i32
        %dma_start3A_94 = arith.constant 0 : i32
        %dma_start3A_95 = tpu.memref_slice %arg8[%dma_start3A_93, %dma_start3A_94] : memref<10240x128xf32, #tpu.memory_space<vmem_shared>> -> memref<10240x128xf32, #tpu.memory_space<vmem_shared>>
        tpu.enqueue_indirect_dma source(%arg6 : memref<128x128xf32, #tpu.memory_space<vmem>>) target(%dma_start3A_95 : memref<10240x128xf32, #tpu.memory_space<vmem_shared>>) offsets(%dma_start3A_92 : memref<128xi32, #tpu.memory_space<vmem>>) semaphore(%run_scoped3A_89 : memref<!tpu.dma_semaphore, #tpu.memory_space<semaphore_mem>>) {add = true}
        %dma_wait3A_96 = arith.constant 0 : i32
        %dma_wait3A_97 = tpu.memref_slice %arg5[%run_scoped3A_73, %dma_wait3A_96] : memref<8x128xi32, #tpu.memory_space<vmem>> -> memref<1x128xi32, #tpu.memory_space<vmem>>
        %dma_wait3A_98 = tpu.memref_squeeze %dma_wait3A_97 : memref<1x128xi32, #tpu.memory_space<vmem>> -> memref<128xi32, #tpu.memory_space<vmem>>
        %dma_wait3A_99 = arith.constant 0 : i32
        %dma_wait3A_100 = arith.constant 0 : i32
        %dma_wait3A_101 = tpu.memref_slice %arg8[%dma_wait3A_99, %dma_wait3A_100] : memref<10240x128xf32, #tpu.memory_space<vmem_shared>> -> memref<10240x128xf32, #tpu.memory_space<vmem_shared>>
        tpu.wait_indirect_dma semaphore(%run_scoped3A_89 : memref<!tpu.dma_semaphore, #tpu.memory_space<semaphore_mem>>) src(%arg6 : memref<128x128xf32, #tpu.memory_space<vmem>>) dst(%dma_wait3A_101 : memref<10240x128xf32, #tpu.memory_space<vmem_shared>>)
        tpu.yield
      }) : () -> ()
      %dma_start3A_74 = arith.constant 6 : i32
      %dma_start3A_75 = arith.constant 0 : i32
      %dma_start3A_76 = tpu.memref_slice %arg5[%dma_start3A_74, %dma_start3A_75] : memref<8x128xi32, #tpu.memory_space<vmem>> -> memref<1x128xi32, #tpu.memory_space<vmem>>
      %dma_start3A_77 = tpu.memref_squeeze %dma_start3A_76 : memref<1x128xi32, #tpu.memory_space<vmem>> -> memref<128xi32, #tpu.memory_space<vmem>>
      %dma_start3A_78 = arith.constant 0 : i32
      %dma_start3A_79 = arith.constant 0 : i32
      %dma_start3A_80 = tpu.memref_slice %arg2[%dma_start3A_78, %dma_start3A_79] : memref<10000x128xf32, #tpu.memory_space<hbm>> -> memref<10000x128xf32, #tpu.memory_space<hbm>>
      tpu.enqueue_indirect_dma source(%dma_start3A_80 : memref<10000x128xf32, #tpu.memory_space<hbm>>) target(%arg6 : memref<128x128xf32, #tpu.memory_space<vmem>>) offsets(%dma_start3A_77 : memref<128xi32, #tpu.memory_space<vmem>>) semaphore(%arg9 : memref<!tpu.dma_semaphore, #tpu.memory_space<semaphore_mem>>)
      %dma_wait3A_81 = arith.constant 6 : i32
      %dma_wait3A_82 = arith.constant 0 : i32
      %dma_wait3A_83 = tpu.memref_slice %arg5[%dma_wait3A_81, %dma_wait3A_82] : memref<8x128xi32, #tpu.memory_space<vmem>> -> memref<1x128xi32, #tpu.memory_space<vmem>>
      %dma_wait3A_84 = tpu.memref_squeeze %dma_wait3A_83 : memref<1x128xi32, #tpu.memory_space<vmem>> -> memref<128xi32, #tpu.memory_space<vmem>>
      %dma_wait3A_85 = arith.constant 0 : i32
      %dma_wait3A_86 = arith.constant 0 : i32
      %dma_wait3A_87 = tpu.memref_slice %arg2[%dma_wait3A_85, %dma_wait3A_86] : memref<10000x128xf32, #tpu.memory_space<hbm>> -> memref<10000x128xf32, #tpu.memory_space<hbm>>
      tpu.wait_indirect_dma semaphore(%arg9 : memref<!tpu.dma_semaphore, #tpu.memory_space<semaphore_mem>>) src(%dma_wait3A_87 : memref<10000x128xf32, #tpu.memory_space<hbm>>) dst(%arg6 : memref<128x128xf32, #tpu.memory_space<vmem>>)
      %run_scoped3A_88 = arith.constant 7 : i32
      "tpu.region"() ({
        %run_scoped3A_89 = tpu.sem_alloc : memref<!tpu.dma_semaphore, #tpu.memory_space<semaphore_mem>>
        %dma_start3A_90 = arith.constant 0 : i32
        %dma_start3A_91 = tpu.memref_slice %arg5[%run_scoped3A_88, %dma_start3A_90] : memref<8x128xi32, #tpu.memory_space<vmem>> -> memref<1x128xi32, #tpu.memory_space<vmem>>
        %dma_start3A_92 = tpu.memref_squeeze %dma_start3A_91 : memref<1x128xi32, #tpu.memory_space<vmem>> -> memref<128xi32, #tpu.memory_space<vmem>>
        %dma_start3A_93 = arith.constant 0 : i32
        %dma_start3A_94 = arith.constant 0 : i32
        %dma_start3A_95 = tpu.memref_slice %arg8[%dma_start3A_93, %dma_start3A_94] : memref<10240x128xf32, #tpu.memory_space<vmem_shared>> -> memref<10240x128xf32, #tpu.memory_space<vmem_shared>>
        tpu.enqueue_indirect_dma source(%arg6 : memref<128x128xf32, #tpu.memory_space<vmem>>) target(%dma_start3A_95 : memref<10240x128xf32, #tpu.memory_space<vmem_shared>>) offsets(%dma_start3A_92 : memref<128xi32, #tpu.memory_space<vmem>>) semaphore(%run_scoped3A_89 : memref<!tpu.dma_semaphore, #tpu.memory_space<semaphore_mem>>) {add = true}
        %dma_wait3A_96 = arith.constant 0 : i32
        %dma_wait3A_97 = tpu.memref_slice %arg5[%run_scoped3A_88, %dma_wait3A_96] : memref<8x128xi32, #tpu.memory_space<vmem>> -> memref<1x128xi32, #tpu.memory_space<vmem>>
        %dma_wait3A_98 = tpu.memref_squeeze %dma_wait3A_97 : memref<1x128xi32, #tpu.memory_space<vmem>> -> memref<128xi32, #tpu.memory_space<vmem>>
        %dma_wait3A_99 = arith.constant 0 : i32
        %dma_wait3A_100 = arith.constant 0 : i32
        %dma_wait3A_101 = tpu.memref_slice %arg8[%dma_wait3A_99, %dma_wait3A_100] : memref<10240x128xf32, #tpu.memory_space<vmem_shared>> -> memref<10240x128xf32, #tpu.memory_space<vmem_shared>>
        tpu.wait_indirect_dma semaphore(%run_scoped3A_89 : memref<!tpu.dma_semaphore, #tpu.memory_space<semaphore_mem>>) src(%arg6 : memref<128x128xf32, #tpu.memory_space<vmem>>) dst(%dma_wait3A_101 : memref<10240x128xf32, #tpu.memory_space<vmem_shared>>)
        tpu.yield
      }) : () -> ()
    }
    %barrier3A_28 = arith.constant 0 : index
    tpu.barrier barrier_id(%barrier3A_28)
    "tpu.region"() ({
      %run_scoped3A = tpu.sem_alloc : memref<!tpu.dma_semaphore, #tpu.memory_space<semaphore_mem>>
      %dma_start3A = arith.constant 0 : i32
      %dma_start3A_29 = tpu.memref_slice %arg4[%arg0, %mul3A_7, %dma_start3A] : memref<2x10240x128xf32, #tpu.memory_space<hbm>> -> memref<1x640x128xf32, #tpu.memory_space<hbm>>
      %dma_start3A_30 = tpu.memref_squeeze %dma_start3A_29 : memref<1x640x128xf32, #tpu.memory_space<hbm>> -> memref<640x128xf32, #tpu.memory_space<hbm>>
      %dma_start3A_31 = arith.constant 0 : i32
      %dma_start3A_32 = tpu.memref_slice %arg8[%mul3A_7, %dma_start3A_31] : memref<10240x128xf32, #tpu.memory_space<vmem_shared>> -> memref<640x128xf32, #tpu.memory_space<vmem_shared>>
      tpu.enqueue_dma source(%dma_start3A_32 : memref<640x128xf32, #tpu.memory_space<vmem_shared>>) target(%dma_start3A_30 : memref<640x128xf32, #tpu.memory_space<hbm>>) target_semaphore(%run_scoped3A : memref<!tpu.dma_semaphore, #tpu.memory_space<semaphore_mem>>)
      %dma_wait3A = arith.constant 0 : i32
      %dma_wait3A_33 = tpu.memref_slice %arg4[%arg0, %mul3A_7, %dma_wait3A] : memref<2x10240x128xf32, #tpu.memory_space<hbm>> -> memref<1x640x128xf32, #tpu.memory_space<hbm>>
      %dma_wait3A_34 = tpu.memref_squeeze %dma_wait3A_33 : memref<1x640x128xf32, #tpu.memory_space<hbm>> -> memref<640x128xf32, #tpu.memory_space<hbm>>
      %dma_wait3A_35 = arith.constant 0 : i32
      %dma_wait3A_36 = tpu.memref_slice %arg8[%mul3A_7, %dma_wait3A_35] : memref<10240x128xf32, #tpu.memory_space<vmem_shared>> -> memref<640x128xf32, #tpu.memory_space<vmem_shared>>
      tpu.wait_dma2 semaphore(%run_scoped3A : memref<!tpu.dma_semaphore, #tpu.memory_space<semaphore_mem>>) src(%dma_wait3A_36 : memref<640x128xf32, #tpu.memory_space<vmem_shared>>) dst(%dma_wait3A_34 : memref<640x128xf32, #tpu.memory_space<hbm>>)
      tpu.yield
    }) : () -> ()
    return
  }
}

#map = affine_map<(d0, d1) -> (0, 0)>
#map1 = affine_map<(d0, d1) -> (0, 0, 0)>
module attributes {stable_mosaic.version = 14 : i64} {
  func.func @agg(%arg0: i32, %arg1: i32, %arg2: memref<10000x128xf32, #tpu.memory_space<hbm>>, %arg3: memref<625x8x128xi32, #tpu.memory_space<hbm>>, %arg4: memref<2x10240x128xf32, #tpu.memory_space<hbm>>, %arg5: memref<8x128xi32, #tpu.memory_space<vmem>>, %arg6: memref<128x128xf32, #tpu.memory_space<vmem>>, %arg7: memref<64x128xf32, #tpu.memory_space<vmem>>, %arg8: memref<10240x128xf32, #tpu.memory_space<vmem_shared>>, %arg9: memref<!tpu.dma_semaphore, #tpu.memory_space<semaphore_mem>>) attributes {dimension_semantics = [#tpu.dimension_semantics<core_parallel>, #tpu.dimension_semantics<subcore_parallel>], iteration_bounds = array<i64: 2, 16>, scalar_prefetch = 0 : i64, scratch_operands = 5 : i64, tpu.core_type = #tpu.core_type<sc_vector_subcore>, window_params = [{transform_indices = #map}, {transform_indices = #map1}, {transform_indices = #map1}]} {
    %mul3A = arith.constant 2 : i32
    %mul3A_0 = arith.muli %arg1, %mul3A : i32
    %add3A = arith.addi %mul3A_0, %arg0 : i32
    %broadcast_in_dim3A = arith.constant 0.000000e+00 : f32
    %broadcast_in_dim3A_1 = vector.broadcast %broadcast_in_dim3A : f32 to vector<16xf32>
    %scan3A = arith.constant 0 : i32
    %scan3A_2 = arith.constant 64 : i32
    %scan3A_3 = arith.addi %scan3A, %scan3A_2 : i32
    %scan3A_4 = arith.constant 1 : i32
    scf.for %scan3A_29 = %scan3A to %scan3A_3 step %scan3A_4  : i32 {
      %mul3A_30 = arith.constant 1 : i32
      %mul3A_31 = arith.muli %scan3A_29, %mul3A_30 : i32
      %add3A_32 = arith.constant 0 : i32
      %add3A_33 = arith.addi %add3A_32, %mul3A_31 : i32
      %scan3A_34 = arith.constant 0 : i32
      %scan3A_35 = arith.constant 8 : i32
      %scan3A_36 = arith.addi %scan3A_34, %scan3A_35 : i32
      %scan3A_37 = arith.constant 1 : i32
      scf.for %scan3A_39 = %scan3A_34 to %scan3A_36 step %scan3A_37  : i32 {
        %mul3A_40 = arith.constant 16 : i32
        %mul3A_41 = arith.muli %scan3A_39, %mul3A_40 : i32
        %add3A_42 = arith.constant 0 : i32
        %add3A_43 = arith.addi %add3A_42, %mul3A_41 : i32
        %swap3A = arith.index_cast %add3A_33 : i32 to index
        %swap3A_44 = arith.index_cast %add3A_43 : i32 to index
        %swap3A_45 = tpu.vector_load %arg7[%swap3A, %swap3A_44] {strides = array<i32>} : memref<64x128xf32, #tpu.memory_space<vmem>>, vector<1x16xf32>,
        %swap3A_46 = vector.shape_cast %swap3A_45 : vector<1x16xf32> to vector<16xf32>
        %swap3A_47 = vector.shape_cast %broadcast_in_dim3A_1 : vector<16xf32> to vector<1x16xf32>
        tpu.vector_store %arg7[%swap3A, %swap3A_44], %swap3A_47 {strides = array<i32>} : memref<64x128xf32, #tpu.memory_space<vmem>>, vector<1x16xf32>,
      }
      %scan3A_38 = arith.constant 8 : i32
    }
    %scan3A_5 = arith.constant 64 : i32
    %mul3A_6 = arith.constant 640 : i32
    %mul3A_7 = arith.muli %arg1, %mul3A_6 : i32
    %scan3A_8 = arith.constant 0 : i32
    %scan3A_9 = arith.constant 10 : i32
    %scan3A_10 = arith.addi %scan3A_8, %scan3A_9 : i32
    %scan3A_11 = arith.constant 1 : i32
    scf.for %scan3A_29 = %scan3A_8 to %scan3A_10 step %scan3A_11  : i32 {
      %mul3A_30 = arith.constant 64 : i32
      %mul3A_31 = arith.muli %scan3A_29, %mul3A_30 : i32
      %add3A_32 = arith.constant 0 : i32
      %add3A_33 = arith.addi %add3A_32, %mul3A_31 : i32
      %add3A_34 = arith.addi %mul3A_7, %add3A_33 : i32
      "tpu.region"() ({
        %run_scoped3A = tpu.sem_alloc : memref<!tpu.dma_semaphore, #tpu.memory_space<semaphore_mem>>
        %dma_start3A = arith.constant 0 : i32
        %dma_start3A_35 = tpu.memref_slice %arg8[%add3A_34, %dma_start3A] : memref<10240x128xf32, #tpu.memory_space<vmem_shared>> -> memref<64x128xf32, #tpu.memory_space<vmem_shared>>
        %dma_start3A_36 = arith.constant 0 : i32
        %dma_start3A_37 = tpu.memref_slice %arg8[%add3A_34, %dma_start3A_36] : memref<10240x128xf32, #tpu.memory_space<vmem_shared>> -> memref<64x128xf32, #tpu.memory_space<vmem_shared>>
        tpu.enqueue_dma source(%arg7 : memref<64x128xf32, #tpu.memory_space<vmem>>) target(%dma_start3A_37 : memref<64x128xf32, #tpu.memory_space<vmem_shared>>) target_semaphore(%run_scoped3A : memref<!tpu.dma_semaphore, #tpu.memory_space<semaphore_mem>>)
        %dma_wait3A = arith.constant 0 : i32
        %dma_wait3A_38 = tpu.memref_slice %arg8[%add3A_34, %dma_wait3A] : memref<10240x128xf32, #tpu.memory_space<vmem_shared>> -> memref<64x128xf32, #tpu.memory_space<vmem_shared>>
        %dma_wait3A_39 = arith.constant 0 : i32
        %dma_wait3A_40 = tpu.memref_slice %arg8[%add3A_34, %dma_wait3A_39] : memref<10240x128xf32, #tpu.memory_space<vmem_shared>> -> memref<64x128xf32, #tpu.memory_space<vmem_shared>>
        tpu.wait_dma2 semaphore(%run_scoped3A : memref<!tpu.dma_semaphore, #tpu.memory_space<semaphore_mem>>) src(%arg7 : memref<64x128xf32, #tpu.memory_space<vmem>>) dst(%dma_wait3A_40 : memref<64x128xf32, #tpu.memory_space<vmem_shared>>)
        tpu.yield
      }) : () -> ()
    }
    %scan3A_12 = arith.constant 10 : i32
    %barrier3A = arith.constant 0 : index
    tpu.barrier barrier_id(%barrier3A)
    %sub3A = arith.constant 625 : i32
    %sub3A_13 = arith.subi %sub3A, %add3A : i32
    %sub3A_14 = arith.constant 32 : i32
    %sub3A_15 = arith.constant 1 : i32
    %sub3A_16 = arith.subi %sub3A_14, %sub3A_15 : i32
    %add3A_17 = arith.addi %sub3A_13, %sub3A_16 : i32
    %div3A = arith.constant 32 : i32
    %div3A_18 = arith.divsi %add3A_17, %div3A : i32
    %while3A = arith.constant 32 : i32
    %while3A_19 = arith.constant 0 : i32
    %while3A_20 = arith.subi %div3A_18, %while3A_19 : i32
    %while3A_21 = arith.addi %while3A_19, %while3A_20 : i32
    %while3A_22 = arith.constant 1 : i32
    %while3A_23 = arith.divsi %while3A_20, %while3A_22 : i32
    %while3A_24 = arith.muli %while3A_23, %while3A_22 : i32
    %while3A_25 = arith.addi %while3A_19, %while3A_24 : i32
    %while3A_26 = arith.constant 1 : i32
    scf.for %while3A_29 = %while3A_19 to %while3A_25 step %while3A_26  : i32 {
      %mul3A_30 = arith.muli %while3A_29, %while3A : i32
      %add3A_31 = arith.addi %add3A, %mul3A_30 : i32
      "tpu.region"() ({
        %run_scoped3A_89 = tpu.sem_alloc : memref<!tpu.dma_semaphore, #tpu.memory_space<semaphore_mem>>
        %dma_start3A_90 = arith.constant 0 : i32
        %dma_start3A_91 = arith.constant 0 : i32
        %dma_start3A_92 = tpu.memref_slice %arg3[%add3A_31, %dma_start3A_90, %dma_start3A_91] : memref<625x8x128xi32, #tpu.memory_space<hbm>> -> memref<1x8x128xi32, #tpu.memory_space<hbm>>
        %dma_start3A_93 = tpu.memref_squeeze %dma_start3A_92 : memref<1x8x128xi32, #tpu.memory_space<hbm>> -> memref<8x128xi32, #tpu.memory_space<hbm>>
        %dma_start3A_94 = arith.constant 0 : i32
        %dma_start3A_95 = arith.constant 0 : i32
        %dma_start3A_96 = tpu.memref_slice %arg3[%add3A_31, %dma_start3A_94, %dma_start3A_95] : memref<625x8x128xi32, #tpu.memory_space<hbm>> -> memref<1x8x128xi32, #tpu.memory_space<hbm>>
        %dma_start3A_97 = tpu.memref_squeeze %dma_start3A_96 : memref<1x8x128xi32, #tpu.memory_space<hbm>> -> memref<8x128xi32, #tpu.memory_space<hbm>>
        tpu.enqueue_dma source(%dma_start3A_97 : memref<8x128xi32, #tpu.memory_space<hbm>>) target(%arg5 : memref<8x128xi32, #tpu.memory_space<vmem>>) target_semaphore(%run_scoped3A_89 : memref<!tpu.dma_semaphore, #tpu.memory_space<semaphore_mem>>)
        %dma_wait3A_98 = arith.constant 0 : i32
        %dma_wait3A_99 = arith.constant 0 : i32
        %dma_wait3A_100 = tpu.memref_slice %arg3[%add3A_31, %dma_wait3A_98, %dma_wait3A_99] : memref<625x8x128xi32, #tpu.memory_space<hbm>> -> memref<1x8x128xi32, #tpu.memory_space<hbm>>
        %dma_wait3A_101 = tpu.memref_squeeze %dma_wait3A_100 : memref<1x8x128xi32, #tpu.memory_space<hbm>> -> memref<8x128xi32, #tpu.memory_space<hbm>>
        %dma_wait3A_102 = arith.constant 0 : i32
        %dma_wait3A_103 = arith.constant 0 : i32
        %dma_wait3A_104 = tpu.memref_slice %arg3[%add3A_31, %dma_wait3A_102, %dma_wait3A_103] : memref<625x8x128xi32, #tpu.memory_space<hbm>> -> memref<1x8x128xi32, #tpu.memory_space<hbm>>
        %dma_wait3A_105 = tpu.memref_squeeze %dma_wait3A_104 : memref<1x8x128xi32, #tpu.memory_space<hbm>> -> memref<8x128xi32, #tpu.memory_space<hbm>>
        tpu.wait_dma2 semaphore(%run_scoped3A_89 : memref<!tpu.dma_semaphore, #tpu.memory_space<semaphore_mem>>) src(%dma_wait3A_105 : memref<8x128xi32, #tpu.memory_space<hbm>>) dst(%arg5 : memref<8x128xi32, #tpu.memory_space<vmem>>)
        tpu.yield
      }) : () -> ()
      %dma_start3A = arith.constant 0 : i32
      %dma_start3A_32 = arith.constant 0 : i32
      %dma_start3A_33 = tpu.memref_slice %arg5[%dma_start3A, %dma_start3A_32] : memref<8x128xi32, #tpu.memory_space<vmem>> -> memref<1x128xi32, #tpu.memory_space<vmem>>
      %dma_start3A_34 = tpu.memref_squeeze %dma_start3A_33 : memref<1x128xi32, #tpu.memory_space<vmem>> -> memref<128xi32, #tpu.memory_space<vmem>>
      %dma_start3A_35 = arith.constant 0 : i32
      %dma_start3A_36 = arith.constant 0 : i32
      %dma_start3A_37 = tpu.memref_slice %arg2[%dma_start3A_35, %dma_start3A_36] : memref<10000x128xf32, #tpu.memory_space<hbm>> -> memref<10000x128xf32, #tpu.memory_space<hbm>>
      tpu.enqueue_indirect_dma source(%dma_start3A_37 : memref<10000x128xf32, #tpu.memory_space<hbm>>) target(%arg6 : memref<128x128xf32, #tpu.memory_space<vmem>>) offsets(%dma_start3A_34 : memref<128xi32, #tpu.memory_space<vmem>>) semaphore(%arg9 : memref<!tpu.dma_semaphore, #tpu.memory_space<semaphore_mem>>)
      %dma_wait3A = arith.constant 0 : i32
      %dma_wait3A_38 = arith.constant 0 : i32
      %dma_wait3A_39 = tpu.memref_slice %arg5[%dma_wait3A, %dma_wait3A_38] : memref<8x128xi32, #tpu.memory_space<vmem>> -> memref<1x128xi32, #tpu.memory_space<vmem>>
      %dma_wait3A_40 = tpu.memref_squeeze %dma_wait3A_39 : memref<1x128xi32, #tpu.memory_space<vmem>> -> memref<128xi32, #tpu.memory_space<vmem>>
      %dma_wait3A_41 = arith.constant 0 : i32
      %dma_wait3A_42 = arith.constant 0 : i32
      %dma_wait3A_43 = tpu.memref_slice %arg2[%dma_wait3A_41, %dma_wait3A_42] : memref<10000x128xf32, #tpu.memory_space<hbm>> -> memref<10000x128xf32, #tpu.memory_space<hbm>>
      tpu.wait_indirect_dma semaphore(%arg9 : memref<!tpu.dma_semaphore, #tpu.memory_space<semaphore_mem>>) src(%dma_wait3A_43 : memref<10000x128xf32, #tpu.memory_space<hbm>>) dst(%arg6 : memref<128x128xf32, #tpu.memory_space<vmem>>)
      %run_scoped3A = arith.constant 1 : i32
      "tpu.region"() ({
        %run_scoped3A_89 = tpu.sem_alloc : memref<!tpu.dma_semaphore, #tpu.memory_space<semaphore_mem>>
        %dma_start3A_90 = arith.constant 0 : i32
        %dma_start3A_91 = tpu.memref_slice %arg5[%run_scoped3A, %dma_start3A_90] : memref<8x128xi32, #tpu.memory_space<vmem>> -> memref<1x128xi32, #tpu.memory_space<vmem>>
        %dma_start3A_92 = tpu.memref_squeeze %dma_start3A_91 : memref<1x128xi32, #tpu.memory_space<vmem>> -> memref<128xi32, #tpu.memory_space<vmem>>
        %dma_start3A_93 = arith.constant 0 : i32
        %dma_start3A_94 = arith.constant 0 : i32
        %dma_start3A_95 = tpu.memref_slice %arg8[%dma_start3A_93, %dma_start3A_94] : memref<10240x128xf32, #tpu.memory_space<vmem_shared>> -> memref<10240x128xf32, #tpu.memory_space<vmem_shared>>
        tpu.enqueue_indirect_dma source(%arg6 : memref<128x128xf32, #tpu.memory_space<vmem>>) target(%dma_start3A_95 : memref<10240x128xf32, #tpu.memory_space<vmem_shared>>) offsets(%dma_start3A_92 : memref<128xi32, #tpu.memory_space<vmem>>) semaphore(%run_scoped3A_89 : memref<!tpu.dma_semaphore, #tpu.memory_space<semaphore_mem>>) {add = true}
        %dma_wait3A_96 = arith.constant 0 : i32
        %dma_wait3A_97 = tpu.memref_slice %arg5[%run_scoped3A, %dma_wait3A_96] : memref<8x128xi32, #tpu.memory_space<vmem>> -> memref<1x128xi32, #tpu.memory_space<vmem>>
        %dma_wait3A_98 = tpu.memref_squeeze %dma_wait3A_97 : memref<1x128xi32, #tpu.memory_space<vmem>> -> memref<128xi32, #tpu.memory_space<vmem>>
        %dma_wait3A_99 = arith.constant 0 : i32
        %dma_wait3A_100 = arith.constant 0 : i32
        %dma_wait3A_101 = tpu.memref_slice %arg8[%dma_wait3A_99, %dma_wait3A_100] : memref<10240x128xf32, #tpu.memory_space<vmem_shared>> -> memref<10240x128xf32, #tpu.memory_space<vmem_shared>>
        tpu.wait_indirect_dma semaphore(%run_scoped3A_89 : memref<!tpu.dma_semaphore, #tpu.memory_space<semaphore_mem>>) src(%arg6 : memref<128x128xf32, #tpu.memory_space<vmem>>) dst(%dma_wait3A_101 : memref<10240x128xf32, #tpu.memory_space<vmem_shared>>)
        tpu.yield
      }) : () -> ()
      %dma_start3A_44 = arith.constant 2 : i32
      %dma_start3A_45 = arith.constant 0 : i32
      %dma_start3A_46 = tpu.memref_slice %arg5[%dma_start3A_44, %dma_start3A_45] : memref<8x128xi32, #tpu.memory_space<vmem>> -> memref<1x128xi32, #tpu.memory_space<vmem>>
      %dma_start3A_47 = tpu.memref_squeeze %dma_start3A_46 : memref<1x128xi32, #tpu.memory_space<vmem>> -> memref<128xi32, #tpu.memory_space<vmem>>
      %dma_start3A_48 = arith.constant 0 : i32
      %dma_start3A_49 = arith.constant 0 : i32
      %dma_start3A_50 = tpu.memref_slice %arg2[%dma_start3A_48, %dma_start3A_49] : memref<10000x128xf32, #tpu.memory_space<hbm>> -> memref<10000x128xf32, #tpu.memory_space<hbm>>
      tpu.enqueue_indirect_dma source(%dma_start3A_50 : memref<10000x128xf32, #tpu.memory_space<hbm>>) target(%arg6 : memref<128x128xf32, #tpu.memory_space<vmem>>) offsets(%dma_start3A_47 : memref<128xi32, #tpu.memory_space<vmem>>) semaphore(%arg9 : memref<!tpu.dma_semaphore, #tpu.memory_space<semaphore_mem>>)
      %dma_wait3A_51 = arith.constant 2 : i32
      %dma_wait3A_52 = arith.constant 0 : i32
      %dma_wait3A_53 = tpu.memref_slice %arg5[%dma_wait3A_51, %dma_wait3A_52] : memref<8x128xi32, #tpu.memory_space<vmem>> -> memref<1x128xi32, #tpu.memory_space<vmem>>
      %dma_wait3A_54 = tpu.memref_squeeze %dma_wait3A_53 : memref<1x128xi32, #tpu.memory_space<vmem>> -> memref<128xi32, #tpu.memory_space<vmem>>
      %dma_wait3A_55 = arith.constant 0 : i32
      %dma_wait3A_56 = arith.constant 0 : i32
      %dma_wait3A_57 = tpu.memref_slice %arg2[%dma_wait3A_55, %dma_wait3A_56] : memref<10000x128xf32, #tpu.memory_space<hbm>> -> memref<10000x128xf32, #tpu.memory_space<hbm>>
      tpu.wait_indirect_dma semaphore(%arg9 : memref<!tpu.dma_semaphore, #tpu.memory_space<semaphore_mem>>) src(%dma_wait3A_57 : memref<10000x128xf32, #tpu.memory_space<hbm>>) dst(%arg6 : memref<128x128xf32, #tpu.memory_space<vmem>>)
      %run_scoped3A_58 = arith.constant 3 : i32
      "tpu.region"() ({
        %run_scoped3A_89 = tpu.sem_alloc : memref<!tpu.dma_semaphore, #tpu.memory_space<semaphore_mem>>
        %dma_start3A_90 = arith.constant 0 : i32
        %dma_start3A_91 = tpu.memref_slice %arg5[%run_scoped3A_58, %dma_start3A_90] : memref<8x128xi32, #tpu.memory_space<vmem>> -> memref<1x128xi32, #tpu.memory_space<vmem>>
        %dma_start3A_92 = tpu.memref_squeeze %dma_start3A_91 : memref<1x128xi32, #tpu.memory_space<vmem>> -> memref<128xi32, #tpu.memory_space<vmem>>
        %dma_start3A_93 = arith.constant 0 : i32
        %dma_start3A_94 = arith.constant 0 : i32
        %dma_start3A_95 = tpu.memref_slice %arg8[%dma_start3A_93, %dma_start3A_94] : memref<10240x128xf32, #tpu.memory_space<vmem_shared>> -> memref<10240x128xf32, #tpu.memory_space<vmem_shared>>
        tpu.enqueue_indirect_dma source(%arg6 : memref<128x128xf32, #tpu.memory_space<vmem>>) target(%dma_start3A_95 : memref<10240x128xf32, #tpu.memory_space<vmem_shared>>) offsets(%dma_start3A_92 : memref<128xi32, #tpu.memory_space<vmem>>) semaphore(%run_scoped3A_89 : memref<!tpu.dma_semaphore, #tpu.memory_space<semaphore_mem>>) {add = true}
        %dma_wait3A_96 = arith.constant 0 : i32
        %dma_wait3A_97 = tpu.memref_slice %arg5[%run_scoped3A_58, %dma_wait3A_96] : memref<8x128xi32, #tpu.memory_space<vmem>> -> memref<1x128xi32, #tpu.memory_space<vmem>>
        %dma_wait3A_98 = tpu.memref_squeeze %dma_wait3A_97 : memref<1x128xi32, #tpu.memory_space<vmem>> -> memref<128xi32, #tpu.memory_space<vmem>>
        %dma_wait3A_99 = arith.constant 0 : i32
        %dma_wait3A_100 = arith.constant 0 : i32
        %dma_wait3A_101 = tpu.memref_slice %arg8[%dma_wait3A_99, %dma_wait3A_100] : memref<10240x128xf32, #tpu.memory_space<vmem_shared>> -> memref<10240x128xf32, #tpu.memory_space<vmem_shared>>
        tpu.wait_indirect_dma semaphore(%run_scoped3A_89 : memref<!tpu.dma_semaphore, #tpu.memory_space<semaphore_mem>>) src(%arg6 : memref<128x128xf32, #tpu.memory_space<vmem>>) dst(%dma_wait3A_101 : memref<10240x128xf32, #tpu.memory_space<vmem_shared>>)
        tpu.yield
      }) : () -> ()
      %dma_start3A_59 = arith.constant 4 : i32
      %dma_start3A_60 = arith.constant 0 : i32
      %dma_start3A_61 = tpu.memref_slice %arg5[%dma_start3A_59, %dma_start3A_60] : memref<8x128xi32, #tpu.memory_space<vmem>> -> memref<1x128xi32, #tpu.memory_space<vmem>>
      %dma_start3A_62 = tpu.memref_squeeze %dma_start3A_61 : memref<1x128xi32, #tpu.memory_space<vmem>> -> memref<128xi32, #tpu.memory_space<vmem>>
      %dma_start3A_63 = arith.constant 0 : i32
      %dma_start3A_64 = arith.constant 0 : i32
      %dma_start3A_65 = tpu.memref_slice %arg2[%dma_start3A_63, %dma_start3A_64] : memref<10000x128xf32, #tpu.memory_space<hbm>> -> memref<10000x128xf32, #tpu.memory_space<hbm>>
      tpu.enqueue_indirect_dma source(%dma_start3A_65 : memref<10000x128xf32, #tpu.memory_space<hbm>>) target(%arg6 : memref<128x128xf32, #tpu.memory_space<vmem>>) offsets(%dma_start3A_62 : memref<128xi32, #tpu.memory_space<vmem>>) semaphore(%arg9 : memref<!tpu.dma_semaphore, #tpu.memory_space<semaphore_mem>>)
      %dma_wait3A_66 = arith.constant 4 : i32
      %dma_wait3A_67 = arith.constant 0 : i32
      %dma_wait3A_68 = tpu.memref_slice %arg5[%dma_wait3A_66, %dma_wait3A_67] : memref<8x128xi32, #tpu.memory_space<vmem>> -> memref<1x128xi32, #tpu.memory_space<vmem>>
      %dma_wait3A_69 = tpu.memref_squeeze %dma_wait3A_68 : memref<1x128xi32, #tpu.memory_space<vmem>> -> memref<128xi32, #tpu.memory_space<vmem>>
      %dma_wait3A_70 = arith.constant 0 : i32
      %dma_wait3A_71 = arith.constant 0 : i32
      %dma_wait3A_72 = tpu.memref_slice %arg2[%dma_wait3A_70, %dma_wait3A_71] : memref<10000x128xf32, #tpu.memory_space<hbm>> -> memref<10000x128xf32, #tpu.memory_space<hbm>>
      tpu.wait_indirect_dma semaphore(%arg9 : memref<!tpu.dma_semaphore, #tpu.memory_space<semaphore_mem>>) src(%dma_wait3A_72 : memref<10000x128xf32, #tpu.memory_space<hbm>>) dst(%arg6 : memref<128x128xf32, #tpu.memory_space<vmem>>)
      %run_scoped3A_73 = arith.constant 5 : i32
      "tpu.region"() ({
        %run_scoped3A_89 = tpu.sem_alloc : memref<!tpu.dma_semaphore, #tpu.memory_space<semaphore_mem>>
        %dma_start3A_90 = arith.constant 0 : i32
        %dma_start3A_91 = tpu.memref_slice %arg5[%run_scoped3A_73, %dma_start3A_90] : memref<8x128xi32, #tpu.memory_space<vmem>> -> memref<1x128xi32, #tpu.memory_space<vmem>>
        %dma_start3A_92 = tpu.memref_squeeze %dma_start3A_91 : memref<1x128xi32, #tpu.memory_space<vmem>> -> memref<128xi32, #tpu.memory_space<vmem>>
        %dma_start3A_93 = arith.constant 0 : i32
        %dma_start3A_94 = arith.constant 0 : i32
        %dma_start3A_95 = tpu.memref_slice %arg8[%dma_start3A_93, %dma_start3A_94] : memref<10240x128xf32, #tpu.memory_space<vmem_shared>> -> memref<10240x128xf32, #tpu.memory_space<vmem_shared>>
        tpu.enqueue_indirect_dma source(%arg6 : memref<128x128xf32, #tpu.memory_space<vmem>>) target(%dma_start3A_95 : memref<10240x128xf32, #tpu.memory_space<vmem_shared>>) offsets(%dma_start3A_92 : memref<128xi32, #tpu.memory_space<vmem>>) semaphore(%run_scoped3A_89 : memref<!tpu.dma_semaphore, #tpu.memory_space<semaphore_mem>>) {add = true}
        %dma_wait3A_96 = arith.constant 0 : i32
        %dma_wait3A_97 = tpu.memref_slice %arg5[%run_scoped3A_73, %dma_wait3A_96] : memref<8x128xi32, #tpu.memory_space<vmem>> -> memref<1x128xi32, #tpu.memory_space<vmem>>
        %dma_wait3A_98 = tpu.memref_squeeze %dma_wait3A_97 : memref<1x128xi32, #tpu.memory_space<vmem>> -> memref<128xi32, #tpu.memory_space<vmem>>
        %dma_wait3A_99 = arith.constant 0 : i32
        %dma_wait3A_100 = arith.constant 0 : i32
        %dma_wait3A_101 = tpu.memref_slice %arg8[%dma_wait3A_99, %dma_wait3A_100] : memref<10240x128xf32, #tpu.memory_space<vmem_shared>> -> memref<10240x128xf32, #tpu.memory_space<vmem_shared>>
        tpu.wait_indirect_dma semaphore(%run_scoped3A_89 : memref<!tpu.dma_semaphore, #tpu.memory_space<semaphore_mem>>) src(%arg6 : memref<128x128xf32, #tpu.memory_space<vmem>>) dst(%dma_wait3A_101 : memref<10240x128xf32, #tpu.memory_space<vmem_shared>>)
        tpu.yield
      }) : () -> ()
      %dma_start3A_74 = arith.constant 6 : i32
      %dma_start3A_75 = arith.constant 0 : i32
      %dma_start3A_76 = tpu.memref_slice %arg5[%dma_start3A_74, %dma_start3A_75] : memref<8x128xi32, #tpu.memory_space<vmem>> -> memref<1x128xi32, #tpu.memory_space<vmem>>
      %dma_start3A_77 = tpu.memref_squeeze %dma_start3A_76 : memref<1x128xi32, #tpu.memory_space<vmem>> -> memref<128xi32, #tpu.memory_space<vmem>>
      %dma_start3A_78 = arith.constant 0 : i32
      %dma_start3A_79 = arith.constant 0 : i32
      %dma_start3A_80 = tpu.memref_slice %arg2[%dma_start3A_78, %dma_start3A_79] : memref<10000x128xf32, #tpu.memory_space<hbm>> -> memref<10000x128xf32, #tpu.memory_space<hbm>>
      tpu.enqueue_indirect_dma source(%dma_start3A_80 : memref<10000x128xf32, #tpu.memory_space<hbm>>) target(%arg6 : memref<128x128xf32, #tpu.memory_space<vmem>>) offsets(%dma_start3A_77 : memref<128xi32, #tpu.memory_space<vmem>>) semaphore(%arg9 : memref<!tpu.dma_semaphore, #tpu.memory_space<semaphore_mem>>)
      %dma_wait3A_81 = arith.constant 6 : i32
      %dma_wait3A_82 = arith.constant 0 : i32
      %dma_wait3A_83 = tpu.memref_slice %arg5[%dma_wait3A_81, %dma_wait3A_82] : memref<8x128xi32, #tpu.memory_space<vmem>> -> memref<1x128xi32, #tpu.memory_space<vmem>>
      %dma_wait3A_84 = tpu.memref_squeeze %dma_wait3A_83 : memref<1x128xi32, #tpu.memory_space<vmem>> -> memref<128xi32, #tpu.memory_space<vmem>>
      %dma_wait3A_85 = arith.constant 0 : i32
      %dma_wait3A_86 = arith.constant 0 : i32
      %dma_wait3A_87 = tpu.memref_slice %arg2[%dma_wait3A_85, %dma_wait3A_86] : memref<10000x128xf32, #tpu.memory_space<hbm>> -> memref<10000x128xf32, #tpu.memory_space<hbm>>
      tpu.wait_indirect_dma semaphore(%arg9 : memref<!tpu.dma_semaphore, #tpu.memory_space<semaphore_mem>>) src(%dma_wait3A_87 : memref<10000x128xf32, #tpu.memory_space<hbm>>) dst(%arg6 : memref<128x128xf32, #tpu.memory_space<vmem>>)
      %run_scoped3A_88 = arith.constant 7 : i32
      "tpu.region"() ({
        %run_scoped3A_89 = tpu.sem_alloc : memref<!tpu.dma_semaphore, #tpu.memory_space<semaphore_mem>>
        %dma_start3A_90 = arith.constant 0 : i32
        %dma_start3A_91 = tpu.memref_slice %arg5[%run_scoped3A_88, %dma_start3A_90] : memref<8x128xi32, #tpu.memory_space<vmem>> -> memref<1x128xi32, #tpu.memory_space<vmem>>
        %dma_start3A_92 = tpu.memref_squeeze %dma_start3A_91 : memref<1x128xi32, #tpu.memory_space<vmem>> -> memref<128xi32, #tpu.memory_space<vmem>>
        %dma_start3A_93 = arith.constant 0 : i32
        %dma_start3A_94 = arith.constant 0 : i32
        %dma_start3A_95 = tpu.memref_slice %arg8[%dma_start3A_93, %dma_start3A_94] : memref<10240x128xf32, #tpu.memory_space<vmem_shared>> -> memref<10240x128xf32, #tpu.memory_space<vmem_shared>>
        tpu.enqueue_indirect_dma source(%arg6 : memref<128x128xf32, #tpu.memory_space<vmem>>) target(%dma_start3A_95 : memref<10240x128xf32, #tpu.memory_space<vmem_shared>>) offsets(%dma_start3A_92 : memref<128xi32, #tpu.memory_space<vmem>>) semaphore(%run_scoped3A_89 : memref<!tpu.dma_semaphore, #tpu.memory_space<semaphore_mem>>) {add = true}
        %dma_wait3A_96 = arith.constant 0 : i32
        %dma_wait3A_97 = tpu.memref_slice %arg5[%run_scoped3A_88, %dma_wait3A_96] : memref<8x128xi32, #tpu.memory_space<vmem>> -> memref<1x128xi32, #tpu.memory_space<vmem>>
        %dma_wait3A_98 = tpu.memref_squeeze %dma_wait3A_97 : memref<1x128xi32, #tpu.memory_space<vmem>> -> memref<128xi32, #tpu.memory_space<vmem>>
        %dma_wait3A_99 = arith.constant 0 : i32
        %dma_wait3A_100 = arith.constant 0 : i32
        %dma_wait3A_101 = tpu.memref_slice %arg8[%dma_wait3A_99, %dma_wait3A_100] : memref<10240x128xf32, #tpu.memory_space<vmem_shared>> -> memref<10240x128xf32, #tpu.memory_space<vmem_shared>>
        tpu.wait_indirect_dma semaphore(%run_scoped3A_89 : memref<!tpu.dma_semaphore, #tpu.memory_space<semaphore_mem>>) src(%arg6 : memref<128x128xf32, #tpu.memory_space<vmem>>) dst(%dma_wait3A_101 : memref<10240x128xf32, #tpu.memory_space<vmem_shared>>)
        tpu.yield
      }) : () -> ()
    }
    %while3A_27 = arith.constant 1 : i32
    scf.for %while3A_29 = %while3A_25 to %while3A_21 step %while3A_27  : i32 {
      %mul3A_30 = arith.muli %while3A_29, %while3A : i32
      %add3A_31 = arith.addi %add3A, %mul3A_30 : i32
      "tpu.region"() ({
        %run_scoped3A_89 = tpu.sem_alloc : memref<!tpu.dma_semaphore, #tpu.memory_space<semaphore_mem>>
        %dma_start3A_90 = arith.constant 0 : i32
        %dma_start3A_91 = arith.constant 0 : i32
        %dma_start3A_92 = tpu.memref_slice %arg3[%add3A_31, %dma_start3A_90, %dma_start3A_91] : memref<625x8x128xi32, #tpu.memory_space<hbm>> -> memref<1x8x128xi32, #tpu.memory_space<hbm>>
        %dma_start3A_93 = tpu.memref_squeeze %dma_start3A_92 : memref<1x8x128xi32, #tpu.memory_space<hbm>> -> memref<8x128xi32, #tpu.memory_space<hbm>>
        %dma_start3A_94 = arith.constant 0 : i32
        %dma_start3A_95 = arith.constant 0 : i32
        %dma_start3A_96 = tpu.memref_slice %arg3[%add3A_31, %dma_start3A_94, %dma_start3A_95] : memref<625x8x128xi32, #tpu.memory_space<hbm>> -> memref<1x8x128xi32, #tpu.memory_space<hbm>>
        %dma_start3A_97 = tpu.memref_squeeze %dma_start3A_96 : memref<1x8x128xi32, #tpu.memory_space<hbm>> -> memref<8x128xi32, #tpu.memory_space<hbm>>
        tpu.enqueue_dma source(%dma_start3A_97 : memref<8x128xi32, #tpu.memory_space<hbm>>) target(%arg5 : memref<8x128xi32, #tpu.memory_space<vmem>>) target_semaphore(%run_scoped3A_89 : memref<!tpu.dma_semaphore, #tpu.memory_space<semaphore_mem>>)
        %dma_wait3A_98 = arith.constant 0 : i32
        %dma_wait3A_99 = arith.constant 0 : i32
        %dma_wait3A_100 = tpu.memref_slice %arg3[%add3A_31, %dma_wait3A_98, %dma_wait3A_99] : memref<625x8x128xi32, #tpu.memory_space<hbm>> -> memref<1x8x128xi32, #tpu.memory_space<hbm>>
        %dma_wait3A_101 = tpu.memref_squeeze %dma_wait3A_100 : memref<1x8x128xi32, #tpu.memory_space<hbm>> -> memref<8x128xi32, #tpu.memory_space<hbm>>
        %dma_wait3A_102 = arith.constant 0 : i32
        %dma_wait3A_103 = arith.constant 0 : i32
        %dma_wait3A_104 = tpu.memref_slice %arg3[%add3A_31, %dma_wait3A_102, %dma_wait3A_103] : memref<625x8x128xi32, #tpu.memory_space<hbm>> -> memref<1x8x128xi32, #tpu.memory_space<hbm>>
        %dma_wait3A_105 = tpu.memref_squeeze %dma_wait3A_104 : memref<1x8x128xi32, #tpu.memory_space<hbm>> -> memref<8x128xi32, #tpu.memory_space<hbm>>
        tpu.wait_dma2 semaphore(%run_scoped3A_89 : memref<!tpu.dma_semaphore, #tpu.memory_space<semaphore_mem>>) src(%dma_wait3A_105 : memref<8x128xi32, #tpu.memory_space<hbm>>) dst(%arg5 : memref<8x128xi32, #tpu.memory_space<vmem>>)
        tpu.yield
      }) : () -> ()
      %dma_start3A = arith.constant 0 : i32
      %dma_start3A_32 = arith.constant 0 : i32
      %dma_start3A_33 = tpu.memref_slice %arg5[%dma_start3A, %dma_start3A_32] : memref<8x128xi32, #tpu.memory_space<vmem>> -> memref<1x128xi32, #tpu.memory_space<vmem>>
      %dma_start3A_34 = tpu.memref_squeeze %dma_start3A_33 : memref<1x128xi32, #tpu.memory_space<vmem>> -> memref<128xi32, #tpu.memory_space<vmem>>
      %dma_start3A_35 = arith.constant 0 : i32
      %dma_start3A_36 = arith.constant 0 : i32
      %dma_start3A_37 = tpu.memref_slice %arg2[%dma_start3A_35, %dma_start3A_36] : memref<10000x128xf32, #tpu.memory_space<hbm>> -> memref<10000x128xf32, #tpu.memory_space<hbm>>
      tpu.enqueue_indirect_dma source(%dma_start3A_37 : memref<10000x128xf32, #tpu.memory_space<hbm>>) target(%arg6 : memref<128x128xf32, #tpu.memory_space<vmem>>) offsets(%dma_start3A_34 : memref<128xi32, #tpu.memory_space<vmem>>) semaphore(%arg9 : memref<!tpu.dma_semaphore, #tpu.memory_space<semaphore_mem>>)
      %dma_wait3A = arith.constant 0 : i32
      %dma_wait3A_38 = arith.constant 0 : i32
      %dma_wait3A_39 = tpu.memref_slice %arg5[%dma_wait3A, %dma_wait3A_38] : memref<8x128xi32, #tpu.memory_space<vmem>> -> memref<1x128xi32, #tpu.memory_space<vmem>>
      %dma_wait3A_40 = tpu.memref_squeeze %dma_wait3A_39 : memref<1x128xi32, #tpu.memory_space<vmem>> -> memref<128xi32, #tpu.memory_space<vmem>>
      %dma_wait3A_41 = arith.constant 0 : i32
      %dma_wait3A_42 = arith.constant 0 : i32
      %dma_wait3A_43 = tpu.memref_slice %arg2[%dma_wait3A_41, %dma_wait3A_42] : memref<10000x128xf32, #tpu.memory_space<hbm>> -> memref<10000x128xf32, #tpu.memory_space<hbm>>
      tpu.wait_indirect_dma semaphore(%arg9 : memref<!tpu.dma_semaphore, #tpu.memory_space<semaphore_mem>>) src(%dma_wait3A_43 : memref<10000x128xf32, #tpu.memory_space<hbm>>) dst(%arg6 : memref<128x128xf32, #tpu.memory_space<vmem>>)
      %run_scoped3A = arith.constant 1 : i32
      "tpu.region"() ({
        %run_scoped3A_89 = tpu.sem_alloc : memref<!tpu.dma_semaphore, #tpu.memory_space<semaphore_mem>>
        %dma_start3A_90 = arith.constant 0 : i32
        %dma_start3A_91 = tpu.memref_slice %arg5[%run_scoped3A, %dma_start3A_90] : memref<8x128xi32, #tpu.memory_space<vmem>> -> memref<1x128xi32, #tpu.memory_space<vmem>>
        %dma_start3A_92 = tpu.memref_squeeze %dma_start3A_91 : memref<1x128xi32, #tpu.memory_space<vmem>> -> memref<128xi32, #tpu.memory_space<vmem>>
        %dma_start3A_93 = arith.constant 0 : i32
        %dma_start3A_94 = arith.constant 0 : i32
        %dma_start3A_95 = tpu.memref_slice %arg8[%dma_start3A_93, %dma_start3A_94] : memref<10240x128xf32, #tpu.memory_space<vmem_shared>> -> memref<10240x128xf32, #tpu.memory_space<vmem_shared>>
        tpu.enqueue_indirect_dma source(%arg6 : memref<128x128xf32, #tpu.memory_space<vmem>>) target(%dma_start3A_95 : memref<10240x128xf32, #tpu.memory_space<vmem_shared>>) offsets(%dma_start3A_92 : memref<128xi32, #tpu.memory_space<vmem>>) semaphore(%run_scoped3A_89 : memref<!tpu.dma_semaphore, #tpu.memory_space<semaphore_mem>>) {add = true}
        %dma_wait3A_96 = arith.constant 0 : i32
        %dma_wait3A_97 = tpu.memref_slice %arg5[%run_scoped3A, %dma_wait3A_96] : memref<8x128xi32, #tpu.memory_space<vmem>> -> memref<1x128xi32, #tpu.memory_space<vmem>>
        %dma_wait3A_98 = tpu.memref_squeeze %dma_wait3A_97 : memref<1x128xi32, #tpu.memory_space<vmem>> -> memref<128xi32, #tpu.memory_space<vmem>>
        %dma_wait3A_99 = arith.constant 0 : i32
        %dma_wait3A_100 = arith.constant 0 : i32
        %dma_wait3A_101 = tpu.memref_slice %arg8[%dma_wait3A_99, %dma_wait3A_100] : memref<10240x128xf32, #tpu.memory_space<vmem_shared>> -> memref<10240x128xf32, #tpu.memory_space<vmem_shared>>
        tpu.wait_indirect_dma semaphore(%run_scoped3A_89 : memref<!tpu.dma_semaphore, #tpu.memory_space<semaphore_mem>>) src(%arg6 : memref<128x128xf32, #tpu.memory_space<vmem>>) dst(%dma_wait3A_101 : memref<10240x128xf32, #tpu.memory_space<vmem_shared>>)
        tpu.yield
      }) : () -> ()
      %dma_start3A_44 = arith.constant 2 : i32
      %dma_start3A_45 = arith.constant 0 : i32
      %dma_start3A_46 = tpu.memref_slice %arg5[%dma_start3A_44, %dma_start3A_45] : memref<8x128xi32, #tpu.memory_space<vmem>> -> memref<1x128xi32, #tpu.memory_space<vmem>>
      %dma_start3A_47 = tpu.memref_squeeze %dma_start3A_46 : memref<1x128xi32, #tpu.memory_space<vmem>> -> memref<128xi32, #tpu.memory_space<vmem>>
      %dma_start3A_48 = arith.constant 0 : i32
      %dma_start3A_49 = arith.constant 0 : i32
      %dma_start3A_50 = tpu.memref_slice %arg2[%dma_start3A_48, %dma_start3A_49] : memref<10000x128xf32, #tpu.memory_space<hbm>> -> memref<10000x128xf32, #tpu.memory_space<hbm>>
      tpu.enqueue_indirect_dma source(%dma_start3A_50 : memref<10000x128xf32, #tpu.memory_space<hbm>>) target(%arg6 : memref<128x128xf32, #tpu.memory_space<vmem>>) offsets(%dma_start3A_47 : memref<128xi32, #tpu.memory_space<vmem>>) semaphore(%arg9 : memref<!tpu.dma_semaphore, #tpu.memory_space<semaphore_mem>>)
      %dma_wait3A_51 = arith.constant 2 : i32
      %dma_wait3A_52 = arith.constant 0 : i32
      %dma_wait3A_53 = tpu.memref_slice %arg5[%dma_wait3A_51, %dma_wait3A_52] : memref<8x128xi32, #tpu.memory_space<vmem>> -> memref<1x128xi32, #tpu.memory_space<vmem>>
      %dma_wait3A_54 = tpu.memref_squeeze %dma_wait3A_53 : memref<1x128xi32, #tpu.memory_space<vmem>> -> memref<128xi32, #tpu.memory_space<vmem>>
      %dma_wait3A_55 = arith.constant 0 : i32
      %dma_wait3A_56 = arith.constant 0 : i32
      %dma_wait3A_57 = tpu.memref_slice %arg2[%dma_wait3A_55, %dma_wait3A_56] : memref<10000x128xf32, #tpu.memory_space<hbm>> -> memref<10000x128xf32, #tpu.memory_space<hbm>>
      tpu.wait_indirect_dma semaphore(%arg9 : memref<!tpu.dma_semaphore, #tpu.memory_space<semaphore_mem>>) src(%dma_wait3A_57 : memref<10000x128xf32, #tpu.memory_space<hbm>>) dst(%arg6 : memref<128x128xf32, #tpu.memory_space<vmem>>)
      %run_scoped3A_58 = arith.constant 3 : i32
      "tpu.region"() ({
        %run_scoped3A_89 = tpu.sem_alloc : memref<!tpu.dma_semaphore, #tpu.memory_space<semaphore_mem>>
        %dma_start3A_90 = arith.constant 0 : i32
        %dma_start3A_91 = tpu.memref_slice %arg5[%run_scoped3A_58, %dma_start3A_90] : memref<8x128xi32, #tpu.memory_space<vmem>> -> memref<1x128xi32, #tpu.memory_space<vmem>>
        %dma_start3A_92 = tpu.memref_squeeze %dma_start3A_91 : memref<1x128xi32, #tpu.memory_space<vmem>> -> memref<128xi32, #tpu.memory_space<vmem>>
        %dma_start3A_93 = arith.constant 0 : i32
        %dma_start3A_94 = arith.constant 0 : i32
        %dma_start3A_95 = tpu.memref_slice %arg8[%dma_start3A_93, %dma_start3A_94] : memref<10240x128xf32, #tpu.memory_space<vmem_shared>> -> memref<10240x128xf32, #tpu.memory_space<vmem_shared>>
        tpu.enqueue_indirect_dma source(%arg6 : memref<128x128xf32, #tpu.memory_space<vmem>>) target(%dma_start3A_95 : memref<10240x128xf32, #tpu.memory_space<vmem_shared>>) offsets(%dma_start3A_92 : memref<128xi32, #tpu.memory_space<vmem>>) semaphore(%run_scoped3A_89 : memref<!tpu.dma_semaphore, #tpu.memory_space<semaphore_mem>>) {add = true}
        %dma_wait3A_96 = arith.constant 0 : i32
        %dma_wait3A_97 = tpu.memref_slice %arg5[%run_scoped3A_58, %dma_wait3A_96] : memref<8x128xi32, #tpu.memory_space<vmem>> -> memref<1x128xi32, #tpu.memory_space<vmem>>
        %dma_wait3A_98 = tpu.memref_squeeze %dma_wait3A_97 : memref<1x128xi32, #tpu.memory_space<vmem>> -> memref<128xi32, #tpu.memory_space<vmem>>
        %dma_wait3A_99 = arith.constant 0 : i32
        %dma_wait3A_100 = arith.constant 0 : i32
        %dma_wait3A_101 = tpu.memref_slice %arg8[%dma_wait3A_99, %dma_wait3A_100] : memref<10240x128xf32, #tpu.memory_space<vmem_shared>> -> memref<10240x128xf32, #tpu.memory_space<vmem_shared>>
        tpu.wait_indirect_dma semaphore(%run_scoped3A_89 : memref<!tpu.dma_semaphore, #tpu.memory_space<semaphore_mem>>) src(%arg6 : memref<128x128xf32, #tpu.memory_space<vmem>>) dst(%dma_wait3A_101 : memref<10240x128xf32, #tpu.memory_space<vmem_shared>>)
        tpu.yield
      }) : () -> ()
      %dma_start3A_59 = arith.constant 4 : i32
      %dma_start3A_60 = arith.constant 0 : i32
      %dma_start3A_61 = tpu.memref_slice %arg5[%dma_start3A_59, %dma_start3A_60] : memref<8x128xi32, #tpu.memory_space<vmem>> -> memref<1x128xi32, #tpu.memory_space<vmem>>
      %dma_start3A_62 = tpu.memref_squeeze %dma_start3A_61 : memref<1x128xi32, #tpu.memory_space<vmem>> -> memref<128xi32, #tpu.memory_space<vmem>>
      %dma_start3A_63 = arith.constant 0 : i32
      %dma_start3A_64 = arith.constant 0 : i32
      %dma_start3A_65 = tpu.memref_slice %arg2[%dma_start3A_63, %dma_start3A_64] : memref<10000x128xf32, #tpu.memory_space<hbm>> -> memref<10000x128xf32, #tpu.memory_space<hbm>>
      tpu.enqueue_indirect_dma source(%dma_start3A_65 : memref<10000x128xf32, #tpu.memory_space<hbm>>) target(%arg6 : memref<128x128xf32, #tpu.memory_space<vmem>>) offsets(%dma_start3A_62 : memref<128xi32, #tpu.memory_space<vmem>>) semaphore(%arg9 : memref<!tpu.dma_semaphore, #tpu.memory_space<semaphore_mem>>)
      %dma_wait3A_66 = arith.constant 4 : i32
      %dma_wait3A_67 = arith.constant 0 : i32
      %dma_wait3A_68 = tpu.memref_slice %arg5[%dma_wait3A_66, %dma_wait3A_67] : memref<8x128xi32, #tpu.memory_space<vmem>> -> memref<1x128xi32, #tpu.memory_space<vmem>>
      %dma_wait3A_69 = tpu.memref_squeeze %dma_wait3A_68 : memref<1x128xi32, #tpu.memory_space<vmem>> -> memref<128xi32, #tpu.memory_space<vmem>>
      %dma_wait3A_70 = arith.constant 0 : i32
      %dma_wait3A_71 = arith.constant 0 : i32
      %dma_wait3A_72 = tpu.memref_slice %arg2[%dma_wait3A_70, %dma_wait3A_71] : memref<10000x128xf32, #tpu.memory_space<hbm>> -> memref<10000x128xf32, #tpu.memory_space<hbm>>
      tpu.wait_indirect_dma semaphore(%arg9 : memref<!tpu.dma_semaphore, #tpu.memory_space<semaphore_mem>>) src(%dma_wait3A_72 : memref<10000x128xf32, #tpu.memory_space<hbm>>) dst(%arg6 : memref<128x128xf32, #tpu.memory_space<vmem>>)
      %run_scoped3A_73 = arith.constant 5 : i32
      "tpu.region"() ({
        %run_scoped3A_89 = tpu.sem_alloc : memref<!tpu.dma_semaphore, #tpu.memory_space<semaphore_mem>>
        %dma_start3A_90 = arith.constant 0 : i32
        %dma_start3A_91 = tpu.memref_slice %arg5[%run_scoped3A_73, %dma_start3A_90] : memref<8x128xi32, #tpu.memory_space<vmem>> -> memref<1x128xi32, #tpu.memory_space<vmem>>
        %dma_start3A_92 = tpu.memref_squeeze %dma_start3A_91 : memref<1x128xi32, #tpu.memory_space<vmem>> -> memref<128xi32, #tpu.memory_space<vmem>>
        %dma_start3A_93 = arith.constant 0 : i32
        %dma_start3A_94 = arith.constant 0 : i32
        %dma_start3A_95 = tpu.memref_slice %arg8[%dma_start3A_93, %dma_start3A_94] : memref<10240x128xf32, #tpu.memory_space<vmem_shared>> -> memref<10240x128xf32, #tpu.memory_space<vmem_shared>>
        tpu.enqueue_indirect_dma source(%arg6 : memref<128x128xf32, #tpu.memory_space<vmem>>) target(%dma_start3A_95 : memref<10240x128xf32, #tpu.memory_space<vmem_shared>>) offsets(%dma_start3A_92 : memref<128xi32, #tpu.memory_space<vmem>>) semaphore(%run_scoped3A_89 : memref<!tpu.dma_semaphore, #tpu.memory_space<semaphore_mem>>) {add = true}
        %dma_wait3A_96 = arith.constant 0 : i32
        %dma_wait3A_97 = tpu.memref_slice %arg5[%run_scoped3A_73, %dma_wait3A_96] : memref<8x128xi32, #tpu.memory_space<vmem>> -> memref<1x128xi32, #tpu.memory_space<vmem>>
        %dma_wait3A_98 = tpu.memref_squeeze %dma_wait3A_97 : memref<1x128xi32, #tpu.memory_space<vmem>> -> memref<128xi32, #tpu.memory_space<vmem>>
        %dma_wait3A_99 = arith.constant 0 : i32
        %dma_wait3A_100 = arith.constant 0 : i32
        %dma_wait3A_101 = tpu.memref_slice %arg8[%dma_wait3A_99, %dma_wait3A_100] : memref<10240x128xf32, #tpu.memory_space<vmem_shared>> -> memref<10240x128xf32, #tpu.memory_space<vmem_shared>>
        tpu.wait_indirect_dma semaphore(%run_scoped3A_89 : memref<!tpu.dma_semaphore, #tpu.memory_space<semaphore_mem>>) src(%arg6 : memref<128x128xf32, #tpu.memory_space<vmem>>) dst(%dma_wait3A_101 : memref<10240x128xf32, #tpu.memory_space<vmem_shared>>)
        tpu.yield
      }) : () -> ()
      %dma_start3A_74 = arith.constant 6 : i32
      %dma_start3A_75 = arith.constant 0 : i32
      %dma_start3A_76 = tpu.memref_slice %arg5[%dma_start3A_74, %dma_start3A_75] : memref<8x128xi32, #tpu.memory_space<vmem>> -> memref<1x128xi32, #tpu.memory_space<vmem>>
      %dma_start3A_77 = tpu.memref_squeeze %dma_start3A_76 : memref<1x128xi32, #tpu.memory_space<vmem>> -> memref<128xi32, #tpu.memory_space<vmem>>
      %dma_start3A_78 = arith.constant 0 : i32
      %dma_start3A_79 = arith.constant 0 : i32
      %dma_start3A_80 = tpu.memref_slice %arg2[%dma_start3A_78, %dma_start3A_79] : memref<10000x128xf32, #tpu.memory_space<hbm>> -> memref<10000x128xf32, #tpu.memory_space<hbm>>
      tpu.enqueue_indirect_dma source(%dma_start3A_80 : memref<10000x128xf32, #tpu.memory_space<hbm>>) target(%arg6 : memref<128x128xf32, #tpu.memory_space<vmem>>) offsets(%dma_start3A_77 : memref<128xi32, #tpu.memory_space<vmem>>) semaphore(%arg9 : memref<!tpu.dma_semaphore, #tpu.memory_space<semaphore_mem>>)
      %dma_wait3A_81 = arith.constant 6 : i32
      %dma_wait3A_82 = arith.constant 0 : i32
      %dma_wait3A_83 = tpu.memref_slice %arg5[%dma_wait3A_81, %dma_wait3A_82] : memref<8x128xi32, #tpu.memory_space<vmem>> -> memref<1x128xi32, #tpu.memory_space<vmem>>
      %dma_wait3A_84 = tpu.memref_squeeze %dma_wait3A_83 : memref<1x128xi32, #tpu.memory_space<vmem>> -> memref<128xi32, #tpu.memory_space<vmem>>
      %dma_wait3A_85 = arith.constant 0 : i32
      %dma_wait3A_86 = arith.constant 0 : i32
      %dma_wait3A_87 = tpu.memref_slice %arg2[%dma_wait3A_85, %dma_wait3A_86] : memref<10000x128xf32, #tpu.memory_space<hbm>> -> memref<10000x128xf32, #tpu.memory_space<hbm>>
      tpu.wait_indirect_dma semaphore(%arg9 : memref<!tpu.dma_semaphore, #tpu.memory_space<semaphore_mem>>) src(%dma_wait3A_87 : memref<10000x128xf32, #tpu.memory_space<hbm>>) dst(%arg6 : memref<128x128xf32, #tpu.memory_space<vmem>>)
      %run_scoped3A_88 = arith.constant 7 : i32
      "tpu.region"() ({
        %run_scoped3A_89 = tpu.sem_alloc : memref<!tpu.dma_semaphore, #tpu.memory_space<semaphore_mem>>
        %dma_start3A_90 = arith.constant 0 : i32
        %dma_start3A_91 = tpu.memref_slice %arg5[%run_scoped3A_88, %dma_start3A_90] : memref<8x128xi32, #tpu.memory_space<vmem>> -> memref<1x128xi32, #tpu.memory_space<vmem>>
        %dma_start3A_92 = tpu.memref_squeeze %dma_start3A_91 : memref<1x128xi32, #tpu.memory_space<vmem>> -> memref<128xi32, #tpu.memory_space<vmem>>
        %dma_start3A_93 = arith.constant 0 : i32
        %dma_start3A_94 = arith.constant 0 : i32
        %dma_start3A_95 = tpu.memref_slice %arg8[%dma_start3A_93, %dma_start3A_94] : memref<10240x128xf32, #tpu.memory_space<vmem_shared>> -> memref<10240x128xf32, #tpu.memory_space<vmem_shared>>
        tpu.enqueue_indirect_dma source(%arg6 : memref<128x128xf32, #tpu.memory_space<vmem>>) target(%dma_start3A_95 : memref<10240x128xf32, #tpu.memory_space<vmem_shared>>) offsets(%dma_start3A_92 : memref<128xi32, #tpu.memory_space<vmem>>) semaphore(%run_scoped3A_89 : memref<!tpu.dma_semaphore, #tpu.memory_space<semaphore_mem>>) {add = true}
        %dma_wait3A_96 = arith.constant 0 : i32
        %dma_wait3A_97 = tpu.memref_slice %arg5[%run_scoped3A_88, %dma_wait3A_96] : memref<8x128xi32, #tpu.memory_space<vmem>> -> memref<1x128xi32, #tpu.memory_space<vmem>>
        %dma_wait3A_98 = tpu.memref_squeeze %dma_wait3A_97 : memref<1x128xi32, #tpu.memory_space<vmem>> -> memref<128xi32, #tpu.memory_space<vmem>>
        %dma_wait3A_99 = arith.constant 0 : i32
        %dma_wait3A_100 = arith.constant 0 : i32
        %dma_wait3A_101 = tpu.memref_slice %arg8[%dma_wait3A_99, %dma_wait3A_100] : memref<10240x128xf32, #tpu.memory_space<vmem_shared>> -> memref<10240x128xf32, #tpu.memory_space<vmem_shared>>
        tpu.wait_indirect_dma semaphore(%run_scoped3A_89 : memref<!tpu.dma_semaphore, #tpu.memory_space<semaphore_mem>>) src(%arg6 : memref<128x128xf32, #tpu.memory_space<vmem>>) dst(%dma_wait3A_101 : memref<10240x128xf32, #tpu.memory_space<vmem_shared>>)
        tpu.yield
      }) : () -> ()
    }
    %barrier3A_28 = arith.constant 0 : index
    tpu.barrier barrier_id(%barrier3A_28)
    "tpu.region"() ({
      %run_scoped3A = tpu.sem_alloc : memref<!tpu.dma_semaphore, #tpu.memory_space<semaphore_mem>>
      %dma_start3A = arith.constant 0 : i32
      %dma_start3A_29 = tpu.memref_slice %arg4[%arg0, %mul3A_7, %dma_start3A] : memref<2x10240x128xf32, #tpu.memory_space<hbm>> -> memref<1x640x128xf32, #tpu.memory_space<hbm>>
      %dma_start3A_30 = tpu.memref_squeeze %dma_start3A_29 : memref<1x640x128xf32, #tpu.memory_space<hbm>> -> memref<640x128xf32, #tpu.memory_space<hbm>>
      %dma_start3A_31 = arith.constant 0 : i32
      %dma_start3A_32 = tpu.memref_slice %arg8[%mul3A_7, %dma_start3A_31] : memref<10240x128xf32, #tpu.memory_space<vmem_shared>> -> memref<640x128xf32, #tpu.memory_space<vmem_shared>>
      tpu.enqueue_dma source(%dma_start3A_32 : memref<640x128xf32, #tpu.memory_space<vmem_shared>>) target(%dma_start3A_30 : memref<640x128xf32, #tpu.memory_space<hbm>>) target_semaphore(%run_scoped3A : memref<!tpu.dma_semaphore, #tpu.memory_space<semaphore_mem>>)
      %dma_wait3A = arith.constant 0 : i32
      %dma_wait3A_33 = tpu.memref_slice %arg4[%arg0, %mul3A_7, %dma_wait3A] : memref<2x10240x128xf32, #tpu.memory_space<hbm>> -> memref<1x640x128xf32, #tpu.memory_space<hbm>>
      %dma_wait3A_34 = tpu.memref_squeeze %dma_wait3A_33 : memref<1x640x128xf32, #tpu.memory_space<hbm>> -> memref<640x128xf32, #tpu.memory_space<hbm>>
      %dma_wait3A_35 = arith.constant 0 : i32
      %dma_wait3A_36 = tpu.memref_slice %arg8[%mul3A_7, %dma_wait3A_35] : memref<10240x128xf32, #tpu.memory_space<vmem_shared>> -> memref<640x128xf32, #tpu.memory_space<vmem_shared>>
      tpu.wait_dma2 semaphore(%run_scoped3A : memref<!tpu.dma_semaphore, #tpu.memory_space<semaphore_mem>>) src(%dma_wait3A_36 : memref<640x128xf32, #tpu.memory_space<vmem_shared>>) dst(%dma_wait3A_34 : memref<640x128xf32, #tpu.memory_space<hbm>>)
      tpu.yield
    }) : () -> ()
    return
  }
}

#map = affine_map<(d0, d1) -> (0, 0)>
#map1 = affine_map<(d0, d1) -> (0, 0, 0)>
module attributes {stable_mosaic.version = 14 : i64} {
  func.func @agg(%arg0: i32, %arg1: i32, %arg2: memref<10000x128xf32, #tpu.memory_space<hbm>>, %arg3: memref<625x8x128xi32, #tpu.memory_space<hbm>>, %arg4: memref<2x10240x128xf32, #tpu.memory_space<hbm>>, %arg5: memref<8x128xi32, #tpu.memory_space<vmem>>, %arg6: memref<128x128xf32, #tpu.memory_space<vmem>>, %arg7: memref<64x128xf32, #tpu.memory_space<vmem>>, %arg8: memref<10240x128xf32, #tpu.memory_space<vmem_shared>>, %arg9: memref<!tpu.dma_semaphore, #tpu.memory_space<semaphore_mem>>) attributes {dimension_semantics = [#tpu.dimension_semantics<core_parallel>, #tpu.dimension_semantics<subcore_parallel>], iteration_bounds = array<i64: 2, 16>, scalar_prefetch = 0 : i64, scratch_operands = 5 : i64, tpu.core_type = #tpu.core_type<sc_vector_subcore>, window_params = [{transform_indices = #map}, {transform_indices = #map1}, {transform_indices = #map1}]} {
    %mul3A = arith.constant 2 : i32
    %mul3A_0 = arith.muli %arg1, %mul3A : i32
    %add3A = arith.addi %mul3A_0, %arg0 : i32
    %broadcast_in_dim3A = arith.constant 0.000000e+00 : f32
    %broadcast_in_dim3A_1 = vector.broadcast %broadcast_in_dim3A : f32 to vector<16xf32>
    %scan3A = arith.constant 0 : i32
    %scan3A_2 = arith.constant 64 : i32
    %scan3A_3 = arith.addi %scan3A, %scan3A_2 : i32
    %scan3A_4 = arith.constant 1 : i32
    scf.for %scan3A_29 = %scan3A to %scan3A_3 step %scan3A_4  : i32 {
      %mul3A_30 = arith.constant 1 : i32
      %mul3A_31 = arith.muli %scan3A_29, %mul3A_30 : i32
      %add3A_32 = arith.constant 0 : i32
      %add3A_33 = arith.addi %add3A_32, %mul3A_31 : i32
      %scan3A_34 = arith.constant 0 : i32
      %scan3A_35 = arith.constant 8 : i32
      %scan3A_36 = arith.addi %scan3A_34, %scan3A_35 : i32
      %scan3A_37 = arith.constant 1 : i32
      scf.for %scan3A_39 = %scan3A_34 to %scan3A_36 step %scan3A_37  : i32 {
        %mul3A_40 = arith.constant 16 : i32
        %mul3A_41 = arith.muli %scan3A_39, %mul3A_40 : i32
        %add3A_42 = arith.constant 0 : i32
        %add3A_43 = arith.addi %add3A_42, %mul3A_41 : i32
        %swap3A = arith.index_cast %add3A_33 : i32 to index
        %swap3A_44 = arith.index_cast %add3A_43 : i32 to index
        %swap3A_45 = tpu.vector_load %arg7[%swap3A, %swap3A_44] {strides = array<i32>} : memref<64x128xf32, #tpu.memory_space<vmem>>, vector<1x16xf32>,
        %swap3A_46 = vector.shape_cast %swap3A_45 : vector<1x16xf32> to vector<16xf32>
        %swap3A_47 = vector.shape_cast %broadcast_in_dim3A_1 : vector<16xf32> to vector<1x16xf32>
        tpu.vector_store %arg7[%swap3A, %swap3A_44], %swap3A_47 {strides = array<i32>} : memref<64x128xf32, #tpu.memory_space<vmem>>, vector<1x16xf32>,
      }
      %scan3A_38 = arith.constant 8 : i32
    }
    %scan3A_5 = arith.constant 64 : i32
    %mul3A_6 = arith.constant 640 : i32
    %mul3A_7 = arith.muli %arg1, %mul3A_6 : i32
    %scan3A_8 = arith.constant 0 : i32
    %scan3A_9 = arith.constant 10 : i32
    %scan3A_10 = arith.addi %scan3A_8, %scan3A_9 : i32
    %scan3A_11 = arith.constant 1 : i32
    scf.for %scan3A_29 = %scan3A_8 to %scan3A_10 step %scan3A_11  : i32 {
      %mul3A_30 = arith.constant 64 : i32
      %mul3A_31 = arith.muli %scan3A_29, %mul3A_30 : i32
      %add3A_32 = arith.constant 0 : i32
      %add3A_33 = arith.addi %add3A_32, %mul3A_31 : i32
      %add3A_34 = arith.addi %mul3A_7, %add3A_33 : i32
      "tpu.region"() ({
        %run_scoped3A = tpu.sem_alloc : memref<!tpu.dma_semaphore, #tpu.memory_space<semaphore_mem>>
        %dma_start3A = arith.constant 0 : i32
        %dma_start3A_35 = tpu.memref_slice %arg8[%add3A_34, %dma_start3A] : memref<10240x128xf32, #tpu.memory_space<vmem_shared>> -> memref<64x128xf32, #tpu.memory_space<vmem_shared>>
        %dma_start3A_36 = arith.constant 0 : i32
        %dma_start3A_37 = tpu.memref_slice %arg8[%add3A_34, %dma_start3A_36] : memref<10240x128xf32, #tpu.memory_space<vmem_shared>> -> memref<64x128xf32, #tpu.memory_space<vmem_shared>>
        tpu.enqueue_dma source(%arg7 : memref<64x128xf32, #tpu.memory_space<vmem>>) target(%dma_start3A_37 : memref<64x128xf32, #tpu.memory_space<vmem_shared>>) target_semaphore(%run_scoped3A : memref<!tpu.dma_semaphore, #tpu.memory_space<semaphore_mem>>)
        %dma_wait3A = arith.constant 0 : i32
        %dma_wait3A_38 = tpu.memref_slice %arg8[%add3A_34, %dma_wait3A] : memref<10240x128xf32, #tpu.memory_space<vmem_shared>> -> memref<64x128xf32, #tpu.memory_space<vmem_shared>>
        %dma_wait3A_39 = arith.constant 0 : i32
        %dma_wait3A_40 = tpu.memref_slice %arg8[%add3A_34, %dma_wait3A_39] : memref<10240x128xf32, #tpu.memory_space<vmem_shared>> -> memref<64x128xf32, #tpu.memory_space<vmem_shared>>
        tpu.wait_dma2 semaphore(%run_scoped3A : memref<!tpu.dma_semaphore, #tpu.memory_space<semaphore_mem>>) src(%arg7 : memref<64x128xf32, #tpu.memory_space<vmem>>) dst(%dma_wait3A_40 : memref<64x128xf32, #tpu.memory_space<vmem_shared>>)
        tpu.yield
      }) : () -> ()
    }
    %scan3A_12 = arith.constant 10 : i32
    %barrier3A = arith.constant 0 : index
    tpu.barrier barrier_id(%barrier3A)
    %sub3A = arith.constant 625 : i32
    %sub3A_13 = arith.subi %sub3A, %add3A : i32
    %sub3A_14 = arith.constant 32 : i32
    %sub3A_15 = arith.constant 1 : i32
    %sub3A_16 = arith.subi %sub3A_14, %sub3A_15 : i32
    %add3A_17 = arith.addi %sub3A_13, %sub3A_16 : i32
    %div3A = arith.constant 32 : i32
    %div3A_18 = arith.divsi %add3A_17, %div3A : i32
    %while3A = arith.constant 32 : i32
    %while3A_19 = arith.constant 0 : i32
    %while3A_20 = arith.subi %div3A_18, %while3A_19 : i32
    %while3A_21 = arith.addi %while3A_19, %while3A_20 : i32
    %while3A_22 = arith.constant 1 : i32
    %while3A_23 = arith.divsi %while3A_20, %while3A_22 : i32
    %while3A_24 = arith.muli %while3A_23, %while3A_22 : i32
    %while3A_25 = arith.addi %while3A_19, %while3A_24 : i32
    %while3A_26 = arith.constant 1 : i32
    scf.for %while3A_29 = %while3A_19 to %while3A_25 step %while3A_26  : i32 {
      %mul3A_30 = arith.muli %while3A_29, %while3A : i32
      %add3A_31 = arith.addi %add3A, %mul3A_30 : i32
      "tpu.region"() ({
        %run_scoped3A_89 = tpu.sem_alloc : memref<!tpu.dma_semaphore, #tpu.memory_space<semaphore_mem>>
        %dma_start3A_90 = arith.constant 0 : i32
        %dma_start3A_91 = arith.constant 0 : i32
        %dma_start3A_92 = tpu.memref_slice %arg3[%add3A_31, %dma_start3A_90, %dma_start3A_91] : memref<625x8x128xi32, #tpu.memory_space<hbm>> -> memref<1x8x128xi32, #tpu.memory_space<hbm>>
        %dma_start3A_93 = tpu.memref_squeeze %dma_start3A_92 : memref<1x8x128xi32, #tpu.memory_space<hbm>> -> memref<8x128xi32, #tpu.memory_space<hbm>>
        %dma_start3A_94 = arith.constant 0 : i32
        %dma_start3A_95 = arith.constant 0 : i32
        %dma_start3A_96 = tpu.memref_slice %arg3[%add3A_31, %dma_start3A_94, %dma_start3A_95] : memref<625x8x128xi32, #tpu.memory_space<hbm>> -> memref<1x8x128xi32, #tpu.memory_space<hbm>>
        %dma_start3A_97 = tpu.memref_squeeze %dma_start3A_96 : memref<1x8x128xi32, #tpu.memory_space<hbm>> -> memref<8x128xi32, #tpu.memory_space<hbm>>
        tpu.enqueue_dma source(%dma_start3A_97 : memref<8x128xi32, #tpu.memory_space<hbm>>) target(%arg5 : memref<8x128xi32, #tpu.memory_space<vmem>>) target_semaphore(%run_scoped3A_89 : memref<!tpu.dma_semaphore, #tpu.memory_space<semaphore_mem>>)
        %dma_wait3A_98 = arith.constant 0 : i32
        %dma_wait3A_99 = arith.constant 0 : i32
        %dma_wait3A_100 = tpu.memref_slice %arg3[%add3A_31, %dma_wait3A_98, %dma_wait3A_99] : memref<625x8x128xi32, #tpu.memory_space<hbm>> -> memref<1x8x128xi32, #tpu.memory_space<hbm>>
        %dma_wait3A_101 = tpu.memref_squeeze %dma_wait3A_100 : memref<1x8x128xi32, #tpu.memory_space<hbm>> -> memref<8x128xi32, #tpu.memory_space<hbm>>
        %dma_wait3A_102 = arith.constant 0 : i32
        %dma_wait3A_103 = arith.constant 0 : i32
        %dma_wait3A_104 = tpu.memref_slice %arg3[%add3A_31, %dma_wait3A_102, %dma_wait3A_103] : memref<625x8x128xi32, #tpu.memory_space<hbm>> -> memref<1x8x128xi32, #tpu.memory_space<hbm>>
        %dma_wait3A_105 = tpu.memref_squeeze %dma_wait3A_104 : memref<1x8x128xi32, #tpu.memory_space<hbm>> -> memref<8x128xi32, #tpu.memory_space<hbm>>
        tpu.wait_dma2 semaphore(%run_scoped3A_89 : memref<!tpu.dma_semaphore, #tpu.memory_space<semaphore_mem>>) src(%dma_wait3A_105 : memref<8x128xi32, #tpu.memory_space<hbm>>) dst(%arg5 : memref<8x128xi32, #tpu.memory_space<vmem>>)
        tpu.yield
      }) : () -> ()
      %dma_start3A = arith.constant 0 : i32
      %dma_start3A_32 = arith.constant 0 : i32
      %dma_start3A_33 = tpu.memref_slice %arg5[%dma_start3A, %dma_start3A_32] : memref<8x128xi32, #tpu.memory_space<vmem>> -> memref<1x128xi32, #tpu.memory_space<vmem>>
      %dma_start3A_34 = tpu.memref_squeeze %dma_start3A_33 : memref<1x128xi32, #tpu.memory_space<vmem>> -> memref<128xi32, #tpu.memory_space<vmem>>
      %dma_start3A_35 = arith.constant 0 : i32
      %dma_start3A_36 = arith.constant 0 : i32
      %dma_start3A_37 = tpu.memref_slice %arg2[%dma_start3A_35, %dma_start3A_36] : memref<10000x128xf32, #tpu.memory_space<hbm>> -> memref<10000x128xf32, #tpu.memory_space<hbm>>
      tpu.enqueue_indirect_dma source(%dma_start3A_37 : memref<10000x128xf32, #tpu.memory_space<hbm>>) target(%arg6 : memref<128x128xf32, #tpu.memory_space<vmem>>) offsets(%dma_start3A_34 : memref<128xi32, #tpu.memory_space<vmem>>) semaphore(%arg9 : memref<!tpu.dma_semaphore, #tpu.memory_space<semaphore_mem>>)
      %dma_wait3A = arith.constant 0 : i32
      %dma_wait3A_38 = arith.constant 0 : i32
      %dma_wait3A_39 = tpu.memref_slice %arg5[%dma_wait3A, %dma_wait3A_38] : memref<8x128xi32, #tpu.memory_space<vmem>> -> memref<1x128xi32, #tpu.memory_space<vmem>>
      %dma_wait3A_40 = tpu.memref_squeeze %dma_wait3A_39 : memref<1x128xi32, #tpu.memory_space<vmem>> -> memref<128xi32, #tpu.memory_space<vmem>>
      %dma_wait3A_41 = arith.constant 0 : i32
      %dma_wait3A_42 = arith.constant 0 : i32
      %dma_wait3A_43 = tpu.memref_slice %arg2[%dma_wait3A_41, %dma_wait3A_42] : memref<10000x128xf32, #tpu.memory_space<hbm>> -> memref<10000x128xf32, #tpu.memory_space<hbm>>
      tpu.wait_indirect_dma semaphore(%arg9 : memref<!tpu.dma_semaphore, #tpu.memory_space<semaphore_mem>>) src(%dma_wait3A_43 : memref<10000x128xf32, #tpu.memory_space<hbm>>) dst(%arg6 : memref<128x128xf32, #tpu.memory_space<vmem>>)
      %run_scoped3A = arith.constant 1 : i32
      "tpu.region"() ({
        %run_scoped3A_89 = tpu.sem_alloc : memref<!tpu.dma_semaphore, #tpu.memory_space<semaphore_mem>>
        %dma_start3A_90 = arith.constant 0 : i32
        %dma_start3A_91 = tpu.memref_slice %arg5[%run_scoped3A, %dma_start3A_90] : memref<8x128xi32, #tpu.memory_space<vmem>> -> memref<1x128xi32, #tpu.memory_space<vmem>>
        %dma_start3A_92 = tpu.memref_squeeze %dma_start3A_91 : memref<1x128xi32, #tpu.memory_space<vmem>> -> memref<128xi32, #tpu.memory_space<vmem>>
        %dma_start3A_93 = arith.constant 0 : i32
        %dma_start3A_94 = arith.constant 0 : i32
        %dma_start3A_95 = tpu.memref_slice %arg8[%dma_start3A_93, %dma_start3A_94] : memref<10240x128xf32, #tpu.memory_space<vmem_shared>> -> memref<10240x128xf32, #tpu.memory_space<vmem_shared>>
        tpu.enqueue_indirect_dma source(%arg6 : memref<128x128xf32, #tpu.memory_space<vmem>>) target(%dma_start3A_95 : memref<10240x128xf32, #tpu.memory_space<vmem_shared>>) offsets(%dma_start3A_92 : memref<128xi32, #tpu.memory_space<vmem>>) semaphore(%run_scoped3A_89 : memref<!tpu.dma_semaphore, #tpu.memory_space<semaphore_mem>>) {add = true}
        %dma_wait3A_96 = arith.constant 0 : i32
        %dma_wait3A_97 = tpu.memref_slice %arg5[%run_scoped3A, %dma_wait3A_96] : memref<8x128xi32, #tpu.memory_space<vmem>> -> memref<1x128xi32, #tpu.memory_space<vmem>>
        %dma_wait3A_98 = tpu.memref_squeeze %dma_wait3A_97 : memref<1x128xi32, #tpu.memory_space<vmem>> -> memref<128xi32, #tpu.memory_space<vmem>>
        %dma_wait3A_99 = arith.constant 0 : i32
        %dma_wait3A_100 = arith.constant 0 : i32
        %dma_wait3A_101 = tpu.memref_slice %arg8[%dma_wait3A_99, %dma_wait3A_100] : memref<10240x128xf32, #tpu.memory_space<vmem_shared>> -> memref<10240x128xf32, #tpu.memory_space<vmem_shared>>
        tpu.wait_indirect_dma semaphore(%run_scoped3A_89 : memref<!tpu.dma_semaphore, #tpu.memory_space<semaphore_mem>>) src(%arg6 : memref<128x128xf32, #tpu.memory_space<vmem>>) dst(%dma_wait3A_101 : memref<10240x128xf32, #tpu.memory_space<vmem_shared>>)
        tpu.yield
      }) : () -> ()
      %dma_start3A_44 = arith.constant 2 : i32
      %dma_start3A_45 = arith.constant 0 : i32
      %dma_start3A_46 = tpu.memref_slice %arg5[%dma_start3A_44, %dma_start3A_45] : memref<8x128xi32, #tpu.memory_space<vmem>> -> memref<1x128xi32, #tpu.memory_space<vmem>>
      %dma_start3A_47 = tpu.memref_squeeze %dma_start3A_46 : memref<1x128xi32, #tpu.memory_space<vmem>> -> memref<128xi32, #tpu.memory_space<vmem>>
      %dma_start3A_48 = arith.constant 0 : i32
      %dma_start3A_49 = arith.constant 0 : i32
      %dma_start3A_50 = tpu.memref_slice %arg2[%dma_start3A_48, %dma_start3A_49] : memref<10000x128xf32, #tpu.memory_space<hbm>> -> memref<10000x128xf32, #tpu.memory_space<hbm>>
      tpu.enqueue_indirect_dma source(%dma_start3A_50 : memref<10000x128xf32, #tpu.memory_space<hbm>>) target(%arg6 : memref<128x128xf32, #tpu.memory_space<vmem>>) offsets(%dma_start3A_47 : memref<128xi32, #tpu.memory_space<vmem>>) semaphore(%arg9 : memref<!tpu.dma_semaphore, #tpu.memory_space<semaphore_mem>>)
      %dma_wait3A_51 = arith.constant 2 : i32
      %dma_wait3A_52 = arith.constant 0 : i32
      %dma_wait3A_53 = tpu.memref_slice %arg5[%dma_wait3A_51, %dma_wait3A_52] : memref<8x128xi32, #tpu.memory_space<vmem>> -> memref<1x128xi32, #tpu.memory_space<vmem>>
      %dma_wait3A_54 = tpu.memref_squeeze %dma_wait3A_53 : memref<1x128xi32, #tpu.memory_space<vmem>> -> memref<128xi32, #tpu.memory_space<vmem>>
      %dma_wait3A_55 = arith.constant 0 : i32
      %dma_wait3A_56 = arith.constant 0 : i32
      %dma_wait3A_57 = tpu.memref_slice %arg2[%dma_wait3A_55, %dma_wait3A_56] : memref<10000x128xf32, #tpu.memory_space<hbm>> -> memref<10000x128xf32, #tpu.memory_space<hbm>>
      tpu.wait_indirect_dma semaphore(%arg9 : memref<!tpu.dma_semaphore, #tpu.memory_space<semaphore_mem>>) src(%dma_wait3A_57 : memref<10000x128xf32, #tpu.memory_space<hbm>>) dst(%arg6 : memref<128x128xf32, #tpu.memory_space<vmem>>)
      %run_scoped3A_58 = arith.constant 3 : i32
      "tpu.region"() ({
        %run_scoped3A_89 = tpu.sem_alloc : memref<!tpu.dma_semaphore, #tpu.memory_space<semaphore_mem>>
        %dma_start3A_90 = arith.constant 0 : i32
        %dma_start3A_91 = tpu.memref_slice %arg5[%run_scoped3A_58, %dma_start3A_90] : memref<8x128xi32, #tpu.memory_space<vmem>> -> memref<1x128xi32, #tpu.memory_space<vmem>>
        %dma_start3A_92 = tpu.memref_squeeze %dma_start3A_91 : memref<1x128xi32, #tpu.memory_space<vmem>> -> memref<128xi32, #tpu.memory_space<vmem>>
        %dma_start3A_93 = arith.constant 0 : i32
        %dma_start3A_94 = arith.constant 0 : i32
        %dma_start3A_95 = tpu.memref_slice %arg8[%dma_start3A_93, %dma_start3A_94] : memref<10240x128xf32, #tpu.memory_space<vmem_shared>> -> memref<10240x128xf32, #tpu.memory_space<vmem_shared>>
        tpu.enqueue_indirect_dma source(%arg6 : memref<128x128xf32, #tpu.memory_space<vmem>>) target(%dma_start3A_95 : memref<10240x128xf32, #tpu.memory_space<vmem_shared>>) offsets(%dma_start3A_92 : memref<128xi32, #tpu.memory_space<vmem>>) semaphore(%run_scoped3A_89 : memref<!tpu.dma_semaphore, #tpu.memory_space<semaphore_mem>>) {add = true}
        %dma_wait3A_96 = arith.constant 0 : i32
        %dma_wait3A_97 = tpu.memref_slice %arg5[%run_scoped3A_58, %dma_wait3A_96] : memref<8x128xi32, #tpu.memory_space<vmem>> -> memref<1x128xi32, #tpu.memory_space<vmem>>
        %dma_wait3A_98 = tpu.memref_squeeze %dma_wait3A_97 : memref<1x128xi32, #tpu.memory_space<vmem>> -> memref<128xi32, #tpu.memory_space<vmem>>
        %dma_wait3A_99 = arith.constant 0 : i32
        %dma_wait3A_100 = arith.constant 0 : i32
        %dma_wait3A_101 = tpu.memref_slice %arg8[%dma_wait3A_99, %dma_wait3A_100] : memref<10240x128xf32, #tpu.memory_space<vmem_shared>> -> memref<10240x128xf32, #tpu.memory_space<vmem_shared>>
        tpu.wait_indirect_dma semaphore(%run_scoped3A_89 : memref<!tpu.dma_semaphore, #tpu.memory_space<semaphore_mem>>) src(%arg6 : memref<128x128xf32, #tpu.memory_space<vmem>>) dst(%dma_wait3A_101 : memref<10240x128xf32, #tpu.memory_space<vmem_shared>>)
        tpu.yield
      }) : () -> ()
      %dma_start3A_59 = arith.constant 4 : i32
      %dma_start3A_60 = arith.constant 0 : i32
      %dma_start3A_61 = tpu.memref_slice %arg5[%dma_start3A_59, %dma_start3A_60] : memref<8x128xi32, #tpu.memory_space<vmem>> -> memref<1x128xi32, #tpu.memory_space<vmem>>
      %dma_start3A_62 = tpu.memref_squeeze %dma_start3A_61 : memref<1x128xi32, #tpu.memory_space<vmem>> -> memref<128xi32, #tpu.memory_space<vmem>>
      %dma_start3A_63 = arith.constant 0 : i32
      %dma_start3A_64 = arith.constant 0 : i32
      %dma_start3A_65 = tpu.memref_slice %arg2[%dma_start3A_63, %dma_start3A_64] : memref<10000x128xf32, #tpu.memory_space<hbm>> -> memref<10000x128xf32, #tpu.memory_space<hbm>>
      tpu.enqueue_indirect_dma source(%dma_start3A_65 : memref<10000x128xf32, #tpu.memory_space<hbm>>) target(%arg6 : memref<128x128xf32, #tpu.memory_space<vmem>>) offsets(%dma_start3A_62 : memref<128xi32, #tpu.memory_space<vmem>>) semaphore(%arg9 : memref<!tpu.dma_semaphore, #tpu.memory_space<semaphore_mem>>)
      %dma_wait3A_66 = arith.constant 4 : i32
      %dma_wait3A_67 = arith.constant 0 : i32
      %dma_wait3A_68 = tpu.memref_slice %arg5[%dma_wait3A_66, %dma_wait3A_67] : memref<8x128xi32, #tpu.memory_space<vmem>> -> memref<1x128xi32, #tpu.memory_space<vmem>>
      %dma_wait3A_69 = tpu.memref_squeeze %dma_wait3A_68 : memref<1x128xi32, #tpu.memory_space<vmem>> -> memref<128xi32, #tpu.memory_space<vmem>>
      %dma_wait3A_70 = arith.constant 0 : i32
      %dma_wait3A_71 = arith.constant 0 : i32
      %dma_wait3A_72 = tpu.memref_slice %arg2[%dma_wait3A_70, %dma_wait3A_71] : memref<10000x128xf32, #tpu.memory_space<hbm>> -> memref<10000x128xf32, #tpu.memory_space<hbm>>
      tpu.wait_indirect_dma semaphore(%arg9 : memref<!tpu.dma_semaphore, #tpu.memory_space<semaphore_mem>>) src(%dma_wait3A_72 : memref<10000x128xf32, #tpu.memory_space<hbm>>) dst(%arg6 : memref<128x128xf32, #tpu.memory_space<vmem>>)
      %run_scoped3A_73 = arith.constant 5 : i32
      "tpu.region"() ({
        %run_scoped3A_89 = tpu.sem_alloc : memref<!tpu.dma_semaphore, #tpu.memory_space<semaphore_mem>>
        %dma_start3A_90 = arith.constant 0 : i32
        %dma_start3A_91 = tpu.memref_slice %arg5[%run_scoped3A_73, %dma_start3A_90] : memref<8x128xi32, #tpu.memory_space<vmem>> -> memref<1x128xi32, #tpu.memory_space<vmem>>
        %dma_start3A_92 = tpu.memref_squeeze %dma_start3A_91 : memref<1x128xi32, #tpu.memory_space<vmem>> -> memref<128xi32, #tpu.memory_space<vmem>>
        %dma_start3A_93 = arith.constant 0 : i32
        %dma_start3A_94 = arith.constant 0 : i32
        %dma_start3A_95 = tpu.memref_slice %arg8[%dma_start3A_93, %dma_start3A_94] : memref<10240x128xf32, #tpu.memory_space<vmem_shared>> -> memref<10240x128xf32, #tpu.memory_space<vmem_shared>>
        tpu.enqueue_indirect_dma source(%arg6 : memref<128x128xf32, #tpu.memory_space<vmem>>) target(%dma_start3A_95 : memref<10240x128xf32, #tpu.memory_space<vmem_shared>>) offsets(%dma_start3A_92 : memref<128xi32, #tpu.memory_space<vmem>>) semaphore(%run_scoped3A_89 : memref<!tpu.dma_semaphore, #tpu.memory_space<semaphore_mem>>) {add = true}
        %dma_wait3A_96 = arith.constant 0 : i32
        %dma_wait3A_97 = tpu.memref_slice %arg5[%run_scoped3A_73, %dma_wait3A_96] : memref<8x128xi32, #tpu.memory_space<vmem>> -> memref<1x128xi32, #tpu.memory_space<vmem>>
        %dma_wait3A_98 = tpu.memref_squeeze %dma_wait3A_97 : memref<1x128xi32, #tpu.memory_space<vmem>> -> memref<128xi32, #tpu.memory_space<vmem>>
        %dma_wait3A_99 = arith.constant 0 : i32
        %dma_wait3A_100 = arith.constant 0 : i32
        %dma_wait3A_101 = tpu.memref_slice %arg8[%dma_wait3A_99, %dma_wait3A_100] : memref<10240x128xf32, #tpu.memory_space<vmem_shared>> -> memref<10240x128xf32, #tpu.memory_space<vmem_shared>>
        tpu.wait_indirect_dma semaphore(%run_scoped3A_89 : memref<!tpu.dma_semaphore, #tpu.memory_space<semaphore_mem>>) src(%arg6 : memref<128x128xf32, #tpu.memory_space<vmem>>) dst(%dma_wait3A_101 : memref<10240x128xf32, #tpu.memory_space<vmem_shared>>)
        tpu.yield
      }) : () -> ()
      %dma_start3A_74 = arith.constant 6 : i32
      %dma_start3A_75 = arith.constant 0 : i32
      %dma_start3A_76 = tpu.memref_slice %arg5[%dma_start3A_74, %dma_start3A_75] : memref<8x128xi32, #tpu.memory_space<vmem>> -> memref<1x128xi32, #tpu.memory_space<vmem>>
      %dma_start3A_77 = tpu.memref_squeeze %dma_start3A_76 : memref<1x128xi32, #tpu.memory_space<vmem>> -> memref<128xi32, #tpu.memory_space<vmem>>
      %dma_start3A_78 = arith.constant 0 : i32
      %dma_start3A_79 = arith.constant 0 : i32
      %dma_start3A_80 = tpu.memref_slice %arg2[%dma_start3A_78, %dma_start3A_79] : memref<10000x128xf32, #tpu.memory_space<hbm>> -> memref<10000x128xf32, #tpu.memory_space<hbm>>
      tpu.enqueue_indirect_dma source(%dma_start3A_80 : memref<10000x128xf32, #tpu.memory_space<hbm>>) target(%arg6 : memref<128x128xf32, #tpu.memory_space<vmem>>) offsets(%dma_start3A_77 : memref<128xi32, #tpu.memory_space<vmem>>) semaphore(%arg9 : memref<!tpu.dma_semaphore, #tpu.memory_space<semaphore_mem>>)
      %dma_wait3A_81 = arith.constant 6 : i32
      %dma_wait3A_82 = arith.constant 0 : i32
      %dma_wait3A_83 = tpu.memref_slice %arg5[%dma_wait3A_81, %dma_wait3A_82] : memref<8x128xi32, #tpu.memory_space<vmem>> -> memref<1x128xi32, #tpu.memory_space<vmem>>
      %dma_wait3A_84 = tpu.memref_squeeze %dma_wait3A_83 : memref<1x128xi32, #tpu.memory_space<vmem>> -> memref<128xi32, #tpu.memory_space<vmem>>
      %dma_wait3A_85 = arith.constant 0 : i32
      %dma_wait3A_86 = arith.constant 0 : i32
      %dma_wait3A_87 = tpu.memref_slice %arg2[%dma_wait3A_85, %dma_wait3A_86] : memref<10000x128xf32, #tpu.memory_space<hbm>> -> memref<10000x128xf32, #tpu.memory_space<hbm>>
      tpu.wait_indirect_dma semaphore(%arg9 : memref<!tpu.dma_semaphore, #tpu.memory_space<semaphore_mem>>) src(%dma_wait3A_87 : memref<10000x128xf32, #tpu.memory_space<hbm>>) dst(%arg6 : memref<128x128xf32, #tpu.memory_space<vmem>>)
      %run_scoped3A_88 = arith.constant 7 : i32
      "tpu.region"() ({
        %run_scoped3A_89 = tpu.sem_alloc : memref<!tpu.dma_semaphore, #tpu.memory_space<semaphore_mem>>
        %dma_start3A_90 = arith.constant 0 : i32
        %dma_start3A_91 = tpu.memref_slice %arg5[%run_scoped3A_88, %dma_start3A_90] : memref<8x128xi32, #tpu.memory_space<vmem>> -> memref<1x128xi32, #tpu.memory_space<vmem>>
        %dma_start3A_92 = tpu.memref_squeeze %dma_start3A_91 : memref<1x128xi32, #tpu.memory_space<vmem>> -> memref<128xi32, #tpu.memory_space<vmem>>
        %dma_start3A_93 = arith.constant 0 : i32
        %dma_start3A_94 = arith.constant 0 : i32
        %dma_start3A_95 = tpu.memref_slice %arg8[%dma_start3A_93, %dma_start3A_94] : memref<10240x128xf32, #tpu.memory_space<vmem_shared>> -> memref<10240x128xf32, #tpu.memory_space<vmem_shared>>
        tpu.enqueue_indirect_dma source(%arg6 : memref<128x128xf32, #tpu.memory_space<vmem>>) target(%dma_start3A_95 : memref<10240x128xf32, #tpu.memory_space<vmem_shared>>) offsets(%dma_start3A_92 : memref<128xi32, #tpu.memory_space<vmem>>) semaphore(%run_scoped3A_89 : memref<!tpu.dma_semaphore, #tpu.memory_space<semaphore_mem>>) {add = true}
        %dma_wait3A_96 = arith.constant 0 : i32
        %dma_wait3A_97 = tpu.memref_slice %arg5[%run_scoped3A_88, %dma_wait3A_96] : memref<8x128xi32, #tpu.memory_space<vmem>> -> memref<1x128xi32, #tpu.memory_space<vmem>>
        %dma_wait3A_98 = tpu.memref_squeeze %dma_wait3A_97 : memref<1x128xi32, #tpu.memory_space<vmem>> -> memref<128xi32, #tpu.memory_space<vmem>>
        %dma_wait3A_99 = arith.constant 0 : i32
        %dma_wait3A_100 = arith.constant 0 : i32
        %dma_wait3A_101 = tpu.memref_slice %arg8[%dma_wait3A_99, %dma_wait3A_100] : memref<10240x128xf32, #tpu.memory_space<vmem_shared>> -> memref<10240x128xf32, #tpu.memory_space<vmem_shared>>
        tpu.wait_indirect_dma semaphore(%run_scoped3A_89 : memref<!tpu.dma_semaphore, #tpu.memory_space<semaphore_mem>>) src(%arg6 : memref<128x128xf32, #tpu.memory_space<vmem>>) dst(%dma_wait3A_101 : memref<10240x128xf32, #tpu.memory_space<vmem_shared>>)
        tpu.yield
      }) : () -> ()
    }
    %while3A_27 = arith.constant 1 : i32
    scf.for %while3A_29 = %while3A_25 to %while3A_21 step %while3A_27  : i32 {
      %mul3A_30 = arith.muli %while3A_29, %while3A : i32
      %add3A_31 = arith.addi %add3A, %mul3A_30 : i32
      "tpu.region"() ({
        %run_scoped3A_89 = tpu.sem_alloc : memref<!tpu.dma_semaphore, #tpu.memory_space<semaphore_mem>>
        %dma_start3A_90 = arith.constant 0 : i32
        %dma_start3A_91 = arith.constant 0 : i32
        %dma_start3A_92 = tpu.memref_slice %arg3[%add3A_31, %dma_start3A_90, %dma_start3A_91] : memref<625x8x128xi32, #tpu.memory_space<hbm>> -> memref<1x8x128xi32, #tpu.memory_space<hbm>>
        %dma_start3A_93 = tpu.memref_squeeze %dma_start3A_92 : memref<1x8x128xi32, #tpu.memory_space<hbm>> -> memref<8x128xi32, #tpu.memory_space<hbm>>
        %dma_start3A_94 = arith.constant 0 : i32
        %dma_start3A_95 = arith.constant 0 : i32
        %dma_start3A_96 = tpu.memref_slice %arg3[%add3A_31, %dma_start3A_94, %dma_start3A_95] : memref<625x8x128xi32, #tpu.memory_space<hbm>> -> memref<1x8x128xi32, #tpu.memory_space<hbm>>
        %dma_start3A_97 = tpu.memref_squeeze %dma_start3A_96 : memref<1x8x128xi32, #tpu.memory_space<hbm>> -> memref<8x128xi32, #tpu.memory_space<hbm>>
        tpu.enqueue_dma source(%dma_start3A_97 : memref<8x128xi32, #tpu.memory_space<hbm>>) target(%arg5 : memref<8x128xi32, #tpu.memory_space<vmem>>) target_semaphore(%run_scoped3A_89 : memref<!tpu.dma_semaphore, #tpu.memory_space<semaphore_mem>>)
        %dma_wait3A_98 = arith.constant 0 : i32
        %dma_wait3A_99 = arith.constant 0 : i32
        %dma_wait3A_100 = tpu.memref_slice %arg3[%add3A_31, %dma_wait3A_98, %dma_wait3A_99] : memref<625x8x128xi32, #tpu.memory_space<hbm>> -> memref<1x8x128xi32, #tpu.memory_space<hbm>>
        %dma_wait3A_101 = tpu.memref_squeeze %dma_wait3A_100 : memref<1x8x128xi32, #tpu.memory_space<hbm>> -> memref<8x128xi32, #tpu.memory_space<hbm>>
        %dma_wait3A_102 = arith.constant 0 : i32
        %dma_wait3A_103 = arith.constant 0 : i32
        %dma_wait3A_104 = tpu.memref_slice %arg3[%add3A_31, %dma_wait3A_102, %dma_wait3A_103] : memref<625x8x128xi32, #tpu.memory_space<hbm>> -> memref<1x8x128xi32, #tpu.memory_space<hbm>>
        %dma_wait3A_105 = tpu.memref_squeeze %dma_wait3A_104 : memref<1x8x128xi32, #tpu.memory_space<hbm>> -> memref<8x128xi32, #tpu.memory_space<hbm>>
        tpu.wait_dma2 semaphore(%run_scoped3A_89 : memref<!tpu.dma_semaphore, #tpu.memory_space<semaphore_mem>>) src(%dma_wait3A_105 : memref<8x128xi32, #tpu.memory_space<hbm>>) dst(%arg5 : memref<8x128xi32, #tpu.memory_space<vmem>>)
        tpu.yield
      }) : () -> ()
      %dma_start3A = arith.constant 0 : i32
      %dma_start3A_32 = arith.constant 0 : i32
      %dma_start3A_33 = tpu.memref_slice %arg5[%dma_start3A, %dma_start3A_32] : memref<8x128xi32, #tpu.memory_space<vmem>> -> memref<1x128xi32, #tpu.memory_space<vmem>>
      %dma_start3A_34 = tpu.memref_squeeze %dma_start3A_33 : memref<1x128xi32, #tpu.memory_space<vmem>> -> memref<128xi32, #tpu.memory_space<vmem>>
      %dma_start3A_35 = arith.constant 0 : i32
      %dma_start3A_36 = arith.constant 0 : i32
      %dma_start3A_37 = tpu.memref_slice %arg2[%dma_start3A_35, %dma_start3A_36] : memref<10000x128xf32, #tpu.memory_space<hbm>> -> memref<10000x128xf32, #tpu.memory_space<hbm>>
      tpu.enqueue_indirect_dma source(%dma_start3A_37 : memref<10000x128xf32, #tpu.memory_space<hbm>>) target(%arg6 : memref<128x128xf32, #tpu.memory_space<vmem>>) offsets(%dma_start3A_34 : memref<128xi32, #tpu.memory_space<vmem>>) semaphore(%arg9 : memref<!tpu.dma_semaphore, #tpu.memory_space<semaphore_mem>>)
      %dma_wait3A = arith.constant 0 : i32
      %dma_wait3A_38 = arith.constant 0 : i32
      %dma_wait3A_39 = tpu.memref_slice %arg5[%dma_wait3A, %dma_wait3A_38] : memref<8x128xi32, #tpu.memory_space<vmem>> -> memref<1x128xi32, #tpu.memory_space<vmem>>
      %dma_wait3A_40 = tpu.memref_squeeze %dma_wait3A_39 : memref<1x128xi32, #tpu.memory_space<vmem>> -> memref<128xi32, #tpu.memory_space<vmem>>
      %dma_wait3A_41 = arith.constant 0 : i32
      %dma_wait3A_42 = arith.constant 0 : i32
      %dma_wait3A_43 = tpu.memref_slice %arg2[%dma_wait3A_41, %dma_wait3A_42] : memref<10000x128xf32, #tpu.memory_space<hbm>> -> memref<10000x128xf32, #tpu.memory_space<hbm>>
      tpu.wait_indirect_dma semaphore(%arg9 : memref<!tpu.dma_semaphore, #tpu.memory_space<semaphore_mem>>) src(%dma_wait3A_43 : memref<10000x128xf32, #tpu.memory_space<hbm>>) dst(%arg6 : memref<128x128xf32, #tpu.memory_space<vmem>>)
      %run_scoped3A = arith.constant 1 : i32
      "tpu.region"() ({
        %run_scoped3A_89 = tpu.sem_alloc : memref<!tpu.dma_semaphore, #tpu.memory_space<semaphore_mem>>
        %dma_start3A_90 = arith.constant 0 : i32
        %dma_start3A_91 = tpu.memref_slice %arg5[%run_scoped3A, %dma_start3A_90] : memref<8x128xi32, #tpu.memory_space<vmem>> -> memref<1x128xi32, #tpu.memory_space<vmem>>
        %dma_start3A_92 = tpu.memref_squeeze %dma_start3A_91 : memref<1x128xi32, #tpu.memory_space<vmem>> -> memref<128xi32, #tpu.memory_space<vmem>>
        %dma_start3A_93 = arith.constant 0 : i32
        %dma_start3A_94 = arith.constant 0 : i32
        %dma_start3A_95 = tpu.memref_slice %arg8[%dma_start3A_93, %dma_start3A_94] : memref<10240x128xf32, #tpu.memory_space<vmem_shared>> -> memref<10240x128xf32, #tpu.memory_space<vmem_shared>>
        tpu.enqueue_indirect_dma source(%arg6 : memref<128x128xf32, #tpu.memory_space<vmem>>) target(%dma_start3A_95 : memref<10240x128xf32, #tpu.memory_space<vmem_shared>>) offsets(%dma_start3A_92 : memref<128xi32, #tpu.memory_space<vmem>>) semaphore(%run_scoped3A_89 : memref<!tpu.dma_semaphore, #tpu.memory_space<semaphore_mem>>) {add = true}
        %dma_wait3A_96 = arith.constant 0 : i32
        %dma_wait3A_97 = tpu.memref_slice %arg5[%run_scoped3A, %dma_wait3A_96] : memref<8x128xi32, #tpu.memory_space<vmem>> -> memref<1x128xi32, #tpu.memory_space<vmem>>
        %dma_wait3A_98 = tpu.memref_squeeze %dma_wait3A_97 : memref<1x128xi32, #tpu.memory_space<vmem>> -> memref<128xi32, #tpu.memory_space<vmem>>
        %dma_wait3A_99 = arith.constant 0 : i32
        %dma_wait3A_100 = arith.constant 0 : i32
        %dma_wait3A_101 = tpu.memref_slice %arg8[%dma_wait3A_99, %dma_wait3A_100] : memref<10240x128xf32, #tpu.memory_space<vmem_shared>> -> memref<10240x128xf32, #tpu.memory_space<vmem_shared>>
        tpu.wait_indirect_dma semaphore(%run_scoped3A_89 : memref<!tpu.dma_semaphore, #tpu.memory_space<semaphore_mem>>) src(%arg6 : memref<128x128xf32, #tpu.memory_space<vmem>>) dst(%dma_wait3A_101 : memref<10240x128xf32, #tpu.memory_space<vmem_shared>>)
        tpu.yield
      }) : () -> ()
      %dma_start3A_44 = arith.constant 2 : i32
      %dma_start3A_45 = arith.constant 0 : i32
      %dma_start3A_46 = tpu.memref_slice %arg5[%dma_start3A_44, %dma_start3A_45] : memref<8x128xi32, #tpu.memory_space<vmem>> -> memref<1x128xi32, #tpu.memory_space<vmem>>
      %dma_start3A_47 = tpu.memref_squeeze %dma_start3A_46 : memref<1x128xi32, #tpu.memory_space<vmem>> -> memref<128xi32, #tpu.memory_space<vmem>>
      %dma_start3A_48 = arith.constant 0 : i32
      %dma_start3A_49 = arith.constant 0 : i32
      %dma_start3A_50 = tpu.memref_slice %arg2[%dma_start3A_48, %dma_start3A_49] : memref<10000x128xf32, #tpu.memory_space<hbm>> -> memref<10000x128xf32, #tpu.memory_space<hbm>>
      tpu.enqueue_indirect_dma source(%dma_start3A_50 : memref<10000x128xf32, #tpu.memory_space<hbm>>) target(%arg6 : memref<128x128xf32, #tpu.memory_space<vmem>>) offsets(%dma_start3A_47 : memref<128xi32, #tpu.memory_space<vmem>>) semaphore(%arg9 : memref<!tpu.dma_semaphore, #tpu.memory_space<semaphore_mem>>)
      %dma_wait3A_51 = arith.constant 2 : i32
      %dma_wait3A_52 = arith.constant 0 : i32
      %dma_wait3A_53 = tpu.memref_slice %arg5[%dma_wait3A_51, %dma_wait3A_52] : memref<8x128xi32, #tpu.memory_space<vmem>> -> memref<1x128xi32, #tpu.memory_space<vmem>>
      %dma_wait3A_54 = tpu.memref_squeeze %dma_wait3A_53 : memref<1x128xi32, #tpu.memory_space<vmem>> -> memref<128xi32, #tpu.memory_space<vmem>>
      %dma_wait3A_55 = arith.constant 0 : i32
      %dma_wait3A_56 = arith.constant 0 : i32
      %dma_wait3A_57 = tpu.memref_slice %arg2[%dma_wait3A_55, %dma_wait3A_56] : memref<10000x128xf32, #tpu.memory_space<hbm>> -> memref<10000x128xf32, #tpu.memory_space<hbm>>
      tpu.wait_indirect_dma semaphore(%arg9 : memref<!tpu.dma_semaphore, #tpu.memory_space<semaphore_mem>>) src(%dma_wait3A_57 : memref<10000x128xf32, #tpu.memory_space<hbm>>) dst(%arg6 : memref<128x128xf32, #tpu.memory_space<vmem>>)
      %run_scoped3A_58 = arith.constant 3 : i32
      "tpu.region"() ({
        %run_scoped3A_89 = tpu.sem_alloc : memref<!tpu.dma_semaphore, #tpu.memory_space<semaphore_mem>>
        %dma_start3A_90 = arith.constant 0 : i32
        %dma_start3A_91 = tpu.memref_slice %arg5[%run_scoped3A_58, %dma_start3A_90] : memref<8x128xi32, #tpu.memory_space<vmem>> -> memref<1x128xi32, #tpu.memory_space<vmem>>
        %dma_start3A_92 = tpu.memref_squeeze %dma_start3A_91 : memref<1x128xi32, #tpu.memory_space<vmem>> -> memref<128xi32, #tpu.memory_space<vmem>>
        %dma_start3A_93 = arith.constant 0 : i32
        %dma_start3A_94 = arith.constant 0 : i32
        %dma_start3A_95 = tpu.memref_slice %arg8[%dma_start3A_93, %dma_start3A_94] : memref<10240x128xf32, #tpu.memory_space<vmem_shared>> -> memref<10240x128xf32, #tpu.memory_space<vmem_shared>>
        tpu.enqueue_indirect_dma source(%arg6 : memref<128x128xf32, #tpu.memory_space<vmem>>) target(%dma_start3A_95 : memref<10240x128xf32, #tpu.memory_space<vmem_shared>>) offsets(%dma_start3A_92 : memref<128xi32, #tpu.memory_space<vmem>>) semaphore(%run_scoped3A_89 : memref<!tpu.dma_semaphore, #tpu.memory_space<semaphore_mem>>) {add = true}
        %dma_wait3A_96 = arith.constant 0 : i32
        %dma_wait3A_97 = tpu.memref_slice %arg5[%run_scoped3A_58, %dma_wait3A_96] : memref<8x128xi32, #tpu.memory_space<vmem>> -> memref<1x128xi32, #tpu.memory_space<vmem>>
        %dma_wait3A_98 = tpu.memref_squeeze %dma_wait3A_97 : memref<1x128xi32, #tpu.memory_space<vmem>> -> memref<128xi32, #tpu.memory_space<vmem>>
        %dma_wait3A_99 = arith.constant 0 : i32
        %dma_wait3A_100 = arith.constant 0 : i32
        %dma_wait3A_101 = tpu.memref_slice %arg8[%dma_wait3A_99, %dma_wait3A_100] : memref<10240x128xf32, #tpu.memory_space<vmem_shared>> -> memref<10240x128xf32, #tpu.memory_space<vmem_shared>>
        tpu.wait_indirect_dma semaphore(%run_scoped3A_89 : memref<!tpu.dma_semaphore, #tpu.memory_space<semaphore_mem>>) src(%arg6 : memref<128x128xf32, #tpu.memory_space<vmem>>) dst(%dma_wait3A_101 : memref<10240x128xf32, #tpu.memory_space<vmem_shared>>)
        tpu.yield
      }) : () -> ()
      %dma_start3A_59 = arith.constant 4 : i32
      %dma_start3A_60 = arith.constant 0 : i32
      %dma_start3A_61 = tpu.memref_slice %arg5[%dma_start3A_59, %dma_start3A_60] : memref<8x128xi32, #tpu.memory_space<vmem>> -> memref<1x128xi32, #tpu.memory_space<vmem>>
      %dma_start3A_62 = tpu.memref_squeeze %dma_start3A_61 : memref<1x128xi32, #tpu.memory_space<vmem>> -> memref<128xi32, #tpu.memory_space<vmem>>
      %dma_start3A_63 = arith.constant 0 : i32
      %dma_start3A_64 = arith.constant 0 : i32
      %dma_start3A_65 = tpu.memref_slice %arg2[%dma_start3A_63, %dma_start3A_64] : memref<10000x128xf32, #tpu.memory_space<hbm>> -> memref<10000x128xf32, #tpu.memory_space<hbm>>
      tpu.enqueue_indirect_dma source(%dma_start3A_65 : memref<10000x128xf32, #tpu.memory_space<hbm>>) target(%arg6 : memref<128x128xf32, #tpu.memory_space<vmem>>) offsets(%dma_start3A_62 : memref<128xi32, #tpu.memory_space<vmem>>) semaphore(%arg9 : memref<!tpu.dma_semaphore, #tpu.memory_space<semaphore_mem>>)
      %dma_wait3A_66 = arith.constant 4 : i32
      %dma_wait3A_67 = arith.constant 0 : i32
      %dma_wait3A_68 = tpu.memref_slice %arg5[%dma_wait3A_66, %dma_wait3A_67] : memref<8x128xi32, #tpu.memory_space<vmem>> -> memref<1x128xi32, #tpu.memory_space<vmem>>
      %dma_wait3A_69 = tpu.memref_squeeze %dma_wait3A_68 : memref<1x128xi32, #tpu.memory_space<vmem>> -> memref<128xi32, #tpu.memory_space<vmem>>
      %dma_wait3A_70 = arith.constant 0 : i32
      %dma_wait3A_71 = arith.constant 0 : i32
      %dma_wait3A_72 = tpu.memref_slice %arg2[%dma_wait3A_70, %dma_wait3A_71] : memref<10000x128xf32, #tpu.memory_space<hbm>> -> memref<10000x128xf32, #tpu.memory_space<hbm>>
      tpu.wait_indirect_dma semaphore(%arg9 : memref<!tpu.dma_semaphore, #tpu.memory_space<semaphore_mem>>) src(%dma_wait3A_72 : memref<10000x128xf32, #tpu.memory_space<hbm>>) dst(%arg6 : memref<128x128xf32, #tpu.memory_space<vmem>>)
      %run_scoped3A_73 = arith.constant 5 : i32
      "tpu.region"() ({
        %run_scoped3A_89 = tpu.sem_alloc : memref<!tpu.dma_semaphore, #tpu.memory_space<semaphore_mem>>
        %dma_start3A_90 = arith.constant 0 : i32
        %dma_start3A_91 = tpu.memref_slice %arg5[%run_scoped3A_73, %dma_start3A_90] : memref<8x128xi32, #tpu.memory_space<vmem>> -> memref<1x128xi32, #tpu.memory_space<vmem>>
        %dma_start3A_92 = tpu.memref_squeeze %dma_start3A_91 : memref<1x128xi32, #tpu.memory_space<vmem>> -> memref<128xi32, #tpu.memory_space<vmem>>
        %dma_start3A_93 = arith.constant 0 : i32
        %dma_start3A_94 = arith.constant 0 : i32
        %dma_start3A_95 = tpu.memref_slice %arg8[%dma_start3A_93, %dma_start3A_94] : memref<10240x128xf32, #tpu.memory_space<vmem_shared>> -> memref<10240x128xf32, #tpu.memory_space<vmem_shared>>
        tpu.enqueue_indirect_dma source(%arg6 : memref<128x128xf32, #tpu.memory_space<vmem>>) target(%dma_start3A_95 : memref<10240x128xf32, #tpu.memory_space<vmem_shared>>) offsets(%dma_start3A_92 : memref<128xi32, #tpu.memory_space<vmem>>) semaphore(%run_scoped3A_89 : memref<!tpu.dma_semaphore, #tpu.memory_space<semaphore_mem>>) {add = true}
        %dma_wait3A_96 = arith.constant 0 : i32
        %dma_wait3A_97 = tpu.memref_slice %arg5[%run_scoped3A_73, %dma_wait3A_96] : memref<8x128xi32, #tpu.memory_space<vmem>> -> memref<1x128xi32, #tpu.memory_space<vmem>>
        %dma_wait3A_98 = tpu.memref_squeeze %dma_wait3A_97 : memref<1x128xi32, #tpu.memory_space<vmem>> -> memref<128xi32, #tpu.memory_space<vmem>>
        %dma_wait3A_99 = arith.constant 0 : i32
        %dma_wait3A_100 = arith.constant 0 : i32
        %dma_wait3A_101 = tpu.memref_slice %arg8[%dma_wait3A_99, %dma_wait3A_100] : memref<10240x128xf32, #tpu.memory_space<vmem_shared>> -> memref<10240x128xf32, #tpu.memory_space<vmem_shared>>
        tpu.wait_indirect_dma semaphore(%run_scoped3A_89 : memref<!tpu.dma_semaphore, #tpu.memory_space<semaphore_mem>>) src(%arg6 : memref<128x128xf32, #tpu.memory_space<vmem>>) dst(%dma_wait3A_101 : memref<10240x128xf32, #tpu.memory_space<vmem_shared>>)
        tpu.yield
      }) : () -> ()
      %dma_start3A_74 = arith.constant 6 : i32
      %dma_start3A_75 = arith.constant 0 : i32
      %dma_start3A_76 = tpu.memref_slice %arg5[%dma_start3A_74, %dma_start3A_75] : memref<8x128xi32, #tpu.memory_space<vmem>> -> memref<1x128xi32, #tpu.memory_space<vmem>>
      %dma_start3A_77 = tpu.memref_squeeze %dma_start3A_76 : memref<1x128xi32, #tpu.memory_space<vmem>> -> memref<128xi32, #tpu.memory_space<vmem>>
      %dma_start3A_78 = arith.constant 0 : i32
      %dma_start3A_79 = arith.constant 0 : i32
      %dma_start3A_80 = tpu.memref_slice %arg2[%dma_start3A_78, %dma_start3A_79] : memref<10000x128xf32, #tpu.memory_space<hbm>> -> memref<10000x128xf32, #tpu.memory_space<hbm>>
      tpu.enqueue_indirect_dma source(%dma_start3A_80 : memref<10000x128xf32, #tpu.memory_space<hbm>>) target(%arg6 : memref<128x128xf32, #tpu.memory_space<vmem>>) offsets(%dma_start3A_77 : memref<128xi32, #tpu.memory_space<vmem>>) semaphore(%arg9 : memref<!tpu.dma_semaphore, #tpu.memory_space<semaphore_mem>>)
      %dma_wait3A_81 = arith.constant 6 : i32
      %dma_wait3A_82 = arith.constant 0 : i32
      %dma_wait3A_83 = tpu.memref_slice %arg5[%dma_wait3A_81, %dma_wait3A_82] : memref<8x128xi32, #tpu.memory_space<vmem>> -> memref<1x128xi32, #tpu.memory_space<vmem>>
      %dma_wait3A_84 = tpu.memref_squeeze %dma_wait3A_83 : memref<1x128xi32, #tpu.memory_space<vmem>> -> memref<128xi32, #tpu.memory_space<vmem>>
      %dma_wait3A_85 = arith.constant 0 : i32
      %dma_wait3A_86 = arith.constant 0 : i32
      %dma_wait3A_87 = tpu.memref_slice %arg2[%dma_wait3A_85, %dma_wait3A_86] : memref<10000x128xf32, #tpu.memory_space<hbm>> -> memref<10000x128xf32, #tpu.memory_space<hbm>>
      tpu.wait_indirect_dma semaphore(%arg9 : memref<!tpu.dma_semaphore, #tpu.memory_space<semaphore_mem>>) src(%dma_wait3A_87 : memref<10000x128xf32, #tpu.memory_space<hbm>>) dst(%arg6 : memref<128x128xf32, #tpu.memory_space<vmem>>)
      %run_scoped3A_88 = arith.constant 7 : i32
      "tpu.region"() ({
        %run_scoped3A_89 = tpu.sem_alloc : memref<!tpu.dma_semaphore, #tpu.memory_space<semaphore_mem>>
        %dma_start3A_90 = arith.constant 0 : i32
        %dma_start3A_91 = tpu.memref_slice %arg5[%run_scoped3A_88, %dma_start3A_90] : memref<8x128xi32, #tpu.memory_space<vmem>> -> memref<1x128xi32, #tpu.memory_space<vmem>>
        %dma_start3A_92 = tpu.memref_squeeze %dma_start3A_91 : memref<1x128xi32, #tpu.memory_space<vmem>> -> memref<128xi32, #tpu.memory_space<vmem>>
        %dma_start3A_93 = arith.constant 0 : i32
        %dma_start3A_94 = arith.constant 0 : i32
        %dma_start3A_95 = tpu.memref_slice %arg8[%dma_start3A_93, %dma_start3A_94] : memref<10240x128xf32, #tpu.memory_space<vmem_shared>> -> memref<10240x128xf32, #tpu.memory_space<vmem_shared>>
        tpu.enqueue_indirect_dma source(%arg6 : memref<128x128xf32, #tpu.memory_space<vmem>>) target(%dma_start3A_95 : memref<10240x128xf32, #tpu.memory_space<vmem_shared>>) offsets(%dma_start3A_92 : memref<128xi32, #tpu.memory_space<vmem>>) semaphore(%run_scoped3A_89 : memref<!tpu.dma_semaphore, #tpu.memory_space<semaphore_mem>>) {add = true}
        %dma_wait3A_96 = arith.constant 0 : i32
        %dma_wait3A_97 = tpu.memref_slice %arg5[%run_scoped3A_88, %dma_wait3A_96] : memref<8x128xi32, #tpu.memory_space<vmem>> -> memref<1x128xi32, #tpu.memory_space<vmem>>
        %dma_wait3A_98 = tpu.memref_squeeze %dma_wait3A_97 : memref<1x128xi32, #tpu.memory_space<vmem>> -> memref<128xi32, #tpu.memory_space<vmem>>
        %dma_wait3A_99 = arith.constant 0 : i32
        %dma_wait3A_100 = arith.constant 0 : i32
        %dma_wait3A_101 = tpu.memref_slice %arg8[%dma_wait3A_99, %dma_wait3A_100] : memref<10240x128xf32, #tpu.memory_space<vmem_shared>> -> memref<10240x128xf32, #tpu.memory_space<vmem_shared>>
        tpu.wait_indirect_dma semaphore(%run_scoped3A_89 : memref<!tpu.dma_semaphore, #tpu.memory_space<semaphore_mem>>) src(%arg6 : memref<128x128xf32, #tpu.memory_space<vmem>>) dst(%dma_wait3A_101 : memref<10240x128xf32, #tpu.memory_space<vmem_shared>>)
        tpu.yield
      }) : () -> ()
    }
    %barrier3A_28 = arith.constant 0 : index
    tpu.barrier barrier_id(%barrier3A_28)
    "tpu.region"() ({
      %run_scoped3A = tpu.sem_alloc : memref<!tpu.dma_semaphore, #tpu.memory_space<semaphore_mem>>
      %dma_start3A = arith.constant 0 : i32
      %dma_start3A_29 = tpu.memref_slice %arg4[%arg0, %mul3A_7, %dma_start3A] : memref<2x10240x128xf32, #tpu.memory_space<hbm>> -> memref<1x640x128xf32, #tpu.memory_space<hbm>>
      %dma_start3A_30 = tpu.memref_squeeze %dma_start3A_29 : memref<1x640x128xf32, #tpu.memory_space<hbm>> -> memref<640x128xf32, #tpu.memory_space<hbm>>
      %dma_start3A_31 = arith.constant 0 : i32
      %dma_start3A_32 = tpu.memref_slice %arg8[%mul3A_7, %dma_start3A_31] : memref<10240x128xf32, #tpu.memory_space<vmem_shared>> -> memref<640x128xf32, #tpu.memory_space<vmem_shared>>
      tpu.enqueue_dma source(%dma_start3A_32 : memref<640x128xf32, #tpu.memory_space<vmem_shared>>) target(%dma_start3A_30 : memref<640x128xf32, #tpu.memory_space<hbm>>) target_semaphore(%run_scoped3A : memref<!tpu.dma_semaphore, #tpu.memory_space<semaphore_mem>>)
      %dma_wait3A = arith.constant 0 : i32
      %dma_wait3A_33 = tpu.memref_slice %arg4[%arg0, %mul3A_7, %dma_wait3A] : memref<2x10240x128xf32, #tpu.memory_space<hbm>> -> memref<1x640x128xf32, #tpu.memory_space<hbm>>
      %dma_wait3A_34 = tpu.memref_squeeze %dma_wait3A_33 : memref<1x640x128xf32, #tpu.memory_space<hbm>> -> memref<640x128xf32, #tpu.memory_space<hbm>>
      %dma_wait3A_35 = arith.constant 0 : i32
      %dma_wait3A_36 = tpu.memref_slice %arg8[%mul3A_7, %dma_wait3A_35] : memref<10240x128xf32, #tpu.memory_space<vmem_shared>> -> memref<640x128xf32, #tpu.memory_space<vmem_shared>>
      tpu.wait_dma2 semaphore(%run_scoped3A : memref<!tpu.dma_semaphore, #tpu.memory_space<semaphore_mem>>) src(%dma_wait3A_36 : memref<640x128xf32, #tpu.memory_space<vmem_shared>>) dst(%dma_wait3A_34 : memref<640x128xf32, #tpu.memory_space<hbm>>)
      tpu.yield
    }) : () -> ()
    return
  }
}

module attributes {stable_mosaic.version = 14 : i64} {
  func.func @body(%arg0: i32, %arg1: memref<1000x128xf32, #tpu.memory_space<vmem>>, %arg2: memref<1000x128xf32, #tpu.memory_space<vmem>>, %arg3: memref<1000x128xf32, #tpu.memory_space<vmem>>, %arg4: memref<1000x1xf32, #tpu.memory_space<vmem>>, %arg5: memref<1000x1xf32, #tpu.memory_space<vmem>>, %arg6: memref<128x128xf32, #tpu.memory_space<vmem>>, %arg7: memref<128x128xf32, #tpu.memory_space<vmem>>, %arg8: memref<1x128xf32, #tpu.memory_space<vmem>>, %arg9: memref<1x128xf32, #tpu.memory_space<vmem>>, %arg10: memref<1000x128xf32, #tpu.memory_space<vmem>>) attributes {dimension_semantics = [#tpu.dimension_semantics<arbitrary>], iteration_bounds = array<i64: 10>, scalar_prefetch = 0 : i64, scratch_operands = 0 : i64, tpu.core_type = #tpu.core_type<tc>, window_params = [{transform_indices = @transform_0, window_bounds = array<i64: 1000, 128>}, {transform_indices = @transform_1, window_bounds = array<i64: 1000, 128>}, {transform_indices = @transform_2, window_bounds = array<i64: 1000, 128>}, {transform_indices = @transform_3, window_bounds = array<i64: 1000, 1>}, {transform_indices = @transform_4, window_bounds = array<i64: 1000, 1>}, {pipeline_mode = #tpu.pipeline_mode<synchronous>, transform_indices = @transform_5, window_bounds = array<i64: 128, 128>}, {pipeline_mode = #tpu.pipeline_mode<synchronous>, transform_indices = @transform_6, window_bounds = array<i64: 128, 128>}, {pipeline_mode = #tpu.pipeline_mode<synchronous>, transform_indices = @transform_7, window_bounds = array<i64: 1, 128>}, {pipeline_mode = #tpu.pipeline_mode<synchronous>, transform_indices = @transform_8, window_bounds = array<i64: 1, 128>}, {transform_indices = @transform_9, window_bounds = array<i64: 1000, 128>}]} {
    %get3A = arith.constant 0 : index
    %get3A_0 = arith.constant 0 : index
    %get3A_1 = vector.load %arg1[%get3A, %get3A_0] : memref<1000x128xf32, #tpu.memory_space<vmem>>, vector<1000x128xf32>
    %get3A_2 = arith.constant 0 : index
    %get3A_3 = arith.constant 0 : index
    %get3A_4 = vector.load %arg2[%get3A_2, %get3A_3] : memref<1000x128xf32, #tpu.memory_space<vmem>>, vector<1000x128xf32>
    %get3A_5 = arith.constant 0 : index
    %get3A_6 = arith.constant 0 : index
    %get3A_7 = vector.load %arg3[%get3A_5, %get3A_6] : memref<1000x128xf32, #tpu.memory_space<vmem>>, vector<1000x128xf32>
    %add3A = arith.addf %get3A_4, %get3A_7 : vector<1000x128xf32>
    %get3A_8 = arith.constant 0 : index
    %get3A_9 = arith.constant 0 : index
    %get3A_10 = vector.load %arg4[%get3A_8, %get3A_9] : memref<1000x1xf32, #tpu.memory_space<vmem>>, vector<1000x1xf32>
    %get3A_11 = arith.constant 0 : index
    %get3A_12 = arith.constant 0 : index
    %get3A_13 = vector.load %arg5[%get3A_11, %get3A_12] : memref<1000x1xf32, #tpu.memory_space<vmem>>, vector<1000x1xf32>
    %add3A_14 = arith.addf %get3A_10, %get3A_13 : vector<1000x1xf32>
    %max3A = arith.constant 1.000000e+00 : f32
    %max3A_15 = vector.broadcast %max3A : f32 to vector<1000x1xf32>
    %max3A_16 = arith.maximumf %add3A_14, %max3A_15 : vector<1000x1xf32>
    %div3A = vector.broadcast %max3A_16 : vector<1000x1xf32> to vector<1000x128xf32>
    %div3A_17 = arith.divf %add3A, %div3A : vector<1000x128xf32>
    %get3A_18 = arith.constant 0 : index
    %get3A_19 = arith.constant 0 : index
    %get3A_20 = vector.load %arg6[%get3A_18, %get3A_19] : memref<128x128xf32, #tpu.memory_space<vmem>>, vector<128x128xf32>
    %dot_general3A = arith.constant dense<0.000000e+00> : vector<1000x128xf32>
    %dot_general3A_21 = tpu.matmul %get3A_1, %get3A_20, %dot_general3A {dimension_numbers = #tpu.dot_dimension_numbers<[1], [0], [0], [1], [0, 0, 1, 1], [], []>, transpose_lhs_hint = false} : vector<1000x128xf32>, vector<128x128xf32>, vector<1000x128xf32> -> vector<1000x128xf32>
    %get3A_22 = arith.constant 0 : index
    %get3A_23 = arith.constant 0 : index
    %get3A_24 = vector.load %arg7[%get3A_22, %get3A_23] : memref<128x128xf32, #tpu.memory_space<vmem>>, vector<128x128xf32>
    %dot_general3A_25 = arith.constant dense<0.000000e+00> : vector<1000x128xf32>
    %dot_general3A_26 = tpu.matmul %div3A_17, %get3A_24, %dot_general3A_25 {dimension_numbers = #tpu.dot_dimension_numbers<[1], [0], [0], [1], [0, 0, 1, 1], [], []>, transpose_lhs_hint = false} : vector<1000x128xf32>, vector<128x128xf32>, vector<1000x128xf32> -> vector<1000x128xf32>
    %add3A_27 = arith.addf %dot_general3A_21, %dot_general3A_26 : vector<1000x128xf32>
    %get3A_28 = arith.constant 0 : index
    %get3A_29 = arith.constant 0 : index
    %get3A_30 = vector.load %arg8[%get3A_28, %get3A_29] : memref<1x128xf32, #tpu.memory_space<vmem>>, vector<1x128xf32>
    %add3A_31 = vector.broadcast %get3A_30 : vector<1x128xf32> to vector<1000x128xf32>
    %add3A_32 = arith.addf %add3A_27, %add3A_31 : vector<1000x128xf32>
    %max3A_33 = arith.constant 0.000000e+00 : f32
    %max3A_34 = vector.broadcast %max3A_33 : f32 to vector<1000x128xf32>
    %max3A_35 = arith.maximumf %add3A_32, %max3A_34 : vector<1000x128xf32>
    %add3A_36 = arith.addf %get3A_1, %max3A_35 : vector<1000x128xf32>
    %get3A_37 = arith.constant 0 : index
    %get3A_38 = arith.constant 0 : index
    %get3A_39 = vector.load %arg9[%get3A_37, %get3A_38] : memref<1x128xf32, #tpu.memory_space<vmem>>, vector<1x128xf32>
    %min3A = arith.constant 0.000000e+00 : f32
    %min3A_40 = vector.broadcast %min3A : f32 to vector<1000x128xf32>
    %min3A_41 = arith.minimumf %add3A_32, %min3A_40 : vector<1000x128xf32>
    %mul3A = vector.broadcast %get3A_39 : vector<1x128xf32> to vector<1000x128xf32>
    %mul3A_42 = arith.mulf %mul3A, %min3A_41 : vector<1000x128xf32>
    %add3A_43 = arith.addf %add3A_36, %mul3A_42 : vector<1000x128xf32>
    %swap3A = arith.constant 0 : index
    %swap3A_44 = arith.constant 0 : index
    %swap3A_45 = vector.load %arg10[%swap3A, %swap3A_44] : memref<1000x128xf32, #tpu.memory_space<vmem>>, vector<1000x128xf32>
    tpu.vector_store %arg10[%swap3A, %swap3A_44], %add3A_43 {strides = array<i32>} : memref<1000x128xf32, #tpu.memory_space<vmem>>, vector<1000x128xf32>,
    return
  }
  func.func @transform_0(%arg0: i32) -> (i32, i32) {
    %c0_i32 = arith.constant 0 : i32
    %c0_i32_0 = arith.constant 0 : i32
    return %arg0, %c0_i32 : i32, i32
  }
  func.func @transform_1(%arg0: i32) -> (i32, i32) {
    %c0_i32 = arith.constant 0 : i32
    %c0_i32_0 = arith.constant 0 : i32
    return %arg0, %c0_i32 : i32, i32
  }
  func.func @transform_2(%arg0: i32) -> (i32, i32) {
    %c0_i32 = arith.constant 0 : i32
    %c0_i32_0 = arith.constant 0 : i32
    return %arg0, %c0_i32 : i32, i32
  }
  func.func @transform_3(%arg0: i32) -> (i32, i32) {
    %c0_i32 = arith.constant 0 : i32
    %c0_i32_0 = arith.constant 0 : i32
    return %arg0, %c0_i32 : i32, i32
  }
  func.func @transform_4(%arg0: i32) -> (i32, i32) {
    %c0_i32 = arith.constant 0 : i32
    %c0_i32_0 = arith.constant 0 : i32
    return %arg0, %c0_i32 : i32, i32
  }
  func.func @transform_5(%arg0: i32) -> (i32, i32) {
    %c0_i32 = arith.constant 0 : i32
    %c0_i32_0 = arith.constant 0 : i32
    %c0_i32_1 = arith.constant 0 : i32
    return %c0_i32, %c0_i32_0 : i32, i32
  }
  func.func @transform_6(%arg0: i32) -> (i32, i32) {
    %c0_i32 = arith.constant 0 : i32
    %c0_i32_0 = arith.constant 0 : i32
    %c0_i32_1 = arith.constant 0 : i32
    return %c0_i32, %c0_i32_0 : i32, i32
  }
  func.func @transform_7(%arg0: i32) -> (i32, i32) {
    %c0_i32 = arith.constant 0 : i32
    %c0_i32_0 = arith.constant 0 : i32
    %c0_i32_1 = arith.constant 0 : i32
    return %c0_i32, %c0_i32_0 : i32, i32
  }
  func.func @transform_8(%arg0: i32) -> (i32, i32) {
    %c0_i32 = arith.constant 0 : i32
    %c0_i32_0 = arith.constant 0 : i32
    %c0_i32_1 = arith.constant 0 : i32
    return %c0_i32, %c0_i32_0 : i32, i32
  }
  func.func @transform_9(%arg0: i32) -> (i32, i32) {
    %c0_i32 = arith.constant 0 : i32
    %c0_i32_0 = arith.constant 0 : i32
    return %arg0, %c0_i32 : i32, i32
  }
}

module attributes {stable_mosaic.version = 14 : i64} {
  func.func @body(%arg0: i32, %arg1: memref<1000x128xf32, #tpu.memory_space<vmem>>, %arg2: memref<1000x128xf32, #tpu.memory_space<vmem>>, %arg3: memref<1000x128xf32, #tpu.memory_space<vmem>>, %arg4: memref<1000x1xf32, #tpu.memory_space<vmem>>, %arg5: memref<1000x1xf32, #tpu.memory_space<vmem>>, %arg6: memref<128x128xf32, #tpu.memory_space<vmem>>, %arg7: memref<128x128xf32, #tpu.memory_space<vmem>>, %arg8: memref<1x128xf32, #tpu.memory_space<vmem>>, %arg9: memref<1x128xf32, #tpu.memory_space<vmem>>, %arg10: memref<1000x128xf32, #tpu.memory_space<vmem>>) attributes {dimension_semantics = [#tpu.dimension_semantics<arbitrary>], iteration_bounds = array<i64: 10>, scalar_prefetch = 0 : i64, scratch_operands = 0 : i64, tpu.core_type = #tpu.core_type<tc>, window_params = [{transform_indices = @transform_0, window_bounds = array<i64: 1000, 128>}, {transform_indices = @transform_1, window_bounds = array<i64: 1000, 128>}, {transform_indices = @transform_2, window_bounds = array<i64: 1000, 128>}, {transform_indices = @transform_3, window_bounds = array<i64: 1000, 1>}, {transform_indices = @transform_4, window_bounds = array<i64: 1000, 1>}, {pipeline_mode = #tpu.pipeline_mode<synchronous>, transform_indices = @transform_5, window_bounds = array<i64: 128, 128>}, {pipeline_mode = #tpu.pipeline_mode<synchronous>, transform_indices = @transform_6, window_bounds = array<i64: 128, 128>}, {pipeline_mode = #tpu.pipeline_mode<synchronous>, transform_indices = @transform_7, window_bounds = array<i64: 1, 128>}, {pipeline_mode = #tpu.pipeline_mode<synchronous>, transform_indices = @transform_8, window_bounds = array<i64: 1, 128>}, {transform_indices = @transform_9, window_bounds = array<i64: 1000, 128>}]} {
    %get3A = arith.constant 0 : index
    %get3A_0 = arith.constant 0 : index
    %get3A_1 = vector.load %arg1[%get3A, %get3A_0] : memref<1000x128xf32, #tpu.memory_space<vmem>>, vector<1000x128xf32>
    %get3A_2 = arith.constant 0 : index
    %get3A_3 = arith.constant 0 : index
    %get3A_4 = vector.load %arg2[%get3A_2, %get3A_3] : memref<1000x128xf32, #tpu.memory_space<vmem>>, vector<1000x128xf32>
    %get3A_5 = arith.constant 0 : index
    %get3A_6 = arith.constant 0 : index
    %get3A_7 = vector.load %arg3[%get3A_5, %get3A_6] : memref<1000x128xf32, #tpu.memory_space<vmem>>, vector<1000x128xf32>
    %add3A = arith.addf %get3A_4, %get3A_7 : vector<1000x128xf32>
    %get3A_8 = arith.constant 0 : index
    %get3A_9 = arith.constant 0 : index
    %get3A_10 = vector.load %arg4[%get3A_8, %get3A_9] : memref<1000x1xf32, #tpu.memory_space<vmem>>, vector<1000x1xf32>
    %get3A_11 = arith.constant 0 : index
    %get3A_12 = arith.constant 0 : index
    %get3A_13 = vector.load %arg5[%get3A_11, %get3A_12] : memref<1000x1xf32, #tpu.memory_space<vmem>>, vector<1000x1xf32>
    %add3A_14 = arith.addf %get3A_10, %get3A_13 : vector<1000x1xf32>
    %max3A = arith.constant 1.000000e+00 : f32
    %max3A_15 = vector.broadcast %max3A : f32 to vector<1000x1xf32>
    %max3A_16 = arith.maximumf %add3A_14, %max3A_15 : vector<1000x1xf32>
    %div3A = vector.broadcast %max3A_16 : vector<1000x1xf32> to vector<1000x128xf32>
    %div3A_17 = arith.divf %add3A, %div3A : vector<1000x128xf32>
    %get3A_18 = arith.constant 0 : index
    %get3A_19 = arith.constant 0 : index
    %get3A_20 = vector.load %arg6[%get3A_18, %get3A_19] : memref<128x128xf32, #tpu.memory_space<vmem>>, vector<128x128xf32>
    %dot_general3A = arith.constant dense<0.000000e+00> : vector<1000x128xf32>
    %dot_general3A_21 = tpu.matmul %get3A_1, %get3A_20, %dot_general3A {dimension_numbers = #tpu.dot_dimension_numbers<[1], [0], [0], [1], [0, 0, 1, 1], [], []>, transpose_lhs_hint = false} : vector<1000x128xf32>, vector<128x128xf32>, vector<1000x128xf32> -> vector<1000x128xf32>
    %get3A_22 = arith.constant 0 : index
    %get3A_23 = arith.constant 0 : index
    %get3A_24 = vector.load %arg7[%get3A_22, %get3A_23] : memref<128x128xf32, #tpu.memory_space<vmem>>, vector<128x128xf32>
    %dot_general3A_25 = arith.constant dense<0.000000e+00> : vector<1000x128xf32>
    %dot_general3A_26 = tpu.matmul %div3A_17, %get3A_24, %dot_general3A_25 {dimension_numbers = #tpu.dot_dimension_numbers<[1], [0], [0], [1], [0, 0, 1, 1], [], []>, transpose_lhs_hint = false} : vector<1000x128xf32>, vector<128x128xf32>, vector<1000x128xf32> -> vector<1000x128xf32>
    %add3A_27 = arith.addf %dot_general3A_21, %dot_general3A_26 : vector<1000x128xf32>
    %get3A_28 = arith.constant 0 : index
    %get3A_29 = arith.constant 0 : index
    %get3A_30 = vector.load %arg8[%get3A_28, %get3A_29] : memref<1x128xf32, #tpu.memory_space<vmem>>, vector<1x128xf32>
    %add3A_31 = vector.broadcast %get3A_30 : vector<1x128xf32> to vector<1000x128xf32>
    %add3A_32 = arith.addf %add3A_27, %add3A_31 : vector<1000x128xf32>
    %max3A_33 = arith.constant 0.000000e+00 : f32
    %max3A_34 = vector.broadcast %max3A_33 : f32 to vector<1000x128xf32>
    %max3A_35 = arith.maximumf %add3A_32, %max3A_34 : vector<1000x128xf32>
    %add3A_36 = arith.addf %get3A_1, %max3A_35 : vector<1000x128xf32>
    %get3A_37 = arith.constant 0 : index
    %get3A_38 = arith.constant 0 : index
    %get3A_39 = vector.load %arg9[%get3A_37, %get3A_38] : memref<1x128xf32, #tpu.memory_space<vmem>>, vector<1x128xf32>
    %min3A = arith.constant 0.000000e+00 : f32
    %min3A_40 = vector.broadcast %min3A : f32 to vector<1000x128xf32>
    %min3A_41 = arith.minimumf %add3A_32, %min3A_40 : vector<1000x128xf32>
    %mul3A = vector.broadcast %get3A_39 : vector<1x128xf32> to vector<1000x128xf32>
    %mul3A_42 = arith.mulf %mul3A, %min3A_41 : vector<1000x128xf32>
    %add3A_43 = arith.addf %add3A_36, %mul3A_42 : vector<1000x128xf32>
    %swap3A = arith.constant 0 : index
    %swap3A_44 = arith.constant 0 : index
    %swap3A_45 = vector.load %arg10[%swap3A, %swap3A_44] : memref<1000x128xf32, #tpu.memory_space<vmem>>, vector<1000x128xf32>
    tpu.vector_store %arg10[%swap3A, %swap3A_44], %add3A_43 {strides = array<i32>} : memref<1000x128xf32, #tpu.memory_space<vmem>>, vector<1000x128xf32>,
    return
  }
  func.func @transform_0(%arg0: i32) -> (i32, i32) {
    %c0_i32 = arith.constant 0 : i32
    %c0_i32_0 = arith.constant 0 : i32
    return %arg0, %c0_i32 : i32, i32
  }
  func.func @transform_1(%arg0: i32) -> (i32, i32) {
    %c0_i32 = arith.constant 0 : i32
    %c0_i32_0 = arith.constant 0 : i32
    return %arg0, %c0_i32 : i32, i32
  }
  func.func @transform_2(%arg0: i32) -> (i32, i32) {
    %c0_i32 = arith.constant 0 : i32
    %c0_i32_0 = arith.constant 0 : i32
    return %arg0, %c0_i32 : i32, i32
  }
  func.func @transform_3(%arg0: i32) -> (i32, i32) {
    %c0_i32 = arith.constant 0 : i32
    %c0_i32_0 = arith.constant 0 : i32
    return %arg0, %c0_i32 : i32, i32
  }
  func.func @transform_4(%arg0: i32) -> (i32, i32) {
    %c0_i32 = arith.constant 0 : i32
    %c0_i32_0 = arith.constant 0 : i32
    return %arg0, %c0_i32 : i32, i32
  }
  func.func @transform_5(%arg0: i32) -> (i32, i32) {
    %c0_i32 = arith.constant 0 : i32
    %c0_i32_0 = arith.constant 0 : i32
    %c0_i32_1 = arith.constant 0 : i32
    return %c0_i32, %c0_i32_0 : i32, i32
  }
  func.func @transform_6(%arg0: i32) -> (i32, i32) {
    %c0_i32 = arith.constant 0 : i32
    %c0_i32_0 = arith.constant 0 : i32
    %c0_i32_1 = arith.constant 0 : i32
    return %c0_i32, %c0_i32_0 : i32, i32
  }
  func.func @transform_7(%arg0: i32) -> (i32, i32) {
    %c0_i32 = arith.constant 0 : i32
    %c0_i32_0 = arith.constant 0 : i32
    %c0_i32_1 = arith.constant 0 : i32
    return %c0_i32, %c0_i32_0 : i32, i32
  }
  func.func @transform_8(%arg0: i32) -> (i32, i32) {
    %c0_i32 = arith.constant 0 : i32
    %c0_i32_0 = arith.constant 0 : i32
    %c0_i32_1 = arith.constant 0 : i32
    return %c0_i32, %c0_i32_0 : i32, i32
  }
  func.func @transform_9(%arg0: i32) -> (i32, i32) {
    %c0_i32 = arith.constant 0 : i32
    %c0_i32_0 = arith.constant 0 : i32
    return %arg0, %c0_i32 : i32, i32
  }
}

</mosaic_0001>

<sc_bundles>
// kernel: kernel.11.cloned.1.call-start
scs
__scs_entry_jumppad:
0x0: {  	(pc) =	sbr.rel $0x88, $3  }
0x1: {  	(tag) =	ssettag $0x0;
	lr =	simm.s32 $0x1  }
0x2: {  	[smem:$0x3F9B] =	sst lr;
	_ =	strace $0xD0000000  }
0x3: {  	_ = 	snop  }
0x4: {  	_ = 	snop  }
0x5: {  	_ = 	snop  }
0x6: {  	_ = 	snop  }
0x7: {  	_ = 	snop  }
__scs_overlays_trampoline_lowered:
0x8: {  	[smem:$0x3FAA] =	sst s0  }
0x9: {  	[smem:$0x3FAB] =	sst s1  }
0xa: {  	[smem:$0x3FAC] =	sst s2  }
0xb: {  	[smem:$0x3FAD] =	sst s3  }
0xc: {  	[smem:$0x3FAE] =	sst s4  }
0xd: {  	[smem:$0x3FAF] =	sst s5  }
0xe: {  	[smem:$0x3FB0] =	sst s6  }
0xf: {  	[smem:$0x3FB1] =	sst s7  }
0x10: {  	[smem:$0x3FB2] =	sst s8  }
0x11: {  	[smem:$0x3FB3] =	sst s9;
	s0 =	simm.s32 @!p0 $0x0  }
0x12: {  	s1 =	sld [smem:$0x3F99];
	s0 =	simm.s32 @p0 $0x1  }
0x13: {  	[smem:$0x3FB4] =	sst s0;
	s0 =	simm.s32 @!p1 $0x0  }
0x14: {  	s2 =	sld [smem:$0x3F98];
	s0 =	simm.s32 @p1 $0x1  }
0x15: {  	[smem:$0x3FB5] =	sst s0;
	s0 =	simm.s32 @!p2 $0x0  }
0x16: {  	s3 =	sld [smem:$0x3FDB];
	s0 =	simm.s32 @p2 $0x1  }
0x17: {  	s4 =	simm.s32 $0x1BF5;
	[smem:$0x3FB7] =	sst s0  }
0x18: {  	s0 =	sld [smem:$0x3F9A];
	_ =	swait.ge [sflag:s4], $0x0  }
0x19: {  	s7 =	sld [smem:$0x3F9B]  }
0x1a: {  	s8 =	sadd.s32 $0xFFFFE003, lr  }
0x1b: {  	s9 =	sadd.s32 $0xFFFFFEF7, lr;
	s5 =	simm.s32 $0xFFFFFFFF;
	p2 =	slt.u32 s8, $0xFFFFF086  }
0x1c: {  	p1 =	slt.u32 s9, $0xF7A;
	s5 =	simm.s32 @!p2 $0x0  }
0x1d: {  	s5 =	simm.s32 @p1 $0x1;
	p0 =	seq.s32 s7, s2  }
0x1e: {  	s7 =	smul.u32 @!p0 $0xF7A, s2;
	p2 =	seq.s32 @!p0 s5, $0x0  }
0x1f: {  	s9 =	smul.u32 $0xF7A, s1;
	s8 =	simm.s32 @!p0 $0x1BF5;
	p2 =	por !p2, p0  }
0x20: {  	[sflag:s8] =	ssyncset.s32 @!p0 $0xFFFFF086;
	s6 =	sadd.s32 @!p0 s3, s7;
	s7 =	simm.s32 @!p0 $0x108  }
0x21: {  	s3 =	sadd.s32 s3, s9;
	s6 =	sadd.s32 @!p0 $0x88, s6;
	s7 =	simm.s32 @p2 $0x1082  }
0x22: {  	[simem:s7], [sflag:s8] =	dma.local @!p0 [hbm:s6], $0xF7A  }
0x23: {  	s9 =	sor.u32 $0xD0000000, s2;
	s6 =	simm.s32 $0x108;
	_ =	swait.ge @!p0 [sflag:s8], $0x0  }
0x24: {  	s3 =	sadd.s32 $0x88, s3;
	s6 =	simm.s32 @!p1 $0x1082;
	[sflag:s4] =	ssyncset.s32 $0xFFFFF086  }
0x25: {  	[simem:s6], [sflag:s4] =	dma.local [hbm:s3], $0xF7A  }
0x26: {  	[smem:$0x3F9B] =	sst s1;
	(tag) =	ssettag s2;
	_ =	strace s9  }
0x27: {  	s1 =	sld [smem:$0x3FAB]  }
0x28: {  	s2 =	sld [smem:$0x3FAC]  }
0x29: {  	s4 =	sld [smem:$0x3FAE]  }
0x2a: {  	p0 =	seq.s32 s5, $0x0;
	s5 =	sld [smem:$0x3FAF]  }
0x2b: {  	s6 =	sld [smem:$0x3FB0]  }
0x2c: {  	s7 =	sld [smem:$0x3FB1]  }
0x2d: {  	s3 =	simm.s32 $0x108;
	s8 =	sld [smem:$0x3FB2]  }
0x2e: {  	s3 =	simm.s32 @!p0 $0x1082;
	s9 =	sld [smem:$0x3FB3]  }
0x2f: {  	lr =	sadd.s32 s0, s3;
	s0 =	sld [smem:$0x3FAA]  }
0x30: {  	s3 =	sld [smem:$0x3FAD]  }
0x31: {  	[smem:$0x3FB6] =	sst s10  }
0x32: {  	s10 =	sld [smem:$0x3FB4];
	_ =	sdelay $0x3  }
0x33: {  	p0 =	seq.s32 s10, $0x1;
	s10 =	sld [smem:$0x3FB6];
	_ =	sdelay $0x3  }
0x34: {  	[smem:$0x3FB6] =	sst s10  }
0x35: {  	s10 =	sld [smem:$0x3FB5];
	_ =	sdelay $0x3  }
0x36: {  	p1 =	seq.s32 s10, $0x1;
	s10 =	sld [smem:$0x3FB6];
	_ =	sdelay $0x3  }
0x37: {  	[smem:$0x3FB6] =	sst s10  }
0x38: {  	s10 =	sld [smem:$0x3FB7]  }
0x39: {  	_ = 	snop;
	(pc) =	sbr.ind lr, $3  }
0x3a: {  	_ = 	snop  }
0x3b: {  	_ = 	snop  }
0x3c: {  	p2 =	seq.s32 s10, $0x1;
	s10 =	sld [smem:$0x3FB6]  }
0x3d: {  	_ =	shalt  }
0x3e: {  	_ =	shalt  }
0x3f: {  	_ =	shalt  }
0x40: {  	_ =	shalt  }
0x41: {  	_ =	shalt  }
0x42: {  	_ =	shalt  }
0x43: {  	_ =	shalt  }
0x44: {  	_ =	shalt  }
0x45: {  	_ =	shalt  }
0x46: {  	_ =	shalt  }
0x47: {  	_ =	shalt  }
0x48: {  	_ =	shalt  }
0x49: {  	_ =	shalt  }
0x4a: {  	_ =	shalt  }
0x4b: {  	_ =	shalt  }
0x4c: {  	_ =	shalt  }
0x4d: {  	_ =	shalt  }
0x4e: {  	_ =	shalt  }
0x4f: {  	_ =	shalt  }
0x50: {  	_ =	shalt  }
0x51: {  	_ =	shalt  }
0x52: {  	_ =	shalt  }
0x53: {  	_ =	shalt  }
0x54: {  	_ =	shalt  }
0x55: {  	_ =	shalt  }
0x56: {  	_ =	shalt  }
0x57: {  	_ =	shalt  }
0x58: {  	_ =	shalt  }
0x59: {  	_ =	shalt  }
0x5a: {  	_ =	shalt  }
0x5b: {  	_ =	shalt  }
0x5c: {  	_ =	shalt  }
0x5d: {  	_ =	shalt  }
0x5e: {  	_ =	shalt  }
0x5f: {  	_ =	shalt  }
0x60: {  	_ =	shalt  }
0x61: {  	_ =	shalt  }
0x62: {  	_ =	shalt  }
0x63: {  	_ =	shalt  }
0x64: {  	_ =	shalt  }
0x65: {  	_ =	shalt  }
0x66: {  	_ =	shalt  }
0x67: {  	_ =	shalt  }
0x68: {  	_ =	shalt  }
0x69: {  	_ =	shalt  }
0x6a: {  	_ =	shalt  }
0x6b: {  	_ =	shalt  }
0x6c: {  	_ =	shalt  }
0x6d: {  	_ =	shalt  }
0x6e: {  	_ =	shalt  }
0x6f: {  	_ =	shalt  }
0x70: {  	_ =	shalt  }
0x71: {  	_ =	shalt  }
0x72: {  	_ =	shalt  }
0x73: {  	_ =	shalt  }
0x74: {  	_ =	shalt  }
0x75: {  	_ =	shalt  }
0x76: {  	_ =	shalt  }
0x77: {  	_ =	shalt  }
0x78: {  	_ =	shalt  }
0x79: {  	_ =	shalt  }
0x7a: {  	_ =	shalt  }
0x7b: {  	_ =	shalt  }
0x7c: {  	_ =	shalt  }
0x7d: {  	_ =	shalt  }
0x7e: {  	_ =	shalt  }
0x7f: {  	_ =	shalt  }
0x80: {  	_ =	shalt  }
0x81: {  	_ =	shalt  }
0x82: {  	_ =	shalt  }
0x83: {  	_ =	shalt  }
0x84: {  	_ =	shalt  }
0x85: {  	_ =	shalt  }
0x86: {  	_ =	shalt  }
0x87: {  	_ =	shalt  }
.Lfunc_end0:
.L_simem_size_0:
called_computation_lowered:
.L_overlay_start_0:
0x88: {  	s2 =	sld [smem:$0x3FD9]  }
0x89: {  	s3 =	sld [smem:$0x3FFE];
	_ =	sdelay $0x1  }
0x8a: {  	s1 =	srdreg.scid  }
0x8b: {  	s0 =	sand.u32 $0x1, s1  }
0x8c: {  	s17 =	sshll.u32 s0, $0xA;
	s2 =	sadd.s32 s3, s2  }
0x8d: {  	s2 =	sadd.s32 s2, s17  }
0x8e: {  	[smem:$0x3FC2] =	sst s2  }
0x8f: {  	_ = 	snop  }
0x90: {  	s18 =	sld [smem:$0x3FD0];
	(tm) =	ssettm $0x1  }
0x91: {  	s19 =	sld [smem:$0x3FFB];
	_ =	sdelay $0x3  }
0x92: {  	_ =	strace s19  }
0x93: {  	s2 =	sld [smem:$0x3FFC];
	_ =	sdelay $0x3  }
0x94: {  	_ =	strace s2  }
0x95: {  	s2 =	sld [smem:$0x3FFD];
	_ =	sdelay $0x3  }
0x96: {  	_ =	strace s2  }
0x97: {  	_ =	strace $0x8FFFFFFF  }
0x98: {  	s20 =	sld [smem:$0x3FDB];
	_ =	sdelay $0x1  }
0x99: {  	s4 =	simm.s32 $_scs_section_size  }
0x9a: {  	s5 =	simm.s32 $_size__tile_overlayer_lowered;
	s6 =	simm.s32 $_tile_overlayer_lowered  }
0x9b: {  	s7 =	simm.s32 $0x1BFF;
	s21 =	sshll.u32 s6, $0x1;
	s4 =	sadd.s32 s4, s20  }
0x9c: {  	s22 =	simm.s32 $0x0;
	s5 =	sshll.u32 s5, $0x1;
	s6 =	sadd.s32 s21, s4  }
0x9d: {  	[timem:s22], [sflag:s7] =	dma.local [hbm:s6], s5  }
0x9e: {  	_ =	swait.ge [sflag:s7], s5  }
0x9f: {  	s5 =	ssub.s32 $0x0, s5;
	[sflag:s7] =	ssyncset.done $0x0  }
0xa0: {  	[sflag:s7] =	ssyncadd.s32 s5;
	_ =	sdelay $0x1  }
0xa1: {  	s23 =	simm.s32 $0x1B8B  }
0xa2: {  	_ =	swait.ge [sflag:s23], $0x1  }
0xa3: {  	[sflag:s23] =	ssyncset.done $0x0  }
0xa4: {  	[sflag:s23] =	ssyncadd.s32 $0xFFFFFFFF  }
0xa5: {  	s5 =	sld [smem:$0x0]  }
0xa6: {  	s6 =	sand.u32 $0xFFFFFFFE, s1  }
0xa7: {  	p0 =	sne.s32 s1, s6  }
0xa8: {  	s6 =	sshll.u32 @p0 s6, $0xE  }
0xa9: {  	s6 =	sadd.s32 @p0 $0x11B8D, s6;
	s7 =	sshll.u32 @p0 s5, $0x11  }
0xaa: {  	s6 =	sor.u32 @p0 s7, s6  }
0xab: {  	[sflag:s6] =	ssyncadd.remote.s32 @p0 $0x1;
	_ =	sdelay $0x1  }
0xac: {  	s6 =	simm.s32 @p0 $0x1B8D  }
0xad: {  	_ =	swait.eq @p0 [sflag:s6], $0x1  }
0xae: {  	[sflag:s6] =	ssyncadd.s32 @p0 $0xFFFFFFFF  }
0xaf: {  	s7 =	sshll.u32 @!p0 s1, $0xE  }
0xb0: {  	s7 =	sor.u32 @!p0 $0x4000, s7;
	s6 =	simm.s32 @!p0 $0x1B8D  }
0xb1: {  	s5 =	sshll.u32 @!p0 s5, $0x11;
	s7 =	sadd.s32 @!p0 $0x11B8D, s7;
	_ =	swait.eq @!p0 [sflag:s6], $0x1  }
0xb2: {  	s5 =	sor.u32 @!p0 s5, s7;
	[sflag:s6] =	ssyncadd.s32 @!p0 $0xFFFFFFFF  }
0xb3: {  	s25 =	simm.s32 $0x1B8E;
	s24 =	sld [smem:$0x3FFE];
	[sflag:s5] =	ssyncadd.remote.s32 @!p0 $0x1  }
0xb4: {  	s26 =	simm.s32 $execute0_lowered;
	[smem:$0x3FD2] =	sst s25  }
0xb5: {  	s6 =	sshll.u32 s26, $0x1;
	_ =	strace $0x80000049;
	[dreg:$0x1] =	wrdreg $0xFFFFFFFF  }
0xb6: {  	s28 =	simm.s32 $_size_execute0_lowered;
	s4 =	sadd.s32 s4, s6;
	[dreg:$0x0] =	wrdreg $0x0  }
0xb7: {  	s6 =	sshll.u32 s28, $0x1;
	[dreg:$0x2] =	wrdreg s4  }
0xb8: {  	[dreg:$0x3] =	wrdreg s6  }
0xb9: {  	[dreg:$0x4] =	wrdreg $0xC0  }
0xba: {  	_ =	task [dreg:s22], $0x5FFFF  }
0xbb: {  	[dreg:$0x1] =	wrdreg $0xFFFFFFFF  }
0xbc: {  	[dreg:$0x0] =	wrdreg $0x60  }
0xbd: {  	[dreg:$0x2] =	wrdreg s18  }
0xbe: {  	[dreg:$0x3] =	wrdreg s24  }
0xbf: {  	[dreg:$0x4] =	wrdreg $0x88000  }
0xc0: {  	[dreg:$0x5] =	wrdreg $0x9  }
0xc1: {  	_ =	task.clear_ibuf [dreg:s22], $0x6FFFF;
	_ =	strace $0x90000049  }
0xc2: {  	s29 =	simm.s32 $0x9;
	_ =	strace $0x8000004B  }
0xc3: {  	_ =	swait.ge [sflag:s29], $0x1  }
0xc4: {  	[sflag:s29] =	ssyncadd.s32 $0xFFFFFFFF  }
0xc5: {  	_ =	strace $0x9000004B  }
0xc6: {  	_ =	sfence  }
0xc7: {  	s30 =	sld [smem:$0x0];
	_ =	sdelay $0x2  }
0xc8: {  	s31 =	sshll.u32 s1, $0xD;
	s1 =	sshrl.u32 s1, $0x2  }
0xc9: {  	s4 =	sand.u32 $0x4000, s31;
	s1 =	sadd.s32 s1, s30  }
0xca: {  	s0 =	sor.u32 s4, s0;
	s1 =	sshll.u32 s1, $0x11  }
0xcb: {  	s0 =	sor.u32 s1, s0  }
0xcc: {  	s0 =	sadd.s32 $0x8F2B, s0  }
0xcd: {  	[sflag:s0] =	ssyncadd.remote.s32 $0x1  }
0xce: {  	_ =	sfence.sel $0xFFFF  }
0xcf: {  	[dreg:$0x0] =	wrdreg $0xFFFFFFFF;
	(pc) =	sbr.abs _section_cstart, $3  }
0xd0: {  	[dreg:$0x1] =	wrdreg $0xFFFFFFFF  }
0xd1: {  	_ =	task.clear_ibuf [dreg:s22], $0x2FFFF;
	_ =	strace $0x9FFFFFFF  }
0xd2: {  	(tm) =	ssettm $0x7FFFFFFF  }
0xd3: {  	_ =	shalt  }
tec
execute0_lowered:
.L_overlay_start_1:
0x0: {  	(tag) =	ssettag $0x1  }
0x1: {  	s4 =	rddreg [dreg:$0x0]  }
0x2: {  	s5 =	rddreg [dreg:$0x1];
	s0 =	srdreg.scid  }
0x3: {  	s2 =	rddreg [dreg:$0x2];
	s1 =	stileid.u32  }
0x4: {  	s3 =	simm.s32 $0x0;
	s17 =	simm.s32 $0x1;
	s18 =	simm.s32 $0x6800  }
0x5: {  	s19 =	simm.s32 $0x80;
	s20 =	simm.s32 $0x2800;
	s21 =	simm.s32 $0x0  }
0x6: {  	s6 =	sand.u32 $0x1, s0;
	s0 =	rddreg [dreg:$0x3];
	s8 =	smul.u32 $0x14000, s1  }
0x7: {  	[smem:$0x7FF] =	sst s3;
	s29 =	sshll.u32 s1, $0x1;
	s7 =	smul.u32 $0x140000, s6  }
0x8: {  	s30 =	smul.u32 $0x50000, s1;
	s9 =	ssub.s32 $0x2, s6;
	s6 =	sor.u32 s6, s29  }
0x9: {  	_ =	strace $0x8000004A;
	s6 =	smul.u32 $0x500, s6;
	s7 =	sadd.s32 s8, s7  }
0xa: {  	s10 =	sshrl.u32 s9, $0x1;
	s31 =	sshrl.u32 s30, $0x2;
	s7 =	sshrl.u32 s7, $0x3  }
0xb: {  	s9 =	ssub.s32 s9, s10;
	s4 =	sadd.s32 s4, s6;
	s7 =	sadd.s32 s7, s5  }
0xc: {  	s5 =	sadd.s32 s31, s2;
	s6 =	sadd.s32 $0x68C00, s7;
	s7 =	smax.u32 s9, $0x1  }
0xd: {  	s8 =	sadd.s32 $0x2000, s5;
	s9 =	sadd.s32 $0x4000, s5;
	s10 =	sadd.s32 $0x6000, s5  }
0xe: {  	s11 =	sadd.s32 $0x8000, s5;
	s12 =	sadd.s32 $0xA000, s5;
	s13 =	sadd.s32 $0xC000, s5  }
0xf: {  	v0 =	vimm.f32 $1.000000000e+00;
	v1 =	vimm.f32 $0.0e+00;
	s14 =	sadd.s32 $0xE000, s5;
	s15 =	sadd.s32 $0x10000, s5;
	s16 =	sadd.s32 $0x12000, s5  }
.LBB2_1:
0x10: {  	[tilespmem:s3], [sflag:$0x1] =	stream.linear.gather [hbm4b:s4+s3], $0x2800, $0x38;
	[tilespmem:$0x1C800] =	vst v63  }
0x11: {  	_ =	swait.ge [sflag:s17], $0x2800  }
0x12: {  	[sflag:s17] =	ssyncset.done $0x0  }
0x13: {  	s22 =	simm.s32 $0x0;
	s23 =	simm.s32 $0x200;
	[sflag:s17] =	ssyncadd.s32 $0xFFFFD800  }
.LBB2_2:
0x14: {  	p0 =	sne.s32 s23, $0xFE00;
	[tilespmem:s22+$0x2870] =	vst v0  }
0x15: {  	[tilespmem:s22+$0x2800] =	vst v0  }
0x16: {  	[tilespmem:s22+$0x2810] =	vst v0  }
.Ltmp0:
0x17: {  	[tilespmem:s22+$0x2820] =	vst v0;
	(pc) =	sbr.rel @p0 .LBB2_2-.Ltmp0, $4  }
0x18: {  	[tilespmem:s22+$0x2830] =	vst v0  }
0x19: {  	[tilespmem:s22+$0x2840] =	vst v0  }
0x1a: {  	[tilespmem:s22+$0x2850] =	vst v0  }
0x1b: {  	[tilespmem:s22+$0x2860] =	vst v0;
	s22 =	sshra.s32 s23, $0x2;
	s23 =	sadd.s32 $0x200, s23  }
0x1c: {  	[tilespmem:s22+$0x2870] =	vst v0  }
0x1d: {  	[tilespmem:s22+$0x2800] =	vst v0  }
0x1e: {  	[tilespmem:s22+$0x2810] =	vst v0  }
0x1f: {  	[tilespmem:s22+$0x2820] =	vst v0  }
0x20: {  	[tilespmem:s22+$0x2830] =	vst v0  }
0x21: {  	[tilespmem:s22+$0x2840] =	vst v0  }
0x22: {  	[tilespmem:s22+$0x2850] =	vst v0  }
0x23: {  	[tilespmem:s22+$0x2860] =	vst v0;
	s22 =	simm.s32 $0x0;
	s23 =	simm.s32 $0x200  }
.LBB2_4:
0x24: {  	p0 =	sne.s32 s23, $0x7E00;
	[tilespmem:s22+$0x6870] =	vst v1  }
0x25: {  	[tilespmem:s22+$0x6800] =	vst v1  }
0x26: {  	[tilespmem:s22+$0x6810] =	vst v1  }
.Ltmp1:
0x27: {  	[tilespmem:s22+$0x6820] =	vst v1;
	(pc) =	sbr.rel @p0 .LBB2_4-.Ltmp1, $4  }
0x28: {  	[tilespmem:s22+$0x6830] =	vst v1  }
0x29: {  	[tilespmem:s22+$0x6840] =	vst v1  }
0x2a: {  	[tilespmem:s22+$0x6850] =	vst v1  }
0x2b: {  	[tilespmem:s22+$0x6860] =	vst v1;
	s22 =	sshra.s32 s23, $0x2;
	s23 =	sadd.s32 $0x200, s23  }
0x2c: {  	[tilespmem:s22+$0x6870] =	vst v1  }
0x2d: {  	[tilespmem:s22+$0x6800] =	vst v1  }
0x2e: {  	[tilespmem:s22+$0x6810] =	vst v1  }
0x2f: {  	[tilespmem:s22+$0x6820] =	vst v1  }
0x30: {  	[tilespmem:s22+$0x6830] =	vst v1  }
0x31: {  	[tilespmem:s22+$0x6840] =	vst v1  }
0x32: {  	[tilespmem:s22+$0x6850] =	vst v1  }
0x33: {  	[tilespmem:s22+$0x6860] =	vst v1  }
0x34: {  	[spmem:s5] =	stream.linear.scatter [tilespmem:s18], [sflag:$0x1], $0x2000, $0x38;
	[tilespmem:$0x1C800] =	vst v63  }
0x35: {  	_ =	swait.ge [sflag:s17], $0x2000  }
0x36: {  	[sflag:s17] =	ssyncset.done $0x0  }
0x37: {  	[sflag:s17] =	ssyncadd.s32 $0xFFFFE000  }
0x38: {  	[spmem:s8] =	stream.linear.scatter [tilespmem:s18], [sflag:$0x1], $0x2000, $0x38;
	[tilespmem:$0x1C800] =	vst v63  }
0x39: {  	_ =	swait.ge [sflag:s17], $0x2000  }
0x3a: {  	[sflag:s17] =	ssyncset.done $0x0  }
0x3b: {  	[sflag:s17] =	ssyncadd.s32 $0xFFFFE000  }
0x3c: {  	[spmem:s9] =	stream.linear.scatter [tilespmem:s18], [sflag:$0x1], $0x2000, $0x38;
	[tilespmem:$0x1C800] =	vst v63  }
0x3d: {  	_ =	swait.ge [sflag:s17], $0x2000  }
0x3e: {  	[sflag:s17] =	ssyncset.done $0x0  }
0x3f: {  	[sflag:s17] =	ssyncadd.s32 $0xFFFFE000  }
0x40: {  	[spmem:s10] =	stream.linear.scatter [tilespmem:s18], [sflag:$0x1], $0x2000, $0x38;
	[tilespmem:$0x1C800] =	vst v63  }
0x41: {  	_ =	swait.ge [sflag:s17], $0x2000  }
0x42: {  	[sflag:s17] =	ssyncset.done $0x0  }
0x43: {  	[sflag:s17] =	ssyncadd.s32 $0xFFFFE000  }
0x44: {  	[spmem:s11] =	stream.linear.scatter [tilespmem:s18], [sflag:$0x1], $0x2000, $0x38;
	[tilespmem:$0x1C800] =	vst v63  }
0x45: {  	_ =	swait.ge [sflag:s17], $0x2000  }
0x46: {  	[sflag:s17] =	ssyncset.done $0x0  }
0x47: {  	[sflag:s17] =	ssyncadd.s32 $0xFFFFE000  }
0x48: {  	[spmem:s12] =	stream.linear.scatter [tilespmem:s18], [sflag:$0x1], $0x2000, $0x38;
	[tilespmem:$0x1C800] =	vst v63  }
0x49: {  	_ =	swait.ge [sflag:s17], $0x2000  }
0x4a: {  	[sflag:s17] =	ssyncset.done $0x0  }
0x4b: {  	[sflag:s17] =	ssyncadd.s32 $0xFFFFE000  }
0x4c: {  	[spmem:s13] =	stream.linear.scatter [tilespmem:s18], [sflag:$0x1], $0x2000, $0x38;
	[tilespmem:$0x1C800] =	vst v63  }
0x4d: {  	_ =	swait.ge [sflag:s17], $0x2000  }
0x4e: {  	[sflag:s17] =	ssyncset.done $0x0  }
0x4f: {  	[sflag:s17] =	ssyncadd.s32 $0xFFFFE000  }
0x50: {  	[spmem:s14] =	stream.linear.scatter [tilespmem:s18], [sflag:$0x1], $0x2000, $0x38;
	[tilespmem:$0x1C800] =	vst v63  }
0x51: {  	_ =	swait.ge [sflag:s17], $0x2000  }
0x52: {  	[sflag:s17] =	ssyncset.done $0x0  }
0x53: {  	[sflag:s17] =	ssyncadd.s32 $0xFFFFE000  }
0x54: {  	[spmem:s15] =	stream.linear.scatter [tilespmem:s18], [sflag:$0x1], $0x2000, $0x38;
	[tilespmem:$0x1C800] =	vst v63  }
0x55: {  	_ =	swait.ge [sflag:s17], $0x2000  }
0x56: {  	[sflag:s17] =	ssyncset.done $0x0  }
0x57: {  	[sflag:s17] =	ssyncadd.s32 $0xFFFFE000  }
0x58: {  	[spmem:s16] =	stream.linear.scatter [tilespmem:s18], [sflag:$0x1], $0x2000, $0x38;
	[tilespmem:$0x1C800] =	vst v63  }
0x59: {  	_ =	swait.ge [sflag:s17], $0x2000  }
0x5a: {  	[sflag:s17] =	ssyncset.done $0x0  }
0x5b: {  	[sflag:s17] =	ssyncadd.s32 $0xFFFFE000  }
0x5c: {  	s31 =	simm.s32 $0x0;
	[bflag:$0x0] =	sbarrier.arrive $0xFFFF  }
0x5d: {  	[spmem:s2] =	stream.indirect.scatter.add.f32 [tilespmem:s20], [sflag:$0x1], $0x80, s31, s19, $0xb8;
	[tilespmem:$0x1C800] =	vst v63  }
0x5e: {  	_ =	swait.ge [sflag:s17], $0x4000  }
0x5f: {  	s22 =	simm.s32 $0x200;
	[sflag:s17] =	ssyncset.done $0x0  }
.LBB2_6:
0x60: {  	s23 =	sshra.s32 s22, $0x2;
	[sflag:s17] =	ssyncadd.s32 $0xFFFFC000;
	p0 =	sne.s32 s22, $0x9E00  }
0x61: {  	[spmem:s2] =	stream.indirect.scatter.add.f32 [tilespmem:s20], [sflag:$0x1], $0x80, s23, s19, $0xb8;
	[tilespmem:$0x1C800] =	vst v63  }
.Ltmp2:
0x62: {  	_ = 	snop;
	(pc) =	sbr.rel @p0 .LBB2_6-.Ltmp2, $4  }
0x63: {  	_ = 	snop  }
0x64: {  	s22 =	sadd.s32 $0x200, s22  }
0x65: {  	_ =	swait.ge [sflag:s17], $0x4000  }
0x66: {  	[sflag:s17] =	ssyncset.done $0x0  }
0x67: {  	[sflag:s17] =	ssyncadd.s32 $0xFFFFC000;
	s21 =	sadd.s32 $0x1, s21  }
0x68: {  	s22 =	sshll.u32 s1, $0x6;
	s23 =	sshrl.u32 s5, $0x3;
	p0 =	sne.s32 s21, s7  }
.Ltmp3:
0x69: {  	[bflag:$0x0] =	sbarrier.arrive $0xFFFF;
	s22 =	sor.u32 $0x1C01, s22;
	(pc) =	sbr.rel @p0 .LBB2_1-.Ltmp3, $4  }
0x6a: {  	[hbm:s6], [sflag:s22] =	dma.local [spmem:s23], $0x2800  }
0x6b: {  	_ =	swait.ge [sflag:s17], $0x2800  }
0x6c: {  	[sflag:s17] =	ssyncset.done $0x0  }
0x6d: {  	[sflag:s17] =	ssyncadd.s32 $0xFFFFD800  }
0x6e: {  	_ =	sfence.sel $0x180000  }
0x6f: {  	[bflag:$0x0] =	sbarrier.arrive $0xFFFF  }
0x70: {  	p0 =	sne.s32 s1, $0x0;
	_ =	strace $0x9000004A  }
0x71: {  	s0 =	sadd.s32 @!p0 $0x100000, s0;
	[bflag:$0x2] =	sbarrier.arrive $0xFFFF  }
0x72: {  	[sflag:s0] =	ssyncadd.tile.s32 @!p0 $0x1;
	_ =	shalt  }
.Lfunc_end2:
_tile_overlayer_lowered:
.L_overlay_start_2:
0x73: {  	(tag) =	ssettag $0x2  }
0x74: {  	s0 =	rddreg [dreg:$0x0];
	s2 =	stileid.u32  }
0x75: {  	s1 =	rddreg [dreg:$0x1];
	p0 =	sne.s32 s2, $0x0  }
0x76: {  	s3 =	rddreg [dreg:$0x2];
	[bflag:$0x3] =	sbarrier.arrive $0xFFFF;
	s2 =	simm.s32 @!p0 $0x1C01  }
0x77: {  	[timem:s3], [sflag:s2] =	dma.local @!p0 [hbm:s0], s1  }
0x78: {  	s0 =	simm.s32 @!p0 $0x1  }
0x79: {  	_ =	swait.ge @!p0 [sflag:s0], s1  }
0x7a: {  	s1 =	ssub.s32 @!p0 $0x0, s1;
	[sflag:s0] =	ssyncset.done @!p0 $0x0  }
0x7b: {  	[sflag:s0] =	ssyncadd.s32 @!p0 s1  }
0x7c: {  	[bflag:$0x3] =	sbarrier.arrive $0xFFFF  }
0x7d: {  	_ =	shalt  }

// kernel: kernel.14.cloned.1.call-start
scs
__scs_entry_jumppad:
0x0: {  	(pc) =	sbr.rel $0x88, $3  }
0x1: {  	(tag) =	ssettag $0x0;
	lr =	simm.s32 $0x1  }
0x2: {  	[smem:$0x3F9B] =	sst lr;
	_ =	strace $0xD0000000  }
0x3: {  	_ = 	snop  }
0x4: {  	_ = 	snop  }
0x5: {  	_ = 	snop  }
0x6: {  	_ = 	snop  }
0x7: {  	_ = 	snop  }
__scs_overlays_trampoline_lowered:
0x8: {  	[smem:$0x3FAA] =	sst s0  }
0x9: {  	[smem:$0x3FAB] =	sst s1  }
0xa: {  	[smem:$0x3FAC] =	sst s2  }
0xb: {  	[smem:$0x3FAD] =	sst s3  }
0xc: {  	[smem:$0x3FAE] =	sst s4  }
0xd: {  	[smem:$0x3FAF] =	sst s5  }
0xe: {  	[smem:$0x3FB0] =	sst s6  }
0xf: {  	[smem:$0x3FB1] =	sst s7  }
0x10: {  	[smem:$0x3FB2] =	sst s8  }
0x11: {  	[smem:$0x3FB3] =	sst s9;
	s0 =	simm.s32 @!p0 $0x0  }
0x12: {  	s1 =	sld [smem:$0x3F99];
	s0 =	simm.s32 @p0 $0x1  }
0x13: {  	[smem:$0x3FB4] =	sst s0;
	s0 =	simm.s32 @!p1 $0x0  }
0x14: {  	s2 =	sld [smem:$0x3F98];
	s0 =	simm.s32 @p1 $0x1  }
0x15: {  	[smem:$0x3FB5] =	sst s0;
	s0 =	simm.s32 @!p2 $0x0  }
0x16: {  	s3 =	sld [smem:$0x3FDB];
	s0 =	simm.s32 @p2 $0x1  }
0x17: {  	s4 =	simm.s32 $0x1BF5;
	[smem:$0x3FB7] =	sst s0  }
0x18: {  	s0 =	sld [smem:$0x3F9A];
	_ =	swait.ge [sflag:s4], $0x0  }
0x19: {  	s7 =	sld [smem:$0x3F9B]  }
0x1a: {  	s8 =	sadd.s32 $0xFFFFE003, lr  }
0x1b: {  	s9 =	sadd.s32 $0xFFFFFEF7, lr;
	s5 =	simm.s32 $0xFFFFFFFF;
	p2 =	slt.u32 s8, $0xFFFFF086  }
0x1c: {  	p1 =	slt.u32 s9, $0xF7A;
	s5 =	simm.s32 @!p2 $0x0  }
0x1d: {  	s5 =	simm.s32 @p1 $0x1;
	p0 =	seq.s32 s7, s2  }
0x1e: {  	s7 =	smul.u32 @!p0 $0xF7A, s2;
	p2 =	seq.s32 @!p0 s5, $0x0  }
0x1f: {  	s9 =	smul.u32 $0xF7A, s1;
	s8 =	simm.s32 @!p0 $0x1BF5;
	p2 =	por !p2, p0  }
0x20: {  	[sflag:s8] =	ssyncset.s32 @!p0 $0xFFFFF086;
	s6 =	sadd.s32 @!p0 s3, s7;
	s7 =	simm.s32 @!p0 $0x108  }
0x21: {  	s3 =	sadd.s32 s3, s9;
	s6 =	sadd.s32 @!p0 $0x88, s6;
	s7 =	simm.s32 @p2 $0x1082  }
0x22: {  	[simem:s7], [sflag:s8] =	dma.local @!p0 [hbm:s6], $0xF7A  }
0x23: {  	s9 =	sor.u32 $0xD0000000, s2;
	s6 =	simm.s32 $0x108;
	_ =	swait.ge @!p0 [sflag:s8], $0x0  }
0x24: {  	s3 =	sadd.s32 $0x88, s3;
	s6 =	simm.s32 @!p1 $0x1082;
	[sflag:s4] =	ssyncset.s32 $0xFFFFF086  }
0x25: {  	[simem:s6], [sflag:s4] =	dma.local [hbm:s3], $0xF7A  }
0x26: {  	[smem:$0x3F9B] =	sst s1;
	(tag) =	ssettag s2;
	_ =	strace s9  }
0x27: {  	s1 =	sld [smem:$0x3FAB]  }
0x28: {  	s2 =	sld [smem:$0x3FAC]  }
0x29: {  	s4 =	sld [smem:$0x3FAE]  }
0x2a: {  	p0 =	seq.s32 s5, $0x0;
	s5 =	sld [smem:$0x3FAF]  }
0x2b: {  	s6 =	sld [smem:$0x3FB0]  }
0x2c: {  	s7 =	sld [smem:$0x3FB1]  }
0x2d: {  	s3 =	simm.s32 $0x108;
	s8 =	sld [smem:$0x3FB2]  }
0x2e: {  	s3 =	simm.s32 @!p0 $0x1082;
	s9 =	sld [smem:$0x3FB3]  }
0x2f: {  	lr =	sadd.s32 s0, s3;
	s0 =	sld [smem:$0x3FAA]  }
0x30: {  	s3 =	sld [smem:$0x3FAD]  }
0x31: {  	[smem:$0x3FB6] =	sst s10  }
0x32: {  	s10 =	sld [smem:$0x3FB4];
	_ =	sdelay $0x3  }
0x33: {  	p0 =	seq.s32 s10, $0x1;
	s10 =	sld [smem:$0x3FB6];
	_ =	sdelay $0x3  }
0x34: {  	[smem:$0x3FB6] =	sst s10  }
0x35: {  	s10 =	sld [smem:$0x3FB5];
	_ =	sdelay $0x3  }
0x36: {  	p1 =	seq.s32 s10, $0x1;
	s10 =	sld [smem:$0x3FB6];
	_ =	sdelay $0x3  }
0x37: {  	[smem:$0x3FB6] =	sst s10  }
0x38: {  	s10 =	sld [smem:$0x3FB7]  }
0x39: {  	_ = 	snop;
	(pc) =	sbr.ind lr, $3  }
0x3a: {  	_ = 	snop  }
0x3b: {  	_ = 	snop  }
0x3c: {  	p2 =	seq.s32 s10, $0x1;
	s10 =	sld [smem:$0x3FB6]  }
0x3d: {  	_ =	shalt  }
0x3e: {  	_ =	shalt  }
0x3f: {  	_ =	shalt  }
0x40: {  	_ =	shalt  }
0x41: {  	_ =	shalt  }
0x42: {  	_ =	shalt  }
0x43: {  	_ =	shalt  }
0x44: {  	_ =	shalt  }
0x45: {  	_ =	shalt  }
0x46: {  	_ =	shalt  }
0x47: {  	_ =	shalt  }
0x48: {  	_ =	shalt  }
0x49: {  	_ =	shalt  }
0x4a: {  	_ =	shalt  }
0x4b: {  	_ =	shalt  }
0x4c: {  	_ =	shalt  }
0x4d: {  	_ =	shalt  }
0x4e: {  	_ =	shalt  }
0x4f: {  	_ =	shalt  }
0x50: {  	_ =	shalt  }
0x51: {  	_ =	shalt  }
0x52: {  	_ =	shalt  }
0x53: {  	_ =	shalt  }
0x54: {  	_ =	shalt  }
0x55: {  	_ =	shalt  }
0x56: {  	_ =	shalt  }
0x57: {  	_ =	shalt  }
0x58: {  	_ =	shalt  }
0x59: {  	_ =	shalt  }
0x5a: {  	_ =	shalt  }
0x5b: {  	_ =	shalt  }
0x5c: {  	_ =	shalt  }
0x5d: {  	_ =	shalt  }
0x5e: {  	_ =	shalt  }
0x5f: {  	_ =	shalt  }
0x60: {  	_ =	shalt  }
0x61: {  	_ =	shalt  }
0x62: {  	_ =	shalt  }
0x63: {  	_ =	shalt  }
0x64: {  	_ =	shalt  }
0x65: {  	_ =	shalt  }
0x66: {  	_ =	shalt  }
0x67: {  	_ =	shalt  }
0x68: {  	_ =	shalt  }
0x69: {  	_ =	shalt  }
0x6a: {  	_ =	shalt  }
0x6b: {  	_ =	shalt  }
0x6c: {  	_ =	shalt  }
0x6d: {  	_ =	shalt  }
0x6e: {  	_ =	shalt  }
0x6f: {  	_ =	shalt  }
0x70: {  	_ =	shalt  }
0x71: {  	_ =	shalt  }
0x72: {  	_ =	shalt  }
0x73: {  	_ =	shalt  }
0x74: {  	_ =	shalt  }
0x75: {  	_ =	shalt  }
0x76: {  	_ =	shalt  }
0x77: {  	_ =	shalt  }
0x78: {  	_ =	shalt  }
0x79: {  	_ =	shalt  }
0x7a: {  	_ =	shalt  }
0x7b: {  	_ =	shalt  }
0x7c: {  	_ =	shalt  }
0x7d: {  	_ =	shalt  }
0x7e: {  	_ =	shalt  }
0x7f: {  	_ =	shalt  }
0x80: {  	_ =	shalt  }
0x81: {  	_ =	shalt  }
0x82: {  	_ =	shalt  }
0x83: {  	_ =	shalt  }
0x84: {  	_ =	shalt  }
0x85: {  	_ =	shalt  }
0x86: {  	_ =	shalt  }
0x87: {  	_ =	shalt  }
.Lfunc_end0:
.L_simem_size_0:
called_computation.1_lowered:
.L_overlay_start_0:
0x88: {  	s2 =	sld [smem:$0x3FD9]  }
0x89: {  	s3 =	sld [smem:$0x3FFE];
	_ =	sdelay $0x1  }
0x8a: {  	s1 =	srdreg.scid  }
0x8b: {  	s0 =	sand.u32 $0x1, s1  }
0x8c: {  	s17 =	sshll.u32 s0, $0xA;
	s2 =	sadd.s32 s3, s2  }
0x8d: {  	s2 =	sadd.s32 s2, s17  }
0x8e: {  	[smem:$0x3FC2] =	sst s2  }
0x8f: {  	_ = 	snop  }
0x90: {  	s2 =	sld [smem:$0x3FC9];
	(tm) =	ssettm $0x1  }
0x91: {  	s18 =	sld [smem:$0x3FFB];
	_ =	sdelay $0x3  }
0x92: {  	_ =	strace s18  }
0x93: {  	s3 =	sld [smem:$0x3FFC];
	_ =	sdelay $0x3  }
0x94: {  	_ =	strace s3  }
0x95: {  	s3 =	sld [smem:$0x3FFD];
	_ =	sdelay $0x3  }
0x96: {  	_ =	strace s3  }
0x97: {  	_ =	strace $0x8FFFFFFF  }
0x98: {  	s19 =	sld [smem:$0x3FDB];
	_ =	sdelay $0x1  }
0x99: {  	s4 =	simm.s32 $_scs_section_size  }
0x9a: {  	s5 =	simm.s32 $_size__tile_overlayer_lowered;
	s6 =	simm.s32 $_tile_overlayer_lowered  }
0x9b: {  	s22 =	simm.s32 $0x1BFF;
	s21 =	sshll.u32 s6, $0x1;
	s3 =	sadd.s32 s4, s19  }
0x9c: {  	s7 =	simm.s32 $0x0;
	s20 =	sshll.u32 s5, $0x1;
	s5 =	sadd.s32 s21, s3  }
0x9d: {  	[timem:s7], [sflag:s22] =	dma.local [hbm:s5], s20  }
0x9e: {  	_ =	swait.ge [sflag:s22], s20  }
0x9f: {  	s4 =	ssub.s32 $0x0, s20;
	[sflag:s22] =	ssyncset.done $0x0  }
0xa0: {  	[sflag:s22] =	ssyncadd.s32 s4;
	_ =	sdelay $0x1  }
0xa1: {  	s23 =	simm.s32 $0x1B8B  }
0xa2: {  	_ =	swait.ge [sflag:s23], $0x1  }
0xa3: {  	[sflag:s23] =	ssyncset.done $0x0  }
0xa4: {  	s25 =	simm.s32 $0x1B8E;
	s24 =	sld [smem:$0x3FFE];
	[sflag:s23] =	ssyncadd.s32 $0xFFFFFFFF  }
0xa5: {  	s26 =	simm.s32 $execute0_lowered;
	[smem:$0x3FD2] =	sst s25  }
0xa6: {  	s5 =	sshll.u32 s26, $0x1;
	_ =	strace $0x80000046;
	[dreg:$0x1] =	wrdreg $0xFFFFFFFF  }
0xa7: {  	s28 =	simm.s32 $_size_execute0_lowered;
	s3 =	sadd.s32 s3, s5;
	[dreg:$0x0] =	wrdreg $0x0  }
0xa8: {  	s5 =	sshll.u32 s28, $0x1;
	[dreg:$0x2] =	wrdreg s3  }
0xa9: {  	[dreg:$0x3] =	wrdreg s5  }
0xaa: {  	[dreg:$0x4] =	wrdreg $0xC0  }
0xab: {  	_ =	task [dreg:s7], $0x5FFFF  }
0xac: {  	[dreg:$0x1] =	wrdreg $0xFFFFFFFF  }
0xad: {  	[dreg:$0x0] =	wrdreg $0x60  }
0xae: {  	[dreg:$0x2] =	wrdreg s2  }
0xaf: {  	[dreg:$0x3] =	wrdreg s24  }
0xb0: {  	[dreg:$0x4] =	wrdreg $0x64000  }
0xb1: {  	[dreg:$0x5] =	wrdreg $0xA  }
0xb2: {  	_ =	task.clear_ibuf [dreg:s7], $0x6FFFF;
	_ =	strace $0x90000046  }
0xb3: {  	s29 =	simm.s32 $0xA;
	_ =	strace $0x80000048  }
0xb4: {  	_ =	swait.ge [sflag:s29], $0x1  }
0xb5: {  	[sflag:s29] =	ssyncadd.s32 $0xFFFFFFFF  }
0xb6: {  	_ =	strace $0x90000048  }
0xb7: {  	_ =	sfence  }
0xb8: {  	s30 =	sld [smem:$0x0];
	_ =	sdelay $0x2  }
0xb9: {  	s31 =	sshll.u32 s1, $0xD;
	s1 =	sshrl.u32 s1, $0x2  }
0xba: {  	s3 =	sand.u32 $0x4000, s31;
	s1 =	sadd.s32 s1, s30  }
0xbb: {  	s0 =	sor.u32 s3, s0;
	s1 =	sshll.u32 s1, $0x11  }
0xbc: {  	s0 =	sor.u32 s1, s0  }
0xbd: {  	s0 =	sadd.s32 $0x8F2B, s0  }
0xbe: {  	[sflag:s0] =	ssyncadd.remote.s32 $0x1  }
0xbf: {  	_ =	sfence.sel $0xFFFF  }
0xc0: {  	[dreg:$0x0] =	wrdreg $0xFFFFFFFF;
	(pc) =	sbr.abs _section_cstart, $3  }
0xc1: {  	[dreg:$0x1] =	wrdreg $0xFFFFFFFF  }
0xc2: {  	_ =	task.clear_ibuf [dreg:s7], $0x2FFFF;
	_ =	strace $0x9FFFFFFF  }
0xc3: {  	(tm) =	ssettm $0x7FFFFFFF  }
tec
execute0_lowered:
.L_overlay_start_1:
0x0: {  	(tag) =	ssettag $0x1  }
0x1: {  	s0 =	rddreg [dreg:$0x0]  }
0x2: {  	s1 =	rddreg [dreg:$0x1];
	s2 =	srdreg.scid  }
0x3: {  	s3 =	rddreg [dreg:$0x2];
	s18 =	stileid.u32  }
0x4: {  	s4 =	simm.s32 $0x0;
	s20 =	simm.s32 $0x4400;
	s21 =	simm.s32 $0x2  }
0x5: {  	s28 =	simm.s32 $0x200;
	s29 =	simm.s32 $0x280;
	s30 =	simm.s32 $0x300  }
0x6: {  	s31 =	simm.s32 $0x380;
	s2 =	sand.u32 $0x1, s2;
	s6 =	smul.u32 $0x14000, s18  }
0x7: {  	[smem:$0x7FF] =	sst s4;
	s8 =	smul.u32 $0x50000, s18;
	s17 =	sshll.u32 s18, $0x1  }
0x8: {  	s26 =	sshll.u32 s18, $0xB;
	s5 =	smul.u32 $0x140000, s2;
	_ =	strace $0x80000047  }
0x9: {  	s7 =	ssub.s32 $0x2, s2;
	s25 =	sor.u32 s17, s2;
	s2 =	sshll.u32 s2, $0xA  }
0xa: {  	s22 =	sshrl.u32 s7, $0x1;
	s23 =	sshrl.u32 s8, $0x2;
	s19 =	sor.u32 s2, s26  }
0xb: {  	s26 =	simm.s32 $0x180;
	s5 =	sadd.s32 s6, s5;
	s7 =	ssub.s32 s7, s22  }
0xc: {  	s22 =	simm.s32 $0x80;
	s6 =	sshrl.u32 s5, $0x3;
	s5 =	sadd.s32 $0x5200, s1  }
0xd: {  	s24 =	smax.u32 s7, $0x1;
	s1 =	sadd.s32 s6, s1;
	s6 =	sadd.s32 s23, s3  }
0xe: {  	[dreg:$0x5] =	wrdreg s24;
	s23 =	simm.s32 $0x400;
	s24 =	simm.s32 $0x1  }
0xf: {  	s1 =	sadd.s32 $0x18C00, s1;
	s9 =	sadd.s32 $0x2000, s6;
	s10 =	sadd.s32 $0x4000, s6  }
0x10: {  	s11 =	sadd.s32 $0x6000, s6;
	s12 =	sadd.s32 $0x8000, s6;
	s13 =	sadd.s32 $0xA000, s6  }
0x11: {  	s14 =	sadd.s32 $0xC000, s6;
	s15 =	sadd.s32 $0xE000, s6;
	s16 =	sadd.s32 $0x10000, s6  }
0x12: {  	s17 =	sadd.s32 $0x12000, s6;
	[dreg:$0x4] =	wrdreg s1;
	s1 =	ssub.s32 $0x290, s25  }
0x13: {  	v0 =	vimm.f32 $0.0e+00;
	s25 =	simm.s32 $0x100;
	s18 =	sshrl.u32 s1, $0x5;
	s1 =	simm.s32 $0x0  }
.LBB2_1:
0x14: {  	s2 =	simm.s32 $0x0;
	s7 =	simm.s32 $0x200  }
.LBB2_2:
0x15: {  	p0 =	sne.s32 s7, $0x7E00;
	[tilespmem:s2+$0x4470] =	vst v0  }
0x16: {  	[tilespmem:s2+$0x4400] =	vst v0  }
0x17: {  	[tilespmem:s2+$0x4410] =	vst v0  }
.Ltmp0:
0x18: {  	[tilespmem:s2+$0x4420] =	vst v0;
	(pc) =	sbr.rel @p0 .LBB2_2-.Ltmp0, $4  }
0x19: {  	[tilespmem:s2+$0x4430] =	vst v0  }
0x1a: {  	[tilespmem:s2+$0x4440] =	vst v0  }
0x1b: {  	[tilespmem:s2+$0x4450] =	vst v0  }
0x1c: {  	[tilespmem:s2+$0x4460] =	vst v0;
	s2 =	sshra.s32 s7, $0x2;
	s7 =	sadd.s32 $0x200, s7  }
0x1d: {  	[tilespmem:s2+$0x4470] =	vst v0  }
0x1e: {  	[tilespmem:s2+$0x4400] =	vst v0  }
0x1f: {  	[tilespmem:s2+$0x4410] =	vst v0  }
0x20: {  	[tilespmem:s2+$0x4420] =	vst v0  }
0x21: {  	[tilespmem:s2+$0x4430] =	vst v0  }
0x22: {  	[tilespmem:s2+$0x4440] =	vst v0  }
0x23: {  	[tilespmem:s2+$0x4450] =	vst v0  }
0x24: {  	[tilespmem:s2+$0x4460] =	vst v0  }
0x25: {  	[spmem:s6] =	stream.linear.scatter [tilespmem:s20], [sflag:$0x2], $0x2000, $0x38;
	[tilespmem:$0x1A400] =	vst v63  }
0x26: {  	_ =	swait.ge [sflag:s21], $0x2000  }
0x27: {  	[sflag:s21] =	ssyncset.done $0x0  }
0x28: {  	[sflag:s21] =	ssyncadd.s32 $0xFFFFE000  }
0x29: {  	[spmem:s9] =	stream.linear.scatter [tilespmem:s20], [sflag:$0x2], $0x2000, $0x38;
	[tilespmem:$0x1A400] =	vst v63  }
0x2a: {  	_ =	swait.ge [sflag:s21], $0x2000  }
0x2b: {  	[sflag:s21] =	ssyncset.done $0x0  }
0x2c: {  	[sflag:s21] =	ssyncadd.s32 $0xFFFFE000  }
0x2d: {  	[spmem:s10] =	stream.linear.scatter [tilespmem:s20], [sflag:$0x2], $0x2000, $0x38;
	[tilespmem:$0x1A400] =	vst v63  }
0x2e: {  	_ =	swait.ge [sflag:s21], $0x2000  }
0x2f: {  	[sflag:s21] =	ssyncset.done $0x0  }
0x30: {  	[sflag:s21] =	ssyncadd.s32 $0xFFFFE000  }
0x31: {  	[spmem:s11] =	stream.linear.scatter [tilespmem:s20], [sflag:$0x2], $0x2000, $0x38;
	[tilespmem:$0x1A400] =	vst v63  }
0x32: {  	_ =	swait.ge [sflag:s21], $0x2000  }
0x33: {  	[sflag:s21] =	ssyncset.done $0x0  }
0x34: {  	[sflag:s21] =	ssyncadd.s32 $0xFFFFE000  }
0x35: {  	[spmem:s12] =	stream.linear.scatter [tilespmem:s20], [sflag:$0x2], $0x2000, $0x38;
	[tilespmem:$0x1A400] =	vst v63  }
0x36: {  	_ =	swait.ge [sflag:s21], $0x2000  }
0x37: {  	[sflag:s21] =	ssyncset.done $0x0  }
0x38: {  	[sflag:s21] =	ssyncadd.s32 $0xFFFFE000  }
0x39: {  	[spmem:s13] =	stream.linear.scatter [tilespmem:s20], [sflag:$0x2], $0x2000, $0x38;
	[tilespmem:$0x1A400] =	vst v63  }
0x3a: {  	_ =	swait.ge [sflag:s21], $0x2000  }
0x3b: {  	[sflag:s21] =	ssyncset.done $0x0  }
0x3c: {  	[sflag:s21] =	ssyncadd.s32 $0xFFFFE000  }
0x3d: {  	[spmem:s14] =	stream.linear.scatter [tilespmem:s20], [sflag:$0x2], $0x2000, $0x38;
	[tilespmem:$0x1A400] =	vst v63  }
0x3e: {  	_ =	swait.ge [sflag:s21], $0x2000  }
0x3f: {  	[sflag:s21] =	ssyncset.done $0x0  }
0x40: {  	[sflag:s21] =	ssyncadd.s32 $0xFFFFE000  }
0x41: {  	[spmem:s15] =	stream.linear.scatter [tilespmem:s20], [sflag:$0x2], $0x2000, $0x38;
	[tilespmem:$0x1A400] =	vst v63  }
0x42: {  	_ =	swait.ge [sflag:s21], $0x2000  }
0x43: {  	[sflag:s21] =	ssyncset.done $0x0  }
0x44: {  	[sflag:s21] =	ssyncadd.s32 $0xFFFFE000  }
0x45: {  	[spmem:s16] =	stream.linear.scatter [tilespmem:s20], [sflag:$0x2], $0x2000, $0x38;
	[tilespmem:$0x1A400] =	vst v63  }
0x46: {  	_ =	swait.ge [sflag:s21], $0x2000  }
0x47: {  	[sflag:s21] =	ssyncset.done $0x0  }
0x48: {  	p1 =	sne.s32 s18, $0x1;
	[sflag:s21] =	ssyncadd.s32 $0xFFFFE000  }
0x49: {  	[spmem:s17] =	stream.linear.scatter [tilespmem:s20], [sflag:$0x2], $0x2000, $0x38;
	[tilespmem:$0x1A400] =	vst v63  }
.Ltmp1:
0x4a: {  	_ =	swait.ge [sflag:s21], $0x2000;
	(pc) =	sbr.rel @!p1 .LBB2_6-.Ltmp1, $4  }
0x4b: {  	[sflag:s21] =	ssyncset.done $0x0  }
0x4c: {  	[sflag:s21] =	ssyncadd.s32 $0xFFFFE000  }
0x4d: {  	[bflag:$0x0] =	sbarrier.arrive $0xFFFF  }
0x4e: {  	s2 =	sadd.s32 $0xFFFFFFFF, s18;
	s8 =	sshrl.u32 s19, $0x3;
	p0 =	por $0x0, $0x0  }
0x4f: {  	s7 =	sadd.s32 s5, s8  }
0x50: {  	[tilespmem:s4], [sflag:$0x2] =	stream.linear.gather [hbm4b:s7+s4], $0x400, $0x38;
	[tilespmem:$0x1A400] =	vst v63  }
0x51: {  	_ =	swait.ge [sflag:s21], $0x400  }
0x52: {  	[sflag:s21] =	ssyncset.done $0x0  }
0x53: {  	[sflag:s21] =	ssyncadd.s32 $0xFFFFFC00  }
0x54: {  	[tilespmem:s23], [sflag:$0x1] =	stream.indirect.gather [hbm4b:s0+s22], $0x80, s4, s22, $0xb8;
	[tilespmem:$0x1A400] =	vst v63  }
0x55: {  	_ =	swait.ge [sflag:s24], $0x4000  }
0x56: {  	[sflag:s24] =	ssyncset.done $0x0  }
0x57: {  	[sflag:s24] =	ssyncadd.s32 $0xFFFFC000  }
0x58: {  	[spmem:s3] =	stream.indirect.scatter.add.f32 [tilespmem:s23], [sflag:$0x2], $0x80, s22, s22, $0xb8;
	[tilespmem:$0x1A400] =	vst v63  }
0x59: {  	_ =	swait.ge [sflag:s21], $0x4000  }
0x5a: {  	[sflag:s21] =	ssyncset.done $0x0  }
0x5b: {  	[sflag:s21] =	ssyncadd.s32 $0xFFFFC000  }
0x5c: {  	[tilespmem:s23], [sflag:$0x1] =	stream.indirect.gather [hbm4b:s0+s22], $0x80, s25, s22, $0xb8;
	[tilespmem:$0x1A400] =	vst v63  }
0x5d: {  	_ =	swait.ge [sflag:s24], $0x4000  }
0x5e: {  	[sflag:s24] =	ssyncset.done $0x0  }
0x5f: {  	[sflag:s24] =	ssyncadd.s32 $0xFFFFC000  }
0x60: {  	[spmem:s3] =	stream.indirect.scatter.add.f32 [tilespmem:s23], [sflag:$0x2], $0x80, s26, s22, $0xb8;
	[tilespmem:$0x1A400] =	vst v63  }
0x61: {  	_ =	swait.ge [sflag:s21], $0x4000  }
0x62: {  	[sflag:s21] =	ssyncset.done $0x0  }
0x63: {  	[sflag:s21] =	ssyncadd.s32 $0xFFFFC000  }
0x64: {  	[tilespmem:s23], [sflag:$0x1] =	stream.indirect.gather [hbm4b:s0+s22], $0x80, s28, s22, $0xb8;
	[tilespmem:$0x1A400] =	vst v63  }
0x65: {  	_ =	swait.ge [sflag:s24], $0x4000  }
0x66: {  	[sflag:s24] =	ssyncset.done $0x0  }
0x67: {  	[sflag:s24] =	ssyncadd.s32 $0xFFFFC000  }
0x68: {  	[spmem:s3] =	stream.indirect.scatter.add.f32 [tilespmem:s23], [sflag:$0x2], $0x80, s29, s22, $0xb8;
	[tilespmem:$0x1A400] =	vst v63  }
0x69: {  	_ =	swait.ge [sflag:s21], $0x4000  }
0x6a: {  	[sflag:s21] =	ssyncset.done $0x0  }
0x6b: {  	[sflag:s21] =	ssyncadd.s32 $0xFFFFC000  }
0x6c: {  	[tilespmem:s23], [sflag:$0x1] =	stream.indirect.gather [hbm4b:s0+s22], $0x80, s30, s22, $0xb8;
	[tilespmem:$0x1A400] =	vst v63  }
0x6d: {  	p1 =	sne.s32 s2, $0x1;
	_ =	swait.ge [sflag:s24], $0x4000  }
.Ltmp2:
0x6e: {  	[sflag:s24] =	ssyncset.done $0x0;
	(pc) =	sbr.rel @!p1 .LBB2_6-.Ltmp2, $4  }
0x6f: {  	[sflag:s24] =	ssyncadd.s32 $0xFFFFC000  }
0x70: {  	[spmem:s3] =	stream.indirect.scatter.add.f32 [tilespmem:s23], [sflag:$0x2], $0x80, s31, s22, $0xb8;
	[tilespmem:$0x1A400] =	vst v63  }
0x71: {  	s2 =	sadd.s32 $0xFFFFFFFF, s2;
	s7 =	sadd.s32 $0x8000, s19;
	_ =	swait.ge [sflag:s21], $0x4000  }
0x72: {  	p0 =	por $0x1, $0x1;
	s8 =	sshrl.u32 s7, $0x3;
	[sflag:s21] =	ssyncset.done $0x0  }
.LBB2_5:
0x73: {  	p1 =	sne.s32 s2, $0x1;
	s8 =	sadd.s32 s5, s8;
	[sflag:s21] =	ssyncadd.s32 $0xFFFFC000  }
0x74: {  	[tilespmem:s4], [sflag:$0x2] =	stream.linear.gather [hbm4b:s8+s4], $0x400, $0x38;
	[tilespmem:$0x1A400] =	vst v63  }
0x75: {  	s2 =	sadd.s32 $0xFFFFFFFF, s2;
	_ =	swait.ge [sflag:s21], $0x400  }
0x76: {  	[sflag:s21] =	ssyncset.done $0x0  }
0x77: {  	[sflag:s21] =	ssyncadd.s32 $0xFFFFFC00  }
0x78: {  	[tilespmem:s23], [sflag:$0x1] =	stream.indirect.gather [hbm4b:s0+s22], $0x80, s4, s22, $0xb8;
	[tilespmem:$0x1A400] =	vst v63  }
0x79: {  	_ =	swait.ge [sflag:s24], $0x4000  }
0x7a: {  	[sflag:s24] =	ssyncset.done $0x0  }
0x7b: {  	[sflag:s24] =	ssyncadd.s32 $0xFFFFC000  }
0x7c: {  	[spmem:s3] =	stream.indirect.scatter.add.f32 [tilespmem:s23], [sflag:$0x2], $0x80, s22, s22, $0xb8;
	[tilespmem:$0x1A400] =	vst v63  }
0x7d: {  	_ =	swait.ge [sflag:s21], $0x4000  }
0x7e: {  	[sflag:s21] =	ssyncset.done $0x0  }
0x7f: {  	[sflag:s21] =	ssyncadd.s32 $0xFFFFC000  }
0x80: {  	[tilespmem:s23], [sflag:$0x1] =	stream.indirect.gather [hbm4b:s0+s22], $0x80, s25, s22, $0xb8;
	[tilespmem:$0x1A400] =	vst v63  }
0x81: {  	_ =	swait.ge [sflag:s24], $0x4000  }
0x82: {  	[sflag:s24] =	ssyncset.done $0x0  }
0x83: {  	[sflag:s24] =	ssyncadd.s32 $0xFFFFC000  }
0x84: {  	[spmem:s3] =	stream.indirect.scatter.add.f32 [tilespmem:s23], [sflag:$0x2], $0x80, s26, s22, $0xb8;
	[tilespmem:$0x1A400] =	vst v63  }
0x85: {  	_ =	swait.ge [sflag:s21], $0x4000  }
0x86: {  	[sflag:s21] =	ssyncset.done $0x0  }
0x87: {  	[sflag:s21] =	ssyncadd.s32 $0xFFFFC000  }
0x88: {  	[tilespmem:s23], [sflag:$0x1] =	stream.indirect.gather [hbm4b:s0+s22], $0x80, s28, s22, $0xb8;
	[tilespmem:$0x1A400] =	vst v63  }
0x89: {  	_ =	swait.ge [sflag:s24], $0x4000  }
0x8a: {  	[sflag:s24] =	ssyncset.done $0x0  }
0x8b: {  	[sflag:s24] =	ssyncadd.s32 $0xFFFFC000  }
0x8c: {  	[spmem:s3] =	stream.indirect.scatter.add.f32 [tilespmem:s23], [sflag:$0x2], $0x80, s29, s22, $0xb8;
	[tilespmem:$0x1A400] =	vst v63  }
0x8d: {  	_ =	swait.ge [sflag:s21], $0x4000  }
0x8e: {  	[sflag:s21] =	ssyncset.done $0x0  }
0x8f: {  	[sflag:s21] =	ssyncadd.s32 $0xFFFFC000  }
0x90: {  	[tilespmem:s23], [sflag:$0x1] =	stream.indirect.gather [hbm4b:s0+s22], $0x80, s30, s22, $0xb8;
	[tilespmem:$0x1A400] =	vst v63  }
0x91: {  	_ =	swait.ge [sflag:s24], $0x4000  }
.Ltmp3:
0x92: {  	[sflag:s24] =	ssyncset.done $0x0;
	(pc) =	sbr.rel @p1 .LBB2_5-.Ltmp3, $4  }
0x93: {  	[sflag:s24] =	ssyncadd.s32 $0xFFFFC000  }
0x94: {  	[spmem:s3] =	stream.indirect.scatter.add.f32 [tilespmem:s23], [sflag:$0x2], $0x80, s31, s22, $0xb8;
	[tilespmem:$0x1A400] =	vst v63  }
0x95: {  	s7 =	sadd.s32 $0x8000, s7;
	_ =	swait.ge [sflag:s21], $0x4000  }
0x96: {  	s8 =	sshrl.u32 s7, $0x3;
	[sflag:s21] =	ssyncset.done $0x0  }
.LBB2_6:
0x97: {  	s2 =	sadd.s32 s5, s8;
	[sflag:s21] =	ssyncadd.s32 @p0 $0xFFFFC000  }
0x98: {  	[tilespmem:s4], [sflag:$0x2] =	stream.linear.gather [hbm4b:s2+s4], $0x400, $0x38;
	[tilespmem:$0x1A400] =	vst v63  }
0x99: {  	_ =	swait.ge [sflag:s21], $0x400  }
0x9a: {  	[sflag:s21] =	ssyncset.done $0x0  }
0x9b: {  	[sflag:s21] =	ssyncadd.s32 $0xFFFFFC00  }
0x9c: {  	[tilespmem:s23], [sflag:$0x1] =	stream.indirect.gather [hbm4b:s0+s22], $0x80, s4, s22, $0xb8;
	[tilespmem:$0x1A400] =	vst v63  }
0x9d: {  	_ =	swait.ge [sflag:s24], $0x4000  }
0x9e: {  	[sflag:s24] =	ssyncset.done $0x0  }
0x9f: {  	[sflag:s24] =	ssyncadd.s32 $0xFFFFC000  }
0xa0: {  	[spmem:s3] =	stream.indirect.scatter.add.f32 [tilespmem:s23], [sflag:$0x2], $0x80, s22, s22, $0xb8;
	[tilespmem:$0x1A400] =	vst v63  }
0xa1: {  	_ =	swait.ge [sflag:s21], $0x4000  }
0xa2: {  	[sflag:s21] =	ssyncset.done $0x0  }
0xa3: {  	[sflag:s21] =	ssyncadd.s32 $0xFFFFC000  }
0xa4: {  	[tilespmem:s23], [sflag:$0x1] =	stream.indirect.gather [hbm4b:s0+s22], $0x80, s25, s22, $0xb8;
	[tilespmem:$0x1A400] =	vst v63  }
0xa5: {  	_ =	swait.ge [sflag:s24], $0x4000  }
0xa6: {  	[sflag:s24] =	ssyncset.done $0x0  }
0xa7: {  	[sflag:s24] =	ssyncadd.s32 $0xFFFFC000  }
0xa8: {  	[spmem:s3] =	stream.indirect.scatter.add.f32 [tilespmem:s23], [sflag:$0x2], $0x80, s26, s22, $0xb8;
	[tilespmem:$0x1A400] =	vst v63  }
0xa9: {  	_ =	swait.ge [sflag:s21], $0x4000  }
0xaa: {  	[sflag:s21] =	ssyncset.done $0x0  }
0xab: {  	[sflag:s21] =	ssyncadd.s32 $0xFFFFC000  }
0xac: {  	[tilespmem:s23], [sflag:$0x1] =	stream.indirect.gather [hbm4b:s0+s22], $0x80, s28, s22, $0xb8;
	[tilespmem:$0x1A400] =	vst v63  }
0xad: {  	_ =	swait.ge [sflag:s24], $0x4000  }
0xae: {  	[sflag:s24] =	ssyncset.done $0x0  }
0xaf: {  	[sflag:s24] =	ssyncadd.s32 $0xFFFFC000  }
0xb0: {  	[spmem:s3] =	stream.indirect.scatter.add.f32 [tilespmem:s23], [sflag:$0x2], $0x80, s29, s22, $0xb8;
	[tilespmem:$0x1A400] =	vst v63  }
0xb1: {  	_ =	swait.ge [sflag:s21], $0x4000  }
0xb2: {  	[sflag:s21] =	ssyncset.done $0x0  }
0xb3: {  	[sflag:s21] =	ssyncadd.s32 $0xFFFFC000  }
0xb4: {  	[tilespmem:s23], [sflag:$0x1] =	stream.indirect.gather [hbm4b:s0+s22], $0x80, s30, s22, $0xb8;
	[tilespmem:$0x1A400] =	vst v63  }
0xb5: {  	_ =	swait.ge [sflag:s24], $0x4000  }
0xb6: {  	[sflag:s24] =	ssyncset.done $0x0  }
0xb7: {  	[sflag:s24] =	ssyncadd.s32 $0xFFFFC000  }
0xb8: {  	[spmem:s3] =	stream.indirect.scatter.add.f32 [tilespmem:s23], [sflag:$0x2], $0x80, s31, s22, $0xb8;
	[tilespmem:$0x1A400] =	vst v63  }
0xb9: {  	_ =	swait.ge [sflag:s21], $0x4000  }
0xba: {  	[sflag:s21] =	ssyncset.done $0x0  }
0xbb: {  	s7 =	stileid.u32;
	[sflag:s21] =	ssyncadd.s32 $0xFFFFC000  }
0xbc: {  	s2 =	sshll.u32 s7, $0x6;
	[bflag:$0x0] =	sbarrier.arrive $0xFFFF  }
0xbd: {  	s7 =	sshrl.u32 s6, $0x3;
	s2 =	sor.u32 $0x1C02, s2;
	s8 =	rddreg [dreg:$0x4]  }
0xbe: {  	[hbm:s8], [sflag:s2] =	dma.local [spmem:s7], $0x2800  }
0xbf: {  	_ =	swait.ge [sflag:s21], $0x2800  }
0xc0: {  	s1 =	sadd.s32 $0x1, s1;
	s8 =	rddreg [dreg:$0x5]  }
0xc1: {  	p0 =	sne.s32 s1, s8  }
.Ltmp4:
0xc2: {  	_ = 	snop;
	(pc) =	sbr.rel @p0 .LBB2_1-.Ltmp4, $3  }
0xc3: {  	_ =	sdelay $0x1  }
0xc4: {  	[sflag:s21] =	ssyncset.done $0x0  }
0xc5: {  	[sflag:s21] =	ssyncadd.s32 $0xFFFFD800  }
0xc6: {  	_ =	sfence.sel $0x180000  }
0xc7: {  	[bflag:$0x0] =	sbarrier.arrive $0xFFFF  }
0xc8: {  	_ =	strace $0x90000047  }
0xc9: {  	s0 =	stileid.u32;
	[bflag:$0x2] =	sbarrier.arrive $0xFFFF  }
0xca: {  	p0 =	sne.s32 s0, $0x0;
	s0 =	rddreg [dreg:$0x3]  }
0xcb: {  	s0 =	sadd.s32 @!p0 $0x100000, s0  }
0xcc: {  	[sflag:s0] =	ssyncadd.tile.s32 @!p0 $0x1;
	_ =	shalt  }
.Lfunc_end2:
_tile_overlayer_lowered:
.L_overlay_start_2:
0xcd: {  	(tag) =	ssettag $0x2  }
0xce: {  	s0 =	rddreg [dreg:$0x0];
	s2 =	stileid.u32  }
0xcf: {  	s1 =	rddreg [dreg:$0x1];
	p0 =	sne.s32 s2, $0x0  }
0xd0: {  	s3 =	rddreg [dreg:$0x2];
	[bflag:$0x3] =	sbarrier.arrive $0xFFFF;
	s2 =	simm.s32 @!p0 $0x1C02  }
0xd1: {  	[timem:s3], [sflag:s2] =	dma.local @!p0 [hbm:s0], s1  }
0xd2: {  	s0 =	simm.s32 @!p0 $0x2  }
0xd3: {  	_ =	swait.ge @!p0 [sflag:s0], s1  }
0xd4: {  	s1 =	ssub.s32 @!p0 $0x0, s1;
	[sflag:s0] =	ssyncset.done @!p0 $0x0  }
0xd5: {  	[sflag:s0] =	ssyncadd.s32 @!p0 s1  }
0xd6: {  	[bflag:$0x3] =	sbarrier.arrive $0xFFFF  }
0xd7: {  	_ =	shalt  }

// kernel: kernel.17.cloned.1.call-start
scs
__scs_entry_jumppad:
0x0: {  	(pc) =	sbr.rel $0x88, $3  }
0x1: {  	(tag) =	ssettag $0x0;
	lr =	simm.s32 $0x1  }
0x2: {  	[smem:$0x3F9B] =	sst lr;
	_ =	strace $0xD0000000  }
0x3: {  	_ = 	snop  }
0x4: {  	_ = 	snop  }
0x5: {  	_ = 	snop  }
0x6: {  	_ = 	snop  }
0x7: {  	_ = 	snop  }
__scs_overlays_trampoline_lowered:
0x8: {  	[smem:$0x3FAA] =	sst s0  }
0x9: {  	[smem:$0x3FAB] =	sst s1  }
0xa: {  	[smem:$0x3FAC] =	sst s2  }
0xb: {  	[smem:$0x3FAD] =	sst s3  }
0xc: {  	[smem:$0x3FAE] =	sst s4  }
0xd: {  	[smem:$0x3FAF] =	sst s5  }
0xe: {  	[smem:$0x3FB0] =	sst s6  }
0xf: {  	[smem:$0x3FB1] =	sst s7  }
0x10: {  	[smem:$0x3FB2] =	sst s8  }
0x11: {  	[smem:$0x3FB3] =	sst s9;
	s0 =	simm.s32 @!p0 $0x0  }
0x12: {  	s1 =	sld [smem:$0x3F99];
	s0 =	simm.s32 @p0 $0x1  }
0x13: {  	[smem:$0x3FB4] =	sst s0;
	s0 =	simm.s32 @!p1 $0x0  }
0x14: {  	s2 =	sld [smem:$0x3F98];
	s0 =	simm.s32 @p1 $0x1  }
0x15: {  	[smem:$0x3FB5] =	sst s0;
	s0 =	simm.s32 @!p2 $0x0  }
0x16: {  	s3 =	sld [smem:$0x3FDB];
	s0 =	simm.s32 @p2 $0x1  }
0x17: {  	s4 =	simm.s32 $0x1BF5;
	[smem:$0x3FB7] =	sst s0  }
0x18: {  	s0 =	sld [smem:$0x3F9A];
	_ =	swait.ge [sflag:s4], $0x0  }
0x19: {  	s7 =	sld [smem:$0x3F9B]  }
0x1a: {  	s8 =	sadd.s32 $0xFFFFE003, lr  }
0x1b: {  	s9 =	sadd.s32 $0xFFFFFEF7, lr;
	s5 =	simm.s32 $0xFFFFFFFF;
	p2 =	slt.u32 s8, $0xFFFFF086  }
0x1c: {  	p1 =	slt.u32 s9, $0xF7A;
	s5 =	simm.s32 @!p2 $0x0  }
0x1d: {  	s5 =	simm.s32 @p1 $0x1;
	p0 =	seq.s32 s7, s2  }
0x1e: {  	s7 =	smul.u32 @!p0 $0xF7A, s2;
	p2 =	seq.s32 @!p0 s5, $0x0  }
0x1f: {  	s9 =	smul.u32 $0xF7A, s1;
	s8 =	simm.s32 @!p0 $0x1BF5;
	p2 =	por !p2, p0  }
0x20: {  	[sflag:s8] =	ssyncset.s32 @!p0 $0xFFFFF086;
	s6 =	sadd.s32 @!p0 s3, s7;
	s7 =	simm.s32 @!p0 $0x108  }
0x21: {  	s3 =	sadd.s32 s3, s9;
	s6 =	sadd.s32 @!p0 $0x88, s6;
	s7 =	simm.s32 @p2 $0x1082  }
0x22: {  	[simem:s7], [sflag:s8] =	dma.local @!p0 [hbm:s6], $0xF7A  }
0x23: {  	s9 =	sor.u32 $0xD0000000, s2;
	s6 =	simm.s32 $0x108;
	_ =	swait.ge @!p0 [sflag:s8], $0x0  }
0x24: {  	s3 =	sadd.s32 $0x88, s3;
	s6 =	simm.s32 @!p1 $0x1082;
	[sflag:s4] =	ssyncset.s32 $0xFFFFF086  }
0x25: {  	[simem:s6], [sflag:s4] =	dma.local [hbm:s3], $0xF7A  }
0x26: {  	[smem:$0x3F9B] =	sst s1;
	(tag) =	ssettag s2;
	_ =	strace s9  }
0x27: {  	s1 =	sld [smem:$0x3FAB]  }
0x28: {  	s2 =	sld [smem:$0x3FAC]  }
0x29: {  	s4 =	sld [smem:$0x3FAE]  }
0x2a: {  	p0 =	seq.s32 s5, $0x0;
	s5 =	sld [smem:$0x3FAF]  }
0x2b: {  	s6 =	sld [smem:$0x3FB0]  }
0x2c: {  	s7 =	sld [smem:$0x3FB1]  }
0x2d: {  	s3 =	simm.s32 $0x108;
	s8 =	sld [smem:$0x3FB2]  }
0x2e: {  	s3 =	simm.s32 @!p0 $0x1082;
	s9 =	sld [smem:$0x3FB3]  }
0x2f: {  	lr =	sadd.s32 s0, s3;
	s0 =	sld [smem:$0x3FAA]  }
0x30: {  	s3 =	sld [smem:$0x3FAD]  }
0x31: {  	[smem:$0x3FB6] =	sst s10  }
0x32: {  	s10 =	sld [smem:$0x3FB4];
	_ =	sdelay $0x3  }
0x33: {  	p0 =	seq.s32 s10, $0x1;
	s10 =	sld [smem:$0x3FB6];
	_ =	sdelay $0x3  }
0x34: {  	[smem:$0x3FB6] =	sst s10  }
0x35: {  	s10 =	sld [smem:$0x3FB5];
	_ =	sdelay $0x3  }
0x36: {  	p1 =	seq.s32 s10, $0x1;
	s10 =	sld [smem:$0x3FB6];
	_ =	sdelay $0x3  }
0x37: {  	[smem:$0x3FB6] =	sst s10  }
0x38: {  	s10 =	sld [smem:$0x3FB7]  }
0x39: {  	_ = 	snop;
	(pc) =	sbr.ind lr, $3  }
0x3a: {  	_ = 	snop  }
0x3b: {  	_ = 	snop  }
0x3c: {  	p2 =	seq.s32 s10, $0x1;
	s10 =	sld [smem:$0x3FB6]  }
0x3d: {  	_ =	shalt  }
0x3e: {  	_ =	shalt  }
0x3f: {  	_ =	shalt  }
0x40: {  	_ =	shalt  }
0x41: {  	_ =	shalt  }
0x42: {  	_ =	shalt  }
0x43: {  	_ =	shalt  }
0x44: {  	_ =	shalt  }
0x45: {  	_ =	shalt  }
0x46: {  	_ =	shalt  }
0x47: {  	_ =	shalt  }
0x48: {  	_ =	shalt  }
0x49: {  	_ =	shalt  }
0x4a: {  	_ =	shalt  }
0x4b: {  	_ =	shalt  }
0x4c: {  	_ =	shalt  }
0x4d: {  	_ =	shalt  }
0x4e: {  	_ =	shalt  }
0x4f: {  	_ =	shalt  }
0x50: {  	_ =	shalt  }
0x51: {  	_ =	shalt  }
0x52: {  	_ =	shalt  }
0x53: {  	_ =	shalt  }
0x54: {  	_ =	shalt  }
0x55: {  	_ =	shalt  }
0x56: {  	_ =	shalt  }
0x57: {  	_ =	shalt  }
0x58: {  	_ =	shalt  }
0x59: {  	_ =	shalt  }
0x5a: {  	_ =	shalt  }
0x5b: {  	_ =	shalt  }
0x5c: {  	_ =	shalt  }
0x5d: {  	_ =	shalt  }
0x5e: {  	_ =	shalt  }
0x5f: {  	_ =	shalt  }
0x60: {  	_ =	shalt  }
0x61: {  	_ =	shalt  }
0x62: {  	_ =	shalt  }
0x63: {  	_ =	shalt  }
0x64: {  	_ =	shalt  }
0x65: {  	_ =	shalt  }
0x66: {  	_ =	shalt  }
0x67: {  	_ =	shalt  }
0x68: {  	_ =	shalt  }
0x69: {  	_ =	shalt  }
0x6a: {  	_ =	shalt  }
0x6b: {  	_ =	shalt  }
0x6c: {  	_ =	shalt  }
0x6d: {  	_ =	shalt  }
0x6e: {  	_ =	shalt  }
0x6f: {  	_ =	shalt  }
0x70: {  	_ =	shalt  }
0x71: {  	_ =	shalt  }
0x72: {  	_ =	shalt  }
0x73: {  	_ =	shalt  }
0x74: {  	_ =	shalt  }
0x75: {  	_ =	shalt  }
0x76: {  	_ =	shalt  }
0x77: {  	_ =	shalt  }
0x78: {  	_ =	shalt  }
0x79: {  	_ =	shalt  }
0x7a: {  	_ =	shalt  }
0x7b: {  	_ =	shalt  }
0x7c: {  	_ =	shalt  }
0x7d: {  	_ =	shalt  }
0x7e: {  	_ =	shalt  }
0x7f: {  	_ =	shalt  }
0x80: {  	_ =	shalt  }
0x81: {  	_ =	shalt  }
0x82: {  	_ =	shalt  }
0x83: {  	_ =	shalt  }
0x84: {  	_ =	shalt  }
0x85: {  	_ =	shalt  }
0x86: {  	_ =	shalt  }
0x87: {  	_ =	shalt  }
.Lfunc_end0:
.L_simem_size_0:
called_computation.2_lowered:
.L_overlay_start_0:
0x88: {  	s2 =	sld [smem:$0x3FD9]  }
0x89: {  	s3 =	sld [smem:$0x3FFE];
	_ =	sdelay $0x1  }
0x8a: {  	s1 =	srdreg.scid  }
0x8b: {  	s0 =	sand.u32 $0x1, s1  }
0x8c: {  	s16 =	sshll.u32 s0, $0xA;
	s2 =	sadd.s32 s3, s2  }
0x8d: {  	s2 =	sadd.s32 s2, s16  }
0x8e: {  	[smem:$0x3FC2] =	sst s2  }
0x8f: {  	_ = 	snop  }
0x90: {  	(tm) =	ssettm $0x1  }
0x91: {  	s17 =	sld [smem:$0x3FFB];
	_ =	sdelay $0x3  }
0x92: {  	_ =	strace s17  }
0x93: {  	s2 =	sld [smem:$0x3FFC];
	_ =	sdelay $0x3  }
0x94: {  	_ =	strace s2  }
0x95: {  	s2 =	sld [smem:$0x3FFD];
	_ =	sdelay $0x3  }
0x96: {  	_ =	strace s2  }
0x97: {  	_ =	strace $0x8FFFFFFF  }
0x98: {  	s18 =	sld [smem:$0x3FDB];
	_ =	sdelay $0x1  }
0x99: {  	s19 =	simm.s32 $_scs_section_size  }
0x9a: {  	s4 =	simm.s32 $_size__tile_overlayer_lowered;
	s5 =	simm.s32 $_tile_overlayer_lowered  }
0x9b: {  	s22 =	simm.s32 $0x1BFF;
	s21 =	sshll.u32 s5, $0x1;
	s2 =	sadd.s32 s19, s18  }
0x9c: {  	s6 =	simm.s32 $0x0;
	s20 =	sshll.u32 s4, $0x1;
	s4 =	sadd.s32 s21, s2  }
0x9d: {  	[timem:s6], [sflag:s22] =	dma.local [hbm:s4], s20  }
0x9e: {  	_ =	swait.ge [sflag:s22], s20  }
0x9f: {  	s3 =	ssub.s32 $0x0, s20;
	[sflag:s22] =	ssyncset.done $0x0  }
0xa0: {  	[sflag:s22] =	ssyncadd.s32 s3;
	_ =	sdelay $0x1  }
0xa1: {  	s23 =	simm.s32 $0x1B8B  }
0xa2: {  	_ =	swait.ge [sflag:s23], $0x1  }
0xa3: {  	[sflag:s23] =	ssyncset.done $0x0  }
0xa4: {  	s25 =	simm.s32 $0x1B8E;
	s24 =	sld [smem:$0x3FFE];
	[sflag:s23] =	ssyncadd.s32 $0xFFFFFFFF  }
0xa5: {  	s26 =	simm.s32 $execute0_lowered;
	[smem:$0x3FD2] =	sst s25  }
0xa6: {  	s4 =	sshll.u32 s26, $0x1;
	_ =	strace $0x8000004C;
	[dreg:$0x1] =	wrdreg $0xFFFFFFFF  }
0xa7: {  	s28 =	simm.s32 $_size_execute0_lowered;
	s2 =	sadd.s32 s2, s4;
	[dreg:$0x0] =	wrdreg $0x0  }
0xa8: {  	s4 =	sshll.u32 s28, $0x1;
	[dreg:$0x2] =	wrdreg s2  }
0xa9: {  	[dreg:$0x3] =	wrdreg s4  }
0xaa: {  	[dreg:$0x4] =	wrdreg $0xC0  }
0xab: {  	_ =	task [dreg:s6], $0x5FFFF  }
0xac: {  	[dreg:$0x1] =	wrdreg $0xFFFFFFFF  }
0xad: {  	[dreg:$0x0] =	wrdreg $0x60  }
0xae: {  	[dreg:$0x2] =	wrdreg s24  }
0xaf: {  	[dreg:$0x3] =	wrdreg $0x64000  }
0xb0: {  	[dreg:$0x4] =	wrdreg $0x9  }
0xb1: {  	_ =	task.clear_ibuf [dreg:s6], $0x5FFFF;
	_ =	strace $0x9000004C  }
0xb2: {  	s29 =	simm.s32 $0x9;
	_ =	strace $0x8000004E  }
0xb3: {  	_ =	swait.ge [sflag:s29], $0x1  }
0xb4: {  	[sflag:s29] =	ssyncadd.s32 $0xFFFFFFFF  }
0xb5: {  	_ =	strace $0x9000004E  }
0xb6: {  	_ =	sfence  }
0xb7: {  	s30 =	sld [smem:$0x0];
	_ =	sdelay $0x2  }
0xb8: {  	s31 =	sshll.u32 s1, $0xD;
	s1 =	sshrl.u32 s1, $0x2  }
0xb9: {  	s3 =	sand.u32 $0x4000, s31;
	s1 =	sadd.s32 s1, s30  }
0xba: {  	s0 =	sor.u32 s3, s0;
	s1 =	sshll.u32 s1, $0x11  }
0xbb: {  	s0 =	sor.u32 s1, s0  }
0xbc: {  	s0 =	sadd.s32 $0x8F2B, s0  }
0xbd: {  	[sflag:s0] =	ssyncadd.remote.s32 $0x1  }
0xbe: {  	_ =	sfence.sel $0xFFFF  }
0xbf: {  	[dreg:$0x0] =	wrdreg $0xFFFFFFFF;
	(pc) =	sbr.abs _section_cstart, $3  }
0xc0: {  	[dreg:$0x1] =	wrdreg $0xFFFFFFFF  }
0xc1: {  	_ =	task.clear_ibuf [dreg:s6], $0x2FFFF;
	_ =	strace $0x9FFFFFFF  }
0xc2: {  	(tm) =	ssettm $0x7FFFFFFF  }
0xc3: {  	_ =	shalt  }
tec
execute0_lowered:
.L_overlay_start_1:
0x0: {  	(tag) =	ssettag $0x1  }
0x1: {  	s0 =	rddreg [dreg:$0x0];
	s1 =	srdreg.scid  }
0x2: {  	s2 =	rddreg [dreg:$0x1];
	s18 =	stileid.u32;
	s3 =	simm.s32 $0x0  }
0x3: {  	s20 =	simm.s32 $0x4400;
	s21 =	simm.s32 $0x2;
	s28 =	simm.s32 $0x200  }
0x4: {  	s29 =	simm.s32 $0x280;
	s30 =	simm.s32 $0x300;
	s31 =	simm.s32 $0x380  }
0x5: {  	s1 =	sand.u32 $0x1, s1;
	s6 =	smul.u32 $0x14000, s18;
	[smem:$0x7FF] =	sst s3  }
0x6: {  	s4 =	sadd.s32 $0x3FE00, s0;
	s8 =	smul.u32 $0x50000, s18;
	s17 =	sshll.u32 s18, $0x1  }
0x7: {  	s26 =	sshll.u32 s18, $0xB;
	s5 =	smul.u32 $0x140000, s1;
	_ =	strace $0x8000004D  }
0x8: {  	s7 =	ssub.s32 $0x2, s1;
	s25 =	sor.u32 s17, s1;
	s1 =	sshll.u32 s1, $0xA  }
0x9: {  	s22 =	sshrl.u32 s7, $0x1;
	s23 =	sshrl.u32 s8, $0x2;
	s19 =	sor.u32 s1, s26  }
0xa: {  	s26 =	simm.s32 $0x180;
	s5 =	sadd.s32 s6, s5;
	s7 =	ssub.s32 s7, s22  }
0xb: {  	s22 =	simm.s32 $0x80;
	s6 =	sshrl.u32 s5, $0x3;
	s5 =	sadd.s32 $0x5200, s0  }
0xc: {  	s24 =	smax.u32 s7, $0x1;
	s0 =	sadd.s32 s6, s0;
	s6 =	sadd.s32 s23, s2  }
0xd: {  	[dreg:$0x4] =	wrdreg s24;
	s23 =	simm.s32 $0x400;
	s24 =	simm.s32 $0x1  }
0xe: {  	s0 =	sadd.s32 $0x67000, s0;
	s9 =	sadd.s32 $0x2000, s6;
	s10 =	sadd.s32 $0x4000, s6  }
0xf: {  	s11 =	sadd.s32 $0x6000, s6;
	s12 =	sadd.s32 $0x8000, s6;
	s13 =	sadd.s32 $0xA000, s6  }
0x10: {  	s14 =	sadd.s32 $0xC000, s6;
	s15 =	sadd.s32 $0xE000, s6;
	s16 =	sadd.s32 $0x10000, s6  }
0x11: {  	s17 =	sadd.s32 $0x12000, s6;
	[dreg:$0x3] =	wrdreg s0;
	s0 =	ssub.s32 $0x290, s25  }
0x12: {  	v0 =	vimm.f32 $0.0e+00;
	s25 =	simm.s32 $0x100;
	s18 =	sshrl.u32 s0, $0x5;
	s0 =	simm.s32 $0x0  }
.LBB2_1:
0x13: {  	s1 =	simm.s32 $0x0;
	s7 =	simm.s32 $0x200  }
.LBB2_2:
0x14: {  	p0 =	sne.s32 s7, $0x7E00;
	[tilespmem:s1+$0x4470] =	vst v0  }
0x15: {  	[tilespmem:s1+$0x4400] =	vst v0  }
0x16: {  	[tilespmem:s1+$0x4410] =	vst v0  }
.Ltmp0:
0x17: {  	[tilespmem:s1+$0x4420] =	vst v0;
	(pc) =	sbr.rel @p0 .LBB2_2-.Ltmp0, $4  }
0x18: {  	[tilespmem:s1+$0x4430] =	vst v0  }
0x19: {  	[tilespmem:s1+$0x4440] =	vst v0  }
0x1a: {  	[tilespmem:s1+$0x4450] =	vst v0  }
0x1b: {  	[tilespmem:s1+$0x4460] =	vst v0;
	s1 =	sshra.s32 s7, $0x2;
	s7 =	sadd.s32 $0x200, s7  }
0x1c: {  	[tilespmem:s1+$0x4470] =	vst v0  }
0x1d: {  	[tilespmem:s1+$0x4400] =	vst v0  }
0x1e: {  	[tilespmem:s1+$0x4410] =	vst v0  }
0x1f: {  	[tilespmem:s1+$0x4420] =	vst v0  }
0x20: {  	[tilespmem:s1+$0x4430] =	vst v0  }
0x21: {  	[tilespmem:s1+$0x4440] =	vst v0  }
0x22: {  	[tilespmem:s1+$0x4450] =	vst v0  }
0x23: {  	[tilespmem:s1+$0x4460] =	vst v0  }
0x24: {  	[spmem:s6] =	stream.linear.scatter [tilespmem:s20], [sflag:$0x2], $0x2000, $0x38;
	[tilespmem:$0x1A400] =	vst v63  }
0x25: {  	_ =	swait.ge [sflag:s21], $0x2000  }
0x26: {  	[sflag:s21] =	ssyncset.done $0x0  }
0x27: {  	[sflag:s21] =	ssyncadd.s32 $0xFFFFE000  }
0x28: {  	[spmem:s9] =	stream.linear.scatter [tilespmem:s20], [sflag:$0x2], $0x2000, $0x38;
	[tilespmem:$0x1A400] =	vst v63  }
0x29: {  	_ =	swait.ge [sflag:s21], $0x2000  }
0x2a: {  	[sflag:s21] =	ssyncset.done $0x0  }
0x2b: {  	[sflag:s21] =	ssyncadd.s32 $0xFFFFE000  }
0x2c: {  	[spmem:s10] =	stream.linear.scatter [tilespmem:s20], [sflag:$0x2], $0x2000, $0x38;
	[tilespmem:$0x1A400] =	vst v63  }
0x2d: {  	_ =	swait.ge [sflag:s21], $0x2000  }
0x2e: {  	[sflag:s21] =	ssyncset.done $0x0  }
0x2f: {  	[sflag:s21] =	ssyncadd.s32 $0xFFFFE000  }
0x30: {  	[spmem:s11] =	stream.linear.scatter [tilespmem:s20], [sflag:$0x2], $0x2000, $0x38;
	[tilespmem:$0x1A400] =	vst v63  }
0x31: {  	_ =	swait.ge [sflag:s21], $0x2000  }
0x32: {  	[sflag:s21] =	ssyncset.done $0x0  }
0x33: {  	[sflag:s21] =	ssyncadd.s32 $0xFFFFE000  }
0x34: {  	[spmem:s12] =	stream.linear.scatter [tilespmem:s20], [sflag:$0x2], $0x2000, $0x38;
	[tilespmem:$0x1A400] =	vst v63  }
0x35: {  	_ =	swait.ge [sflag:s21], $0x2000  }
0x36: {  	[sflag:s21] =	ssyncset.done $0x0  }
0x37: {  	[sflag:s21] =	ssyncadd.s32 $0xFFFFE000  }
0x38: {  	[spmem:s13] =	stream.linear.scatter [tilespmem:s20], [sflag:$0x2], $0x2000, $0x38;
	[tilespmem:$0x1A400] =	vst v63  }
0x39: {  	_ =	swait.ge [sflag:s21], $0x2000  }
0x3a: {  	[sflag:s21] =	ssyncset.done $0x0  }
0x3b: {  	[sflag:s21] =	ssyncadd.s32 $0xFFFFE000  }
0x3c: {  	[spmem:s14] =	stream.linear.scatter [tilespmem:s20], [sflag:$0x2], $0x2000, $0x38;
	[tilespmem:$0x1A400] =	vst v63  }
0x3d: {  	_ =	swait.ge [sflag:s21], $0x2000  }
0x3e: {  	[sflag:s21] =	ssyncset.done $0x0  }
0x3f: {  	[sflag:s21] =	ssyncadd.s32 $0xFFFFE000  }
0x40: {  	[spmem:s15] =	stream.linear.scatter [tilespmem:s20], [sflag:$0x2], $0x2000, $0x38;
	[tilespmem:$0x1A400] =	vst v63  }
0x41: {  	_ =	swait.ge [sflag:s21], $0x2000  }
0x42: {  	[sflag:s21] =	ssyncset.done $0x0  }
0x43: {  	[sflag:s21] =	ssyncadd.s32 $0xFFFFE000  }
0x44: {  	[spmem:s16] =	stream.linear.scatter [tilespmem:s20], [sflag:$0x2], $0x2000, $0x38;
	[tilespmem:$0x1A400] =	vst v63  }
0x45: {  	_ =	swait.ge [sflag:s21], $0x2000  }
0x46: {  	[sflag:s21] =	ssyncset.done $0x0  }
0x47: {  	p1 =	sne.s32 s18, $0x1;
	[sflag:s21] =	ssyncadd.s32 $0xFFFFE000  }
0x48: {  	[spmem:s17] =	stream.linear.scatter [tilespmem:s20], [sflag:$0x2], $0x2000, $0x38;
	[tilespmem:$0x1A400] =	vst v63  }
.Ltmp1:
0x49: {  	_ =	swait.ge [sflag:s21], $0x2000;
	(pc) =	sbr.rel @!p1 .LBB2_6-.Ltmp1, $4  }
0x4a: {  	[sflag:s21] =	ssyncset.done $0x0  }
0x4b: {  	[sflag:s21] =	ssyncadd.s32 $0xFFFFE000  }
0x4c: {  	[bflag:$0x0] =	sbarrier.arrive $0xFFFF  }
0x4d: {  	s1 =	sadd.s32 $0xFFFFFFFF, s18;
	s8 =	sshrl.u32 s19, $0x3;
	p0 =	por $0x0, $0x0  }
0x4e: {  	s7 =	sadd.s32 s5, s8  }
0x4f: {  	[tilespmem:s3], [sflag:$0x2] =	stream.linear.gather [hbm4b:s7+s3], $0x400, $0x38;
	[tilespmem:$0x1A400] =	vst v63  }
0x50: {  	_ =	swait.ge [sflag:s21], $0x400  }
0x51: {  	[sflag:s21] =	ssyncset.done $0x0  }
0x52: {  	[sflag:s21] =	ssyncadd.s32 $0xFFFFFC00  }
0x53: {  	[tilespmem:s23], [sflag:$0x1] =	stream.indirect.gather [hbm4b:s4+s22], $0x80, s3, s22, $0xb8;
	[tilespmem:$0x1A400] =	vst v63  }
0x54: {  	_ =	swait.ge [sflag:s24], $0x4000  }
0x55: {  	[sflag:s24] =	ssyncset.done $0x0  }
0x56: {  	[sflag:s24] =	ssyncadd.s32 $0xFFFFC000  }
0x57: {  	[spmem:s2] =	stream.indirect.scatter.add.f32 [tilespmem:s23], [sflag:$0x2], $0x80, s22, s22, $0xb8;
	[tilespmem:$0x1A400] =	vst v63  }
0x58: {  	_ =	swait.ge [sflag:s21], $0x4000  }
0x59: {  	[sflag:s21] =	ssyncset.done $0x0  }
0x5a: {  	[sflag:s21] =	ssyncadd.s32 $0xFFFFC000  }
0x5b: {  	[tilespmem:s23], [sflag:$0x1] =	stream.indirect.gather [hbm4b:s4+s22], $0x80, s25, s22, $0xb8;
	[tilespmem:$0x1A400] =	vst v63  }
0x5c: {  	_ =	swait.ge [sflag:s24], $0x4000  }
0x5d: {  	[sflag:s24] =	ssyncset.done $0x0  }
0x5e: {  	[sflag:s24] =	ssyncadd.s32 $0xFFFFC000  }
0x5f: {  	[spmem:s2] =	stream.indirect.scatter.add.f32 [tilespmem:s23], [sflag:$0x2], $0x80, s26, s22, $0xb8;
	[tilespmem:$0x1A400] =	vst v63  }
0x60: {  	_ =	swait.ge [sflag:s21], $0x4000  }
0x61: {  	[sflag:s21] =	ssyncset.done $0x0  }
0x62: {  	[sflag:s21] =	ssyncadd.s32 $0xFFFFC000  }
0x63: {  	[tilespmem:s23], [sflag:$0x1] =	stream.indirect.gather [hbm4b:s4+s22], $0x80, s28, s22, $0xb8;
	[tilespmem:$0x1A400] =	vst v63  }
0x64: {  	_ =	swait.ge [sflag:s24], $0x4000  }
0x65: {  	[sflag:s24] =	ssyncset.done $0x0  }
0x66: {  	[sflag:s24] =	ssyncadd.s32 $0xFFFFC000  }
0x67: {  	[spmem:s2] =	stream.indirect.scatter.add.f32 [tilespmem:s23], [sflag:$0x2], $0x80, s29, s22, $0xb8;
	[tilespmem:$0x1A400] =	vst v63  }
0x68: {  	_ =	swait.ge [sflag:s21], $0x4000  }
0x69: {  	[sflag:s21] =	ssyncset.done $0x0  }
0x6a: {  	[sflag:s21] =	ssyncadd.s32 $0xFFFFC000  }
0x6b: {  	[tilespmem:s23], [sflag:$0x1] =	stream.indirect.gather [hbm4b:s4+s22], $0x80, s30, s22, $0xb8;
	[tilespmem:$0x1A400] =	vst v63  }
0x6c: {  	p1 =	sne.s32 s1, $0x1;
	_ =	swait.ge [sflag:s24], $0x4000  }
.Ltmp2:
0x6d: {  	[sflag:s24] =	ssyncset.done $0x0;
	(pc) =	sbr.rel @!p1 .LBB2_6-.Ltmp2, $4  }
0x6e: {  	[sflag:s24] =	ssyncadd.s32 $0xFFFFC000  }
0x6f: {  	[spmem:s2] =	stream.indirect.scatter.add.f32 [tilespmem:s23], [sflag:$0x2], $0x80, s31, s22, $0xb8;
	[tilespmem:$0x1A400] =	vst v63  }
0x70: {  	s1 =	sadd.s32 $0xFFFFFFFF, s1;
	s7 =	sadd.s32 $0x8000, s19;
	_ =	swait.ge [sflag:s21], $0x4000  }
0x71: {  	p0 =	por $0x1, $0x1;
	s8 =	sshrl.u32 s7, $0x3;
	[sflag:s21] =	ssyncset.done $0x0  }
.LBB2_5:
0x72: {  	p1 =	sne.s32 s1, $0x1;
	s8 =	sadd.s32 s5, s8;
	[sflag:s21] =	ssyncadd.s32 $0xFFFFC000  }
0x73: {  	[tilespmem:s3], [sflag:$0x2] =	stream.linear.gather [hbm4b:s8+s3], $0x400, $0x38;
	[tilespmem:$0x1A400] =	vst v63  }
0x74: {  	s1 =	sadd.s32 $0xFFFFFFFF, s1;
	_ =	swait.ge [sflag:s21], $0x400  }
0x75: {  	[sflag:s21] =	ssyncset.done $0x0  }
0x76: {  	[sflag:s21] =	ssyncadd.s32 $0xFFFFFC00  }
0x77: {  	[tilespmem:s23], [sflag:$0x1] =	stream.indirect.gather [hbm4b:s4+s22], $0x80, s3, s22, $0xb8;
	[tilespmem:$0x1A400] =	vst v63  }
0x78: {  	_ =	swait.ge [sflag:s24], $0x4000  }
0x79: {  	[sflag:s24] =	ssyncset.done $0x0  }
0x7a: {  	[sflag:s24] =	ssyncadd.s32 $0xFFFFC000  }
0x7b: {  	[spmem:s2] =	stream.indirect.scatter.add.f32 [tilespmem:s23], [sflag:$0x2], $0x80, s22, s22, $0xb8;
	[tilespmem:$0x1A400] =	vst v63  }
0x7c: {  	_ =	swait.ge [sflag:s21], $0x4000  }
0x7d: {  	[sflag:s21] =	ssyncset.done $0x0  }
0x7e: {  	[sflag:s21] =	ssyncadd.s32 $0xFFFFC000  }
0x7f: {  	[tilespmem:s23], [sflag:$0x1] =	stream.indirect.gather [hbm4b:s4+s22], $0x80, s25, s22, $0xb8;
	[tilespmem:$0x1A400] =	vst v63  }
0x80: {  	_ =	swait.ge [sflag:s24], $0x4000  }
0x81: {  	[sflag:s24] =	ssyncset.done $0x0  }
0x82: {  	[sflag:s24] =	ssyncadd.s32 $0xFFFFC000  }
0x83: {  	[spmem:s2] =	stream.indirect.scatter.add.f32 [tilespmem:s23], [sflag:$0x2], $0x80, s26, s22, $0xb8;
	[tilespmem:$0x1A400] =	vst v63  }
0x84: {  	_ =	swait.ge [sflag:s21], $0x4000  }
0x85: {  	[sflag:s21] =	ssyncset.done $0x0  }
0x86: {  	[sflag:s21] =	ssyncadd.s32 $0xFFFFC000  }
0x87: {  	[tilespmem:s23], [sflag:$0x1] =	stream.indirect.gather [hbm4b:s4+s22], $0x80, s28, s22, $0xb8;
	[tilespmem:$0x1A400] =	vst v63  }
0x88: {  	_ =	swait.ge [sflag:s24], $0x4000  }
0x89: {  	[sflag:s24] =	ssyncset.done $0x0  }
0x8a: {  	[sflag:s24] =	ssyncadd.s32 $0xFFFFC000  }
0x8b: {  	[spmem:s2] =	stream.indirect.scatter.add.f32 [tilespmem:s23], [sflag:$0x2], $0x80, s29, s22, $0xb8;
	[tilespmem:$0x1A400] =	vst v63  }
0x8c: {  	_ =	swait.ge [sflag:s21], $0x4000  }
0x8d: {  	[sflag:s21] =	ssyncset.done $0x0  }
0x8e: {  	[sflag:s21] =	ssyncadd.s32 $0xFFFFC000  }
0x8f: {  	[tilespmem:s23], [sflag:$0x1] =	stream.indirect.gather [hbm4b:s4+s22], $0x80, s30, s22, $0xb8;
	[tilespmem:$0x1A400] =	vst v63  }
0x90: {  	_ =	swait.ge [sflag:s24], $0x4000  }
.Ltmp3:
0x91: {  	[sflag:s24] =	ssyncset.done $0x0;
	(pc) =	sbr.rel @p1 .LBB2_5-.Ltmp3, $4  }
0x92: {  	[sflag:s24] =	ssyncadd.s32 $0xFFFFC000  }
0x93: {  	[spmem:s2] =	stream.indirect.scatter.add.f32 [tilespmem:s23], [sflag:$0x2], $0x80, s31, s22, $0xb8;
	[tilespmem:$0x1A400] =	vst v63  }
0x94: {  	s7 =	sadd.s32 $0x8000, s7;
	_ =	swait.ge [sflag:s21], $0x4000  }
0x95: {  	s8 =	sshrl.u32 s7, $0x3;
	[sflag:s21] =	ssyncset.done $0x0  }
.LBB2_6:
0x96: {  	s1 =	sadd.s32 s5, s8;
	[sflag:s21] =	ssyncadd.s32 @p0 $0xFFFFC000  }
0x97: {  	[tilespmem:s3], [sflag:$0x2] =	stream.linear.gather [hbm4b:s1+s3], $0x400, $0x38;
	[tilespmem:$0x1A400] =	vst v63  }
0x98: {  	_ =	swait.ge [sflag:s21], $0x400  }
0x99: {  	[sflag:s21] =	ssyncset.done $0x0  }
0x9a: {  	[sflag:s21] =	ssyncadd.s32 $0xFFFFFC00  }
0x9b: {  	[tilespmem:s23], [sflag:$0x1] =	stream.indirect.gather [hbm4b:s4+s22], $0x80, s3, s22, $0xb8;
	[tilespmem:$0x1A400] =	vst v63  }
0x9c: {  	_ =	swait.ge [sflag:s24], $0x4000  }
0x9d: {  	[sflag:s24] =	ssyncset.done $0x0  }
0x9e: {  	[sflag:s24] =	ssyncadd.s32 $0xFFFFC000  }
0x9f: {  	[spmem:s2] =	stream.indirect.scatter.add.f32 [tilespmem:s23], [sflag:$0x2], $0x80, s22, s22, $0xb8;
	[tilespmem:$0x1A400] =	vst v63  }
0xa0: {  	_ =	swait.ge [sflag:s21], $0x4000  }
0xa1: {  	[sflag:s21] =	ssyncset.done $0x0  }
0xa2: {  	[sflag:s21] =	ssyncadd.s32 $0xFFFFC000  }
0xa3: {  	[tilespmem:s23], [sflag:$0x1] =	stream.indirect.gather [hbm4b:s4+s22], $0x80, s25, s22, $0xb8;
	[tilespmem:$0x1A400] =	vst v63  }
0xa4: {  	_ =	swait.ge [sflag:s24], $0x4000  }
0xa5: {  	[sflag:s24] =	ssyncset.done $0x0  }
0xa6: {  	[sflag:s24] =	ssyncadd.s32 $0xFFFFC000  }
0xa7: {  	[spmem:s2] =	stream.indirect.scatter.add.f32 [tilespmem:s23], [sflag:$0x2], $0x80, s26, s22, $0xb8;
	[tilespmem:$0x1A400] =	vst v63  }
0xa8: {  	_ =	swait.ge [sflag:s21], $0x4000  }
0xa9: {  	[sflag:s21] =	ssyncset.done $0x0  }
0xaa: {  	[sflag:s21] =	ssyncadd.s32 $0xFFFFC000  }
0xab: {  	[tilespmem:s23], [sflag:$0x1] =	stream.indirect.gather [hbm4b:s4+s22], $0x80, s28, s22, $0xb8;
	[tilespmem:$0x1A400] =	vst v63  }
0xac: {  	_ =	swait.ge [sflag:s24], $0x4000  }
0xad: {  	[sflag:s24] =	ssyncset.done $0x0  }
0xae: {  	[sflag:s24] =	ssyncadd.s32 $0xFFFFC000  }
0xaf: {  	[spmem:s2] =	stream.indirect.scatter.add.f32 [tilespmem:s23], [sflag:$0x2], $0x80, s29, s22, $0xb8;
	[tilespmem:$0x1A400] =	vst v63  }
0xb0: {  	_ =	swait.ge [sflag:s21], $0x4000  }
0xb1: {  	[sflag:s21] =	ssyncset.done $0x0  }
0xb2: {  	[sflag:s21] =	ssyncadd.s32 $0xFFFFC000  }
0xb3: {  	[tilespmem:s23], [sflag:$0x1] =	stream.indirect.gather [hbm4b:s4+s22], $0x80, s30, s22, $0xb8;
	[tilespmem:$0x1A400] =	vst v63  }
0xb4: {  	_ =	swait.ge [sflag:s24], $0x4000  }
0xb5: {  	[sflag:s24] =	ssyncset.done $0x0  }
0xb6: {  	[sflag:s24] =	ssyncadd.s32 $0xFFFFC000  }
0xb7: {  	[spmem:s2] =	stream.indirect.scatter.add.f32 [tilespmem:s23], [sflag:$0x2], $0x80, s31, s22, $0xb8;
	[tilespmem:$0x1A400] =	vst v63  }
0xb8: {  	_ =	swait.ge [sflag:s21], $0x4000  }
0xb9: {  	[sflag:s21] =	ssyncset.done $0x0  }
0xba: {  	s7 =	stileid.u32;
	[sflag:s21] =	ssyncadd.s32 $0xFFFFC000  }
0xbb: {  	s1 =	sshll.u32 s7, $0x6;
	[bflag:$0x0] =	sbarrier.arrive $0xFFFF  }
0xbc: {  	s7 =	sshrl.u32 s6, $0x3;
	s1 =	sor.u32 $0x1C02, s1;
	s8 =	rddreg [dreg:$0x3]  }
0xbd: {  	[hbm:s8], [sflag:s1] =	dma.local [spmem:s7], $0x2800  }
0xbe: {  	_ =	swait.ge [sflag:s21], $0x2800  }
0xbf: {  	s0 =	sadd.s32 $0x1, s0;
	s8 =	rddreg [dreg:$0x4]  }
0xc0: {  	p0 =	sne.s32 s0, s8  }
.Ltmp4:
0xc1: {  	_ = 	snop;
	(pc) =	sbr.rel @p0 .LBB2_1-.Ltmp4, $3  }
0xc2: {  	_ =	sdelay $0x1  }
0xc3: {  	[sflag:s21] =	ssyncset.done $0x0  }
0xc4: {  	[sflag:s21] =	ssyncadd.s32 $0xFFFFD800  }
0xc5: {  	_ =	sfence.sel $0x180000  }
0xc6: {  	[bflag:$0x0] =	sbarrier.arrive $0xFFFF  }
0xc7: {  	_ =	strace $0x9000004D  }
0xc8: {  	s0 =	stileid.u32;
	[bflag:$0x2] =	sbarrier.arrive $0xFFFF  }
0xc9: {  	p0 =	sne.s32 s0, $0x0;
	s0 =	rddreg [dreg:$0x2]  }
0xca: {  	s0 =	sadd.s32 @!p0 $0x100000, s0  }
0xcb: {  	[sflag:s0] =	ssyncadd.tile.s32 @!p0 $0x1;
	_ =	shalt  }
.Lfunc_end2:
_tile_overlayer_lowered:
.L_overlay_start_2:
0xcc: {  	(tag) =	ssettag $0x2  }
0xcd: {  	s0 =	rddreg [dreg:$0x0];
	s2 =	stileid.u32  }
0xce: {  	s1 =	rddreg [dreg:$0x1];
	p0 =	sne.s32 s2, $0x0  }
0xcf: {  	s3 =	rddreg [dreg:$0x2];
	[bflag:$0x3] =	sbarrier.arrive $0xFFFF;
	s2 =	simm.s32 @!p0 $0x1C02  }
0xd0: {  	[timem:s3], [sflag:s2] =	dma.local @!p0 [hbm:s0], s1  }
0xd1: {  	s0 =	simm.s32 @!p0 $0x2  }
0xd2: {  	_ =	swait.ge @!p0 [sflag:s0], s1  }
0xd3: {  	s1 =	ssub.s32 @!p0 $0x0, s1;
	[sflag:s0] =	ssyncset.done @!p0 $0x0  }
0xd4: {  	[sflag:s0] =	ssyncadd.s32 @!p0 s1  }
0xd5: {  	[bflag:$0x3] =	sbarrier.arrive $0xFFFF  }
0xd6: {  	_ =	shalt  }

// kernel: kernel.20.cloned.1.call-start
scs
__scs_entry_jumppad:
0x0: {  	(pc) =	sbr.rel $0x88, $3  }
0x1: {  	(tag) =	ssettag $0x0;
	lr =	simm.s32 $0x1  }
0x2: {  	[smem:$0x3F9B] =	sst lr;
	_ =	strace $0xD0000000  }
0x3: {  	_ = 	snop  }
0x4: {  	_ = 	snop  }
0x5: {  	_ = 	snop  }
0x6: {  	_ = 	snop  }
0x7: {  	_ = 	snop  }
__scs_overlays_trampoline_lowered:
0x8: {  	[smem:$0x3FAA] =	sst s0  }
0x9: {  	[smem:$0x3FAB] =	sst s1  }
0xa: {  	[smem:$0x3FAC] =	sst s2  }
0xb: {  	[smem:$0x3FAD] =	sst s3  }
0xc: {  	[smem:$0x3FAE] =	sst s4  }
0xd: {  	[smem:$0x3FAF] =	sst s5  }
0xe: {  	[smem:$0x3FB0] =	sst s6  }
0xf: {  	[smem:$0x3FB1] =	sst s7  }
0x10: {  	[smem:$0x3FB2] =	sst s8  }
0x11: {  	[smem:$0x3FB3] =	sst s9;
	s0 =	simm.s32 @!p0 $0x0  }
0x12: {  	s1 =	sld [smem:$0x3F99];
	s0 =	simm.s32 @p0 $0x1  }
0x13: {  	[smem:$0x3FB4] =	sst s0;
	s0 =	simm.s32 @!p1 $0x0  }
0x14: {  	s2 =	sld [smem:$0x3F98];
	s0 =	simm.s32 @p1 $0x1  }
0x15: {  	[smem:$0x3FB5] =	sst s0;
	s0 =	simm.s32 @!p2 $0x0  }
0x16: {  	s3 =	sld [smem:$0x3FDB];
	s0 =	simm.s32 @p2 $0x1  }
0x17: {  	s4 =	simm.s32 $0x1BF5;
	[smem:$0x3FB7] =	sst s0  }
0x18: {  	s0 =	sld [smem:$0x3F9A];
	_ =	swait.ge [sflag:s4], $0x0  }
0x19: {  	s7 =	sld [smem:$0x3F9B]  }
0x1a: {  	s8 =	sadd.s32 $0xFFFFE003, lr  }
0x1b: {  	s9 =	sadd.s32 $0xFFFFFEF7, lr;
	s5 =	simm.s32 $0xFFFFFFFF;
	p2 =	slt.u32 s8, $0xFFFFF086  }
0x1c: {  	p1 =	slt.u32 s9, $0xF7A;
	s5 =	simm.s32 @!p2 $0x0  }
0x1d: {  	s5 =	simm.s32 @p1 $0x1;
	p0 =	seq.s32 s7, s2  }
0x1e: {  	s7 =	smul.u32 @!p0 $0xF7A, s2;
	p2 =	seq.s32 @!p0 s5, $0x0  }
0x1f: {  	s9 =	smul.u32 $0xF7A, s1;
	s8 =	simm.s32 @!p0 $0x1BF5;
	p2 =	por !p2, p0  }
0x20: {  	[sflag:s8] =	ssyncset.s32 @!p0 $0xFFFFF086;
	s6 =	sadd.s32 @!p0 s3, s7;
	s7 =	simm.s32 @!p0 $0x108  }
0x21: {  	s3 =	sadd.s32 s3, s9;
	s6 =	sadd.s32 @!p0 $0x88, s6;
	s7 =	simm.s32 @p2 $0x1082  }
0x22: {  	[simem:s7], [sflag:s8] =	dma.local @!p0 [hbm:s6], $0xF7A  }
0x23: {  	s9 =	sor.u32 $0xD0000000, s2;
	s6 =	simm.s32 $0x108;
	_ =	swait.ge @!p0 [sflag:s8], $0x0  }
0x24: {  	s3 =	sadd.s32 $0x88, s3;
	s6 =	simm.s32 @!p1 $0x1082;
	[sflag:s4] =	ssyncset.s32 $0xFFFFF086  }
0x25: {  	[simem:s6], [sflag:s4] =	dma.local [hbm:s3], $0xF7A  }
0x26: {  	[smem:$0x3F9B] =	sst s1;
	(tag) =	ssettag s2;
	_ =	strace s9  }
0x27: {  	s1 =	sld [smem:$0x3FAB]  }
0x28: {  	s2 =	sld [smem:$0x3FAC]  }
0x29: {  	s4 =	sld [smem:$0x3FAE]  }
0x2a: {  	p0 =	seq.s32 s5, $0x0;
	s5 =	sld [smem:$0x3FAF]  }
0x2b: {  	s6 =	sld [smem:$0x3FB0]  }
0x2c: {  	s7 =	sld [smem:$0x3FB1]  }
0x2d: {  	s3 =	simm.s32 $0x108;
	s8 =	sld [smem:$0x3FB2]  }
0x2e: {  	s3 =	simm.s32 @!p0 $0x1082;
	s9 =	sld [smem:$0x3FB3]  }
0x2f: {  	lr =	sadd.s32 s0, s3;
	s0 =	sld [smem:$0x3FAA]  }
0x30: {  	s3 =	sld [smem:$0x3FAD]  }
0x31: {  	[smem:$0x3FB6] =	sst s10  }
0x32: {  	s10 =	sld [smem:$0x3FB4];
	_ =	sdelay $0x3  }
0x33: {  	p0 =	seq.s32 s10, $0x1;
	s10 =	sld [smem:$0x3FB6];
	_ =	sdelay $0x3  }
0x34: {  	[smem:$0x3FB6] =	sst s10  }
0x35: {  	s10 =	sld [smem:$0x3FB5];
	_ =	sdelay $0x3  }
0x36: {  	p1 =	seq.s32 s10, $0x1;
	s10 =	sld [smem:$0x3FB6];
	_ =	sdelay $0x3  }
0x37: {  	[smem:$0x3FB6] =	sst s10  }
0x38: {  	s10 =	sld [smem:$0x3FB7]  }
0x39: {  	_ = 	snop;
	(pc) =	sbr.ind lr, $3  }
0x3a: {  	_ = 	snop  }
0x3b: {  	_ = 	snop  }
0x3c: {  	p2 =	seq.s32 s10, $0x1;
	s10 =	sld [smem:$0x3FB6]  }
0x3d: {  	_ =	shalt  }
0x3e: {  	_ =	shalt  }
0x3f: {  	_ =	shalt  }
0x40: {  	_ =	shalt  }
0x41: {  	_ =	shalt  }
0x42: {  	_ =	shalt  }
0x43: {  	_ =	shalt  }
0x44: {  	_ =	shalt  }
0x45: {  	_ =	shalt  }
0x46: {  	_ =	shalt  }
0x47: {  	_ =	shalt  }
0x48: {  	_ =	shalt  }
0x49: {  	_ =	shalt  }
0x4a: {  	_ =	shalt  }
0x4b: {  	_ =	shalt  }
0x4c: {  	_ =	shalt  }
0x4d: {  	_ =	shalt  }
0x4e: {  	_ =	shalt  }
0x4f: {  	_ =	shalt  }
0x50: {  	_ =	shalt  }
0x51: {  	_ =	shalt  }
0x52: {  	_ =	shalt  }
0x53: {  	_ =	shalt  }
0x54: {  	_ =	shalt  }
0x55: {  	_ =	shalt  }
0x56: {  	_ =	shalt  }
0x57: {  	_ =	shalt  }
0x58: {  	_ =	shalt  }
0x59: {  	_ =	shalt  }
0x5a: {  	_ =	shalt  }
0x5b: {  	_ =	shalt  }
0x5c: {  	_ =	shalt  }
0x5d: {  	_ =	shalt  }
0x5e: {  	_ =	shalt  }
0x5f: {  	_ =	shalt  }
0x60: {  	_ =	shalt  }
0x61: {  	_ =	shalt  }
0x62: {  	_ =	shalt  }
0x63: {  	_ =	shalt  }
0x64: {  	_ =	shalt  }
0x65: {  	_ =	shalt  }
0x66: {  	_ =	shalt  }
0x67: {  	_ =	shalt  }
0x68: {  	_ =	shalt  }
0x69: {  	_ =	shalt  }
0x6a: {  	_ =	shalt  }
0x6b: {  	_ =	shalt  }
0x6c: {  	_ =	shalt  }
0x6d: {  	_ =	shalt  }
0x6e: {  	_ =	shalt  }
0x6f: {  	_ =	shalt  }
0x70: {  	_ =	shalt  }
0x71: {  	_ =	shalt  }
0x72: {  	_ =	shalt  }
0x73: {  	_ =	shalt  }
0x74: {  	_ =	shalt  }
0x75: {  	_ =	shalt  }
0x76: {  	_ =	shalt  }
0x77: {  	_ =	shalt  }
0x78: {  	_ =	shalt  }
0x79: {  	_ =	shalt  }
0x7a: {  	_ =	shalt  }
0x7b: {  	_ =	shalt  }
0x7c: {  	_ =	shalt  }
0x7d: {  	_ =	shalt  }
0x7e: {  	_ =	shalt  }
0x7f: {  	_ =	shalt  }
0x80: {  	_ =	shalt  }
0x81: {  	_ =	shalt  }
0x82: {  	_ =	shalt  }
0x83: {  	_ =	shalt  }
0x84: {  	_ =	shalt  }
0x85: {  	_ =	shalt  }
0x86: {  	_ =	shalt  }
0x87: {  	_ =	shalt  }
.Lfunc_end0:
.L_simem_size_0:
called_computation.3_lowered:
.L_overlay_start_0:
0x88: {  	s2 =	sld [smem:$0x3FD9]  }
0x89: {  	s3 =	sld [smem:$0x3FFE];
	_ =	sdelay $0x1  }
0x8a: {  	s1 =	srdreg.scid  }
0x8b: {  	s0 =	sand.u32 $0x1, s1  }
0x8c: {  	s16 =	sshll.u32 s0, $0xA;
	s2 =	sadd.s32 s3, s2  }
0x8d: {  	s2 =	sadd.s32 s2, s16  }
0x8e: {  	[smem:$0x3FC2] =	sst s2  }
0x8f: {  	_ = 	snop  }
0x90: {  	(tm) =	ssettm $0x1  }
0x91: {  	s17 =	sld [smem:$0x3FFB];
	_ =	sdelay $0x3  }
0x92: {  	_ =	strace s17  }
0x93: {  	s2 =	sld [smem:$0x3FFC];
	_ =	sdelay $0x3  }
0x94: {  	_ =	strace s2  }
0x95: {  	s2 =	sld [smem:$0x3FFD];
	_ =	sdelay $0x3  }
0x96: {  	_ =	strace s2  }
0x97: {  	_ =	strace $0x8FFFFFFF  }
0x98: {  	s18 =	sld [smem:$0x3FDB];
	_ =	sdelay $0x1  }
0x99: {  	s19 =	simm.s32 $_scs_section_size  }
0x9a: {  	s4 =	simm.s32 $_size__tile_overlayer_lowered;
	s5 =	simm.s32 $_tile_overlayer_lowered  }
0x9b: {  	s22 =	simm.s32 $0x1BFF;
	s21 =	sshll.u32 s5, $0x1;
	s2 =	sadd.s32 s19, s18  }
0x9c: {  	s6 =	simm.s32 $0x0;
	s20 =	sshll.u32 s4, $0x1;
	s4 =	sadd.s32 s21, s2  }
0x9d: {  	[timem:s6], [sflag:s22] =	dma.local [hbm:s4], s20  }
0x9e: {  	_ =	swait.ge [sflag:s22], s20  }
0x9f: {  	s3 =	ssub.s32 $0x0, s20;
	[sflag:s22] =	ssyncset.done $0x0  }
0xa0: {  	[sflag:s22] =	ssyncadd.s32 s3;
	_ =	sdelay $0x1  }
0xa1: {  	s23 =	simm.s32 $0x1B8B  }
0xa2: {  	_ =	swait.ge [sflag:s23], $0x1  }
0xa3: {  	[sflag:s23] =	ssyncset.done $0x0  }
0xa4: {  	s25 =	simm.s32 $0x1B8E;
	s24 =	sld [smem:$0x3FFE];
	[sflag:s23] =	ssyncadd.s32 $0xFFFFFFFF  }
0xa5: {  	s26 =	simm.s32 $execute0_lowered;
	[smem:$0x3FD2] =	sst s25  }
0xa6: {  	s4 =	sshll.u32 s26, $0x1;
	_ =	strace $0x8000004F;
	[dreg:$0x1] =	wrdreg $0xFFFFFFFF  }
0xa7: {  	s28 =	simm.s32 $_size_execute0_lowered;
	s2 =	sadd.s32 s2, s4;
	[dreg:$0x0] =	wrdreg $0x0  }
0xa8: {  	s4 =	sshll.u32 s28, $0x1;
	[dreg:$0x2] =	wrdreg s2  }
0xa9: {  	[dreg:$0x3] =	wrdreg s4  }
0xaa: {  	[dreg:$0x4] =	wrdreg $0xC0  }
0xab: {  	_ =	task [dreg:s6], $0x5FFFF  }
0xac: {  	[dreg:$0x1] =	wrdreg $0xFFFFFFFF  }
0xad: {  	[dreg:$0x0] =	wrdreg $0x60  }
0xae: {  	[dreg:$0x2] =	wrdreg s24  }
0xaf: {  	[dreg:$0x3] =	wrdreg $0x64000  }
0xb0: {  	[dreg:$0x4] =	wrdreg $0x9  }
0xb1: {  	_ =	task.clear_ibuf [dreg:s6], $0x5FFFF;
	_ =	strace $0x9000004F  }
0xb2: {  	s29 =	simm.s32 $0x9;
	_ =	strace $0x80000051  }
0xb3: {  	_ =	swait.ge [sflag:s29], $0x1  }
0xb4: {  	[sflag:s29] =	ssyncadd.s32 $0xFFFFFFFF  }
0xb5: {  	_ =	strace $0x90000051  }
0xb6: {  	_ =	sfence  }
0xb7: {  	s30 =	sld [smem:$0x0];
	_ =	sdelay $0x2  }
0xb8: {  	s31 =	sshll.u32 s1, $0xD;
	s1 =	sshrl.u32 s1, $0x2  }
0xb9: {  	s3 =	sand.u32 $0x4000, s31;
	s1 =	sadd.s32 s1, s30  }
0xba: {  	s0 =	sor.u32 s3, s0;
	s1 =	sshll.u32 s1, $0x11  }
0xbb: {  	s0 =	sor.u32 s1, s0  }
0xbc: {  	s0 =	sadd.s32 $0x8F2B, s0  }
0xbd: {  	[sflag:s0] =	ssyncadd.remote.s32 $0x1  }
0xbe: {  	_ =	sfence.sel $0xFFFF  }
0xbf: {  	[dreg:$0x0] =	wrdreg $0xFFFFFFFF;
	(pc) =	sbr.abs _section_cstart, $3  }
0xc0: {  	[dreg:$0x1] =	wrdreg $0xFFFFFFFF  }
0xc1: {  	_ =	task.clear_ibuf [dreg:s6], $0x2FFFF;
	_ =	strace $0x9FFFFFFF  }
0xc2: {  	(tm) =	ssettm $0x7FFFFFFF  }
0xc3: {  	_ =	shalt  }
tec
execute0_lowered:
.L_overlay_start_1:
0x0: {  	(tag) =	ssettag $0x1  }
0x1: {  	s0 =	rddreg [dreg:$0x0];
	s1 =	srdreg.scid  }
0x2: {  	s2 =	rddreg [dreg:$0x1];
	s18 =	stileid.u32;
	s3 =	simm.s32 $0x0  }
0x3: {  	s20 =	simm.s32 $0x4400;
	s21 =	simm.s32 $0x2;
	s28 =	simm.s32 $0x200  }
0x4: {  	s29 =	simm.s32 $0x280;
	s30 =	simm.s32 $0x300;
	s31 =	simm.s32 $0x380  }
0x5: {  	s1 =	sand.u32 $0x1, s1;
	s6 =	smul.u32 $0x14000, s18;
	[smem:$0x7FF] =	sst s3  }
0x6: {  	s4 =	sadd.s32 $0x3FE00, s0;
	s8 =	smul.u32 $0x50000, s18;
	s17 =	sshll.u32 s18, $0x1  }
0x7: {  	s26 =	sshll.u32 s18, $0xB;
	s5 =	smul.u32 $0x140000, s1;
	_ =	strace $0x80000050  }
0x8: {  	s7 =	ssub.s32 $0x2, s1;
	s25 =	sor.u32 s17, s1;
	s1 =	sshll.u32 s1, $0xA  }
0x9: {  	s22 =	sshrl.u32 s7, $0x1;
	s23 =	sshrl.u32 s8, $0x2;
	s19 =	sor.u32 s1, s26  }
0xa: {  	s26 =	simm.s32 $0x180;
	s5 =	sadd.s32 s6, s5;
	s7 =	ssub.s32 s7, s22  }
0xb: {  	s22 =	simm.s32 $0x80;
	s6 =	sshrl.u32 s5, $0x3;
	s5 =	sadd.s32 $0x5200, s0  }
0xc: {  	s24 =	smax.u32 s7, $0x1;
	s0 =	sadd.s32 s6, s0;
	s6 =	sadd.s32 s23, s2  }
0xd: {  	[dreg:$0x4] =	wrdreg s24;
	s23 =	simm.s32 $0x400;
	s24 =	simm.s32 $0x1  }
0xe: {  	s0 =	sadd.s32 $0x67000, s0;
	s9 =	sadd.s32 $0x2000, s6;
	s10 =	sadd.s32 $0x4000, s6  }
0xf: {  	s11 =	sadd.s32 $0x6000, s6;
	s12 =	sadd.s32 $0x8000, s6;
	s13 =	sadd.s32 $0xA000, s6  }
0x10: {  	s14 =	sadd.s32 $0xC000, s6;
	s15 =	sadd.s32 $0xE000, s6;
	s16 =	sadd.s32 $0x10000, s6  }
0x11: {  	s17 =	sadd.s32 $0x12000, s6;
	[dreg:$0x3] =	wrdreg s0;
	s0 =	ssub.s32 $0x290, s25  }
0x12: {  	v0 =	vimm.f32 $0.0e+00;
	s25 =	simm.s32 $0x100;
	s18 =	sshrl.u32 s0, $0x5;
	s0 =	simm.s32 $0x0  }
.LBB2_1:
0x13: {  	s1 =	simm.s32 $0x0;
	s7 =	simm.s32 $0x200  }
.LBB2_2:
0x14: {  	p0 =	sne.s32 s7, $0x7E00;
	[tilespmem:s1+$0x4470] =	vst v0  }
0x15: {  	[tilespmem:s1+$0x4400] =	vst v0  }
0x16: {  	[tilespmem:s1+$0x4410] =	vst v0  }
.Ltmp0:
0x17: {  	[tilespmem:s1+$0x4420] =	vst v0;
	(pc) =	sbr.rel @p0 .LBB2_2-.Ltmp0, $4  }
0x18: {  	[tilespmem:s1+$0x4430] =	vst v0  }
0x19: {  	[tilespmem:s1+$0x4440] =	vst v0  }
0x1a: {  	[tilespmem:s1+$0x4450] =	vst v0  }
0x1b: {  	[tilespmem:s1+$0x4460] =	vst v0;
	s1 =	sshra.s32 s7, $0x2;
	s7 =	sadd.s32 $0x200, s7  }
0x1c: {  	[tilespmem:s1+$0x4470] =	vst v0  }
0x1d: {  	[tilespmem:s1+$0x4400] =	vst v0  }
0x1e: {  	[tilespmem:s1+$0x4410] =	vst v0  }
0x1f: {  	[tilespmem:s1+$0x4420] =	vst v0  }
0x20: {  	[tilespmem:s1+$0x4430] =	vst v0  }
0x21: {  	[tilespmem:s1+$0x4440] =	vst v0  }
0x22: {  	[tilespmem:s1+$0x4450] =	vst v0  }
0x23: {  	[tilespmem:s1+$0x4460] =	vst v0  }
0x24: {  	[spmem:s6] =	stream.linear.scatter [tilespmem:s20], [sflag:$0x2], $0x2000, $0x38;
	[tilespmem:$0x1A400] =	vst v63  }
0x25: {  	_ =	swait.ge [sflag:s21], $0x2000  }
0x26: {  	[sflag:s21] =	ssyncset.done $0x0  }
0x27: {  	[sflag:s21] =	ssyncadd.s32 $0xFFFFE000  }
0x28: {  	[spmem:s9] =	stream.linear.scatter [tilespmem:s20], [sflag:$0x2], $0x2000, $0x38;
	[tilespmem:$0x1A400] =	vst v63  }
0x29: {  	_ =	swait.ge [sflag:s21], $0x2000  }
0x2a: {  	[sflag:s21] =	ssyncset.done $0x0  }
0x2b: {  	[sflag:s21] =	ssyncadd.s32 $0xFFFFE000  }
0x2c: {  	[spmem:s10] =	stream.linear.scatter [tilespmem:s20], [sflag:$0x2], $0x2000, $0x38;
	[tilespmem:$0x1A400] =	vst v63  }
0x2d: {  	_ =	swait.ge [sflag:s21], $0x2000  }
0x2e: {  	[sflag:s21] =	ssyncset.done $0x0  }
0x2f: {  	[sflag:s21] =	ssyncadd.s32 $0xFFFFE000  }
0x30: {  	[spmem:s11] =	stream.linear.scatter [tilespmem:s20], [sflag:$0x2], $0x2000, $0x38;
	[tilespmem:$0x1A400] =	vst v63  }
0x31: {  	_ =	swait.ge [sflag:s21], $0x2000  }
0x32: {  	[sflag:s21] =	ssyncset.done $0x0  }
0x33: {  	[sflag:s21] =	ssyncadd.s32 $0xFFFFE000  }
0x34: {  	[spmem:s12] =	stream.linear.scatter [tilespmem:s20], [sflag:$0x2], $0x2000, $0x38;
	[tilespmem:$0x1A400] =	vst v63  }
0x35: {  	_ =	swait.ge [sflag:s21], $0x2000  }
0x36: {  	[sflag:s21] =	ssyncset.done $0x0  }
0x37: {  	[sflag:s21] =	ssyncadd.s32 $0xFFFFE000  }
0x38: {  	[spmem:s13] =	stream.linear.scatter [tilespmem:s20], [sflag:$0x2], $0x2000, $0x38;
	[tilespmem:$0x1A400] =	vst v63  }
0x39: {  	_ =	swait.ge [sflag:s21], $0x2000  }
0x3a: {  	[sflag:s21] =	ssyncset.done $0x0  }
0x3b: {  	[sflag:s21] =	ssyncadd.s32 $0xFFFFE000  }
0x3c: {  	[spmem:s14] =	stream.linear.scatter [tilespmem:s20], [sflag:$0x2], $0x2000, $0x38;
	[tilespmem:$0x1A400] =	vst v63  }
0x3d: {  	_ =	swait.ge [sflag:s21], $0x2000  }
0x3e: {  	[sflag:s21] =	ssyncset.done $0x0  }
0x3f: {  	[sflag:s21] =	ssyncadd.s32 $0xFFFFE000  }
0x40: {  	[spmem:s15] =	stream.linear.scatter [tilespmem:s20], [sflag:$0x2], $0x2000, $0x38;
	[tilespmem:$0x1A400] =	vst v63  }
0x41: {  	_ =	swait.ge [sflag:s21], $0x2000  }
0x42: {  	[sflag:s21] =	ssyncset.done $0x0  }
0x43: {  	[sflag:s21] =	ssyncadd.s32 $0xFFFFE000  }
0x44: {  	[spmem:s16] =	stream.linear.scatter [tilespmem:s20], [sflag:$0x2], $0x2000, $0x38;
	[tilespmem:$0x1A400] =	vst v63  }
0x45: {  	_ =	swait.ge [sflag:s21], $0x2000  }
0x46: {  	[sflag:s21] =	ssyncset.done $0x0  }
0x47: {  	p1 =	sne.s32 s18, $0x1;
	[sflag:s21] =	ssyncadd.s32 $0xFFFFE000  }
0x48: {  	[spmem:s17] =	stream.linear.scatter [tilespmem:s20], [sflag:$0x2], $0x2000, $0x38;
	[tilespmem:$0x1A400] =	vst v63  }
.Ltmp1:
0x49: {  	_ =	swait.ge [sflag:s21], $0x2000;
	(pc) =	sbr.rel @!p1 .LBB2_6-.Ltmp1, $4  }
0x4a: {  	[sflag:s21] =	ssyncset.done $0x0  }
0x4b: {  	[sflag:s21] =	ssyncadd.s32 $0xFFFFE000  }
0x4c: {  	[bflag:$0x0] =	sbarrier.arrive $0xFFFF  }
0x4d: {  	s1 =	sadd.s32 $0xFFFFFFFF, s18;
	s8 =	sshrl.u32 s19, $0x3;
	p0 =	por $0x0, $0x0  }
0x4e: {  	s7 =	sadd.s32 s5, s8  }
0x4f: {  	[tilespmem:s3], [sflag:$0x2] =	stream.linear.gather [hbm4b:s7+s3], $0x400, $0x38;
	[tilespmem:$0x1A400] =	vst v63  }
0x50: {  	_ =	swait.ge [sflag:s21], $0x400  }
0x51: {  	[sflag:s21] =	ssyncset.done $0x0  }
0x52: {  	[sflag:s21] =	ssyncadd.s32 $0xFFFFFC00  }
0x53: {  	[tilespmem:s23], [sflag:$0x1] =	stream.indirect.gather [hbm4b:s4+s22], $0x80, s3, s22, $0xb8;
	[tilespmem:$0x1A400] =	vst v63  }
0x54: {  	_ =	swait.ge [sflag:s24], $0x4000  }
0x55: {  	[sflag:s24] =	ssyncset.done $0x0  }
0x56: {  	[sflag:s24] =	ssyncadd.s32 $0xFFFFC000  }
0x57: {  	[spmem:s2] =	stream.indirect.scatter.add.f32 [tilespmem:s23], [sflag:$0x2], $0x80, s22, s22, $0xb8;
	[tilespmem:$0x1A400] =	vst v63  }
0x58: {  	_ =	swait.ge [sflag:s21], $0x4000  }
0x59: {  	[sflag:s21] =	ssyncset.done $0x0  }
0x5a: {  	[sflag:s21] =	ssyncadd.s32 $0xFFFFC000  }
0x5b: {  	[tilespmem:s23], [sflag:$0x1] =	stream.indirect.gather [hbm4b:s4+s22], $0x80, s25, s22, $0xb8;
	[tilespmem:$0x1A400] =	vst v63  }
0x5c: {  	_ =	swait.ge [sflag:s24], $0x4000  }
0x5d: {  	[sflag:s24] =	ssyncset.done $0x0  }
0x5e: {  	[sflag:s24] =	ssyncadd.s32 $0xFFFFC000  }
0x5f: {  	[spmem:s2] =	stream.indirect.scatter.add.f32 [tilespmem:s23], [sflag:$0x2], $0x80, s26, s22, $0xb8;
	[tilespmem:$0x1A400] =	vst v63  }
0x60: {  	_ =	swait.ge [sflag:s21], $0x4000  }
0x61: {  	[sflag:s21] =	ssyncset.done $0x0  }
0x62: {  	[sflag:s21] =	ssyncadd.s32 $0xFFFFC000  }
0x63: {  	[tilespmem:s23], [sflag:$0x1] =	stream.indirect.gather [hbm4b:s4+s22], $0x80, s28, s22, $0xb8;
	[tilespmem:$0x1A400] =	vst v63  }
0x64: {  	_ =	swait.ge [sflag:s24], $0x4000  }
0x65: {  	[sflag:s24] =	ssyncset.done $0x0  }
0x66: {  	[sflag:s24] =	ssyncadd.s32 $0xFFFFC000  }
0x67: {  	[spmem:s2] =	stream.indirect.scatter.add.f32 [tilespmem:s23], [sflag:$0x2], $0x80, s29, s22, $0xb8;
	[tilespmem:$0x1A400] =	vst v63  }
0x68: {  	_ =	swait.ge [sflag:s21], $0x4000  }
0x69: {  	[sflag:s21] =	ssyncset.done $0x0  }
0x6a: {  	[sflag:s21] =	ssyncadd.s32 $0xFFFFC000  }
0x6b: {  	[tilespmem:s23], [sflag:$0x1] =	stream.indirect.gather [hbm4b:s4+s22], $0x80, s30, s22, $0xb8;
	[tilespmem:$0x1A400] =	vst v63  }
0x6c: {  	p1 =	sne.s32 s1, $0x1;
	_ =	swait.ge [sflag:s24], $0x4000  }
.Ltmp2:
0x6d: {  	[sflag:s24] =	ssyncset.done $0x0;
	(pc) =	sbr.rel @!p1 .LBB2_6-.Ltmp2, $4  }
0x6e: {  	[sflag:s24] =	ssyncadd.s32 $0xFFFFC000  }
0x6f: {  	[spmem:s2] =	stream.indirect.scatter.add.f32 [tilespmem:s23], [sflag:$0x2], $0x80, s31, s22, $0xb8;
	[tilespmem:$0x1A400] =	vst v63  }
0x70: {  	s1 =	sadd.s32 $0xFFFFFFFF, s1;
	s7 =	sadd.s32 $0x8000, s19;
	_ =	swait.ge [sflag:s21], $0x4000  }
0x71: {  	p0 =	por $0x1, $0x1;
	s8 =	sshrl.u32 s7, $0x3;
	[sflag:s21] =	ssyncset.done $0x0  }
.LBB2_5:
0x72: {  	p1 =	sne.s32 s1, $0x1;
	s8 =	sadd.s32 s5, s8;
	[sflag:s21] =	ssyncadd.s32 $0xFFFFC000  }
0x73: {  	[tilespmem:s3], [sflag:$0x2] =	stream.linear.gather [hbm4b:s8+s3], $0x400, $0x38;
	[tilespmem:$0x1A400] =	vst v63  }
0x74: {  	s1 =	sadd.s32 $0xFFFFFFFF, s1;
	_ =	swait.ge [sflag:s21], $0x400  }
0x75: {  	[sflag:s21] =	ssyncset.done $0x0  }
0x76: {  	[sflag:s21] =	ssyncadd.s32 $0xFFFFFC00  }
0x77: {  	[tilespmem:s23], [sflag:$0x1] =	stream.indirect.gather [hbm4b:s4+s22], $0x80, s3, s22, $0xb8;
	[tilespmem:$0x1A400] =	vst v63  }
0x78: {  	_ =	swait.ge [sflag:s24], $0x4000  }
0x79: {  	[sflag:s24] =	ssyncset.done $0x0  }
0x7a: {  	[sflag:s24] =	ssyncadd.s32 $0xFFFFC000  }
0x7b: {  	[spmem:s2] =	stream.indirect.scatter.add.f32 [tilespmem:s23], [sflag:$0x2], $0x80, s22, s22, $0xb8;
	[tilespmem:$0x1A400] =	vst v63  }
0x7c: {  	_ =	swait.ge [sflag:s21], $0x4000  }
0x7d: {  	[sflag:s21] =	ssyncset.done $0x0  }
0x7e: {  	[sflag:s21] =	ssyncadd.s32 $0xFFFFC000  }
0x7f: {  	[tilespmem:s23], [sflag:$0x1] =	stream.indirect.gather [hbm4b:s4+s22], $0x80, s25, s22, $0xb8;
	[tilespmem:$0x1A400] =	vst v63  }
0x80: {  	_ =	swait.ge [sflag:s24], $0x4000  }
0x81: {  	[sflag:s24] =	ssyncset.done $0x0  }
0x82: {  	[sflag:s24] =	ssyncadd.s32 $0xFFFFC000  }
0x83: {  	[spmem:s2] =	stream.indirect.scatter.add.f32 [tilespmem:s23], [sflag:$0x2], $0x80, s26, s22, $0xb8;
	[tilespmem:$0x1A400] =	vst v63  }
0x84: {  	_ =	swait.ge [sflag:s21], $0x4000  }
0x85: {  	[sflag:s21] =	ssyncset.done $0x0  }
0x86: {  	[sflag:s21] =	ssyncadd.s32 $0xFFFFC000  }
0x87: {  	[tilespmem:s23], [sflag:$0x1] =	stream.indirect.gather [hbm4b:s4+s22], $0x80, s28, s22, $0xb8;
	[tilespmem:$0x1A400] =	vst v63  }
0x88: {  	_ =	swait.ge [sflag:s24], $0x4000  }
0x89: {  	[sflag:s24] =	ssyncset.done $0x0  }
0x8a: {  	[sflag:s24] =	ssyncadd.s32 $0xFFFFC000  }
0x8b: {  	[spmem:s2] =	stream.indirect.scatter.add.f32 [tilespmem:s23], [sflag:$0x2], $0x80, s29, s22, $0xb8;
	[tilespmem:$0x1A400] =	vst v63  }
0x8c: {  	_ =	swait.ge [sflag:s21], $0x4000  }
0x8d: {  	[sflag:s21] =	ssyncset.done $0x0  }
0x8e: {  	[sflag:s21] =	ssyncadd.s32 $0xFFFFC000  }
0x8f: {  	[tilespmem:s23], [sflag:$0x1] =	stream.indirect.gather [hbm4b:s4+s22], $0x80, s30, s22, $0xb8;
	[tilespmem:$0x1A400] =	vst v63  }
0x90: {  	_ =	swait.ge [sflag:s24], $0x4000  }
.Ltmp3:
0x91: {  	[sflag:s24] =	ssyncset.done $0x0;
	(pc) =	sbr.rel @p1 .LBB2_5-.Ltmp3, $4  }
0x92: {  	[sflag:s24] =	ssyncadd.s32 $0xFFFFC000  }
0x93: {  	[spmem:s2] =	stream.indirect.scatter.add.f32 [tilespmem:s23], [sflag:$0x2], $0x80, s31, s22, $0xb8;
	[tilespmem:$0x1A400] =	vst v63  }
0x94: {  	s7 =	sadd.s32 $0x8000, s7;
	_ =	swait.ge [sflag:s21], $0x4000  }
0x95: {  	s8 =	sshrl.u32 s7, $0x3;
	[sflag:s21] =	ssyncset.done $0x0  }
.LBB2_6:
0x96: {  	s1 =	sadd.s32 s5, s8;
	[sflag:s21] =	ssyncadd.s32 @p0 $0xFFFFC000  }
0x97: {  	[tilespmem:s3], [sflag:$0x2] =	stream.linear.gather [hbm4b:s1+s3], $0x400, $0x38;
	[tilespmem:$0x1A400] =	vst v63  }
0x98: {  	_ =	swait.ge [sflag:s21], $0x400  }
0x99: {  	[sflag:s21] =	ssyncset.done $0x0  }
0x9a: {  	[sflag:s21] =	ssyncadd.s32 $0xFFFFFC00  }
0x9b: {  	[tilespmem:s23], [sflag:$0x1] =	stream.indirect.gather [hbm4b:s4+s22], $0x80, s3, s22, $0xb8;
	[tilespmem:$0x1A400] =	vst v63  }
0x9c: {  	_ =	swait.ge [sflag:s24], $0x4000  }
0x9d: {  	[sflag:s24] =	ssyncset.done $0x0  }
0x9e: {  	[sflag:s24] =	ssyncadd.s32 $0xFFFFC000  }
0x9f: {  	[spmem:s2] =	stream.indirect.scatter.add.f32 [tilespmem:s23], [sflag:$0x2], $0x80, s22, s22, $0xb8;
	[tilespmem:$0x1A400] =	vst v63  }
0xa0: {  	_ =	swait.ge [sflag:s21], $0x4000  }
0xa1: {  	[sflag:s21] =	ssyncset.done $0x0  }
0xa2: {  	[sflag:s21] =	ssyncadd.s32 $0xFFFFC000  }
0xa3: {  	[tilespmem:s23], [sflag:$0x1] =	stream.indirect.gather [hbm4b:s4+s22], $0x80, s25, s22, $0xb8;
	[tilespmem:$0x1A400] =	vst v63  }
0xa4: {  	_ =	swait.ge [sflag:s24], $0x4000  }
0xa5: {  	[sflag:s24] =	ssyncset.done $0x0  }
0xa6: {  	[sflag:s24] =	ssyncadd.s32 $0xFFFFC000  }
0xa7: {  	[spmem:s2] =	stream.indirect.scatter.add.f32 [tilespmem:s23], [sflag:$0x2], $0x80, s26, s22, $0xb8;
	[tilespmem:$0x1A400] =	vst v63  }
0xa8: {  	_ =	swait.ge [sflag:s21], $0x4000  }
0xa9: {  	[sflag:s21] =	ssyncset.done $0x0  }
0xaa: {  	[sflag:s21] =	ssyncadd.s32 $0xFFFFC000  }
0xab: {  	[tilespmem:s23], [sflag:$0x1] =	stream.indirect.gather [hbm4b:s4+s22], $0x80, s28, s22, $0xb8;
	[tilespmem:$0x1A400] =	vst v63  }
0xac: {  	_ =	swait.ge [sflag:s24], $0x4000  }
0xad: {  	[sflag:s24] =	ssyncset.done $0x0  }
0xae: {  	[sflag:s24] =	ssyncadd.s32 $0xFFFFC000  }
0xaf: {  	[spmem:s2] =	stream.indirect.scatter.add.f32 [tilespmem:s23], [sflag:$0x2], $0x80, s29, s22, $0xb8;
	[tilespmem:$0x1A400] =	vst v63  }
0xb0: {  	_ =	swait.ge [sflag:s21], $0x4000  }
0xb1: {  	[sflag:s21] =	ssyncset.done $0x0  }
0xb2: {  	[sflag:s21] =	ssyncadd.s32 $0xFFFFC000  }
0xb3: {  	[tilespmem:s23], [sflag:$0x1] =	stream.indirect.gather [hbm4b:s4+s22], $0x80, s30, s22, $0xb8;
	[tilespmem:$0x1A400] =	vst v63  }
0xb4: {  	_ =	swait.ge [sflag:s24], $0x4000  }
0xb5: {  	[sflag:s24] =	ssyncset.done $0x0  }
0xb6: {  	[sflag:s24] =	ssyncadd.s32 $0xFFFFC000  }
0xb7: {  	[spmem:s2] =	stream.indirect.scatter.add.f32 [tilespmem:s23], [sflag:$0x2], $0x80, s31, s22, $0xb8;
	[tilespmem:$0x1A400] =	vst v63  }
0xb8: {  	_ =	swait.ge [sflag:s21], $0x4000  }
0xb9: {  	[sflag:s21] =	ssyncset.done $0x0  }
0xba: {  	s7 =	stileid.u32;
	[sflag:s21] =	ssyncadd.s32 $0xFFFFC000  }
0xbb: {  	s1 =	sshll.u32 s7, $0x6;
	[bflag:$0x0] =	sbarrier.arrive $0xFFFF  }
0xbc: {  	s7 =	sshrl.u32 s6, $0x3;
	s1 =	sor.u32 $0x1C02, s1;
	s8 =	rddreg [dreg:$0x3]  }
0xbd: {  	[hbm:s8], [sflag:s1] =	dma.local [spmem:s7], $0x2800  }
0xbe: {  	_ =	swait.ge [sflag:s21], $0x2800  }
0xbf: {  	s0 =	sadd.s32 $0x1, s0;
	s8 =	rddreg [dreg:$0x4]  }
0xc0: {  	p0 =	sne.s32 s0, s8  }
.Ltmp4:
0xc1: {  	_ = 	snop;
	(pc) =	sbr.rel @p0 .LBB2_1-.Ltmp4, $3  }
0xc2: {  	_ =	sdelay $0x1  }
0xc3: {  	[sflag:s21] =	ssyncset.done $0x0  }
0xc4: {  	[sflag:s21] =	ssyncadd.s32 $0xFFFFD800  }
0xc5: {  	_ =	sfence.sel $0x180000  }
0xc6: {  	[bflag:$0x0] =	sbarrier.arrive $0xFFFF  }
0xc7: {  	_ =	strace $0x90000050  }
0xc8: {  	s0 =	stileid.u32;
	[bflag:$0x2] =	sbarrier.arrive $0xFFFF  }
0xc9: {  	p0 =	sne.s32 s0, $0x0;
	s0 =	rddreg [dreg:$0x2]  }
0xca: {  	s0 =	sadd.s32 @!p0 $0x100000, s0  }
0xcb: {  	[sflag:s0] =	ssyncadd.tile.s32 @!p0 $0x1;
	_ =	shalt  }
.Lfunc_end2:
_tile_overlayer_lowered:
.L_overlay_start_2:
0xcc: {  	(tag) =	ssettag $0x2  }
0xcd: {  	s0 =	rddreg [dreg:$0x0];
	s2 =	stileid.u32  }
0xce: {  	s1 =	rddreg [dreg:$0x1];
	p0 =	sne.s32 s2, $0x0  }
0xcf: {  	s3 =	rddreg [dreg:$0x2];
	[bflag:$0x3] =	sbarrier.arrive $0xFFFF;
	s2 =	simm.s32 @!p0 $0x1C02  }
0xd0: {  	[timem:s3], [sflag:s2] =	dma.local @!p0 [hbm:s0], s1  }
0xd1: {  	s0 =	simm.s32 @!p0 $0x2  }
0xd2: {  	_ =	swait.ge @!p0 [sflag:s0], s1  }
0xd3: {  	s1 =	ssub.s32 @!p0 $0x0, s1;
	[sflag:s0] =	ssyncset.done @!p0 $0x0  }
0xd4: {  	[sflag:s0] =	ssyncadd.s32 @!p0 s1  }
0xd5: {  	[bflag:$0x3] =	sbarrier.arrive $0xFFFF  }
0xd6: {  	_ =	shalt  }

// kernel: kernel.23.cloned.1.call-start
scs
__scs_entry_jumppad:
0x0: {  	(pc) =	sbr.rel $0x88, $3  }
0x1: {  	(tag) =	ssettag $0x0;
	lr =	simm.s32 $0x1  }
0x2: {  	[smem:$0x3F9B] =	sst lr;
	_ =	strace $0xD0000000  }
0x3: {  	_ = 	snop  }
0x4: {  	_ = 	snop  }
0x5: {  	_ = 	snop  }
0x6: {  	_ = 	snop  }
0x7: {  	_ = 	snop  }
__scs_overlays_trampoline_lowered:
0x8: {  	[smem:$0x3FAA] =	sst s0  }
0x9: {  	[smem:$0x3FAB] =	sst s1  }
0xa: {  	[smem:$0x3FAC] =	sst s2  }
0xb: {  	[smem:$0x3FAD] =	sst s3  }
0xc: {  	[smem:$0x3FAE] =	sst s4  }
0xd: {  	[smem:$0x3FAF] =	sst s5  }
0xe: {  	[smem:$0x3FB0] =	sst s6  }
0xf: {  	[smem:$0x3FB1] =	sst s7  }
0x10: {  	[smem:$0x3FB2] =	sst s8  }
0x11: {  	[smem:$0x3FB3] =	sst s9;
	s0 =	simm.s32 @!p0 $0x0  }
0x12: {  	s1 =	sld [smem:$0x3F99];
	s0 =	simm.s32 @p0 $0x1  }
0x13: {  	[smem:$0x3FB4] =	sst s0;
	s0 =	simm.s32 @!p1 $0x0  }
0x14: {  	s2 =	sld [smem:$0x3F98];
	s0 =	simm.s32 @p1 $0x1  }
0x15: {  	[smem:$0x3FB5] =	sst s0;
	s0 =	simm.s32 @!p2 $0x0  }
0x16: {  	s3 =	sld [smem:$0x3FDB];
	s0 =	simm.s32 @p2 $0x1  }
0x17: {  	s4 =	simm.s32 $0x1BF5;
	[smem:$0x3FB7] =	sst s0  }
0x18: {  	s0 =	sld [smem:$0x3F9A];
	_ =	swait.ge [sflag:s4], $0x0  }
0x19: {  	s7 =	sld [smem:$0x3F9B]  }
0x1a: {  	s8 =	sadd.s32 $0xFFFFE003, lr  }
0x1b: {  	s9 =	sadd.s32 $0xFFFFFEF7, lr;
	s5 =	simm.s32 $0xFFFFFFFF;
	p2 =	slt.u32 s8, $0xFFFFF086  }
0x1c: {  	p1 =	slt.u32 s9, $0xF7A;
	s5 =	simm.s32 @!p2 $0x0  }
0x1d: {  	s5 =	simm.s32 @p1 $0x1;
	p0 =	seq.s32 s7, s2  }
0x1e: {  	s7 =	smul.u32 @!p0 $0xF7A, s2;
	p2 =	seq.s32 @!p0 s5, $0x0  }
0x1f: {  	s9 =	smul.u32 $0xF7A, s1;
	s8 =	simm.s32 @!p0 $0x1BF5;
	p2 =	por !p2, p0  }
0x20: {  	[sflag:s8] =	ssyncset.s32 @!p0 $0xFFFFF086;
	s6 =	sadd.s32 @!p0 s3, s7;
	s7 =	simm.s32 @!p0 $0x108  }
0x21: {  	s3 =	sadd.s32 s3, s9;
	s6 =	sadd.s32 @!p0 $0x88, s6;
	s7 =	simm.s32 @p2 $0x1082  }
0x22: {  	[simem:s7], [sflag:s8] =	dma.local @!p0 [hbm:s6], $0xF7A  }
0x23: {  	s9 =	sor.u32 $0xD0000000, s2;
	s6 =	simm.s32 $0x108;
	_ =	swait.ge @!p0 [sflag:s8], $0x0  }
0x24: {  	s3 =	sadd.s32 $0x88, s3;
	s6 =	simm.s32 @!p1 $0x1082;
	[sflag:s4] =	ssyncset.s32 $0xFFFFF086  }
0x25: {  	[simem:s6], [sflag:s4] =	dma.local [hbm:s3], $0xF7A  }
0x26: {  	[smem:$0x3F9B] =	sst s1;
	(tag) =	ssettag s2;
	_ =	strace s9  }
0x27: {  	s1 =	sld [smem:$0x3FAB]  }
0x28: {  	s2 =	sld [smem:$0x3FAC]  }
0x29: {  	s4 =	sld [smem:$0x3FAE]  }
0x2a: {  	p0 =	seq.s32 s5, $0x0;
	s5 =	sld [smem:$0x3FAF]  }
0x2b: {  	s6 =	sld [smem:$0x3FB0]  }
0x2c: {  	s7 =	sld [smem:$0x3FB1]  }
0x2d: {  	s3 =	simm.s32 $0x108;
	s8 =	sld [smem:$0x3FB2]  }
0x2e: {  	s3 =	simm.s32 @!p0 $0x1082;
	s9 =	sld [smem:$0x3FB3]  }
0x2f: {  	lr =	sadd.s32 s0, s3;
	s0 =	sld [smem:$0x3FAA]  }
0x30: {  	s3 =	sld [smem:$0x3FAD]  }
0x31: {  	[smem:$0x3FB6] =	sst s10  }
0x32: {  	s10 =	sld [smem:$0x3FB4];
	_ =	sdelay $0x3  }
0x33: {  	p0 =	seq.s32 s10, $0x1;
	s10 =	sld [smem:$0x3FB6];
	_ =	sdelay $0x3  }
0x34: {  	[smem:$0x3FB6] =	sst s10  }
0x35: {  	s10 =	sld [smem:$0x3FB5];
	_ =	sdelay $0x3  }
0x36: {  	p1 =	seq.s32 s10, $0x1;
	s10 =	sld [smem:$0x3FB6];
	_ =	sdelay $0x3  }
0x37: {  	[smem:$0x3FB6] =	sst s10  }
0x38: {  	s10 =	sld [smem:$0x3FB7]  }
0x39: {  	_ = 	snop;
	(pc) =	sbr.ind lr, $3  }
0x3a: {  	_ = 	snop  }
0x3b: {  	_ = 	snop  }
0x3c: {  	p2 =	seq.s32 s10, $0x1;
	s10 =	sld [smem:$0x3FB6]  }
0x3d: {  	_ =	shalt  }
0x3e: {  	_ =	shalt  }
0x3f: {  	_ =	shalt  }
0x40: {  	_ =	shalt  }
0x41: {  	_ =	shalt  }
0x42: {  	_ =	shalt  }
0x43: {  	_ =	shalt  }
0x44: {  	_ =	shalt  }
0x45: {  	_ =	shalt  }
0x46: {  	_ =	shalt  }
0x47: {  	_ =	shalt  }
0x48: {  	_ =	shalt  }
0x49: {  	_ =	shalt  }
0x4a: {  	_ =	shalt  }
0x4b: {  	_ =	shalt  }
0x4c: {  	_ =	shalt  }
0x4d: {  	_ =	shalt  }
0x4e: {  	_ =	shalt  }
0x4f: {  	_ =	shalt  }
0x50: {  	_ =	shalt  }
0x51: {  	_ =	shalt  }
0x52: {  	_ =	shalt  }
0x53: {  	_ =	shalt  }
0x54: {  	_ =	shalt  }
0x55: {  	_ =	shalt  }
0x56: {  	_ =	shalt  }
0x57: {  	_ =	shalt  }
0x58: {  	_ =	shalt  }
0x59: {  	_ =	shalt  }
0x5a: {  	_ =	shalt  }
0x5b: {  	_ =	shalt  }
0x5c: {  	_ =	shalt  }
0x5d: {  	_ =	shalt  }
0x5e: {  	_ =	shalt  }
0x5f: {  	_ =	shalt  }
0x60: {  	_ =	shalt  }
0x61: {  	_ =	shalt  }
0x62: {  	_ =	shalt  }
0x63: {  	_ =	shalt  }
0x64: {  	_ =	shalt  }
0x65: {  	_ =	shalt  }
0x66: {  	_ =	shalt  }
0x67: {  	_ =	shalt  }
0x68: {  	_ =	shalt  }
0x69: {  	_ =	shalt  }
0x6a: {  	_ =	shalt  }
0x6b: {  	_ =	shalt  }
0x6c: {  	_ =	shalt  }
0x6d: {  	_ =	shalt  }
0x6e: {  	_ =	shalt  }
0x6f: {  	_ =	shalt  }
0x70: {  	_ =	shalt  }
0x71: {  	_ =	shalt  }
0x72: {  	_ =	shalt  }
0x73: {  	_ =	shalt  }
0x74: {  	_ =	shalt  }
0x75: {  	_ =	shalt  }
0x76: {  	_ =	shalt  }
0x77: {  	_ =	shalt  }
0x78: {  	_ =	shalt  }
0x79: {  	_ =	shalt  }
0x7a: {  	_ =	shalt  }
0x7b: {  	_ =	shalt  }
0x7c: {  	_ =	shalt  }
0x7d: {  	_ =	shalt  }
0x7e: {  	_ =	shalt  }
0x7f: {  	_ =	shalt  }
0x80: {  	_ =	shalt  }
0x81: {  	_ =	shalt  }
0x82: {  	_ =	shalt  }
0x83: {  	_ =	shalt  }
0x84: {  	_ =	shalt  }
0x85: {  	_ =	shalt  }
0x86: {  	_ =	shalt  }
0x87: {  	_ =	shalt  }
.Lfunc_end0:
.L_simem_size_0:
called_computation.4_lowered:
.L_overlay_start_0:
0x88: {  	s2 =	sld [smem:$0x3FD9]  }
0x89: {  	s3 =	sld [smem:$0x3FFE];
	_ =	sdelay $0x1  }
0x8a: {  	s1 =	srdreg.scid  }
0x8b: {  	s0 =	sand.u32 $0x1, s1  }
0x8c: {  	s16 =	sshll.u32 s0, $0xA;
	s2 =	sadd.s32 s3, s2  }
0x8d: {  	s2 =	sadd.s32 s2, s16  }
0x8e: {  	[smem:$0x3FC2] =	sst s2  }
0x8f: {  	_ = 	snop  }
0x90: {  	(tm) =	ssettm $0x1  }
0x91: {  	s17 =	sld [smem:$0x3FFB];
	_ =	sdelay $0x3  }
0x92: {  	_ =	strace s17  }
0x93: {  	s2 =	sld [smem:$0x3FFC];
	_ =	sdelay $0x3  }
0x94: {  	_ =	strace s2  }
0x95: {  	s2 =	sld [smem:$0x3FFD];
	_ =	sdelay $0x3  }
0x96: {  	_ =	strace s2  }
0x97: {  	_ =	strace $0x8FFFFFFF  }
0x98: {  	s18 =	sld [smem:$0x3FDB];
	_ =	sdelay $0x1  }
0x99: {  	s19 =	simm.s32 $_scs_section_size  }
0x9a: {  	s4 =	simm.s32 $_size__tile_overlayer_lowered;
	s5 =	simm.s32 $_tile_overlayer_lowered  }
0x9b: {  	s22 =	simm.s32 $0x1BFF;
	s21 =	sshll.u32 s5, $0x1;
	s2 =	sadd.s32 s19, s18  }
0x9c: {  	s6 =	simm.s32 $0x0;
	s20 =	sshll.u32 s4, $0x1;
	s4 =	sadd.s32 s21, s2  }
0x9d: {  	[timem:s6], [sflag:s22] =	dma.local [hbm:s4], s20  }
0x9e: {  	_ =	swait.ge [sflag:s22], s20  }
0x9f: {  	s3 =	ssub.s32 $0x0, s20;
	[sflag:s22] =	ssyncset.done $0x0  }
0xa0: {  	[sflag:s22] =	ssyncadd.s32 s3;
	_ =	sdelay $0x1  }
0xa1: {  	s23 =	simm.s32 $0x1B8B  }
0xa2: {  	_ =	swait.ge [sflag:s23], $0x1  }
0xa3: {  	[sflag:s23] =	ssyncset.done $0x0  }
0xa4: {  	s25 =	simm.s32 $0x1B8E;
	s24 =	sld [smem:$0x3FFE];
	[sflag:s23] =	ssyncadd.s32 $0xFFFFFFFF  }
0xa5: {  	s26 =	simm.s32 $execute0_lowered;
	[smem:$0x3FD2] =	sst s25  }
0xa6: {  	s4 =	sshll.u32 s26, $0x1;
	_ =	strace $0x80000052;
	[dreg:$0x1] =	wrdreg $0xFFFFFFFF  }
0xa7: {  	s28 =	simm.s32 $_size_execute0_lowered;
	s2 =	sadd.s32 s2, s4;
	[dreg:$0x0] =	wrdreg $0x0  }
0xa8: {  	s4 =	sshll.u32 s28, $0x1;
	[dreg:$0x2] =	wrdreg s2  }
0xa9: {  	[dreg:$0x3] =	wrdreg s4  }
0xaa: {  	[dreg:$0x4] =	wrdreg $0xC0  }
0xab: {  	_ =	task [dreg:s6], $0x5FFFF  }
0xac: {  	[dreg:$0x1] =	wrdreg $0xFFFFFFFF  }
0xad: {  	[dreg:$0x0] =	wrdreg $0x60  }
0xae: {  	[dreg:$0x2] =	wrdreg s24  }
0xaf: {  	[dreg:$0x3] =	wrdreg $0x64000  }
0xb0: {  	[dreg:$0x4] =	wrdreg $0x9  }
0xb1: {  	_ =	task.clear_ibuf [dreg:s6], $0x5FFFF;
	_ =	strace $0x90000052  }
0xb2: {  	s29 =	simm.s32 $0x9;
	_ =	strace $0x80000054  }
0xb3: {  	_ =	swait.ge [sflag:s29], $0x1  }
0xb4: {  	[sflag:s29] =	ssyncadd.s32 $0xFFFFFFFF  }
0xb5: {  	_ =	strace $0x90000054  }
0xb6: {  	_ =	sfence  }
0xb7: {  	s30 =	sld [smem:$0x0];
	_ =	sdelay $0x2  }
0xb8: {  	s31 =	sshll.u32 s1, $0xD;
	s1 =	sshrl.u32 s1, $0x2  }
0xb9: {  	s3 =	sand.u32 $0x4000, s31;
	s1 =	sadd.s32 s1, s30  }
0xba: {  	s0 =	sor.u32 s3, s0;
	s1 =	sshll.u32 s1, $0x11  }
0xbb: {  	s0 =	sor.u32 s1, s0  }
0xbc: {  	s0 =	sadd.s32 $0x8F2B, s0  }
0xbd: {  	[sflag:s0] =	ssyncadd.remote.s32 $0x1  }
0xbe: {  	_ =	sfence.sel $0xFFFF  }
0xbf: {  	[dreg:$0x0] =	wrdreg $0xFFFFFFFF;
	(pc) =	sbr.abs _section_cstart, $3  }
0xc0: {  	[dreg:$0x1] =	wrdreg $0xFFFFFFFF  }
0xc1: {  	_ =	task.clear_ibuf [dreg:s6], $0x2FFFF;
	_ =	strace $0x9FFFFFFF  }
0xc2: {  	(tm) =	ssettm $0x7FFFFFFF  }
0xc3: {  	_ =	shalt  }
tec
execute0_lowered:
.L_overlay_start_1:
0x0: {  	(tag) =	ssettag $0x1  }
0x1: {  	s0 =	rddreg [dreg:$0x0];
	s1 =	srdreg.scid  }
0x2: {  	s2 =	rddreg [dreg:$0x1];
	s18 =	stileid.u32;
	s3 =	simm.s32 $0x0  }
0x3: {  	s20 =	simm.s32 $0x4400;
	s21 =	simm.s32 $0x2;
	s28 =	simm.s32 $0x200  }
0x4: {  	s29 =	simm.s32 $0x280;
	s30 =	simm.s32 $0x300;
	s31 =	simm.s32 $0x380  }
0x5: {  	s1 =	sand.u32 $0x1, s1;
	s6 =	smul.u32 $0x14000, s18;
	[smem:$0x7FF] =	sst s3  }
0x6: {  	s4 =	sadd.s32 $0x3FE00, s0;
	s8 =	smul.u32 $0x50000, s18;
	s17 =	sshll.u32 s18, $0x1  }
0x7: {  	s26 =	sshll.u32 s18, $0xB;
	s5 =	smul.u32 $0x140000, s1;
	_ =	strace $0x80000053  }
0x8: {  	s7 =	ssub.s32 $0x2, s1;
	s25 =	sor.u32 s17, s1;
	s1 =	sshll.u32 s1, $0xA  }
0x9: {  	s22 =	sshrl.u32 s7, $0x1;
	s23 =	sshrl.u32 s8, $0x2;
	s19 =	sor.u32 s1, s26  }
0xa: {  	s26 =	simm.s32 $0x180;
	s5 =	sadd.s32 s6, s5;
	s7 =	ssub.s32 s7, s22  }
0xb: {  	s22 =	simm.s32 $0x80;
	s6 =	sshrl.u32 s5, $0x3;
	s5 =	sadd.s32 $0x5200, s0  }
0xc: {  	s24 =	smax.u32 s7, $0x1;
	s0 =	sadd.s32 s6, s0;
	s6 =	sadd.s32 s23, s2  }
0xd: {  	[dreg:$0x4] =	wrdreg s24;
	s23 =	simm.s32 $0x400;
	s24 =	simm.s32 $0x1  }
0xe: {  	s0 =	sadd.s32 $0x67000, s0;
	s9 =	sadd.s32 $0x2000, s6;
	s10 =	sadd.s32 $0x4000, s6  }
0xf: {  	s11 =	sadd.s32 $0x6000, s6;
	s12 =	sadd.s32 $0x8000, s6;
	s13 =	sadd.s32 $0xA000, s6  }
0x10: {  	s14 =	sadd.s32 $0xC000, s6;
	s15 =	sadd.s32 $0xE000, s6;
	s16 =	sadd.s32 $0x10000, s6  }
0x11: {  	s17 =	sadd.s32 $0x12000, s6;
	[dreg:$0x3] =	wrdreg s0;
	s0 =	ssub.s32 $0x290, s25  }
0x12: {  	v0 =	vimm.f32 $0.0e+00;
	s25 =	simm.s32 $0x100;
	s18 =	sshrl.u32 s0, $0x5;
	s0 =	simm.s32 $0x0  }
.LBB2_1:
0x13: {  	s1 =	simm.s32 $0x0;
	s7 =	simm.s32 $0x200  }
.LBB2_2:
0x14: {  	p0 =	sne.s32 s7, $0x7E00;
	[tilespmem:s1+$0x4470] =	vst v0  }
0x15: {  	[tilespmem:s1+$0x4400] =	vst v0  }
0x16: {  	[tilespmem:s1+$0x4410] =	vst v0  }
.Ltmp0:
0x17: {  	[tilespmem:s1+$0x4420] =	vst v0;
	(pc) =	sbr.rel @p0 .LBB2_2-.Ltmp0, $4  }
0x18: {  	[tilespmem:s1+$0x4430] =	vst v0  }
0x19: {  	[tilespmem:s1+$0x4440] =	vst v0  }
0x1a: {  	[tilespmem:s1+$0x4450] =	vst v0  }
0x1b: {  	[tilespmem:s1+$0x4460] =	vst v0;
	s1 =	sshra.s32 s7, $0x2;
	s7 =	sadd.s32 $0x200, s7  }
0x1c: {  	[tilespmem:s1+$0x4470] =	vst v0  }
0x1d: {  	[tilespmem:s1+$0x4400] =	vst v0  }
0x1e: {  	[tilespmem:s1+$0x4410] =	vst v0  }
0x1f: {  	[tilespmem:s1+$0x4420] =	vst v0  }
0x20: {  	[tilespmem:s1+$0x4430] =	vst v0  }
0x21: {  	[tilespmem:s1+$0x4440] =	vst v0  }
0x22: {  	[tilespmem:s1+$0x4450] =	vst v0  }
0x23: {  	[tilespmem:s1+$0x4460] =	vst v0  }
0x24: {  	[spmem:s6] =	stream.linear.scatter [tilespmem:s20], [sflag:$0x2], $0x2000, $0x38;
	[tilespmem:$0x1A400] =	vst v63  }
0x25: {  	_ =	swait.ge [sflag:s21], $0x2000  }
0x26: {  	[sflag:s21] =	ssyncset.done $0x0  }
0x27: {  	[sflag:s21] =	ssyncadd.s32 $0xFFFFE000  }
0x28: {  	[spmem:s9] =	stream.linear.scatter [tilespmem:s20], [sflag:$0x2], $0x2000, $0x38;
	[tilespmem:$0x1A400] =	vst v63  }
0x29: {  	_ =	swait.ge [sflag:s21], $0x2000  }
0x2a: {  	[sflag:s21] =	ssyncset.done $0x0  }
0x2b: {  	[sflag:s21] =	ssyncadd.s32 $0xFFFFE000  }
0x2c: {  	[spmem:s10] =	stream.linear.scatter [tilespmem:s20], [sflag:$0x2], $0x2000, $0x38;
	[tilespmem:$0x1A400] =	vst v63  }
0x2d: {  	_ =	swait.ge [sflag:s21], $0x2000  }
0x2e: {  	[sflag:s21] =	ssyncset.done $0x0  }
0x2f: {  	[sflag:s21] =	ssyncadd.s32 $0xFFFFE000  }
0x30: {  	[spmem:s11] =	stream.linear.scatter [tilespmem:s20], [sflag:$0x2], $0x2000, $0x38;
	[tilespmem:$0x1A400] =	vst v63  }
0x31: {  	_ =	swait.ge [sflag:s21], $0x2000  }
0x32: {  	[sflag:s21] =	ssyncset.done $0x0  }
0x33: {  	[sflag:s21] =	ssyncadd.s32 $0xFFFFE000  }
0x34: {  	[spmem:s12] =	stream.linear.scatter [tilespmem:s20], [sflag:$0x2], $0x2000, $0x38;
	[tilespmem:$0x1A400] =	vst v63  }
0x35: {  	_ =	swait.ge [sflag:s21], $0x2000  }
0x36: {  	[sflag:s21] =	ssyncset.done $0x0  }
0x37: {  	[sflag:s21] =	ssyncadd.s32 $0xFFFFE000  }
0x38: {  	[spmem:s13] =	stream.linear.scatter [tilespmem:s20], [sflag:$0x2], $0x2000, $0x38;
	[tilespmem:$0x1A400] =	vst v63  }
0x39: {  	_ =	swait.ge [sflag:s21], $0x2000  }
0x3a: {  	[sflag:s21] =	ssyncset.done $0x0  }
0x3b: {  	[sflag:s21] =	ssyncadd.s32 $0xFFFFE000  }
0x3c: {  	[spmem:s14] =	stream.linear.scatter [tilespmem:s20], [sflag:$0x2], $0x2000, $0x38;
	[tilespmem:$0x1A400] =	vst v63  }
0x3d: {  	_ =	swait.ge [sflag:s21], $0x2000  }
0x3e: {  	[sflag:s21] =	ssyncset.done $0x0  }
0x3f: {  	[sflag:s21] =	ssyncadd.s32 $0xFFFFE000  }
0x40: {  	[spmem:s15] =	stream.linear.scatter [tilespmem:s20], [sflag:$0x2], $0x2000, $0x38;
	[tilespmem:$0x1A400] =	vst v63  }
0x41: {  	_ =	swait.ge [sflag:s21], $0x2000  }
0x42: {  	[sflag:s21] =	ssyncset.done $0x0  }
0x43: {  	[sflag:s21] =	ssyncadd.s32 $0xFFFFE000  }
0x44: {  	[spmem:s16] =	stream.linear.scatter [tilespmem:s20], [sflag:$0x2], $0x2000, $0x38;
	[tilespmem:$0x1A400] =	vst v63  }
0x45: {  	_ =	swait.ge [sflag:s21], $0x2000  }
0x46: {  	[sflag:s21] =	ssyncset.done $0x0  }
0x47: {  	p1 =	sne.s32 s18, $0x1;
	[sflag:s21] =	ssyncadd.s32 $0xFFFFE000  }
0x48: {  	[spmem:s17] =	stream.linear.scatter [tilespmem:s20], [sflag:$0x2], $0x2000, $0x38;
	[tilespmem:$0x1A400] =	vst v63  }
.Ltmp1:
0x49: {  	_ =	swait.ge [sflag:s21], $0x2000;
	(pc) =	sbr.rel @!p1 .LBB2_6-.Ltmp1, $4  }
0x4a: {  	[sflag:s21] =	ssyncset.done $0x0  }
0x4b: {  	[sflag:s21] =	ssyncadd.s32 $0xFFFFE000  }
0x4c: {  	[bflag:$0x0] =	sbarrier.arrive $0xFFFF  }
0x4d: {  	s1 =	sadd.s32 $0xFFFFFFFF, s18;
	s8 =	sshrl.u32 s19, $0x3;
	p0 =	por $0x0, $0x0  }
0x4e: {  	s7 =	sadd.s32 s5, s8  }
0x4f: {  	[tilespmem:s3], [sflag:$0x2] =	stream.linear.gather [hbm4b:s7+s3], $0x400, $0x38;
	[tilespmem:$0x1A400] =	vst v63  }
0x50: {  	_ =	swait.ge [sflag:s21], $0x400  }
0x51: {  	[sflag:s21] =	ssyncset.done $0x0  }
0x52: {  	[sflag:s21] =	ssyncadd.s32 $0xFFFFFC00  }
0x53: {  	[tilespmem:s23], [sflag:$0x1] =	stream.indirect.gather [hbm4b:s4+s22], $0x80, s3, s22, $0xb8;
	[tilespmem:$0x1A400] =	vst v63  }
0x54: {  	_ =	swait.ge [sflag:s24], $0x4000  }
0x55: {  	[sflag:s24] =	ssyncset.done $0x0  }
0x56: {  	[sflag:s24] =	ssyncadd.s32 $0xFFFFC000  }
0x57: {  	[spmem:s2] =	stream.indirect.scatter.add.f32 [tilespmem:s23], [sflag:$0x2], $0x80, s22, s22, $0xb8;
	[tilespmem:$0x1A400] =	vst v63  }
0x58: {  	_ =	swait.ge [sflag:s21], $0x4000  }
0x59: {  	[sflag:s21] =	ssyncset.done $0x0  }
0x5a: {  	[sflag:s21] =	ssyncadd.s32 $0xFFFFC000  }
0x5b: {  	[tilespmem:s23], [sflag:$0x1] =	stream.indirect.gather [hbm4b:s4+s22], $0x80, s25, s22, $0xb8;
	[tilespmem:$0x1A400] =	vst v63  }
0x5c: {  	_ =	swait.ge [sflag:s24], $0x4000  }
0x5d: {  	[sflag:s24] =	ssyncset.done $0x0  }
0x5e: {  	[sflag:s24] =	ssyncadd.s32 $0xFFFFC000  }
0x5f: {  	[spmem:s2] =	stream.indirect.scatter.add.f32 [tilespmem:s23], [sflag:$0x2], $0x80, s26, s22, $0xb8;
	[tilespmem:$0x1A400] =	vst v63  }
0x60: {  	_ =	swait.ge [sflag:s21], $0x4000  }
0x61: {  	[sflag:s21] =	ssyncset.done $0x0  }
0x62: {  	[sflag:s21] =	ssyncadd.s32 $0xFFFFC000  }
0x63: {  	[tilespmem:s23], [sflag:$0x1] =	stream.indirect.gather [hbm4b:s4+s22], $0x80, s28, s22, $0xb8;
	[tilespmem:$0x1A400] =	vst v63  }
0x64: {  	_ =	swait.ge [sflag:s24], $0x4000  }
0x65: {  	[sflag:s24] =	ssyncset.done $0x0  }
0x66: {  	[sflag:s24] =	ssyncadd.s32 $0xFFFFC000  }
0x67: {  	[spmem:s2] =	stream.indirect.scatter.add.f32 [tilespmem:s23], [sflag:$0x2], $0x80, s29, s22, $0xb8;
	[tilespmem:$0x1A400] =	vst v63  }
0x68: {  	_ =	swait.ge [sflag:s21], $0x4000  }
0x69: {  	[sflag:s21] =	ssyncset.done $0x0  }
0x6a: {  	[sflag:s21] =	ssyncadd.s32 $0xFFFFC000  }
0x6b: {  	[tilespmem:s23], [sflag:$0x1] =	stream.indirect.gather [hbm4b:s4+s22], $0x80, s30, s22, $0xb8;
	[tilespmem:$0x1A400] =	vst v63  }
0x6c: {  	p1 =	sne.s32 s1, $0x1;
	_ =	swait.ge [sflag:s24], $0x4000  }
.Ltmp2:
0x6d: {  	[sflag:s24] =	ssyncset.done $0x0;
	(pc) =	sbr.rel @!p1 .LBB2_6-.Ltmp2, $4  }
0x6e: {  	[sflag:s24] =	ssyncadd.s32 $0xFFFFC000  }
0x6f: {  	[spmem:s2] =	stream.indirect.scatter.add.f32 [tilespmem:s23], [sflag:$0x2], $0x80, s31, s22, $0xb8;
	[tilespmem:$0x1A400] =	vst v63  }
0x70: {  	s1 =	sadd.s32 $0xFFFFFFFF, s1;
	s7 =	sadd.s32 $0x8000, s19;
	_ =	swait.ge [sflag:s21], $0x4000  }
0x71: {  	p0 =	por $0x1, $0x1;
	s8 =	sshrl.u32 s7, $0x3;
	[sflag:s21] =	ssyncset.done $0x0  }
.LBB2_5:
0x72: {  	p1 =	sne.s32 s1, $0x1;
	s8 =	sadd.s32 s5, s8;
	[sflag:s21] =	ssyncadd.s32 $0xFFFFC000  }
0x73: {  	[tilespmem:s3], [sflag:$0x2] =	stream.linear.gather [hbm4b:s8+s3], $0x400, $0x38;
	[tilespmem:$0x1A400] =	vst v63  }
0x74: {  	s1 =	sadd.s32 $0xFFFFFFFF, s1;
	_ =	swait.ge [sflag:s21], $0x400  }
0x75: {  	[sflag:s21] =	ssyncset.done $0x0  }
0x76: {  	[sflag:s21] =	ssyncadd.s32 $0xFFFFFC00  }
0x77: {  	[tilespmem:s23], [sflag:$0x1] =	stream.indirect.gather [hbm4b:s4+s22], $0x80, s3, s22, $0xb8;
	[tilespmem:$0x1A400] =	vst v63  }
0x78: {  	_ =	swait.ge [sflag:s24], $0x4000  }
0x79: {  	[sflag:s24] =	ssyncset.done $0x0  }
0x7a: {  	[sflag:s24] =	ssyncadd.s32 $0xFFFFC000  }
0x7b: {  	[spmem:s2] =	stream.indirect.scatter.add.f32 [tilespmem:s23], [sflag:$0x2], $0x80, s22, s22, $0xb8;
	[tilespmem:$0x1A400] =	vst v63  }
0x7c: {  	_ =	swait.ge [sflag:s21], $0x4000  }
0x7d: {  	[sflag:s21] =	ssyncset.done $0x0  }
0x7e: {  	[sflag:s21] =	ssyncadd.s32 $0xFFFFC000  }
0x7f: {  	[tilespmem:s23], [sflag:$0x1] =	stream.indirect.gather [hbm4b:s4+s22], $0x80, s25, s22, $0xb8;
	[tilespmem:$0x1A400] =	vst v63  }
0x80: {  	_ =	swait.ge [sflag:s24], $0x4000  }
0x81: {  	[sflag:s24] =	ssyncset.done $0x0  }
0x82: {  	[sflag:s24] =	ssyncadd.s32 $0xFFFFC000  }
0x83: {  	[spmem:s2] =	stream.indirect.scatter.add.f32 [tilespmem:s23], [sflag:$0x2], $0x80, s26, s22, $0xb8;
	[tilespmem:$0x1A400] =	vst v63  }
0x84: {  	_ =	swait.ge [sflag:s21], $0x4000  }
0x85: {  	[sflag:s21] =	ssyncset.done $0x0  }
0x86: {  	[sflag:s21] =	ssyncadd.s32 $0xFFFFC000  }
0x87: {  	[tilespmem:s23], [sflag:$0x1] =	stream.indirect.gather [hbm4b:s4+s22], $0x80, s28, s22, $0xb8;
	[tilespmem:$0x1A400] =	vst v63  }
0x88: {  	_ =	swait.ge [sflag:s24], $0x4000  }
0x89: {  	[sflag:s24] =	ssyncset.done $0x0  }
0x8a: {  	[sflag:s24] =	ssyncadd.s32 $0xFFFFC000  }
0x8b: {  	[spmem:s2] =	stream.indirect.scatter.add.f32 [tilespmem:s23], [sflag:$0x2], $0x80, s29, s22, $0xb8;
	[tilespmem:$0x1A400] =	vst v63  }
0x8c: {  	_ =	swait.ge [sflag:s21], $0x4000  }
0x8d: {  	[sflag:s21] =	ssyncset.done $0x0  }
0x8e: {  	[sflag:s21] =	ssyncadd.s32 $0xFFFFC000  }
0x8f: {  	[tilespmem:s23], [sflag:$0x1] =	stream.indirect.gather [hbm4b:s4+s22], $0x80, s30, s22, $0xb8;
	[tilespmem:$0x1A400] =	vst v63  }
0x90: {  	_ =	swait.ge [sflag:s24], $0x4000  }
.Ltmp3:
0x91: {  	[sflag:s24] =	ssyncset.done $0x0;
	(pc) =	sbr.rel @p1 .LBB2_5-.Ltmp3, $4  }
0x92: {  	[sflag:s24] =	ssyncadd.s32 $0xFFFFC000  }
0x93: {  	[spmem:s2] =	stream.indirect.scatter.add.f32 [tilespmem:s23], [sflag:$0x2], $0x80, s31, s22, $0xb8;
	[tilespmem:$0x1A400] =	vst v63  }
0x94: {  	s7 =	sadd.s32 $0x8000, s7;
	_ =	swait.ge [sflag:s21], $0x4000  }
0x95: {  	s8 =	sshrl.u32 s7, $0x3;
	[sflag:s21] =	ssyncset.done $0x0  }
.LBB2_6:
0x96: {  	s1 =	sadd.s32 s5, s8;
	[sflag:s21] =	ssyncadd.s32 @p0 $0xFFFFC000  }
0x97: {  	[tilespmem:s3], [sflag:$0x2] =	stream.linear.gather [hbm4b:s1+s3], $0x400, $0x38;
	[tilespmem:$0x1A400] =	vst v63  }
0x98: {  	_ =	swait.ge [sflag:s21], $0x400  }
0x99: {  	[sflag:s21] =	ssyncset.done $0x0  }
0x9a: {  	[sflag:s21] =	ssyncadd.s32 $0xFFFFFC00  }
0x9b: {  	[tilespmem:s23], [sflag:$0x1] =	stream.indirect.gather [hbm4b:s4+s22], $0x80, s3, s22, $0xb8;
	[tilespmem:$0x1A400] =	vst v63  }
0x9c: {  	_ =	swait.ge [sflag:s24], $0x4000  }
0x9d: {  	[sflag:s24] =	ssyncset.done $0x0  }
0x9e: {  	[sflag:s24] =	ssyncadd.s32 $0xFFFFC000  }
0x9f: {  	[spmem:s2] =	stream.indirect.scatter.add.f32 [tilespmem:s23], [sflag:$0x2], $0x80, s22, s22, $0xb8;
	[tilespmem:$0x1A400] =	vst v63  }
0xa0: {  	_ =	swait.ge [sflag:s21], $0x4000  }
0xa1: {  	[sflag:s21] =	ssyncset.done $0x0  }
0xa2: {  	[sflag:s21] =	ssyncadd.s32 $0xFFFFC000  }
0xa3: {  	[tilespmem:s23], [sflag:$0x1] =	stream.indirect.gather [hbm4b:s4+s22], $0x80, s25, s22, $0xb8;
	[tilespmem:$0x1A400] =	vst v63  }
0xa4: {  	_ =	swait.ge [sflag:s24], $0x4000  }
0xa5: {  	[sflag:s24] =	ssyncset.done $0x0  }
0xa6: {  	[sflag:s24] =	ssyncadd.s32 $0xFFFFC000  }
0xa7: {  	[spmem:s2] =	stream.indirect.scatter.add.f32 [tilespmem:s23], [sflag:$0x2], $0x80, s26, s22, $0xb8;
	[tilespmem:$0x1A400] =	vst v63  }
0xa8: {  	_ =	swait.ge [sflag:s21], $0x4000  }
0xa9: {  	[sflag:s21] =	ssyncset.done $0x0  }
0xaa: {  	[sflag:s21] =	ssyncadd.s32 $0xFFFFC000  }
0xab: {  	[tilespmem:s23], [sflag:$0x1] =	stream.indirect.gather [hbm4b:s4+s22], $0x80, s28, s22, $0xb8;
	[tilespmem:$0x1A400] =	vst v63  }
0xac: {  	_ =	swait.ge [sflag:s24], $0x4000  }
0xad: {  	[sflag:s24] =	ssyncset.done $0x0  }
0xae: {  	[sflag:s24] =	ssyncadd.s32 $0xFFFFC000  }
0xaf: {  	[spmem:s2] =	stream.indirect.scatter.add.f32 [tilespmem:s23], [sflag:$0x2], $0x80, s29, s22, $0xb8;
	[tilespmem:$0x1A400] =	vst v63  }
0xb0: {  	_ =	swait.ge [sflag:s21], $0x4000  }
0xb1: {  	[sflag:s21] =	ssyncset.done $0x0  }
0xb2: {  	[sflag:s21] =	ssyncadd.s32 $0xFFFFC000  }
0xb3: {  	[tilespmem:s23], [sflag:$0x1] =	stream.indirect.gather [hbm4b:s4+s22], $0x80, s30, s22, $0xb8;
	[tilespmem:$0x1A400] =	vst v63  }
0xb4: {  	_ =	swait.ge [sflag:s24], $0x4000  }
0xb5: {  	[sflag:s24] =	ssyncset.done $0x0  }
0xb6: {  	[sflag:s24] =	ssyncadd.s32 $0xFFFFC000  }
0xb7: {  	[spmem:s2] =	stream.indirect.scatter.add.f32 [tilespmem:s23], [sflag:$0x2], $0x80, s31, s22, $0xb8;
	[tilespmem:$0x1A400] =	vst v63  }
0xb8: {  	_ =	swait.ge [sflag:s21], $0x4000  }
0xb9: {  	[sflag:s21] =	ssyncset.done $0x0  }
0xba: {  	s7 =	stileid.u32;
	[sflag:s21] =	ssyncadd.s32 $0xFFFFC000  }
0xbb: {  	s1 =	sshll.u32 s7, $0x6;
	[bflag:$0x0] =	sbarrier.arrive $0xFFFF  }
0xbc: {  	s7 =	sshrl.u32 s6, $0x3;
	s1 =	sor.u32 $0x1C02, s1;
	s8 =	rddreg [dreg:$0x3]  }
0xbd: {  	[hbm:s8], [sflag:s1] =	dma.local [spmem:s7], $0x2800  }
0xbe: {  	_ =	swait.ge [sflag:s21], $0x2800  }
0xbf: {  	s0 =	sadd.s32 $0x1, s0;
	s8 =	rddreg [dreg:$0x4]  }
0xc0: {  	p0 =	sne.s32 s0, s8  }
.Ltmp4:
0xc1: {  	_ = 	snop;
	(pc) =	sbr.rel @p0 .LBB2_1-.Ltmp4, $3  }
0xc2: {  	_ =	sdelay $0x1  }
0xc3: {  	[sflag:s21] =	ssyncset.done $0x0  }
0xc4: {  	[sflag:s21] =	ssyncadd.s32 $0xFFFFD800  }
0xc5: {  	_ =	sfence.sel $0x180000  }
0xc6: {  	[bflag:$0x0] =	sbarrier.arrive $0xFFFF  }
0xc7: {  	_ =	strace $0x90000053  }
0xc8: {  	s0 =	stileid.u32;
	[bflag:$0x2] =	sbarrier.arrive $0xFFFF  }
0xc9: {  	p0 =	sne.s32 s0, $0x0;
	s0 =	rddreg [dreg:$0x2]  }
0xca: {  	s0 =	sadd.s32 @!p0 $0x100000, s0  }
0xcb: {  	[sflag:s0] =	ssyncadd.tile.s32 @!p0 $0x1;
	_ =	shalt  }
.Lfunc_end2:
_tile_overlayer_lowered:
.L_overlay_start_2:
0xcc: {  	(tag) =	ssettag $0x2  }
0xcd: {  	s0 =	rddreg [dreg:$0x0];
	s2 =	stileid.u32  }
0xce: {  	s1 =	rddreg [dreg:$0x1];
	p0 =	sne.s32 s2, $0x0  }
0xcf: {  	s3 =	rddreg [dreg:$0x2];
	[bflag:$0x3] =	sbarrier.arrive $0xFFFF;
	s2 =	simm.s32 @!p0 $0x1C02  }
0xd0: {  	[timem:s3], [sflag:s2] =	dma.local @!p0 [hbm:s0], s1  }
0xd1: {  	s0 =	simm.s32 @!p0 $0x2  }
0xd2: {  	_ =	swait.ge @!p0 [sflag:s0], s1  }
0xd3: {  	s1 =	ssub.s32 @!p0 $0x0, s1;
	[sflag:s0] =	ssyncset.done @!p0 $0x0  }
0xd4: {  	[sflag:s0] =	ssyncadd.s32 @!p0 s1  }
0xd5: {  	[bflag:$0x3] =	sbarrier.arrive $0xFFFF  }
0xd6: {  	_ =	shalt  }

</sc_bundles>
